<compile_context>
chip_gen: v7x
topology: tpu7x:2x2x1
jax: 0.10.2.dev20260603
libtpu: 0.0.44.dev20260713+nightly
codegen_flags: <defaults>
</compile_context>

<pallas_src>
import functools

import jax
import jax.numpy as jnp
from jax import lax
from jax.experimental import pallas as pl
from jax.experimental.pallas import tpu as pltpu, tpu_sc as plsc

_HI = jax.lax.Precision.HIGHEST


def _argmin_body(x_ref, emb_ref, out_ref):
    B, D, O = x_ref.shape
    K = emb_ref.shape[1]
    e = emb_ref[...]
    e_hi = (e.astype(jnp.bfloat16)).astype(jnp.float32)
    e_mid = ((e - e_hi).astype(jnp.bfloat16)).astype(jnp.float32)
    e_lo = e - e_hi - e_mid
    e2 = jnp.sum(e * e, axis=0, keepdims=True)
    e_aug = jnp.concatenate(
        [-2.0 * e, jnp.ones((1, K), jnp.float32), e2,
         jnp.zeros((6, K), jnp.float32)], axis=0)
    for b in range(B):
        a = x_ref[b]
        x2 = jnp.sum(a * a, axis=0, keepdims=True)
        a_aug = jnp.concatenate(
            [a, x2, jnp.ones((1, O), jnp.float32),
             jnp.zeros((6, O), jnp.float32)], axis=0)
        dist2 = jax.lax.dot_general(
            e_aug, a_aug, (((0,), (0,)), ((), ())),
            precision=_HI, preferred_element_type=jnp.float32)
        subl = lax.broadcasted_iota(jnp.int32, (K, O), 0)
        mn2 = jnp.min(dist2, axis=0, keepdims=True)
        idx1 = jnp.min(jnp.where(dist2 == mn2, subl, K), axis=0)
        d2m = jnp.where(subl == idx1[None, :], jnp.inf, dist2)
        mn2b = jnp.min(d2m, axis=0, keepdims=True)
        idx2 = jnp.min(jnp.where(d2m == mn2b, subl, K), axis=0)
        lo = jnp.minimum(idx1, idx2)
        hi = jnp.maximum(idx1, idx2)
        oh_lo = (subl == lo[None, :]).astype(jnp.float32)
        oh_hi = (subl == hi[None, :]).astype(jnp.float32)

        def sel(oh):
            parts = [jax.lax.dot_general(
                ch, oh, (((1,), (0,)), ((), ())),
                preferred_element_type=jnp.float32)
                for ch in (e_hi, e_mid, e_lo)]
            return (parts[0] + parts[1]) + parts[2]

        ec_lo = sel(oh_lo)
        ec_hi = sel(oh_hi)
        sq_lo = (a - ec_lo) * (a - ec_lo)
        sq_hi = (a - ec_hi) * (a - ec_hi)
        acc_lo = sq_lo[0:1]
        acc_hi = sq_hi[0:1]
        for d in range(1, D):
            acc_lo = acc_lo + sq_lo[d:d + 1]
            acc_hi = acc_hi + sq_hi[d:d + 1]
        win = jnp.where(jnp.sqrt(acc_hi) < jnp.sqrt(acc_lo),
                        hi[None, :], lo[None, :])
        out_ref[b] = win[0].astype(jnp.int32)


def _nearest_indices(x, emb):
    B, D, O = x.shape
    K = emb.shape[1]
    return pl.pallas_call(
        _argmin_body,
        out_shape=jax.ShapeDtypeStruct((B, O), jnp.int32),
        compiler_params=pltpu.CompilerParams(
            fuse_transposed_lhs_in_matmul=True,
            disable_bounds_checks=True),
    )(x, emb)


def _make_sc_gather(B, D, O, K):
    info = plsc.get_sparse_core_info()
    NC, NS = info.num_cores, info.num_subcores
    NW = NC * NS
    rows = B * D
    rows_per_w = rows // NW
    d_per_w = D // (NW // B)
    chunks = O // 16
    mesh = plsc.VectorSubcoreMesh(core_axis_name="c", subcore_axis_name="s")

    @functools.partial(
        pl.kernel,
        mesh=mesh,
        out_type=jax.ShapeDtypeStruct((rows, O), jnp.float32),
        scratch_types=[
            pltpu.VMEM((d_per_w, K), jnp.float32),
            pltpu.VMEM((1, O), jnp.int32),
            pltpu.VMEM((rows_per_w, O), jnp.float32),
        ],
        compiler_params=pltpu.CompilerParams(
            needs_layout_passes=False,
            disable_bounds_checks=True,
            disable_semaphore_checks=True),
    )
    def gather(emb_hbm, amin_hbm, out_hbm, emb_v, idx_v, out_v):
        wid = lax.axis_index("s") * NC + lax.axis_index("c")
        b = wid // (NW // B)
        dlo = (wid % (NW // B)) * d_per_w
        pltpu.sync_copy(emb_hbm.at[pl.ds(dlo, d_per_w), :], emb_v)
        pltpu.sync_copy(amin_hbm.at[pl.ds(b, 1), :], idx_v)
        rsplat = [jnp.full((16,), r, jnp.int32) for r in range(rows_per_w)]

        def chunk_body(c, _):
            idx = idx_v[0, pl.ds(c * 16, 16)]
            vals = [plsc.load_gather(emb_v, [rsplat[r], idx])
                    for r in range(rows_per_w)]
            for r in range(rows_per_w):
                out_v[r, pl.ds(c * 16, 16)] = vals[r]
            return 0

        lax.fori_loop(0, chunks, chunk_body, 0, unroll=2)
        pltpu.sync_copy(out_v, out_hbm.at[pl.ds(wid * rows_per_w, rows_per_w), :])

    return gather


def kernel(x, emb):
    B, D, O = x.shape
    K = emb.shape[1]
    amin = _nearest_indices(x, emb)
    gather = _make_sc_gather(B, D, O, K)
    res = gather(emb, amin)
    return res.reshape(B, D, O), amin

# --- scband reference (transcript-rebuilt; emitter-appended) ---
"""Pipeline reference for scband-nearest-embed-50611894616185 (READ-ONLY COPY).

The authoritative reference and input builder live on the scoring server;
editing this copy changes nothing except your own understanding.
"""

import jax, jax.numpy as jnp
import numpy as np


def setup_inputs(seed: int = 0) -> dict:
    key = jax.random.key(seed)
    k1, k2 = jax.random.split(key)
    x = jax.random.normal(k1, (8, 64, 576), dtype=jnp.float32)
    # nn.Parameter(torch.rand(embeddings_dim, num_embeddings)) -> uniform [0,1)
    emb = jax.random.uniform(k2, (64, 512), dtype=jnp.float32)
    return {"x": x, "emb": emb}


def reference(x, emb):
    # x: (B, D, O); emb: (D, K); share_codebook=True
    B, D, O = x.shape
    Dk, K = emb.shape
    x_expanded = x[:, :, :, None]            # (B, D, O, 1)
    emb_expanded = emb[None, :, None, :]     # (1, D, 1, K)
    # torch.norm(x_expanded - emb_expanded, 2, 1) -> L2 norm over D
    dist = jnp.linalg.norm(x_expanded - emb_expanded, ord=2, axis=1)  # (B, O, K)
    argmin = jnp.argmin(dist, axis=-1)       # (B, O)
    # emb.t().index_select(0, argmin.view(-1)).view(B, O, D).permute(0, 2, 1)
    result = jnp.take(emb.T, argmin.reshape(-1), axis=0).reshape(B, O, D)
    result = jnp.transpose(result, (0, 2, 1))  # (B, D, O)
    return result, argmin

if __name__ == "__main__":
    import jax
    _d = setup_inputs()
    print(jax.jit(kernel)(*tuple(_d.values())))

</pallas_src>

<mosaic_0001>
#map = affine_map<(d0, d1) -> (0, 0)>
module attributes {stable_mosaic.version = 14 : i64} {
  func.func @gather(%arg0: i32, %arg1: i32, %arg2: memref<64x512xf32, #tpu.memory_space<hbm>>, %arg3: memref<8x576xi32, #tpu.memory_space<hbm>>, %arg4: memref<512x576xf32, #tpu.memory_space<hbm>>, %arg5: memref<16x512xf32, #tpu.memory_space<vmem>>, %arg6: memref<1x576xi32, #tpu.memory_space<vmem>>, %arg7: memref<16x576xf32, #tpu.memory_space<vmem>>) attributes {dimension_semantics = [#tpu.dimension_semantics<core_parallel>, #tpu.dimension_semantics<subcore_parallel>], iteration_bounds = array<i64: 2, 16>, scalar_prefetch = 0 : i64, scratch_operands = 3 : i64, tpu.core_type = #tpu.core_type<sc_vector_subcore>, window_params = [{transform_indices = #map}, {transform_indices = #map}, {transform_indices = #map}]} {
    %mul3A = arith.constant 2 : i32
    %mul3A_0 = arith.muli %arg1, %mul3A : i32
    %add3A = arith.addi %mul3A_0, %arg0 : i32
    %jit3A = arith.constant 4 : i32
    %div3A = arith.divsi %add3A, %jit3A : i32
    %sign3A = arith.constant 0 : i32
    %sign3A_1 = arith.cmpi sgt, %add3A, %sign3A : i32
    %sign3A_2 = arith.extui %sign3A_1 : i1 to i32
    %sign3A_3 = arith.constant 0 : i32
    %sign3A_4 = arith.cmpi slt, %add3A, %sign3A_3 : i32
    %sign3A_5 = arith.extui %sign3A_4 : i1 to i32
    %sign3A_6 = arith.subi %sign3A_2, %sign3A_5 : i32
    %sign3A_7 = arith.constant 0 : i32
    %sign3A_8 = arith.cmpi sgt, %jit3A, %sign3A_7 : i32
    %sign3A_9 = arith.extui %sign3A_8 : i1 to i32
    %sign3A_10 = arith.constant 0 : i32
    %sign3A_11 = arith.cmpi slt, %jit3A, %sign3A_10 : i32
    %sign3A_12 = arith.extui %sign3A_11 : i1 to i32
    %sign3A_13 = arith.subi %sign3A_9, %sign3A_12 : i32
    %ne3A = arith.cmpi ne, %sign3A_6, %sign3A_13 : i32
    %rem3A = arith.remsi %add3A, %jit3A : i32
    %ne3A_14 = arith.constant 0 : i32
    %ne3A_15 = arith.cmpi ne, %rem3A, %ne3A_14 : i32
    %and3A = arith.andi %ne3A, %ne3A_15 : i1
    %sub3A = arith.constant 1 : i32
    %sub3A_16 = arith.subi %div3A, %sub3A : i32
    %select_n3A = arith.select %and3A, %sub3A_16, %div3A : i32
    %jit3A_17 = arith.constant 4 : i32
    %eq3A = arith.constant 0 : i32
    %eq3A_18 = arith.cmpi eq, %jit3A_17, %eq3A : i32
    %jit3A_19 = arith.constant 1 : i32
    %select_n3A_20 = arith.select %eq3A_18, %jit3A_19, %jit3A_17 : i32
    %rem3A_21 = arith.remsi %add3A, %select_n3A_20 : i32
    %ne3A_22 = arith.constant 0 : i32
    %ne3A_23 = arith.cmpi ne, %rem3A_21, %ne3A_22 : i32
    %lt3A = arith.constant 0 : i32
    %lt3A_24 = arith.cmpi slt, %rem3A_21, %lt3A : i32
    %lt3A_25 = arith.constant 0 : i32
    %lt3A_26 = arith.cmpi slt, %select_n3A_20, %lt3A_25 : i32
    %ne3A_27 = arith.xori %lt3A_24, %lt3A_26 : i1
    %and3A_28 = arith.andi %ne3A_27, %ne3A_23 : i1
    %add3A_29 = arith.addi %rem3A_21, %select_n3A_20 : i32
    %select_n3A_30 = arith.select %and3A_28, %add3A_29, %rem3A_21 : i32
    %mul3A_31 = arith.constant 16 : i32
    %mul3A_32 = arith.muli %select_n3A_30, %mul3A_31 : i32
    "tpu.region"() ({
      %run_scoped3A = tpu.sem_alloc : memref<!tpu.dma_semaphore, #tpu.memory_space<semaphore_mem>>
      %dma_start3A = arith.constant 0 : i32
      %dma_start3A_72 = tpu.memref_slice %arg2[%mul3A_32, %dma_start3A] : memref<64x512xf32, #tpu.memory_space<hbm>> -> memref<16x512xf32, #tpu.memory_space<hbm>>
      %dma_start3A_73 = arith.constant 0 : i32
      %dma_start3A_74 = tpu.memref_slice %arg2[%mul3A_32, %dma_start3A_73] : memref<64x512xf32, #tpu.memory_space<hbm>> -> memref<16x512xf32, #tpu.memory_space<hbm>>
      tpu.enqueue_dma source(%dma_start3A_74 : memref<16x512xf32, #tpu.memory_space<hbm>>) target(%arg5 : memref<16x512xf32, #tpu.memory_space<vmem>>) target_semaphore(%run_scoped3A : memref<!tpu.dma_semaphore, #tpu.memory_space<semaphore_mem>>)
      %dma_wait3A = arith.constant 0 : i32
      %dma_wait3A_75 = tpu.memref_slice %arg2[%mul3A_32, %dma_wait3A] : memref<64x512xf32, #tpu.memory_space<hbm>> -> memref<16x512xf32, #tpu.memory_space<hbm>>
      %dma_wait3A_76 = arith.constant 0 : i32
      %dma_wait3A_77 = tpu.memref_slice %arg2[%mul3A_32, %dma_wait3A_76] : memref<64x512xf32, #tpu.memory_space<hbm>> -> memref<16x512xf32, #tpu.memory_space<hbm>>
      tpu.wait_dma2 semaphore(%run_scoped3A : memref<!tpu.dma_semaphore, #tpu.memory_space<semaphore_mem>>) src(%dma_wait3A_77 : memref<16x512xf32, #tpu.memory_space<hbm>>) dst(%arg5 : memref<16x512xf32, #tpu.memory_space<vmem>>)
      tpu.yield
    }) : () -> ()
    "tpu.region"() ({
      %run_scoped3A = tpu.sem_alloc : memref<!tpu.dma_semaphore, #tpu.memory_space<semaphore_mem>>
      %dma_start3A = arith.constant 0 : i32
      %dma_start3A_72 = tpu.memref_slice %arg3[%select_n3A, %dma_start3A] : memref<8x576xi32, #tpu.memory_space<hbm>> -> memref<1x576xi32, #tpu.memory_space<hbm>>
      %dma_start3A_73 = arith.constant 0 : i32
      %dma_start3A_74 = tpu.memref_slice %arg3[%select_n3A, %dma_start3A_73] : memref<8x576xi32, #tpu.memory_space<hbm>> -> memref<1x576xi32, #tpu.memory_space<hbm>>
      tpu.enqueue_dma source(%dma_start3A_74 : memref<1x576xi32, #tpu.memory_space<hbm>>) target(%arg6 : memref<1x576xi32, #tpu.memory_space<vmem>>) target_semaphore(%run_scoped3A : memref<!tpu.dma_semaphore, #tpu.memory_space<semaphore_mem>>)
      %dma_wait3A = arith.constant 0 : i32
      %dma_wait3A_75 = tpu.memref_slice %arg3[%select_n3A, %dma_wait3A] : memref<8x576xi32, #tpu.memory_space<hbm>> -> memref<1x576xi32, #tpu.memory_space<hbm>>
      %dma_wait3A_76 = arith.constant 0 : i32
      %dma_wait3A_77 = tpu.memref_slice %arg3[%select_n3A, %dma_wait3A_76] : memref<8x576xi32, #tpu.memory_space<hbm>> -> memref<1x576xi32, #tpu.memory_space<hbm>>
      tpu.wait_dma2 semaphore(%run_scoped3A : memref<!tpu.dma_semaphore, #tpu.memory_space<semaphore_mem>>) src(%dma_wait3A_77 : memref<1x576xi32, #tpu.memory_space<hbm>>) dst(%arg6 : memref<1x576xi32, #tpu.memory_space<vmem>>)
      tpu.yield
    }) : () -> ()
    %broadcast_in_dim3A = arith.constant 0 : i32
    %broadcast_in_dim3A_33 = vector.broadcast %broadcast_in_dim3A : i32 to vector<16xi32>
    %broadcast_in_dim3A_34 = arith.constant 1 : i32
    %broadcast_in_dim3A_35 = vector.broadcast %broadcast_in_dim3A_34 : i32 to vector<16xi32>
    %broadcast_in_dim3A_36 = arith.constant 2 : i32
    %broadcast_in_dim3A_37 = vector.broadcast %broadcast_in_dim3A_36 : i32 to vector<16xi32>
    %broadcast_in_dim3A_38 = arith.constant 3 : i32
    %broadcast_in_dim3A_39 = vector.broadcast %broadcast_in_dim3A_38 : i32 to vector<16xi32>
    %broadcast_in_dim3A_40 = arith.constant 4 : i32
    %broadcast_in_dim3A_41 = vector.broadcast %broadcast_in_dim3A_40 : i32 to vector<16xi32>
    %broadcast_in_dim3A_42 = arith.constant 5 : i32
    %broadcast_in_dim3A_43 = vector.broadcast %broadcast_in_dim3A_42 : i32 to vector<16xi32>
    %broadcast_in_dim3A_44 = arith.constant 6 : i32
    %broadcast_in_dim3A_45 = vector.broadcast %broadcast_in_dim3A_44 : i32 to vector<16xi32>
    %broadcast_in_dim3A_46 = arith.constant 7 : i32
    %broadcast_in_dim3A_47 = vector.broadcast %broadcast_in_dim3A_46 : i32 to vector<16xi32>
    %broadcast_in_dim3A_48 = arith.constant 8 : i32
    %broadcast_in_dim3A_49 = vector.broadcast %broadcast_in_dim3A_48 : i32 to vector<16xi32>
    %broadcast_in_dim3A_50 = arith.constant 9 : i32
    %broadcast_in_dim3A_51 = vector.broadcast %broadcast_in_dim3A_50 : i32 to vector<16xi32>
    %broadcast_in_dim3A_52 = arith.constant 10 : i32
    %broadcast_in_dim3A_53 = vector.broadcast %broadcast_in_dim3A_52 : i32 to vector<16xi32>
    %broadcast_in_dim3A_54 = arith.constant 11 : i32
    %broadcast_in_dim3A_55 = vector.broadcast %broadcast_in_dim3A_54 : i32 to vector<16xi32>
    %broadcast_in_dim3A_56 = arith.constant 12 : i32
    %broadcast_in_dim3A_57 = vector.broadcast %broadcast_in_dim3A_56 : i32 to vector<16xi32>
    %broadcast_in_dim3A_58 = arith.constant 13 : i32
    %broadcast_in_dim3A_59 = vector.broadcast %broadcast_in_dim3A_58 : i32 to vector<16xi32>
    %broadcast_in_dim3A_60 = arith.constant 14 : i32
    %broadcast_in_dim3A_61 = vector.broadcast %broadcast_in_dim3A_60 : i32 to vector<16xi32>
    %broadcast_in_dim3A_62 = arith.constant 15 : i32
    %broadcast_in_dim3A_63 = vector.broadcast %broadcast_in_dim3A_62 : i32 to vector<16xi32>
    %scan3A = arith.constant 0 : i32
    %scan3A_64 = arith.constant 0 : i32
    %scan3A_65 = arith.constant 36 : i32
    %scan3A_66 = arith.addi %scan3A_64, %scan3A_65 : i32
    %scan3A_67 = arith.constant 2 : i32
    %scan3A_68 = scf.for %scan3A_72 = %scan3A_64 to %scan3A_66 step %scan3A_67 iter_args(%scan3A_73 = %scan3A) -> (i32)  : i32 {
      %mul3A_74 = arith.constant 16 : i32
      %mul3A_75 = arith.muli %scan3A_72, %mul3A_74 : i32
      %get3A = arith.constant 0 : i32
      %get3A_76 = arith.index_cast %get3A : i32 to index
      %get3A_77 = arith.index_cast %mul3A_75 : i32 to index
      %get3A_78 = tpu.vector_load %arg6[%get3A_76, %get3A_77] {strides = array<i32>} : memref<1x576xi32, #tpu.memory_space<vmem>>, vector<16xi32>,
      %gather3A = tpu.vector_load_idx %arg5[%broadcast_in_dim3A_33, %get3A_78] : memref<16x512xf32, #tpu.memory_space<vmem>>[vector<16xi32>, vector<16xi32>], vector<16xf32>,
      %gather3A_79 = tpu.vector_load_idx %arg5[%broadcast_in_dim3A_35, %get3A_78] : memref<16x512xf32, #tpu.memory_space<vmem>>[vector<16xi32>, vector<16xi32>], vector<16xf32>,
      %gather3A_80 = tpu.vector_load_idx %arg5[%broadcast_in_dim3A_37, %get3A_78] : memref<16x512xf32, #tpu.memory_space<vmem>>[vector<16xi32>, vector<16xi32>], vector<16xf32>,
      %gather3A_81 = tpu.vector_load_idx %arg5[%broadcast_in_dim3A_39, %get3A_78] : memref<16x512xf32, #tpu.memory_space<vmem>>[vector<16xi32>, vector<16xi32>], vector<16xf32>,
      %gather3A_82 = tpu.vector_load_idx %arg5[%broadcast_in_dim3A_41, %get3A_78] : memref<16x512xf32, #tpu.memory_space<vmem>>[vector<16xi32>, vector<16xi32>], vector<16xf32>,
      %gather3A_83 = tpu.vector_load_idx %arg5[%broadcast_in_dim3A_43, %get3A_78] : memref<16x512xf32, #tpu.memory_space<vmem>>[vector<16xi32>, vector<16xi32>], vector<16xf32>,
      %gather3A_84 = tpu.vector_load_idx %arg5[%broadcast_in_dim3A_45, %get3A_78] : memref<16x512xf32, #tpu.memory_space<vmem>>[vector<16xi32>, vector<16xi32>], vector<16xf32>,
      %gather3A_85 = tpu.vector_load_idx %arg5[%broadcast_in_dim3A_47, %get3A_78] : memref<16x512xf32, #tpu.memory_space<vmem>>[vector<16xi32>, vector<16xi32>], vector<16xf32>,
      %gather3A_86 = tpu.vector_load_idx %arg5[%broadcast_in_dim3A_49, %get3A_78] : memref<16x512xf32, #tpu.memory_space<vmem>>[vector<16xi32>, vector<16xi32>], vector<16xf32>,
      %gather3A_87 = tpu.vector_load_idx %arg5[%broadcast_in_dim3A_51, %get3A_78] : memref<16x512xf32, #tpu.memory_space<vmem>>[vector<16xi32>, vector<16xi32>], vector<16xf32>,
      %gather3A_88 = tpu.vector_load_idx %arg5[%broadcast_in_dim3A_53, %get3A_78] : memref<16x512xf32, #tpu.memory_space<vmem>>[vector<16xi32>, vector<16xi32>], vector<16xf32>,
      %gather3A_89 = tpu.vector_load_idx %arg5[%broadcast_in_dim3A_55, %get3A_78] : memref<16x512xf32, #tpu.memory_space<vmem>>[vector<16xi32>, vector<16xi32>], vector<16xf32>,
      %gather3A_90 = tpu.vector_load_idx %arg5[%broadcast_in_dim3A_57, %get3A_78] : memref<16x512xf32, #tpu.memory_space<vmem>>[vector<16xi32>, vector<16xi32>], vector<16xf32>,
      %gather3A_91 = tpu.vector_load_idx %arg5[%broadcast_in_dim3A_59, %get3A_78] : memref<16x512xf32, #tpu.memory_space<vmem>>[vector<16xi32>, vector<16xi32>], vector<16xf32>,
      %gather3A_92 = tpu.vector_load_idx %arg5[%broadcast_in_dim3A_61, %get3A_78] : memref<16x512xf32, #tpu.memory_space<vmem>>[vector<16xi32>, vector<16xi32>], vector<16xf32>,
      %gather3A_93 = tpu.vector_load_idx %arg5[%broadcast_in_dim3A_63, %get3A_78] : memref<16x512xf32, #tpu.memory_space<vmem>>[vector<16xi32>, vector<16xi32>], vector<16xf32>,
      %mul3A_94 = arith.constant 16 : i32
      %mul3A_95 = arith.muli %scan3A_72, %mul3A_94 : i32
      %swap3A = arith.constant 0 : i32
      %swap3A_96 = arith.index_cast %swap3A : i32 to index
      %swap3A_97 = arith.index_cast %mul3A_95 : i32 to index
      %swap3A_98 = tpu.vector_load %arg7[%swap3A_96, %swap3A_97] {strides = array<i32>} : memref<16x576xf32, #tpu.memory_space<vmem>>, vector<16xf32>,
      tpu.vector_store %arg7[%swap3A_96, %swap3A_97], %gather3A {strides = array<i32>} : memref<16x576xf32, #tpu.memory_space<vmem>>, vector<16xf32>,
      %mul3A_99 = arith.constant 16 : i32
      %mul3A_100 = arith.muli %scan3A_72, %mul3A_99 : i32
      %swap3A_101 = arith.constant 1 : i32
      %swap3A_102 = arith.index_cast %swap3A_101 : i32 to index
      %swap3A_103 = arith.index_cast %mul3A_100 : i32 to index
      %swap3A_104 = tpu.vector_load %arg7[%swap3A_102, %swap3A_103] {strides = array<i32>} : memref<16x576xf32, #tpu.memory_space<vmem>>, vector<16xf32>,
      tpu.vector_store %arg7[%swap3A_102, %swap3A_103], %gather3A_79 {strides = array<i32>} : memref<16x576xf32, #tpu.memory_space<vmem>>, vector<16xf32>,
      %mul3A_105 = arith.constant 16 : i32
      %mul3A_106 = arith.muli %scan3A_72, %mul3A_105 : i32
      %swap3A_107 = arith.constant 2 : i32
      %swap3A_108 = arith.index_cast %swap3A_107 : i32 to index
      %swap3A_109 = arith.index_cast %mul3A_106 : i32 to index
      %swap3A_110 = tpu.vector_load %arg7[%swap3A_108, %swap3A_109] {strides = array<i32>} : memref<16x576xf32, #tpu.memory_space<vmem>>, vector<16xf32>,
      tpu.vector_store %arg7[%swap3A_108, %swap3A_109], %gather3A_80 {strides = array<i32>} : memref<16x576xf32, #tpu.memory_space<vmem>>, vector<16xf32>,
      %mul3A_111 = arith.constant 16 : i32
      %mul3A_112 = arith.muli %scan3A_72, %mul3A_111 : i32
      %swap3A_113 = arith.constant 3 : i32
      %swap3A_114 = arith.index_cast %swap3A_113 : i32 to index
      %swap3A_115 = arith.index_cast %mul3A_112 : i32 to index
      %swap3A_116 = tpu.vector_load %arg7[%swap3A_114, %swap3A_115] {strides = array<i32>} : memref<16x576xf32, #tpu.memory_space<vmem>>, vector<16xf32>,
      tpu.vector_store %arg7[%swap3A_114, %swap3A_115], %gather3A_81 {strides = array<i32>} : memref<16x576xf32, #tpu.memory_space<vmem>>, vector<16xf32>,
      %mul3A_117 = arith.constant 16 : i32
      %mul3A_118 = arith.muli %scan3A_72, %mul3A_117 : i32
      %swap3A_119 = arith.constant 4 : i32
      %swap3A_120 = arith.index_cast %swap3A_119 : i32 to index
      %swap3A_121 = arith.index_cast %mul3A_118 : i32 to index
      %swap3A_122 = tpu.vector_load %arg7[%swap3A_120, %swap3A_121] {strides = array<i32>} : memref<16x576xf32, #tpu.memory_space<vmem>>, vector<16xf32>,
      tpu.vector_store %arg7[%swap3A_120, %swap3A_121], %gather3A_82 {strides = array<i32>} : memref<16x576xf32, #tpu.memory_space<vmem>>, vector<16xf32>,
      %mul3A_123 = arith.constant 16 : i32
      %mul3A_124 = arith.muli %scan3A_72, %mul3A_123 : i32
      %swap3A_125 = arith.constant 5 : i32
      %swap3A_126 = arith.index_cast %swap3A_125 : i32 to index
      %swap3A_127 = arith.index_cast %mul3A_124 : i32 to index
      %swap3A_128 = tpu.vector_load %arg7[%swap3A_126, %swap3A_127] {strides = array<i32>} : memref<16x576xf32, #tpu.memory_space<vmem>>, vector<16xf32>,
      tpu.vector_store %arg7[%swap3A_126, %swap3A_127], %gather3A_83 {strides = array<i32>} : memref<16x576xf32, #tpu.memory_space<vmem>>, vector<16xf32>,
      %mul3A_129 = arith.constant 16 : i32
      %mul3A_130 = arith.muli %scan3A_72, %mul3A_129 : i32
      %swap3A_131 = arith.constant 6 : i32
      %swap3A_132 = arith.index_cast %swap3A_131 : i32 to index
      %swap3A_133 = arith.index_cast %mul3A_130 : i32 to index
      %swap3A_134 = tpu.vector_load %arg7[%swap3A_132, %swap3A_133] {strides = array<i32>} : memref<16x576xf32, #tpu.memory_space<vmem>>, vector<16xf32>,
      tpu.vector_store %arg7[%swap3A_132, %swap3A_133], %gather3A_84 {strides = array<i32>} : memref<16x576xf32, #tpu.memory_space<vmem>>, vector<16xf32>,
      %mul3A_135 = arith.constant 16 : i32
      %mul3A_136 = arith.muli %scan3A_72, %mul3A_135 : i32
      %swap3A_137 = arith.constant 7 : i32
      %swap3A_138 = arith.index_cast %swap3A_137 : i32 to index
      %swap3A_139 = arith.index_cast %mul3A_136 : i32 to index
      %swap3A_140 = tpu.vector_load %arg7[%swap3A_138, %swap3A_139] {strides = array<i32>} : memref<16x576xf32, #tpu.memory_space<vmem>>, vector<16xf32>,
      tpu.vector_store %arg7[%swap3A_138, %swap3A_139], %gather3A_85 {strides = array<i32>} : memref<16x576xf32, #tpu.memory_space<vmem>>, vector<16xf32>,
      %mul3A_141 = arith.constant 16 : i32
      %mul3A_142 = arith.muli %scan3A_72, %mul3A_141 : i32
      %swap3A_143 = arith.constant 8 : i32
      %swap3A_144 = arith.index_cast %swap3A_143 : i32 to index
      %swap3A_145 = arith.index_cast %mul3A_142 : i32 to index
      %swap3A_146 = tpu.vector_load %arg7[%swap3A_144, %swap3A_145] {strides = array<i32>} : memref<16x576xf32, #tpu.memory_space<vmem>>, vector<16xf32>,
      tpu.vector_store %arg7[%swap3A_144, %swap3A_145], %gather3A_86 {strides = array<i32>} : memref<16x576xf32, #tpu.memory_space<vmem>>, vector<16xf32>,
      %mul3A_147 = arith.constant 16 : i32
      %mul3A_148 = arith.muli %scan3A_72, %mul3A_147 : i32
      %swap3A_149 = arith.constant 9 : i32
      %swap3A_150 = arith.index_cast %swap3A_149 : i32 to index
      %swap3A_151 = arith.index_cast %mul3A_148 : i32 to index
      %swap3A_152 = tpu.vector_load %arg7[%swap3A_150, %swap3A_151] {strides = array<i32>} : memref<16x576xf32, #tpu.memory_space<vmem>>, vector<16xf32>,
      tpu.vector_store %arg7[%swap3A_150, %swap3A_151], %gather3A_87 {strides = array<i32>} : memref<16x576xf32, #tpu.memory_space<vmem>>, vector<16xf32>,
      %mul3A_153 = arith.constant 16 : i32
      %mul3A_154 = arith.muli %scan3A_72, %mul3A_153 : i32
      %swap3A_155 = arith.constant 10 : i32
      %swap3A_156 = arith.index_cast %swap3A_155 : i32 to index
      %swap3A_157 = arith.index_cast %mul3A_154 : i32 to index
      %swap3A_158 = tpu.vector_load %arg7[%swap3A_156, %swap3A_157] {strides = array<i32>} : memref<16x576xf32, #tpu.memory_space<vmem>>, vector<16xf32>,
      tpu.vector_store %arg7[%swap3A_156, %swap3A_157], %gather3A_88 {strides = array<i32>} : memref<16x576xf32, #tpu.memory_space<vmem>>, vector<16xf32>,
      %mul3A_159 = arith.constant 16 : i32
      %mul3A_160 = arith.muli %scan3A_72, %mul3A_159 : i32
      %swap3A_161 = arith.constant 11 : i32
      %swap3A_162 = arith.index_cast %swap3A_161 : i32 to index
      %swap3A_163 = arith.index_cast %mul3A_160 : i32 to index
      %swap3A_164 = tpu.vector_load %arg7[%swap3A_162, %swap3A_163] {strides = array<i32>} : memref<16x576xf32, #tpu.memory_space<vmem>>, vector<16xf32>,
      tpu.vector_store %arg7[%swap3A_162, %swap3A_163], %gather3A_89 {strides = array<i32>} : memref<16x576xf32, #tpu.memory_space<vmem>>, vector<16xf32>,
      %mul3A_165 = arith.constant 16 : i32
      %mul3A_166 = arith.muli %scan3A_72, %mul3A_165 : i32
      %swap3A_167 = arith.constant 12 : i32
      %swap3A_168 = arith.index_cast %swap3A_167 : i32 to index
      %swap3A_169 = arith.index_cast %mul3A_166 : i32 to index
      %swap3A_170 = tpu.vector_load %arg7[%swap3A_168, %swap3A_169] {strides = array<i32>} : memref<16x576xf32, #tpu.memory_space<vmem>>, vector<16xf32>,
      tpu.vector_store %arg7[%swap3A_168, %swap3A_169], %gather3A_90 {strides = array<i32>} : memref<16x576xf32, #tpu.memory_space<vmem>>, vector<16xf32>,
      %mul3A_171 = arith.constant 16 : i32
      %mul3A_172 = arith.muli %scan3A_72, %mul3A_171 : i32
      %swap3A_173 = arith.constant 13 : i32
      %swap3A_174 = arith.index_cast %swap3A_173 : i32 to index
      %swap3A_175 = arith.index_cast %mul3A_172 : i32 to index
      %swap3A_176 = tpu.vector_load %arg7[%swap3A_174, %swap3A_175] {strides = array<i32>} : memref<16x576xf32, #tpu.memory_space<vmem>>, vector<16xf32>,
      tpu.vector_store %arg7[%swap3A_174, %swap3A_175], %gather3A_91 {strides = array<i32>} : memref<16x576xf32, #tpu.memory_space<vmem>>, vector<16xf32>,
      %mul3A_177 = arith.constant 16 : i32
      %mul3A_178 = arith.muli %scan3A_72, %mul3A_177 : i32
      %swap3A_179 = arith.constant 14 : i32
      %swap3A_180 = arith.index_cast %swap3A_179 : i32 to index
      %swap3A_181 = arith.index_cast %mul3A_178 : i32 to index
      %swap3A_182 = tpu.vector_load %arg7[%swap3A_180, %swap3A_181] {strides = array<i32>} : memref<16x576xf32, #tpu.memory_space<vmem>>, vector<16xf32>,
      tpu.vector_store %arg7[%swap3A_180, %swap3A_181], %gather3A_92 {strides = array<i32>} : memref<16x576xf32, #tpu.memory_space<vmem>>, vector<16xf32>,
      %mul3A_183 = arith.constant 16 : i32
      %mul3A_184 = arith.muli %scan3A_72, %mul3A_183 : i32
      %swap3A_185 = arith.constant 15 : i32
      %swap3A_186 = arith.index_cast %swap3A_185 : i32 to index
      %swap3A_187 = arith.index_cast %mul3A_184 : i32 to index
      %swap3A_188 = tpu.vector_load %arg7[%swap3A_186, %swap3A_187] {strides = array<i32>} : memref<16x576xf32, #tpu.memory_space<vmem>>, vector<16xf32>,
      tpu.vector_store %arg7[%swap3A_186, %swap3A_187], %gather3A_93 {strides = array<i32>} : memref<16x576xf32, #tpu.memory_space<vmem>>, vector<16xf32>,
      %scan3A_189 = arith.constant 0 : i32
      %scan3A_190 = arith.constant 1 : i32
      %scan3A_191 = arith.addi %scan3A_72, %scan3A_190 : i32
      %mul3A_192 = arith.constant 16 : i32
      %mul3A_193 = arith.muli %scan3A_191, %mul3A_192 : i32
      %get3A_194 = arith.constant 0 : i32
      %get3A_195 = arith.index_cast %get3A_194 : i32 to index
      %get3A_196 = arith.index_cast %mul3A_193 : i32 to index
      %get3A_197 = tpu.vector_load %arg6[%get3A_195, %get3A_196] {strides = array<i32>} : memref<1x576xi32, #tpu.memory_space<vmem>>, vector<16xi32>,
      %gather3A_198 = tpu.vector_load_idx %arg5[%broadcast_in_dim3A_33, %get3A_197] : memref<16x512xf32, #tpu.memory_space<vmem>>[vector<16xi32>, vector<16xi32>], vector<16xf32>,
      %gather3A_199 = tpu.vector_load_idx %arg5[%broadcast_in_dim3A_35, %get3A_197] : memref<16x512xf32, #tpu.memory_space<vmem>>[vector<16xi32>, vector<16xi32>], vector<16xf32>,
      %gather3A_200 = tpu.vector_load_idx %arg5[%broadcast_in_dim3A_37, %get3A_197] : memref<16x512xf32, #tpu.memory_space<vmem>>[vector<16xi32>, vector<16xi32>], vector<16xf32>,
      %gather3A_201 = tpu.vector_load_idx %arg5[%broadcast_in_dim3A_39, %get3A_197] : memref<16x512xf32, #tpu.memory_space<vmem>>[vector<16xi32>, vector<16xi32>], vector<16xf32>,
      %gather3A_202 = tpu.vector_load_idx %arg5[%broadcast_in_dim3A_41, %get3A_197] : memref<16x512xf32, #tpu.memory_space<vmem>>[vector<16xi32>, vector<16xi32>], vector<16xf32>,
      %gather3A_203 = tpu.vector_load_idx %arg5[%broadcast_in_dim3A_43, %get3A_197] : memref<16x512xf32, #tpu.memory_space<vmem>>[vector<16xi32>, vector<16xi32>], vector<16xf32>,
      %gather3A_204 = tpu.vector_load_idx %arg5[%broadcast_in_dim3A_45, %get3A_197] : memref<16x512xf32, #tpu.memory_space<vmem>>[vector<16xi32>, vector<16xi32>], vector<16xf32>,
      %gather3A_205 = tpu.vector_load_idx %arg5[%broadcast_in_dim3A_47, %get3A_197] : memref<16x512xf32, #tpu.memory_space<vmem>>[vector<16xi32>, vector<16xi32>], vector<16xf32>,
      %gather3A_206 = tpu.vector_load_idx %arg5[%broadcast_in_dim3A_49, %get3A_197] : memref<16x512xf32, #tpu.memory_space<vmem>>[vector<16xi32>, vector<16xi32>], vector<16xf32>,
      %gather3A_207 = tpu.vector_load_idx %arg5[%broadcast_in_dim3A_51, %get3A_197] : memref<16x512xf32, #tpu.memory_space<vmem>>[vector<16xi32>, vector<16xi32>], vector<16xf32>,
      %gather3A_208 = tpu.vector_load_idx %arg5[%broadcast_in_dim3A_53, %get3A_197] : memref<16x512xf32, #tpu.memory_space<vmem>>[vector<16xi32>, vector<16xi32>], vector<16xf32>,
      %gather3A_209 = tpu.vector_load_idx %arg5[%broadcast_in_dim3A_55, %get3A_197] : memref<16x512xf32, #tpu.memory_space<vmem>>[vector<16xi32>, vector<16xi32>], vector<16xf32>,
      %gather3A_210 = tpu.vector_load_idx %arg5[%broadcast_in_dim3A_57, %get3A_197] : memref<16x512xf32, #tpu.memory_space<vmem>>[vector<16xi32>, vector<16xi32>], vector<16xf32>,
      %gather3A_211 = tpu.vector_load_idx %arg5[%broadcast_in_dim3A_59, %get3A_197] : memref<16x512xf32, #tpu.memory_space<vmem>>[vector<16xi32>, vector<16xi32>], vector<16xf32>,
      %gather3A_212 = tpu.vector_load_idx %arg5[%broadcast_in_dim3A_61, %get3A_197] : memref<16x512xf32, #tpu.memory_space<vmem>>[vector<16xi32>, vector<16xi32>], vector<16xf32>,
      %gather3A_213 = tpu.vector_load_idx %arg5[%broadcast_in_dim3A_63, %get3A_197] : memref<16x512xf32, #tpu.memory_space<vmem>>[vector<16xi32>, vector<16xi32>], vector<16xf32>,
      %mul3A_214 = arith.constant 16 : i32
      %mul3A_215 = arith.muli %scan3A_191, %mul3A_214 : i32
      %swap3A_216 = arith.constant 0 : i32
      %swap3A_217 = arith.index_cast %swap3A_216 : i32 to index
      %swap3A_218 = arith.index_cast %mul3A_215 : i32 to index
      %swap3A_219 = tpu.vector_load %arg7[%swap3A_217, %swap3A_218] {strides = array<i32>} : memref<16x576xf32, #tpu.memory_space<vmem>>, vector<16xf32>,
      tpu.vector_store %arg7[%swap3A_217, %swap3A_218], %gather3A_198 {strides = array<i32>} : memref<16x576xf32, #tpu.memory_space<vmem>>, vector<16xf32>,
      %mul3A_220 = arith.constant 16 : i32
      %mul3A_221 = arith.muli %scan3A_191, %mul3A_220 : i32
      %swap3A_222 = arith.constant 1 : i32
      %swap3A_223 = arith.index_cast %swap3A_222 : i32 to index
      %swap3A_224 = arith.index_cast %mul3A_221 : i32 to index
      %swap3A_225 = tpu.vector_load %arg7[%swap3A_223, %swap3A_224] {strides = array<i32>} : memref<16x576xf32, #tpu.memory_space<vmem>>, vector<16xf32>,
      tpu.vector_store %arg7[%swap3A_223, %swap3A_224], %gather3A_199 {strides = array<i32>} : memref<16x576xf32, #tpu.memory_space<vmem>>, vector<16xf32>,
      %mul3A_226 = arith.constant 16 : i32
      %mul3A_227 = arith.muli %scan3A_191, %mul3A_226 : i32
      %swap3A_228 = arith.constant 2 : i32
      %swap3A_229 = arith.index_cast %swap3A_228 : i32 to index
      %swap3A_230 = arith.index_cast %mul3A_227 : i32 to index
      %swap3A_231 = tpu.vector_load %arg7[%swap3A_229, %swap3A_230] {strides = array<i32>} : memref<16x576xf32, #tpu.memory_space<vmem>>, vector<16xf32>,
      tpu.vector_store %arg7[%swap3A_229, %swap3A_230], %gather3A_200 {strides = array<i32>} : memref<16x576xf32, #tpu.memory_space<vmem>>, vector<16xf32>,
      %mul3A_232 = arith.constant 16 : i32
      %mul3A_233 = arith.muli %scan3A_191, %mul3A_232 : i32
      %swap3A_234 = arith.constant 3 : i32
      %swap3A_235 = arith.index_cast %swap3A_234 : i32 to index
      %swap3A_236 = arith.index_cast %mul3A_233 : i32 to index
      %swap3A_237 = tpu.vector_load %arg7[%swap3A_235, %swap3A_236] {strides = array<i32>} : memref<16x576xf32, #tpu.memory_space<vmem>>, vector<16xf32>,
      tpu.vector_store %arg7[%swap3A_235, %swap3A_236], %gather3A_201 {strides = array<i32>} : memref<16x576xf32, #tpu.memory_space<vmem>>, vector<16xf32>,
      %mul3A_238 = arith.constant 16 : i32
      %mul3A_239 = arith.muli %scan3A_191, %mul3A_238 : i32
      %swap3A_240 = arith.constant 4 : i32
      %swap3A_241 = arith.index_cast %swap3A_240 : i32 to index
      %swap3A_242 = arith.index_cast %mul3A_239 : i32 to index
      %swap3A_243 = tpu.vector_load %arg7[%swap3A_241, %swap3A_242] {strides = array<i32>} : memref<16x576xf32, #tpu.memory_space<vmem>>, vector<16xf32>,
      tpu.vector_store %arg7[%swap3A_241, %swap3A_242], %gather3A_202 {strides = array<i32>} : memref<16x576xf32, #tpu.memory_space<vmem>>, vector<16xf32>,
      %mul3A_244 = arith.constant 16 : i32
      %mul3A_245 = arith.muli %scan3A_191, %mul3A_244 : i32
      %swap3A_246 = arith.constant 5 : i32
      %swap3A_247 = arith.index_cast %swap3A_246 : i32 to index
      %swap3A_248 = arith.index_cast %mul3A_245 : i32 to index
      %swap3A_249 = tpu.vector_load %arg7[%swap3A_247, %swap3A_248] {strides = array<i32>} : memref<16x576xf32, #tpu.memory_space<vmem>>, vector<16xf32>,
      tpu.vector_store %arg7[%swap3A_247, %swap3A_248], %gather3A_203 {strides = array<i32>} : memref<16x576xf32, #tpu.memory_space<vmem>>, vector<16xf32>,
      %mul3A_250 = arith.constant 16 : i32
      %mul3A_251 = arith.muli %scan3A_191, %mul3A_250 : i32
      %swap3A_252 = arith.constant 6 : i32
      %swap3A_253 = arith.index_cast %swap3A_252 : i32 to index
      %swap3A_254 = arith.index_cast %mul3A_251 : i32 to index
      %swap3A_255 = tpu.vector_load %arg7[%swap3A_253, %swap3A_254] {strides = array<i32>} : memref<16x576xf32, #tpu.memory_space<vmem>>, vector<16xf32>,
      tpu.vector_store %arg7[%swap3A_253, %swap3A_254], %gather3A_204 {strides = array<i32>} : memref<16x576xf32, #tpu.memory_space<vmem>>, vector<16xf32>,
      %mul3A_256 = arith.constant 16 : i32
      %mul3A_257 = arith.muli %scan3A_191, %mul3A_256 : i32
      %swap3A_258 = arith.constant 7 : i32
      %swap3A_259 = arith.index_cast %swap3A_258 : i32 to index
      %swap3A_260 = arith.index_cast %mul3A_257 : i32 to index
      %swap3A_261 = tpu.vector_load %arg7[%swap3A_259, %swap3A_260] {strides = array<i32>} : memref<16x576xf32, #tpu.memory_space<vmem>>, vector<16xf32>,
      tpu.vector_store %arg7[%swap3A_259, %swap3A_260], %gather3A_205 {strides = array<i32>} : memref<16x576xf32, #tpu.memory_space<vmem>>, vector<16xf32>,
      %mul3A_262 = arith.constant 16 : i32
      %mul3A_263 = arith.muli %scan3A_191, %mul3A_262 : i32
      %swap3A_264 = arith.constant 8 : i32
      %swap3A_265 = arith.index_cast %swap3A_264 : i32 to index
      %swap3A_266 = arith.index_cast %mul3A_263 : i32 to index
      %swap3A_267 = tpu.vector_load %arg7[%swap3A_265, %swap3A_266] {strides = array<i32>} : memref<16x576xf32, #tpu.memory_space<vmem>>, vector<16xf32>,
      tpu.vector_store %arg7[%swap3A_265, %swap3A_266], %gather3A_206 {strides = array<i32>} : memref<16x576xf32, #tpu.memory_space<vmem>>, vector<16xf32>,
      %mul3A_268 = arith.constant 16 : i32
      %mul3A_269 = arith.muli %scan3A_191, %mul3A_268 : i32
      %swap3A_270 = arith.constant 9 : i32
      %swap3A_271 = arith.index_cast %swap3A_270 : i32 to index
      %swap3A_272 = arith.index_cast %mul3A_269 : i32 to index
      %swap3A_273 = tpu.vector_load %arg7[%swap3A_271, %swap3A_272] {strides = array<i32>} : memref<16x576xf32, #tpu.memory_space<vmem>>, vector<16xf32>,
      tpu.vector_store %arg7[%swap3A_271, %swap3A_272], %gather3A_207 {strides = array<i32>} : memref<16x576xf32, #tpu.memory_space<vmem>>, vector<16xf32>,
      %mul3A_274 = arith.constant 16 : i32
      %mul3A_275 = arith.muli %scan3A_191, %mul3A_274 : i32
      %swap3A_276 = arith.constant 10 : i32
      %swap3A_277 = arith.index_cast %swap3A_276 : i32 to index
      %swap3A_278 = arith.index_cast %mul3A_275 : i32 to index
      %swap3A_279 = tpu.vector_load %arg7[%swap3A_277, %swap3A_278] {strides = array<i32>} : memref<16x576xf32, #tpu.memory_space<vmem>>, vector<16xf32>,
      tpu.vector_store %arg7[%swap3A_277, %swap3A_278], %gather3A_208 {strides = array<i32>} : memref<16x576xf32, #tpu.memory_space<vmem>>, vector<16xf32>,
      %mul3A_280 = arith.constant 16 : i32
      %mul3A_281 = arith.muli %scan3A_191, %mul3A_280 : i32
      %swap3A_282 = arith.constant 11 : i32
      %swap3A_283 = arith.index_cast %swap3A_282 : i32 to index
      %swap3A_284 = arith.index_cast %mul3A_281 : i32 to index
      %swap3A_285 = tpu.vector_load %arg7[%swap3A_283, %swap3A_284] {strides = array<i32>} : memref<16x576xf32, #tpu.memory_space<vmem>>, vector<16xf32>,
      tpu.vector_store %arg7[%swap3A_283, %swap3A_284], %gather3A_209 {strides = array<i32>} : memref<16x576xf32, #tpu.memory_space<vmem>>, vector<16xf32>,
      %mul3A_286 = arith.constant 16 : i32
      %mul3A_287 = arith.muli %scan3A_191, %mul3A_286 : i32
      %swap3A_288 = arith.constant 12 : i32
      %swap3A_289 = arith.index_cast %swap3A_288 : i32 to index
      %swap3A_290 = arith.index_cast %mul3A_287 : i32 to index
      %swap3A_291 = tpu.vector_load %arg7[%swap3A_289, %swap3A_290] {strides = array<i32>} : memref<16x576xf32, #tpu.memory_space<vmem>>, vector<16xf32>,
      tpu.vector_store %arg7[%swap3A_289, %swap3A_290], %gather3A_210 {strides = array<i32>} : memref<16x576xf32, #tpu.memory_space<vmem>>, vector<16xf32>,
      %mul3A_292 = arith.constant 16 : i32
      %mul3A_293 = arith.muli %scan3A_191, %mul3A_292 : i32
      %swap3A_294 = arith.constant 13 : i32
      %swap3A_295 = arith.index_cast %swap3A_294 : i32 to index
      %swap3A_296 = arith.index_cast %mul3A_293 : i32 to index
      %swap3A_297 = tpu.vector_load %arg7[%swap3A_295, %swap3A_296] {strides = array<i32>} : memref<16x576xf32, #tpu.memory_space<vmem>>, vector<16xf32>,
      tpu.vector_store %arg7[%swap3A_295, %swap3A_296], %gather3A_211 {strides = array<i32>} : memref<16x576xf32, #tpu.memory_space<vmem>>, vector<16xf32>,
      %mul3A_298 = arith.constant 16 : i32
      %mul3A_299 = arith.muli %scan3A_191, %mul3A_298 : i32
      %swap3A_300 = arith.constant 14 : i32
      %swap3A_301 = arith.index_cast %swap3A_300 : i32 to index
      %swap3A_302 = arith.index_cast %mul3A_299 : i32 to index
      %swap3A_303 = tpu.vector_load %arg7[%swap3A_301, %swap3A_302] {strides = array<i32>} : memref<16x576xf32, #tpu.memory_space<vmem>>, vector<16xf32>,
      tpu.vector_store %arg7[%swap3A_301, %swap3A_302], %gather3A_212 {strides = array<i32>} : memref<16x576xf32, #tpu.memory_space<vmem>>, vector<16xf32>,
      %mul3A_304 = arith.constant 16 : i32
      %mul3A_305 = arith.muli %scan3A_191, %mul3A_304 : i32
      %swap3A_306 = arith.constant 15 : i32
      %swap3A_307 = arith.index_cast %swap3A_306 : i32 to index
      %swap3A_308 = arith.index_cast %mul3A_305 : i32 to index
      %swap3A_309 = tpu.vector_load %arg7[%swap3A_307, %swap3A_308] {strides = array<i32>} : memref<16x576xf32, #tpu.memory_space<vmem>>, vector<16xf32>,
      tpu.vector_store %arg7[%swap3A_307, %swap3A_308], %gather3A_213 {strides = array<i32>} : memref<16x576xf32, #tpu.memory_space<vmem>>, vector<16xf32>,
      %scan3A_310 = arith.constant 0 : i32
      scf.yield %scan3A_310 : i32
    }
    %scan3A_69 = arith.constant 36 : i32
    %mul3A_70 = arith.constant 16 : i32
    %mul3A_71 = arith.muli %add3A, %mul3A_70 : i32
    "tpu.region"() ({
      %run_scoped3A = tpu.sem_alloc : memref<!tpu.dma_semaphore, #tpu.memory_space<semaphore_mem>>
      %dma_start3A = arith.constant 0 : i32
      %dma_start3A_72 = tpu.memref_slice %arg4[%mul3A_71, %dma_start3A] : memref<512x576xf32, #tpu.memory_space<hbm>> -> memref<16x576xf32, #tpu.memory_space<hbm>>
      %dma_start3A_73 = arith.constant 0 : i32
      %dma_start3A_74 = tpu.memref_slice %arg4[%mul3A_71, %dma_start3A_73] : memref<512x576xf32, #tpu.memory_space<hbm>> -> memref<16x576xf32, #tpu.memory_space<hbm>>
      tpu.enqueue_dma source(%arg7 : memref<16x576xf32, #tpu.memory_space<vmem>>) target(%dma_start3A_74 : memref<16x576xf32, #tpu.memory_space<hbm>>) target_semaphore(%run_scoped3A : memref<!tpu.dma_semaphore, #tpu.memory_space<semaphore_mem>>)
      %dma_wait3A = arith.constant 0 : i32
      %dma_wait3A_75 = tpu.memref_slice %arg4[%mul3A_71, %dma_wait3A] : memref<512x576xf32, #tpu.memory_space<hbm>> -> memref<16x576xf32, #tpu.memory_space<hbm>>
      %dma_wait3A_76 = arith.constant 0 : i32
      %dma_wait3A_77 = tpu.memref_slice %arg4[%mul3A_71, %dma_wait3A_76] : memref<512x576xf32, #tpu.memory_space<hbm>> -> memref<16x576xf32, #tpu.memory_space<hbm>>
      tpu.wait_dma2 semaphore(%run_scoped3A : memref<!tpu.dma_semaphore, #tpu.memory_space<semaphore_mem>>) src(%arg7 : memref<16x576xf32, #tpu.memory_space<vmem>>) dst(%dma_wait3A_77 : memref<16x576xf32, #tpu.memory_space<hbm>>)
      tpu.yield
    }) : () -> ()
    return
  }
}

module attributes {stable_mosaic.version = 14 : i64} {
  func.func @_argmin_body(%arg0: memref<8x64x576xf32, #tpu.memory_space<vmem>>, %arg1: memref<64x512xf32, #tpu.memory_space<vmem>>, %arg2: memref<8x576xi32, #tpu.memory_space<vmem>>) attributes {dimension_semantics = [], scalar_prefetch = 0 : i64, scratch_operands = 0 : i64, tpu.core_type = #tpu.core_type<tc>} {
    %get3A = arith.constant 0 : index
    %get3A_0 = arith.constant 0 : index
    %get3A_1 = vector.load %arg1[%get3A, %get3A_0] : memref<64x512xf32, #tpu.memory_space<vmem>>, vector<64x512xf32>
    %convert_element_type3A = arith.truncf %get3A_1 : vector<64x512xf32> to vector<64x512xbf16>
    %convert_element_type3A_2 = arith.extf %convert_element_type3A : vector<64x512xbf16> to vector<64x512xf32>
    %sub3A = arith.subf %get3A_1, %convert_element_type3A_2 : vector<64x512xf32>
    %convert_element_type3A_3 = arith.truncf %sub3A : vector<64x512xf32> to vector<64x512xbf16>
    %convert_element_type3A_4 = arith.extf %convert_element_type3A_3 : vector<64x512xbf16> to vector<64x512xf32>
    %sub3A_5 = arith.subf %get3A_1, %convert_element_type3A_2 : vector<64x512xf32>
    %sub3A_6 = arith.subf %sub3A_5, %convert_element_type3A_4 : vector<64x512xf32>
    %mul3A = arith.mulf %get3A_1, %get3A_1 : vector<64x512xf32>
    %reduce_sum3A = arith.constant dense<0.000000e+00> : vector<512xf32>
    %reduce_sum3A_7 = vector.multi_reduction <add>, %mul3A, %reduce_sum3A [0] : vector<64x512xf32> to vector<512xf32>
    %broadcast_in_dim3A = vector.shape_cast %reduce_sum3A_7 : vector<512xf32> to vector<1x512xf32>
    %mul3A_8 = arith.constant -2.000000e+00 : f32
    %mul3A_9 = vector.broadcast %mul3A_8 : f32 to vector<64x512xf32>
    %mul3A_10 = arith.mulf %mul3A_9, %get3A_1 : vector<64x512xf32>
    %broadcast_in_dim3A_11 = arith.constant 1.000000e+00 : f32
    %broadcast_in_dim3A_12 = vector.broadcast %broadcast_in_dim3A_11 : f32 to vector<1x512xf32>
    %broadcast_in_dim3A_13 = arith.constant 0.000000e+00 : f32
    %broadcast_in_dim3A_14 = vector.broadcast %broadcast_in_dim3A_13 : f32 to vector<6x512xf32>
    %concatenate3A = tpu.concatenate %mul3A_10, %broadcast_in_dim3A_12, %broadcast_in_dim3A, %broadcast_in_dim3A_14 in 0 : vector<64x512xf32>, vector<1x512xf32>, vector<1x512xf32>, vector<6x512xf32> -> vector<72x512xf32>
    %get3A_15 = arith.constant 0 : index
    %get3A_16 = arith.constant 0 : index
    %get3A_17 = arith.constant 0 : index
    %get3A_18 = vector.load %arg0[%get3A_15, %get3A_16, %get3A_17] : memref<8x64x576xf32, #tpu.memory_space<vmem>>, vector<1x64x576xf32>
    %get3A_19 = vector.shape_cast %get3A_18 : vector<1x64x576xf32> to vector<64x576xf32>
    %mul3A_20 = arith.mulf %get3A_19, %get3A_19 : vector<64x576xf32>
    %reduce_sum3A_21 = arith.constant dense<0.000000e+00> : vector<576xf32>
    %reduce_sum3A_22 = vector.multi_reduction <add>, %mul3A_20, %reduce_sum3A_21 [0] : vector<64x576xf32> to vector<576xf32>
    %broadcast_in_dim3A_23 = vector.shape_cast %reduce_sum3A_22 : vector<576xf32> to vector<1x576xf32>
    %broadcast_in_dim3A_24 = arith.constant 1.000000e+00 : f32
    %broadcast_in_dim3A_25 = vector.broadcast %broadcast_in_dim3A_24 : f32 to vector<1x576xf32>
    %broadcast_in_dim3A_26 = arith.constant 0.000000e+00 : f32
    %broadcast_in_dim3A_27 = vector.broadcast %broadcast_in_dim3A_26 : f32 to vector<6x576xf32>
    %concatenate3A_28 = tpu.concatenate %get3A_19, %broadcast_in_dim3A_23, %broadcast_in_dim3A_25, %broadcast_in_dim3A_27 in 0 : vector<64x576xf32>, vector<1x576xf32>, vector<1x576xf32>, vector<6x576xf32> -> vector<72x576xf32>
    %dot_general3A = arith.constant dense<0.000000e+00> : vector<512x576xf32>
    %dot_general3A_29 = tpu.matmul %concatenate3A, %concatenate3A_28, %dot_general3A {dimension_numbers = #tpu.dot_dimension_numbers<[0], [0], [1], [1], [0, 1, 1, 1], [], []>, precision = #tpu.contract_precision<fp32>, transpose_lhs_hint = true} : vector<72x512xf32>, vector<72x576xf32>, vector<512x576xf32> -> vector<512x576xf32>
    %iota3A = tpu.iota {dimensions = array<i32: 0>} : vector<512x576xi32>
    %reduce_min3A = arith.constant dense<0x7F800000> : vector<576xf32>
    %reduce_min3A_30 = vector.multi_reduction <minimumf>, %dot_general3A_29, %reduce_min3A [0] : vector<512x576xf32> to vector<576xf32>
    %broadcast_in_dim3A_31 = vector.shape_cast %reduce_min3A_30 : vector<576xf32> to vector<1x576xf32>
    %eq3A = vector.broadcast %broadcast_in_dim3A_31 : vector<1x576xf32> to vector<512x576xf32>
    %eq3A_32 = arith.cmpf oeq, %dot_general3A_29, %eq3A : vector<512x576xf32>
    %jit3A = arith.constant 512 : i32
    %broadcast_in_dim3A_33 = vector.broadcast %jit3A : i32 to vector<512x576xi32>
    %select_n3A = arith.select %eq3A_32, %iota3A, %broadcast_in_dim3A_33 : vector<512x576xi1>, vector<512x576xi32>
    %reduce_min3A_34 = arith.constant dense<2147483647> : vector<576xi32>
    %reduce_min3A_35 = vector.multi_reduction <minsi>, %select_n3A, %reduce_min3A_34 [0] : vector<512x576xi32> to vector<576xi32>
    %broadcast_in_dim3A_36 = vector.shape_cast %reduce_min3A_35 : vector<576xi32> to vector<1x576xi32>
    %eq3A_37 = vector.broadcast %broadcast_in_dim3A_36 : vector<1x576xi32> to vector<512x576xi32>
    %eq3A_38 = arith.cmpi eq, %iota3A, %eq3A_37 : vector<512x576xi32>
    %jit3A_39 = arith.constant 0x7F800000 : f32
    %broadcast_in_dim3A_40 = vector.broadcast %jit3A_39 : f32 to vector<512x576xf32>
    %select_n3A_41 = arith.select %eq3A_38, %broadcast_in_dim3A_40, %dot_general3A_29 : vector<512x576xi1>, vector<512x576xf32>
    %reduce_min3A_42 = arith.constant dense<0x7F800000> : vector<576xf32>
    %reduce_min3A_43 = vector.multi_reduction <minimumf>, %select_n3A_41, %reduce_min3A_42 [0] : vector<512x576xf32> to vector<576xf32>
    %broadcast_in_dim3A_44 = vector.shape_cast %reduce_min3A_43 : vector<576xf32> to vector<1x576xf32>
    %eq3A_45 = vector.broadcast %broadcast_in_dim3A_44 : vector<1x576xf32> to vector<512x576xf32>
    %eq3A_46 = arith.cmpf oeq, %select_n3A_41, %eq3A_45 : vector<512x576xf32>
    %jit3A_47 = arith.constant 512 : i32
    %broadcast_in_dim3A_48 = vector.broadcast %jit3A_47 : i32 to vector<512x576xi32>
    %select_n3A_49 = arith.select %eq3A_46, %iota3A, %broadcast_in_dim3A_48 : vector<512x576xi1>, vector<512x576xi32>
    %reduce_min3A_50 = arith.constant dense<2147483647> : vector<576xi32>
    %reduce_min3A_51 = vector.multi_reduction <minsi>, %select_n3A_49, %reduce_min3A_50 [0] : vector<512x576xi32> to vector<576xi32>
    %min3A = arith.minsi %reduce_min3A_35, %reduce_min3A_51 : vector<576xi32>
    %max3A = arith.maxsi %reduce_min3A_35, %reduce_min3A_51 : vector<576xi32>
    %broadcast_in_dim3A_52 = vector.shape_cast %min3A : vector<576xi32> to vector<1x576xi32>
    %eq3A_53 = vector.broadcast %broadcast_in_dim3A_52 : vector<1x576xi32> to vector<512x576xi32>
    %eq3A_54 = arith.cmpi eq, %iota3A, %eq3A_53 : vector<512x576xi32>
    %convert_element_type3A_55 = arith.extui %eq3A_54 : vector<512x576xi1> to vector<512x576xi32>
    %convert_element_type3A_56 = arith.sitofp %convert_element_type3A_55 : vector<512x576xi32> to vector<512x576xf32>
    %broadcast_in_dim3A_57 = vector.shape_cast %max3A : vector<576xi32> to vector<1x576xi32>
    %eq3A_58 = vector.broadcast %broadcast_in_dim3A_57 : vector<1x576xi32> to vector<512x576xi32>
    %eq3A_59 = arith.cmpi eq, %iota3A, %eq3A_58 : vector<512x576xi32>
    %convert_element_type3A_60 = arith.extui %eq3A_59 : vector<512x576xi1> to vector<512x576xi32>
    %convert_element_type3A_61 = arith.sitofp %convert_element_type3A_60 : vector<512x576xi32> to vector<512x576xf32>
    %dot_general3A_62 = arith.constant dense<0.000000e+00> : vector<64x576xf32>
    %dot_general3A_63 = tpu.matmul %convert_element_type3A_2, %convert_element_type3A_56, %dot_general3A_62 {dimension_numbers = #tpu.dot_dimension_numbers<[1], [0], [0], [1], [0, 0, 1, 1], [], []>, transpose_lhs_hint = false} : vector<64x512xf32>, vector<512x576xf32>, vector<64x576xf32> -> vector<64x576xf32>
    %dot_general3A_64 = arith.constant dense<0.000000e+00> : vector<64x576xf32>
    %dot_general3A_65 = tpu.matmul %convert_element_type3A_4, %convert_element_type3A_56, %dot_general3A_64 {dimension_numbers = #tpu.dot_dimension_numbers<[1], [0], [0], [1], [0, 0, 1, 1], [], []>, transpose_lhs_hint = false} : vector<64x512xf32>, vector<512x576xf32>, vector<64x576xf32> -> vector<64x576xf32>
    %dot_general3A_66 = arith.constant dense<0.000000e+00> : vector<64x576xf32>
    %dot_general3A_67 = tpu.matmul %sub3A_6, %convert_element_type3A_56, %dot_general3A_66 {dimension_numbers = #tpu.dot_dimension_numbers<[1], [0], [0], [1], [0, 0, 1, 1], [], []>, transpose_lhs_hint = false} : vector<64x512xf32>, vector<512x576xf32>, vector<64x576xf32> -> vector<64x576xf32>
    %add3A = arith.addf %dot_general3A_63, %dot_general3A_65 : vector<64x576xf32>
    %add3A_68 = arith.addf %add3A, %dot_general3A_67 : vector<64x576xf32>
    %dot_general3A_69 = arith.constant dense<0.000000e+00> : vector<64x576xf32>
    %dot_general3A_70 = tpu.matmul %convert_element_type3A_2, %convert_element_type3A_61, %dot_general3A_69 {dimension_numbers = #tpu.dot_dimension_numbers<[1], [0], [0], [1], [0, 0, 1, 1], [], []>, transpose_lhs_hint = false} : vector<64x512xf32>, vector<512x576xf32>, vector<64x576xf32> -> vector<64x576xf32>
    %dot_general3A_71 = arith.constant dense<0.000000e+00> : vector<64x576xf32>
    %dot_general3A_72 = tpu.matmul %convert_element_type3A_4, %convert_element_type3A_61, %dot_general3A_71 {dimension_numbers = #tpu.dot_dimension_numbers<[1], [0], [0], [1], [0, 0, 1, 1], [], []>, transpose_lhs_hint = false} : vector<64x512xf32>, vector<512x576xf32>, vector<64x576xf32> -> vector<64x576xf32>
    %dot_general3A_73 = arith.constant dense<0.000000e+00> : vector<64x576xf32>
    %dot_general3A_74 = tpu.matmul %sub3A_6, %convert_element_type3A_61, %dot_general3A_73 {dimension_numbers = #tpu.dot_dimension_numbers<[1], [0], [0], [1], [0, 0, 1, 1], [], []>, transpose_lhs_hint = false} : vector<64x512xf32>, vector<512x576xf32>, vector<64x576xf32> -> vector<64x576xf32>
    %add3A_75 = arith.addf %dot_general3A_70, %dot_general3A_72 : vector<64x576xf32>
    %add3A_76 = arith.addf %add3A_75, %dot_general3A_74 : vector<64x576xf32>
    %sub3A_77 = arith.subf %get3A_19, %add3A_68 : vector<64x576xf32>
    %sub3A_78 = arith.subf %get3A_19, %add3A_68 : vector<64x576xf32>
    %mul3A_79 = arith.mulf %sub3A_77, %sub3A_78 : vector<64x576xf32>
    %sub3A_80 = arith.subf %get3A_19, %add3A_76 : vector<64x576xf32>
    %sub3A_81 = arith.subf %get3A_19, %add3A_76 : vector<64x576xf32>
    %mul3A_82 = arith.mulf %sub3A_80, %sub3A_81 : vector<64x576xf32>
    %slice3A = vector.extract_strided_slice %mul3A_79 {offsets = [0, 0], sizes = [1, 576], strides = [1, 1]} : vector<64x576xf32> to vector<1x576xf32>
    %slice3A_83 = vector.extract_strided_slice %mul3A_82 {offsets = [0, 0], sizes = [1, 576], strides = [1, 1]} : vector<64x576xf32> to vector<1x576xf32>
    %slice3A_84 = vector.extract_strided_slice %mul3A_79 {offsets = [1, 0], sizes = [1, 576], strides = [1, 1]} : vector<64x576xf32> to vector<1x576xf32>
    %add3A_85 = arith.addf %slice3A, %slice3A_84 : vector<1x576xf32>
    %slice3A_86 = vector.extract_strided_slice %mul3A_82 {offsets = [1, 0], sizes = [1, 576], strides = [1, 1]} : vector<64x576xf32> to vector<1x576xf32>
    %add3A_87 = arith.addf %slice3A_83, %slice3A_86 : vector<1x576xf32>
    %slice3A_88 = vector.extract_strided_slice %mul3A_79 {offsets = [2, 0], sizes = [1, 576], strides = [1, 1]} : vector<64x576xf32> to vector<1x576xf32>
    %add3A_89 = arith.addf %add3A_85, %slice3A_88 : vector<1x576xf32>
    %slice3A_90 = vector.extract_strided_slice %mul3A_82 {offsets = [2, 0], sizes = [1, 576], strides = [1, 1]} : vector<64x576xf32> to vector<1x576xf32>
    %add3A_91 = arith.addf %add3A_87, %slice3A_90 : vector<1x576xf32>
    %slice3A_92 = vector.extract_strided_slice %mul3A_79 {offsets = [3, 0], sizes = [1, 576], strides = [1, 1]} : vector<64x576xf32> to vector<1x576xf32>
    %add3A_93 = arith.addf %add3A_89, %slice3A_92 : vector<1x576xf32>
    %slice3A_94 = vector.extract_strided_slice %mul3A_82 {offsets = [3, 0], sizes = [1, 576], strides = [1, 1]} : vector<64x576xf32> to vector<1x576xf32>
    %add3A_95 = arith.addf %add3A_91, %slice3A_94 : vector<1x576xf32>
    %slice3A_96 = vector.extract_strided_slice %mul3A_79 {offsets = [4, 0], sizes = [1, 576], strides = [1, 1]} : vector<64x576xf32> to vector<1x576xf32>
    %add3A_97 = arith.addf %add3A_93, %slice3A_96 : vector<1x576xf32>
    %slice3A_98 = vector.extract_strided_slice %mul3A_82 {offsets = [4, 0], sizes = [1, 576], strides = [1, 1]} : vector<64x576xf32> to vector<1x576xf32>
    %add3A_99 = arith.addf %add3A_95, %slice3A_98 : vector<1x576xf32>
    %slice3A_100 = vector.extract_strided_slice %mul3A_79 {offsets = [5, 0], sizes = [1, 576], strides = [1, 1]} : vector<64x576xf32> to vector<1x576xf32>
    %add3A_101 = arith.addf %add3A_97, %slice3A_100 : vector<1x576xf32>
    %slice3A_102 = vector.extract_strided_slice %mul3A_82 {offsets = [5, 0], sizes = [1, 576], strides = [1, 1]} : vector<64x576xf32> to vector<1x576xf32>
    %add3A_103 = arith.addf %add3A_99, %slice3A_102 : vector<1x576xf32>
    %slice3A_104 = vector.extract_strided_slice %mul3A_79 {offsets = [6, 0], sizes = [1, 576], strides = [1, 1]} : vector<64x576xf32> to vector<1x576xf32>
    %add3A_105 = arith.addf %add3A_101, %slice3A_104 : vector<1x576xf32>
    %slice3A_106 = vector.extract_strided_slice %mul3A_82 {offsets = [6, 0], sizes = [1, 576], strides = [1, 1]} : vector<64x576xf32> to vector<1x576xf32>
    %add3A_107 = arith.addf %add3A_103, %slice3A_106 : vector<1x576xf32>
    %slice3A_108 = vector.extract_strided_slice %mul3A_79 {offsets = [7, 0], sizes = [1, 576], strides = [1, 1]} : vector<64x576xf32> to vector<1x576xf32>
    %add3A_109 = arith.addf %add3A_105, %slice3A_108 : vector<1x576xf32>
    %slice3A_110 = vector.extract_strided_slice %mul3A_82 {offsets = [7, 0], sizes = [1, 576], strides = [1, 1]} : vector<64x576xf32> to vector<1x576xf32>
    %add3A_111 = arith.addf %add3A_107, %slice3A_110 : vector<1x576xf32>
    %slice3A_112 = vector.extract_strided_slice %mul3A_79 {offsets = [8, 0], sizes = [1, 576], strides = [1, 1]} : vector<64x576xf32> to vector<1x576xf32>
    %add3A_113 = arith.addf %add3A_109, %slice3A_112 : vector<1x576xf32>
    %slice3A_114 = vector.extract_strided_slice %mul3A_82 {offsets = [8, 0], sizes = [1, 576], strides = [1, 1]} : vector<64x576xf32> to vector<1x576xf32>
    %add3A_115 = arith.addf %add3A_111, %slice3A_114 : vector<1x576xf32>
    %slice3A_116 = vector.extract_strided_slice %mul3A_79 {offsets = [9, 0], sizes = [1, 576], strides = [1, 1]} : vector<64x576xf32> to vector<1x576xf32>
    %add3A_117 = arith.addf %add3A_113, %slice3A_116 : vector<1x576xf32>
    %slice3A_118 = vector.extract_strided_slice %mul3A_82 {offsets = [9, 0], sizes = [1, 576], strides = [1, 1]} : vector<64x576xf32> to vector<1x576xf32>
    %add3A_119 = arith.addf %add3A_115, %slice3A_118 : vector<1x576xf32>
    %slice3A_120 = vector.extract_strided_slice %mul3A_79 {offsets = [10, 0], sizes = [1, 576], strides = [1, 1]} : vector<64x576xf32> to vector<1x576xf32>
    %add3A_121 = arith.addf %add3A_117, %slice3A_120 : vector<1x576xf32>
    %slice3A_122 = vector.extract_strided_slice %mul3A_82 {offsets = [10, 0], sizes = [1, 576], strides = [1, 1]} : vector<64x576xf32> to vector<1x576xf32>
    %add3A_123 = arith.addf %add3A_119, %slice3A_122 : vector<1x576xf32>
    %slice3A_124 = vector.extract_strided_slice %mul3A_79 {offsets = [11, 0], sizes = [1, 576], strides = [1, 1]} : vector<64x576xf32> to vector<1x576xf32>
    %add3A_125 = arith.addf %add3A_121, %slice3A_124 : vector<1x576xf32>
    %slice3A_126 = vector.extract_strided_slice %mul3A_82 {offsets = [11, 0], sizes = [1, 576], strides = [1, 1]} : vector<64x576xf32> to vector<1x576xf32>
    %add3A_127 = arith.addf %add3A_123, %slice3A_126 : vector<1x576xf32>
    %slice3A_128 = vector.extract_strided_slice %mul3A_79 {offsets = [12, 0], sizes = [1, 576], strides = [1, 1]} : vector<64x576xf32> to vector<1x576xf32>
    %add3A_129 = arith.addf %add3A_125, %slice3A_128 : vector<1x576xf32>
    %slice3A_130 = vector.extract_strided_slice %mul3A_82 {offsets = [12, 0], sizes = [1, 576], strides = [1, 1]} : vector<64x576xf32> to vector<1x576xf32>
    %add3A_131 = arith.addf %add3A_127, %slice3A_130 : vector<1x576xf32>
    %slice3A_132 = vector.extract_strided_slice %mul3A_79 {offsets = [13, 0], sizes = [1, 576], strides = [1, 1]} : vector<64x576xf32> to vector<1x576xf32>
    %add3A_133 = arith.addf %add3A_129, %slice3A_132 : vector<1x576xf32>
    %slice3A_134 = vector.extract_strided_slice %mul3A_82 {offsets = [13, 0], sizes = [1, 576], strides = [1, 1]} : vector<64x576xf32> to vector<1x576xf32>
    %add3A_135 = arith.addf %add3A_131, %slice3A_134 : vector<1x576xf32>
    %slice3A_136 = vector.extract_strided_slice %mul3A_79 {offsets = [14, 0], sizes = [1, 576], strides = [1, 1]} : vector<64x576xf32> to vector<1x576xf32>
    %add3A_137 = arith.addf %add3A_133, %slice3A_136 : vector<1x576xf32>
    %slice3A_138 = vector.extract_strided_slice %mul3A_82 {offsets = [14, 0], sizes = [1, 576], strides = [1, 1]} : vector<64x576xf32> to vector<1x576xf32>
    %add3A_139 = arith.addf %add3A_135, %slice3A_138 : vector<1x576xf32>
    %slice3A_140 = vector.extract_strided_slice %mul3A_79 {offsets = [15, 0], sizes = [1, 576], strides = [1, 1]} : vector<64x576xf32> to vector<1x576xf32>
    %add3A_141 = arith.addf %add3A_137, %slice3A_140 : vector<1x576xf32>
    %slice3A_142 = vector.extract_strided_slice %mul3A_82 {offsets = [15, 0], sizes = [1, 576], strides = [1, 1]} : vector<64x576xf32> to vector<1x576xf32>
    %add3A_143 = arith.addf %add3A_139, %slice3A_142 : vector<1x576xf32>
    %slice3A_144 = vector.extract_strided_slice %mul3A_79 {offsets = [16, 0], sizes = [1, 576], strides = [1, 1]} : vector<64x576xf32> to vector<1x576xf32>
    %add3A_145 = arith.addf %add3A_141, %slice3A_144 : vector<1x576xf32>
    %slice3A_146 = vector.extract_strided_slice %mul3A_82 {offsets = [16, 0], sizes = [1, 576], strides = [1, 1]} : vector<64x576xf32> to vector<1x576xf32>
    %add3A_147 = arith.addf %add3A_143, %slice3A_146 : vector<1x576xf32>
    %slice3A_148 = vector.extract_strided_slice %mul3A_79 {offsets = [17, 0], sizes = [1, 576], strides = [1, 1]} : vector<64x576xf32> to vector<1x576xf32>
    %add3A_149 = arith.addf %add3A_145, %slice3A_148 : vector<1x576xf32>
    %slice3A_150 = vector.extract_strided_slice %mul3A_82 {offsets = [17, 0], sizes = [1, 576], strides = [1, 1]} : vector<64x576xf32> to vector<1x576xf32>
    %add3A_151 = arith.addf %add3A_147, %slice3A_150 : vector<1x576xf32>
    %slice3A_152 = vector.extract_strided_slice %mul3A_79 {offsets = [18, 0], sizes = [1, 576], strides = [1, 1]} : vector<64x576xf32> to vector<1x576xf32>
    %add3A_153 = arith.addf %add3A_149, %slice3A_152 : vector<1x576xf32>
    %slice3A_154 = vector.extract_strided_slice %mul3A_82 {offsets = [18, 0], sizes = [1, 576], strides = [1, 1]} : vector<64x576xf32> to vector<1x576xf32>
    %add3A_155 = arith.addf %add3A_151, %slice3A_154 : vector<1x576xf32>
    %slice3A_156 = vector.extract_strided_slice %mul3A_79 {offsets = [19, 0], sizes = [1, 576], strides = [1, 1]} : vector<64x576xf32> to vector<1x576xf32>
    %add3A_157 = arith.addf %add3A_153, %slice3A_156 : vector<1x576xf32>
    %slice3A_158 = vector.extract_strided_slice %mul3A_82 {offsets = [19, 0], sizes = [1, 576], strides = [1, 1]} : vector<64x576xf32> to vector<1x576xf32>
    %add3A_159 = arith.addf %add3A_155, %slice3A_158 : vector<1x576xf32>
    %slice3A_160 = vector.extract_strided_slice %mul3A_79 {offsets = [20, 0], sizes = [1, 576], strides = [1, 1]} : vector<64x576xf32> to vector<1x576xf32>
    %add3A_161 = arith.addf %add3A_157, %slice3A_160 : vector<1x576xf32>
    %slice3A_162 = vector.extract_strided_slice %mul3A_82 {offsets = [20, 0], sizes = [1, 576], strides = [1, 1]} : vector<64x576xf32> to vector<1x576xf32>
    %add3A_163 = arith.addf %add3A_159, %slice3A_162 : vector<1x576xf32>
    %slice3A_164 = vector.extract_strided_slice %mul3A_79 {offsets = [21, 0], sizes = [1, 576], strides = [1, 1]} : vector<64x576xf32> to vector<1x576xf32>
    %add3A_165 = arith.addf %add3A_161, %slice3A_164 : vector<1x576xf32>
    %slice3A_166 = vector.extract_strided_slice %mul3A_82 {offsets = [21, 0], sizes = [1, 576], strides = [1, 1]} : vector<64x576xf32> to vector<1x576xf32>
    %add3A_167 = arith.addf %add3A_163, %slice3A_166 : vector<1x576xf32>
    %slice3A_168 = vector.extract_strided_slice %mul3A_79 {offsets = [22, 0], sizes = [1, 576], strides = [1, 1]} : vector<64x576xf32> to vector<1x576xf32>
    %add3A_169 = arith.addf %add3A_165, %slice3A_168 : vector<1x576xf32>
    %slice3A_170 = vector.extract_strided_slice %mul3A_82 {offsets = [22, 0], sizes = [1, 576], strides = [1, 1]} : vector<64x576xf32> to vector<1x576xf32>
    %add3A_171 = arith.addf %add3A_167, %slice3A_170 : vector<1x576xf32>
    %slice3A_172 = vector.extract_strided_slice %mul3A_79 {offsets = [23, 0], sizes = [1, 576], strides = [1, 1]} : vector<64x576xf32> to vector<1x576xf32>
    %add3A_173 = arith.addf %add3A_169, %slice3A_172 : vector<1x576xf32>
    %slice3A_174 = vector.extract_strided_slice %mul3A_82 {offsets = [23, 0], sizes = [1, 576], strides = [1, 1]} : vector<64x576xf32> to vector<1x576xf32>
    %add3A_175 = arith.addf %add3A_171, %slice3A_174 : vector<1x576xf32>
    %slice3A_176 = vector.extract_strided_slice %mul3A_79 {offsets = [24, 0], sizes = [1, 576], strides = [1, 1]} : vector<64x576xf32> to vector<1x576xf32>
    %add3A_177 = arith.addf %add3A_173, %slice3A_176 : vector<1x576xf32>
    %slice3A_178 = vector.extract_strided_slice %mul3A_82 {offsets = [24, 0], sizes = [1, 576], strides = [1, 1]} : vector<64x576xf32> to vector<1x576xf32>
    %add3A_179 = arith.addf %add3A_175, %slice3A_178 : vector<1x576xf32>
    %slice3A_180 = vector.extract_strided_slice %mul3A_79 {offsets = [25, 0], sizes = [1, 576], strides = [1, 1]} : vector<64x576xf32> to vector<1x576xf32>
    %add3A_181 = arith.addf %add3A_177, %slice3A_180 : vector<1x576xf32>
    %slice3A_182 = vector.extract_strided_slice %mul3A_82 {offsets = [25, 0], sizes = [1, 576], strides = [1, 1]} : vector<64x576xf32> to vector<1x576xf32>
    %add3A_183 = arith.addf %add3A_179, %slice3A_182 : vector<1x576xf32>
    %slice3A_184 = vector.extract_strided_slice %mul3A_79 {offsets = [26, 0], sizes = [1, 576], strides = [1, 1]} : vector<64x576xf32> to vector<1x576xf32>
    %add3A_185 = arith.addf %add3A_181, %slice3A_184 : vector<1x576xf32>
    %slice3A_186 = vector.extract_strided_slice %mul3A_82 {offsets = [26, 0], sizes = [1, 576], strides = [1, 1]} : vector<64x576xf32> to vector<1x576xf32>
    %add3A_187 = arith.addf %add3A_183, %slice3A_186 : vector<1x576xf32>
    %slice3A_188 = vector.extract_strided_slice %mul3A_79 {offsets = [27, 0], sizes = [1, 576], strides = [1, 1]} : vector<64x576xf32> to vector<1x576xf32>
    %add3A_189 = arith.addf %add3A_185, %slice3A_188 : vector<1x576xf32>
    %slice3A_190 = vector.extract_strided_slice %mul3A_82 {offsets = [27, 0], sizes = [1, 576], strides = [1, 1]} : vector<64x576xf32> to vector<1x576xf32>
    %add3A_191 = arith.addf %add3A_187, %slice3A_190 : vector<1x576xf32>
    %slice3A_192 = vector.extract_strided_slice %mul3A_79 {offsets = [28, 0], sizes = [1, 576], strides = [1, 1]} : vector<64x576xf32> to vector<1x576xf32>
    %add3A_193 = arith.addf %add3A_189, %slice3A_192 : vector<1x576xf32>
    %slice3A_194 = vector.extract_strided_slice %mul3A_82 {offsets = [28, 0], sizes = [1, 576], strides = [1, 1]} : vector<64x576xf32> to vector<1x576xf32>
    %add3A_195 = arith.addf %add3A_191, %slice3A_194 : vector<1x576xf32>
    %slice3A_196 = vector.extract_strided_slice %mul3A_79 {offsets = [29, 0], sizes = [1, 576], strides = [1, 1]} : vector<64x576xf32> to vector<1x576xf32>
    %add3A_197 = arith.addf %add3A_193, %slice3A_196 : vector<1x576xf32>
    %slice3A_198 = vector.extract_strided_slice %mul3A_82 {offsets = [29, 0], sizes = [1, 576], strides = [1, 1]} : vector<64x576xf32> to vector<1x576xf32>
    %add3A_199 = arith.addf %add3A_195, %slice3A_198 : vector<1x576xf32>
    %slice3A_200 = vector.extract_strided_slice %mul3A_79 {offsets = [30, 0], sizes = [1, 576], strides = [1, 1]} : vector<64x576xf32> to vector<1x576xf32>
    %add3A_201 = arith.addf %add3A_197, %slice3A_200 : vector<1x576xf32>
    %slice3A_202 = vector.extract_strided_slice %mul3A_82 {offsets = [30, 0], sizes = [1, 576], strides = [1, 1]} : vector<64x576xf32> to vector<1x576xf32>
    %add3A_203 = arith.addf %add3A_199, %slice3A_202 : vector<1x576xf32>
    %slice3A_204 = vector.extract_strided_slice %mul3A_79 {offsets = [31, 0], sizes = [1, 576], strides = [1, 1]} : vector<64x576xf32> to vector<1x576xf32>
    %add3A_205 = arith.addf %add3A_201, %slice3A_204 : vector<1x576xf32>
    %slice3A_206 = vector.extract_strided_slice %mul3A_82 {offsets = [31, 0], sizes = [1, 576], strides = [1, 1]} : vector<64x576xf32> to vector<1x576xf32>
    %add3A_207 = arith.addf %add3A_203, %slice3A_206 : vector<1x576xf32>
    %slice3A_208 = vector.extract_strided_slice %mul3A_79 {offsets = [32, 0], sizes = [1, 576], strides = [1, 1]} : vector<64x576xf32> to vector<1x576xf32>
    %add3A_209 = arith.addf %add3A_205, %slice3A_208 : vector<1x576xf32>
    %slice3A_210 = vector.extract_strided_slice %mul3A_82 {offsets = [32, 0], sizes = [1, 576], strides = [1, 1]} : vector<64x576xf32> to vector<1x576xf32>
    %add3A_211 = arith.addf %add3A_207, %slice3A_210 : vector<1x576xf32>
    %slice3A_212 = vector.extract_strided_slice %mul3A_79 {offsets = [33, 0], sizes = [1, 576], strides = [1, 1]} : vector<64x576xf32> to vector<1x576xf32>
    %add3A_213 = arith.addf %add3A_209, %slice3A_212 : vector<1x576xf32>
    %slice3A_214 = vector.extract_strided_slice %mul3A_82 {offsets = [33, 0], sizes = [1, 576], strides = [1, 1]} : vector<64x576xf32> to vector<1x576xf32>
    %add3A_215 = arith.addf %add3A_211, %slice3A_214 : vector<1x576xf32>
    %slice3A_216 = vector.extract_strided_slice %mul3A_79 {offsets = [34, 0], sizes = [1, 576], strides = [1, 1]} : vector<64x576xf32> to vector<1x576xf32>
    %add3A_217 = arith.addf %add3A_213, %slice3A_216 : vector<1x576xf32>
    %slice3A_218 = vector.extract_strided_slice %mul3A_82 {offsets = [34, 0], sizes = [1, 576], strides = [1, 1]} : vector<64x576xf32> to vector<1x576xf32>
    %add3A_219 = arith.addf %add3A_215, %slice3A_218 : vector<1x576xf32>
    %slice3A_220 = vector.extract_strided_slice %mul3A_79 {offsets = [35, 0], sizes = [1, 576], strides = [1, 1]} : vector<64x576xf32> to vector<1x576xf32>
    %add3A_221 = arith.addf %add3A_217, %slice3A_220 : vector<1x576xf32>
    %slice3A_222 = vector.extract_strided_slice %mul3A_82 {offsets = [35, 0], sizes = [1, 576], strides = [1, 1]} : vector<64x576xf32> to vector<1x576xf32>
    %add3A_223 = arith.addf %add3A_219, %slice3A_222 : vector<1x576xf32>
    %slice3A_224 = vector.extract_strided_slice %mul3A_79 {offsets = [36, 0], sizes = [1, 576], strides = [1, 1]} : vector<64x576xf32> to vector<1x576xf32>
    %add3A_225 = arith.addf %add3A_221, %slice3A_224 : vector<1x576xf32>
    %slice3A_226 = vector.extract_strided_slice %mul3A_82 {offsets = [36, 0], sizes = [1, 576], strides = [1, 1]} : vector<64x576xf32> to vector<1x576xf32>
    %add3A_227 = arith.addf %add3A_223, %slice3A_226 : vector<1x576xf32>
    %slice3A_228 = vector.extract_strided_slice %mul3A_79 {offsets = [37, 0], sizes = [1, 576], strides = [1, 1]} : vector<64x576xf32> to vector<1x576xf32>
    %add3A_229 = arith.addf %add3A_225, %slice3A_228 : vector<1x576xf32>
    %slice3A_230 = vector.extract_strided_slice %mul3A_82 {offsets = [37, 0], sizes = [1, 576], strides = [1, 1]} : vector<64x576xf32> to vector<1x576xf32>
    %add3A_231 = arith.addf %add3A_227, %slice3A_230 : vector<1x576xf32>
    %slice3A_232 = vector.extract_strided_slice %mul3A_79 {offsets = [38, 0], sizes = [1, 576], strides = [1, 1]} : vector<64x576xf32> to vector<1x576xf32>
    %add3A_233 = arith.addf %add3A_229, %slice3A_232 : vector<1x576xf32>
    %slice3A_234 = vector.extract_strided_slice %mul3A_82 {offsets = [38, 0], sizes = [1, 576], strides = [1, 1]} : vector<64x576xf32> to vector<1x576xf32>
    %add3A_235 = arith.addf %add3A_231, %slice3A_234 : vector<1x576xf32>
    %slice3A_236 = vector.extract_strided_slice %mul3A_79 {offsets = [39, 0], sizes = [1, 576], strides = [1, 1]} : vector<64x576xf32> to vector<1x576xf32>
    %add3A_237 = arith.addf %add3A_233, %slice3A_236 : vector<1x576xf32>
    %slice3A_238 = vector.extract_strided_slice %mul3A_82 {offsets = [39, 0], sizes = [1, 576], strides = [1, 1]} : vector<64x576xf32> to vector<1x576xf32>
    %add3A_239 = arith.addf %add3A_235, %slice3A_238 : vector<1x576xf32>
    %slice3A_240 = vector.extract_strided_slice %mul3A_79 {offsets = [40, 0], sizes = [1, 576], strides = [1, 1]} : vector<64x576xf32> to vector<1x576xf32>
    %add3A_241 = arith.addf %add3A_237, %slice3A_240 : vector<1x576xf32>
    %slice3A_242 = vector.extract_strided_slice %mul3A_82 {offsets = [40, 0], sizes = [1, 576], strides = [1, 1]} : vector<64x576xf32> to vector<1x576xf32>
    %add3A_243 = arith.addf %add3A_239, %slice3A_242 : vector<1x576xf32>
    %slice3A_244 = vector.extract_strided_slice %mul3A_79 {offsets = [41, 0], sizes = [1, 576], strides = [1, 1]} : vector<64x576xf32> to vector<1x576xf32>
    %add3A_245 = arith.addf %add3A_241, %slice3A_244 : vector<1x576xf32>
    %slice3A_246 = vector.extract_strided_slice %mul3A_82 {offsets = [41, 0], sizes = [1, 576], strides = [1, 1]} : vector<64x576xf32> to vector<1x576xf32>
    %add3A_247 = arith.addf %add3A_243, %slice3A_246 : vector<1x576xf32>
    %slice3A_248 = vector.extract_strided_slice %mul3A_79 {offsets = [42, 0], sizes = [1, 576], strides = [1, 1]} : vector<64x576xf32> to vector<1x576xf32>
    %add3A_249 = arith.addf %add3A_245, %slice3A_248 : vector<1x576xf32>
    %slice3A_250 = vector.extract_strided_slice %mul3A_82 {offsets = [42, 0], sizes = [1, 576], strides = [1, 1]} : vector<64x576xf32> to vector<1x576xf32>
    %add3A_251 = arith.addf %add3A_247, %slice3A_250 : vector<1x576xf32>
    %slice3A_252 = vector.extract_strided_slice %mul3A_79 {offsets = [43, 0], sizes = [1, 576], strides = [1, 1]} : vector<64x576xf32> to vector<1x576xf32>
    %add3A_253 = arith.addf %add3A_249, %slice3A_252 : vector<1x576xf32>
    %slice3A_254 = vector.extract_strided_slice %mul3A_82 {offsets = [43, 0], sizes = [1, 576], strides = [1, 1]} : vector<64x576xf32> to vector<1x576xf32>
    %add3A_255 = arith.addf %add3A_251, %slice3A_254 : vector<1x576xf32>
    %slice3A_256 = vector.extract_strided_slice %mul3A_79 {offsets = [44, 0], sizes = [1, 576], strides = [1, 1]} : vector<64x576xf32> to vector<1x576xf32>
    %add3A_257 = arith.addf %add3A_253, %slice3A_256 : vector<1x576xf32>
    %slice3A_258 = vector.extract_strided_slice %mul3A_82 {offsets = [44, 0], sizes = [1, 576], strides = [1, 1]} : vector<64x576xf32> to vector<1x576xf32>
    %add3A_259 = arith.addf %add3A_255, %slice3A_258 : vector<1x576xf32>
    %slice3A_260 = vector.extract_strided_slice %mul3A_79 {offsets = [45, 0], sizes = [1, 576], strides = [1, 1]} : vector<64x576xf32> to vector<1x576xf32>
    %add3A_261 = arith.addf %add3A_257, %slice3A_260 : vector<1x576xf32>
    %slice3A_262 = vector.extract_strided_slice %mul3A_82 {offsets = [45, 0], sizes = [1, 576], strides = [1, 1]} : vector<64x576xf32> to vector<1x576xf32>
    %add3A_263 = arith.addf %add3A_259, %slice3A_262 : vector<1x576xf32>
    %slice3A_264 = vector.extract_strided_slice %mul3A_79 {offsets = [46, 0], sizes = [1, 576], strides = [1, 1]} : vector<64x576xf32> to vector<1x576xf32>
    %add3A_265 = arith.addf %add3A_261, %slice3A_264 : vector<1x576xf32>
    %slice3A_266 = vector.extract_strided_slice %mul3A_82 {offsets = [46, 0], sizes = [1, 576], strides = [1, 1]} : vector<64x576xf32> to vector<1x576xf32>
    %add3A_267 = arith.addf %add3A_263, %slice3A_266 : vector<1x576xf32>
    %slice3A_268 = vector.extract_strided_slice %mul3A_79 {offsets = [47, 0], sizes = [1, 576], strides = [1, 1]} : vector<64x576xf32> to vector<1x576xf32>
    %add3A_269 = arith.addf %add3A_265, %slice3A_268 : vector<1x576xf32>
    %slice3A_270 = vector.extract_strided_slice %mul3A_82 {offsets = [47, 0], sizes = [1, 576], strides = [1, 1]} : vector<64x576xf32> to vector<1x576xf32>
    %add3A_271 = arith.addf %add3A_267, %slice3A_270 : vector<1x576xf32>
    %slice3A_272 = vector.extract_strided_slice %mul3A_79 {offsets = [48, 0], sizes = [1, 576], strides = [1, 1]} : vector<64x576xf32> to vector<1x576xf32>
    %add3A_273 = arith.addf %add3A_269, %slice3A_272 : vector<1x576xf32>
    %slice3A_274 = vector.extract_strided_slice %mul3A_82 {offsets = [48, 0], sizes = [1, 576], strides = [1, 1]} : vector<64x576xf32> to vector<1x576xf32>
    %add3A_275 = arith.addf %add3A_271, %slice3A_274 : vector<1x576xf32>
    %slice3A_276 = vector.extract_strided_slice %mul3A_79 {offsets = [49, 0], sizes = [1, 576], strides = [1, 1]} : vector<64x576xf32> to vector<1x576xf32>
    %add3A_277 = arith.addf %add3A_273, %slice3A_276 : vector<1x576xf32>
    %slice3A_278 = vector.extract_strided_slice %mul3A_82 {offsets = [49, 0], sizes = [1, 576], strides = [1, 1]} : vector<64x576xf32> to vector<1x576xf32>
    %add3A_279 = arith.addf %add3A_275, %slice3A_278 : vector<1x576xf32>
    %slice3A_280 = vector.extract_strided_slice %mul3A_79 {offsets = [50, 0], sizes = [1, 576], strides = [1, 1]} : vector<64x576xf32> to vector<1x576xf32>
    %add3A_281 = arith.addf %add3A_277, %slice3A_280 : vector<1x576xf32>
    %slice3A_282 = vector.extract_strided_slice %mul3A_82 {offsets = [50, 0], sizes = [1, 576], strides = [1, 1]} : vector<64x576xf32> to vector<1x576xf32>
    %add3A_283 = arith.addf %add3A_279, %slice3A_282 : vector<1x576xf32>
    %slice3A_284 = vector.extract_strided_slice %mul3A_79 {offsets = [51, 0], sizes = [1, 576], strides = [1, 1]} : vector<64x576xf32> to vector<1x576xf32>
    %add3A_285 = arith.addf %add3A_281, %slice3A_284 : vector<1x576xf32>
    %slice3A_286 = vector.extract_strided_slice %mul3A_82 {offsets = [51, 0], sizes = [1, 576], strides = [1, 1]} : vector<64x576xf32> to vector<1x576xf32>
    %add3A_287 = arith.addf %add3A_283, %slice3A_286 : vector<1x576xf32>
    %slice3A_288 = vector.extract_strided_slice %mul3A_79 {offsets = [52, 0], sizes = [1, 576], strides = [1, 1]} : vector<64x576xf32> to vector<1x576xf32>
    %add3A_289 = arith.addf %add3A_285, %slice3A_288 : vector<1x576xf32>
    %slice3A_290 = vector.extract_strided_slice %mul3A_82 {offsets = [52, 0], sizes = [1, 576], strides = [1, 1]} : vector<64x576xf32> to vector<1x576xf32>
    %add3A_291 = arith.addf %add3A_287, %slice3A_290 : vector<1x576xf32>
    %slice3A_292 = vector.extract_strided_slice %mul3A_79 {offsets = [53, 0], sizes = [1, 576], strides = [1, 1]} : vector<64x576xf32> to vector<1x576xf32>
    %add3A_293 = arith.addf %add3A_289, %slice3A_292 : vector<1x576xf32>
    %slice3A_294 = vector.extract_strided_slice %mul3A_82 {offsets = [53, 0], sizes = [1, 576], strides = [1, 1]} : vector<64x576xf32> to vector<1x576xf32>
    %add3A_295 = arith.addf %add3A_291, %slice3A_294 : vector<1x576xf32>
    %slice3A_296 = vector.extract_strided_slice %mul3A_79 {offsets = [54, 0], sizes = [1, 576], strides = [1, 1]} : vector<64x576xf32> to vector<1x576xf32>
    %add3A_297 = arith.addf %add3A_293, %slice3A_296 : vector<1x576xf32>
    %slice3A_298 = vector.extract_strided_slice %mul3A_82 {offsets = [54, 0], sizes = [1, 576], strides = [1, 1]} : vector<64x576xf32> to vector<1x576xf32>
    %add3A_299 = arith.addf %add3A_295, %slice3A_298 : vector<1x576xf32>
    %slice3A_300 = vector.extract_strided_slice %mul3A_79 {offsets = [55, 0], sizes = [1, 576], strides = [1, 1]} : vector<64x576xf32> to vector<1x576xf32>
    %add3A_301 = arith.addf %add3A_297, %slice3A_300 : vector<1x576xf32>
    %slice3A_302 = vector.extract_strided_slice %mul3A_82 {offsets = [55, 0], sizes = [1, 576], strides = [1, 1]} : vector<64x576xf32> to vector<1x576xf32>
    %add3A_303 = arith.addf %add3A_299, %slice3A_302 : vector<1x576xf32>
    %slice3A_304 = vector.extract_strided_slice %mul3A_79 {offsets = [56, 0], sizes = [1, 576], strides = [1, 1]} : vector<64x576xf32> to vector<1x576xf32>
    %add3A_305 = arith.addf %add3A_301, %slice3A_304 : vector<1x576xf32>
    %slice3A_306 = vector.extract_strided_slice %mul3A_82 {offsets = [56, 0], sizes = [1, 576], strides = [1, 1]} : vector<64x576xf32> to vector<1x576xf32>
    %add3A_307 = arith.addf %add3A_303, %slice3A_306 : vector<1x576xf32>
    %slice3A_308 = vector.extract_strided_slice %mul3A_79 {offsets = [57, 0], sizes = [1, 576], strides = [1, 1]} : vector<64x576xf32> to vector<1x576xf32>
    %add3A_309 = arith.addf %add3A_305, %slice3A_308 : vector<1x576xf32>
    %slice3A_310 = vector.extract_strided_slice %mul3A_82 {offsets = [57, 0], sizes = [1, 576], strides = [1, 1]} : vector<64x576xf32> to vector<1x576xf32>
    %add3A_311 = arith.addf %add3A_307, %slice3A_310 : vector<1x576xf32>
    %slice3A_312 = vector.extract_strided_slice %mul3A_79 {offsets = [58, 0], sizes = [1, 576], strides = [1, 1]} : vector<64x576xf32> to vector<1x576xf32>
    %add3A_313 = arith.addf %add3A_309, %slice3A_312 : vector<1x576xf32>
    %slice3A_314 = vector.extract_strided_slice %mul3A_82 {offsets = [58, 0], sizes = [1, 576], strides = [1, 1]} : vector<64x576xf32> to vector<1x576xf32>
    %add3A_315 = arith.addf %add3A_311, %slice3A_314 : vector<1x576xf32>
    %slice3A_316 = vector.extract_strided_slice %mul3A_79 {offsets = [59, 0], sizes = [1, 576], strides = [1, 1]} : vector<64x576xf32> to vector<1x576xf32>
    %add3A_317 = arith.addf %add3A_313, %slice3A_316 : vector<1x576xf32>
    %slice3A_318 = vector.extract_strided_slice %mul3A_82 {offsets = [59, 0], sizes = [1, 576], strides = [1, 1]} : vector<64x576xf32> to vector<1x576xf32>
    %add3A_319 = arith.addf %add3A_315, %slice3A_318 : vector<1x576xf32>
    %slice3A_320 = vector.extract_strided_slice %mul3A_79 {offsets = [60, 0], sizes = [1, 576], strides = [1, 1]} : vector<64x576xf32> to vector<1x576xf32>
    %add3A_321 = arith.addf %add3A_317, %slice3A_320 : vector<1x576xf32>
    %slice3A_322 = vector.extract_strided_slice %mul3A_82 {offsets = [60, 0], sizes = [1, 576], strides = [1, 1]} : vector<64x576xf32> to vector<1x576xf32>
    %add3A_323 = arith.addf %add3A_319, %slice3A_322 : vector<1x576xf32>
    %slice3A_324 = vector.extract_strided_slice %mul3A_79 {offsets = [61, 0], sizes = [1, 576], strides = [1, 1]} : vector<64x576xf32> to vector<1x576xf32>
    %add3A_325 = arith.addf %add3A_321, %slice3A_324 : vector<1x576xf32>
    %slice3A_326 = vector.extract_strided_slice %mul3A_82 {offsets = [61, 0], sizes = [1, 576], strides = [1, 1]} : vector<64x576xf32> to vector<1x576xf32>
    %add3A_327 = arith.addf %add3A_323, %slice3A_326 : vector<1x576xf32>
    %slice3A_328 = vector.extract_strided_slice %mul3A_79 {offsets = [62, 0], sizes = [1, 576], strides = [1, 1]} : vector<64x576xf32> to vector<1x576xf32>
    %add3A_329 = arith.addf %add3A_325, %slice3A_328 : vector<1x576xf32>
    %slice3A_330 = vector.extract_strided_slice %mul3A_82 {offsets = [62, 0], sizes = [1, 576], strides = [1, 1]} : vector<64x576xf32> to vector<1x576xf32>
    %add3A_331 = arith.addf %add3A_327, %slice3A_330 : vector<1x576xf32>
    %slice3A_332 = vector.extract_strided_slice %mul3A_79 {offsets = [63, 0], sizes = [1, 576], strides = [1, 1]} : vector<64x576xf32> to vector<1x576xf32>
    %add3A_333 = arith.addf %add3A_329, %slice3A_332 : vector<1x576xf32>
    %slice3A_334 = vector.extract_strided_slice %mul3A_82 {offsets = [63, 0], sizes = [1, 576], strides = [1, 1]} : vector<64x576xf32> to vector<1x576xf32>
    %add3A_335 = arith.addf %add3A_331, %slice3A_334 : vector<1x576xf32>
    %sqrt3A = math.sqrt %add3A_335 : vector<1x576xf32>
    %sqrt3A_336 = math.sqrt %add3A_333 : vector<1x576xf32>
    %lt3A = arith.cmpf olt, %sqrt3A, %sqrt3A_336 : vector<1x576xf32>
    %broadcast_in_dim3A_337 = vector.shape_cast %max3A : vector<576xi32> to vector<1x576xi32>
    %broadcast_in_dim3A_338 = vector.shape_cast %min3A : vector<576xi32> to vector<1x576xi32>
    %select_n3A_339 = arith.select %lt3A, %broadcast_in_dim3A_337, %broadcast_in_dim3A_338 : vector<1x576xi1>, vector<1x576xi32>
    %squeeze3A = vector.shape_cast %select_n3A_339 : vector<1x576xi32> to vector<576xi32>
    %swap3A = arith.constant 0 : index
    %swap3A_340 = arith.constant 0 : index
    %swap3A_341 = vector.load %arg2[%swap3A, %swap3A_340] : memref<8x576xi32, #tpu.memory_space<vmem>>, vector<1x576xi32>
    %swap3A_342 = vector.shape_cast %swap3A_341 : vector<1x576xi32> to vector<576xi32>
    %swap3A_343 = vector.shape_cast %squeeze3A : vector<576xi32> to vector<1x576xi32>
    tpu.vector_store %arg2[%swap3A, %swap3A_340], %swap3A_343 {strides = array<i32>} : memref<8x576xi32, #tpu.memory_space<vmem>>, vector<1x576xi32>,
    %get3A_344 = arith.constant 1 : index
    %get3A_345 = arith.constant 0 : index
    %get3A_346 = arith.constant 0 : index
    %get3A_347 = vector.load %arg0[%get3A_344, %get3A_345, %get3A_346] : memref<8x64x576xf32, #tpu.memory_space<vmem>>, vector<1x64x576xf32>
    %get3A_348 = vector.shape_cast %get3A_347 : vector<1x64x576xf32> to vector<64x576xf32>
    %mul3A_349 = arith.mulf %get3A_348, %get3A_348 : vector<64x576xf32>
    %reduce_sum3A_350 = arith.constant dense<0.000000e+00> : vector<576xf32>
    %reduce_sum3A_351 = vector.multi_reduction <add>, %mul3A_349, %reduce_sum3A_350 [0] : vector<64x576xf32> to vector<576xf32>
    %broadcast_in_dim3A_352 = vector.shape_cast %reduce_sum3A_351 : vector<576xf32> to vector<1x576xf32>
    %broadcast_in_dim3A_353 = arith.constant 1.000000e+00 : f32
    %broadcast_in_dim3A_354 = vector.broadcast %broadcast_in_dim3A_353 : f32 to vector<1x576xf32>
    %broadcast_in_dim3A_355 = arith.constant 0.000000e+00 : f32
    %broadcast_in_dim3A_356 = vector.broadcast %broadcast_in_dim3A_355 : f32 to vector<6x576xf32>
    %concatenate3A_357 = tpu.concatenate %get3A_348, %broadcast_in_dim3A_352, %broadcast_in_dim3A_354, %broadcast_in_dim3A_356 in 0 : vector<64x576xf32>, vector<1x576xf32>, vector<1x576xf32>, vector<6x576xf32> -> vector<72x576xf32>
    %dot_general3A_358 = arith.constant dense<0.000000e+00> : vector<512x576xf32>
    %dot_general3A_359 = tpu.matmul %concatenate3A, %concatenate3A_357, %dot_general3A_358 {dimension_numbers = #tpu.dot_dimension_numbers<[0], [0], [1], [1], [0, 1, 1, 1], [], []>, precision = #tpu.contract_precision<fp32>, transpose_lhs_hint = true} : vector<72x512xf32>, vector<72x576xf32>, vector<512x576xf32> -> vector<512x576xf32>
    %iota3A_360 = tpu.iota {dimensions = array<i32: 0>} : vector<512x576xi32>
    %reduce_min3A_361 = arith.constant dense<0x7F800000> : vector<576xf32>
    %reduce_min3A_362 = vector.multi_reduction <minimumf>, %dot_general3A_359, %reduce_min3A_361 [0] : vector<512x576xf32> to vector<576xf32>
    %broadcast_in_dim3A_363 = vector.shape_cast %reduce_min3A_362 : vector<576xf32> to vector<1x576xf32>
    %eq3A_364 = vector.broadcast %broadcast_in_dim3A_363 : vector<1x576xf32> to vector<512x576xf32>
    %eq3A_365 = arith.cmpf oeq, %dot_general3A_359, %eq3A_364 : vector<512x576xf32>
    %jit3A_366 = arith.constant 512 : i32
    %broadcast_in_dim3A_367 = vector.broadcast %jit3A_366 : i32 to vector<512x576xi32>
    %select_n3A_368 = arith.select %eq3A_365, %iota3A_360, %broadcast_in_dim3A_367 : vector<512x576xi1>, vector<512x576xi32>
    %reduce_min3A_369 = arith.constant dense<2147483647> : vector<576xi32>
    %reduce_min3A_370 = vector.multi_reduction <minsi>, %select_n3A_368, %reduce_min3A_369 [0] : vector<512x576xi32> to vector<576xi32>
    %broadcast_in_dim3A_371 = vector.shape_cast %reduce_min3A_370 : vector<576xi32> to vector<1x576xi32>
    %eq3A_372 = vector.broadcast %broadcast_in_dim3A_371 : vector<1x576xi32> to vector<512x576xi32>
    %eq3A_373 = arith.cmpi eq, %iota3A_360, %eq3A_372 : vector<512x576xi32>
    %jit3A_374 = arith.constant 0x7F800000 : f32
    %broadcast_in_dim3A_375 = vector.broadcast %jit3A_374 : f32 to vector<512x576xf32>
    %select_n3A_376 = arith.select %eq3A_373, %broadcast_in_dim3A_375, %dot_general3A_359 : vector<512x576xi1>, vector<512x576xf32>
    %reduce_min3A_377 = arith.constant dense<0x7F800000> : vector<576xf32>
    %reduce_min3A_378 = vector.multi_reduction <minimumf>, %select_n3A_376, %reduce_min3A_377 [0] : vector<512x576xf32> to vector<576xf32>
    %broadcast_in_dim3A_379 = vector.shape_cast %reduce_min3A_378 : vector<576xf32> to vector<1x576xf32>
    %eq3A_380 = vector.broadcast %broadcast_in_dim3A_379 : vector<1x576xf32> to vector<512x576xf32>
    %eq3A_381 = arith.cmpf oeq, %select_n3A_376, %eq3A_380 : vector<512x576xf32>
    %jit3A_382 = arith.constant 512 : i32
    %broadcast_in_dim3A_383 = vector.broadcast %jit3A_382 : i32 to vector<512x576xi32>
    %select_n3A_384 = arith.select %eq3A_381, %iota3A_360, %broadcast_in_dim3A_383 : vector<512x576xi1>, vector<512x576xi32>
    %reduce_min3A_385 = arith.constant dense<2147483647> : vector<576xi32>
    %reduce_min3A_386 = vector.multi_reduction <minsi>, %select_n3A_384, %reduce_min3A_385 [0] : vector<512x576xi32> to vector<576xi32>
    %min3A_387 = arith.minsi %reduce_min3A_370, %reduce_min3A_386 : vector<576xi32>
    %max3A_388 = arith.maxsi %reduce_min3A_370, %reduce_min3A_386 : vector<576xi32>
    %broadcast_in_dim3A_389 = vector.shape_cast %min3A_387 : vector<576xi32> to vector<1x576xi32>
    %eq3A_390 = vector.broadcast %broadcast_in_dim3A_389 : vector<1x576xi32> to vector<512x576xi32>
    %eq3A_391 = arith.cmpi eq, %iota3A_360, %eq3A_390 : vector<512x576xi32>
    %convert_element_type3A_392 = arith.extui %eq3A_391 : vector<512x576xi1> to vector<512x576xi32>
    %convert_element_type3A_393 = arith.sitofp %convert_element_type3A_392 : vector<512x576xi32> to vector<512x576xf32>
    %broadcast_in_dim3A_394 = vector.shape_cast %max3A_388 : vector<576xi32> to vector<1x576xi32>
    %eq3A_395 = vector.broadcast %broadcast_in_dim3A_394 : vector<1x576xi32> to vector<512x576xi32>
    %eq3A_396 = arith.cmpi eq, %iota3A_360, %eq3A_395 : vector<512x576xi32>
    %convert_element_type3A_397 = arith.extui %eq3A_396 : vector<512x576xi1> to vector<512x576xi32>
    %convert_element_type3A_398 = arith.sitofp %convert_element_type3A_397 : vector<512x576xi32> to vector<512x576xf32>
    %dot_general3A_399 = arith.constant dense<0.000000e+00> : vector<64x576xf32>
    %dot_general3A_400 = tpu.matmul %convert_element_type3A_2, %convert_element_type3A_393, %dot_general3A_399 {dimension_numbers = #tpu.dot_dimension_numbers<[1], [0], [0], [1], [0, 0, 1, 1], [], []>, transpose_lhs_hint = false} : vector<64x512xf32>, vector<512x576xf32>, vector<64x576xf32> -> vector<64x576xf32>
    %dot_general3A_401 = arith.constant dense<0.000000e+00> : vector<64x576xf32>
    %dot_general3A_402 = tpu.matmul %convert_element_type3A_4, %convert_element_type3A_393, %dot_general3A_401 {dimension_numbers = #tpu.dot_dimension_numbers<[1], [0], [0], [1], [0, 0, 1, 1], [], []>, transpose_lhs_hint = false} : vector<64x512xf32>, vector<512x576xf32>, vector<64x576xf32> -> vector<64x576xf32>
    %dot_general3A_403 = arith.constant dense<0.000000e+00> : vector<64x576xf32>
    %dot_general3A_404 = tpu.matmul %sub3A_6, %convert_element_type3A_393, %dot_general3A_403 {dimension_numbers = #tpu.dot_dimension_numbers<[1], [0], [0], [1], [0, 0, 1, 1], [], []>, transpose_lhs_hint = false} : vector<64x512xf32>, vector<512x576xf32>, vector<64x576xf32> -> vector<64x576xf32>
    %add3A_405 = arith.addf %dot_general3A_400, %dot_general3A_402 : vector<64x576xf32>
    %add3A_406 = arith.addf %add3A_405, %dot_general3A_404 : vector<64x576xf32>
    %dot_general3A_407 = arith.constant dense<0.000000e+00> : vector<64x576xf32>
    %dot_general3A_408 = tpu.matmul %convert_element_type3A_2, %convert_element_type3A_398, %dot_general3A_407 {dimension_numbers = #tpu.dot_dimension_numbers<[1], [0], [0], [1], [0, 0, 1, 1], [], []>, transpose_lhs_hint = false} : vector<64x512xf32>, vector<512x576xf32>, vector<64x576xf32> -> vector<64x576xf32>
    %dot_general3A_409 = arith.constant dense<0.000000e+00> : vector<64x576xf32>
    %dot_general3A_410 = tpu.matmul %convert_element_type3A_4, %convert_element_type3A_398, %dot_general3A_409 {dimension_numbers = #tpu.dot_dimension_numbers<[1], [0], [0], [1], [0, 0, 1, 1], [], []>, transpose_lhs_hint = false} : vector<64x512xf32>, vector<512x576xf32>, vector<64x576xf32> -> vector<64x576xf32>
    %dot_general3A_411 = arith.constant dense<0.000000e+00> : vector<64x576xf32>
    %dot_general3A_412 = tpu.matmul %sub3A_6, %convert_element_type3A_398, %dot_general3A_411 {dimension_numbers = #tpu.dot_dimension_numbers<[1], [0], [0], [1], [0, 0, 1, 1], [], []>, transpose_lhs_hint = false} : vector<64x512xf32>, vector<512x576xf32>, vector<64x576xf32> -> vector<64x576xf32>
    %add3A_413 = arith.addf %dot_general3A_408, %dot_general3A_410 : vector<64x576xf32>
    %add3A_414 = arith.addf %add3A_413, %dot_general3A_412 : vector<64x576xf32>
    %sub3A_415 = arith.subf %get3A_348, %add3A_406 : vector<64x576xf32>
    %sub3A_416 = arith.subf %get3A_348, %add3A_406 : vector<64x576xf32>
    %mul3A_417 = arith.mulf %sub3A_415, %sub3A_416 : vector<64x576xf32>
    %sub3A_418 = arith.subf %get3A_348, %add3A_414 : vector<64x576xf32>
    %sub3A_419 = arith.subf %get3A_348, %add3A_414 : vector<64x576xf32>
    %mul3A_420 = arith.mulf %sub3A_418, %sub3A_419 : vector<64x576xf32>
    %slice3A_421 = vector.extract_strided_slice %mul3A_417 {offsets = [0, 0], sizes = [1, 576], strides = [1, 1]} : vector<64x576xf32> to vector<1x576xf32>
    %slice3A_422 = vector.extract_strided_slice %mul3A_420 {offsets = [0, 0], sizes = [1, 576], strides = [1, 1]} : vector<64x576xf32> to vector<1x576xf32>
    %slice3A_423 = vector.extract_strided_slice %mul3A_417 {offsets = [1, 0], sizes = [1, 576], strides = [1, 1]} : vector<64x576xf32> to vector<1x576xf32>
    %add3A_424 = arith.addf %slice3A_421, %slice3A_423 : vector<1x576xf32>
    %slice3A_425 = vector.extract_strided_slice %mul3A_420 {offsets = [1, 0], sizes = [1, 576], strides = [1, 1]} : vector<64x576xf32> to vector<1x576xf32>
    %add3A_426 = arith.addf %slice3A_422, %slice3A_425 : vector<1x576xf32>
    %slice3A_427 = vector.extract_strided_slice %mul3A_417 {offsets = [2, 0], sizes = [1, 576], strides = [1, 1]} : vector<64x576xf32> to vector<1x576xf32>
    %add3A_428 = arith.addf %add3A_424, %slice3A_427 : vector<1x576xf32>
    %slice3A_429 = vector.extract_strided_slice %mul3A_420 {offsets = [2, 0], sizes = [1, 576], strides = [1, 1]} : vector<64x576xf32> to vector<1x576xf32>
    %add3A_430 = arith.addf %add3A_426, %slice3A_429 : vector<1x576xf32>
    %slice3A_431 = vector.extract_strided_slice %mul3A_417 {offsets = [3, 0], sizes = [1, 576], strides = [1, 1]} : vector<64x576xf32> to vector<1x576xf32>
    %add3A_432 = arith.addf %add3A_428, %slice3A_431 : vector<1x576xf32>
    %slice3A_433 = vector.extract_strided_slice %mul3A_420 {offsets = [3, 0], sizes = [1, 576], strides = [1, 1]} : vector<64x576xf32> to vector<1x576xf32>
    %add3A_434 = arith.addf %add3A_430, %slice3A_433 : vector<1x576xf32>
    %slice3A_435 = vector.extract_strided_slice %mul3A_417 {offsets = [4, 0], sizes = [1, 576], strides = [1, 1]} : vector<64x576xf32> to vector<1x576xf32>
    %add3A_436 = arith.addf %add3A_432, %slice3A_435 : vector<1x576xf32>
    %slice3A_437 = vector.extract_strided_slice %mul3A_420 {offsets = [4, 0], sizes = [1, 576], strides = [1, 1]} : vector<64x576xf32> to vector<1x576xf32>
    %add3A_438 = arith.addf %add3A_434, %slice3A_437 : vector<1x576xf32>
    %slice3A_439 = vector.extract_strided_slice %mul3A_417 {offsets = [5, 0], sizes = [1, 576], strides = [1, 1]} : vector<64x576xf32> to vector<1x576xf32>
    %add3A_440 = arith.addf %add3A_436, %slice3A_439 : vector<1x576xf32>
    %slice3A_441 = vector.extract_strided_slice %mul3A_420 {offsets = [5, 0], sizes = [1, 576], strides = [1, 1]} : vector<64x576xf32> to vector<1x576xf32>
    %add3A_442 = arith.addf %add3A_438, %slice3A_441 : vector<1x576xf32>
    %slice3A_443 = vector.extract_strided_slice %mul3A_417 {offsets = [6, 0], sizes = [1, 576], strides = [1, 1]} : vector<64x576xf32> to vector<1x576xf32>
    %add3A_444 = arith.addf %add3A_440, %slice3A_443 : vector<1x576xf32>
    %slice3A_445 = vector.extract_strided_slice %mul3A_420 {offsets = [6, 0], sizes = [1, 576], strides = [1, 1]} : vector<64x576xf32> to vector<1x576xf32>
    %add3A_446 = arith.addf %add3A_442, %slice3A_445 : vector<1x576xf32>
    %slice3A_447 = vector.extract_strided_slice %mul3A_417 {offsets = [7, 0], sizes = [1, 576], strides = [1, 1]} : vector<64x576xf32> to vector<1x576xf32>
    %add3A_448 = arith.addf %add3A_444, %slice3A_447 : vector<1x576xf32>
    %slice3A_449 = vector.extract_strided_slice %mul3A_420 {offsets = [7, 0], sizes = [1, 576], strides = [1, 1]} : vector<64x576xf32> to vector<1x576xf32>
    %add3A_450 = arith.addf %add3A_446, %slice3A_449 : vector<1x576xf32>
    %slice3A_451 = vector.extract_strided_slice %mul3A_417 {offsets = [8, 0], sizes = [1, 576], strides = [1, 1]} : vector<64x576xf32> to vector<1x576xf32>
    %add3A_452 = arith.addf %add3A_448, %slice3A_451 : vector<1x576xf32>
    %slice3A_453 = vector.extract_strided_slice %mul3A_420 {offsets = [8, 0], sizes = [1, 576], strides = [1, 1]} : vector<64x576xf32> to vector<1x576xf32>
    %add3A_454 = arith.addf %add3A_450, %slice3A_453 : vector<1x576xf32>
    %slice3A_455 = vector.extract_strided_slice %mul3A_417 {offsets = [9, 0], sizes = [1, 576], strides = [1, 1]} : vector<64x576xf32> to vector<1x576xf32>
    %add3A_456 = arith.addf %add3A_452, %slice3A_455 : vector<1x576xf32>
    %slice3A_457 = vector.extract_strided_slice %mul3A_420 {offsets = [9, 0], sizes = [1, 576], strides = [1, 1]} : vector<64x576xf32> to vector<1x576xf32>
    %add3A_458 = arith.addf %add3A_454, %slice3A_457 : vector<1x576xf32>
    %slice3A_459 = vector.extract_strided_slice %mul3A_417 {offsets = [10, 0], sizes = [1, 576], strides = [1, 1]} : vector<64x576xf32> to vector<1x576xf32>
    %add3A_460 = arith.addf %add3A_456, %slice3A_459 : vector<1x576xf32>
    %slice3A_461 = vector.extract_strided_slice %mul3A_420 {offsets = [10, 0], sizes = [1, 576], strides = [1, 1]} : vector<64x576xf32> to vector<1x576xf32>
    %add3A_462 = arith.addf %add3A_458, %slice3A_461 : vector<1x576xf32>
    %slice3A_463 = vector.extract_strided_slice %mul3A_417 {offsets = [11, 0], sizes = [1, 576], strides = [1, 1]} : vector<64x576xf32> to vector<1x576xf32>
    %add3A_464 = arith.addf %add3A_460, %slice3A_463 : vector<1x576xf32>
    %slice3A_465 = vector.extract_strided_slice %mul3A_420 {offsets = [11, 0], sizes = [1, 576], strides = [1, 1]} : vector<64x576xf32> to vector<1x576xf32>
    %add3A_466 = arith.addf %add3A_462, %slice3A_465 : vector<1x576xf32>
    %slice3A_467 = vector.extract_strided_slice %mul3A_417 {offsets = [12, 0], sizes = [1, 576], strides = [1, 1]} : vector<64x576xf32> to vector<1x576xf32>
    %add3A_468 = arith.addf %add3A_464, %slice3A_467 : vector<1x576xf32>
    %slice3A_469 = vector.extract_strided_slice %mul3A_420 {offsets = [12, 0], sizes = [1, 576], strides = [1, 1]} : vector<64x576xf32> to vector<1x576xf32>
    %add3A_470 = arith.addf %add3A_466, %slice3A_469 : vector<1x576xf32>
    %slice3A_471 = vector.extract_strided_slice %mul3A_417 {offsets = [13, 0], sizes = [1, 576], strides = [1, 1]} : vector<64x576xf32> to vector<1x576xf32>
    %add3A_472 = arith.addf %add3A_468, %slice3A_471 : vector<1x576xf32>
    %slice3A_473 = vector.extract_strided_slice %mul3A_420 {offsets = [13, 0], sizes = [1, 576], strides = [1, 1]} : vector<64x576xf32> to vector<1x576xf32>
    %add3A_474 = arith.addf %add3A_470, %slice3A_473 : vector<1x576xf32>
    %slice3A_475 = vector.extract_strided_slice %mul3A_417 {offsets = [14, 0], sizes = [1, 576], strides = [1, 1]} : vector<64x576xf32> to vector<1x576xf32>
    %add3A_476 = arith.addf %add3A_472, %slice3A_475 : vector<1x576xf32>
    %slice3A_477 = vector.extract_strided_slice %mul3A_420 {offsets = [14, 0], sizes = [1, 576], strides = [1, 1]} : vector<64x576xf32> to vector<1x576xf32>
    %add3A_478 = arith.addf %add3A_474, %slice3A_477 : vector<1x576xf32>
    %slice3A_479 = vector.extract_strided_slice %mul3A_417 {offsets = [15, 0], sizes = [1, 576], strides = [1, 1]} : vector<64x576xf32> to vector<1x576xf32>
    %add3A_480 = arith.addf %add3A_476, %slice3A_479 : vector<1x576xf32>
    %slice3A_481 = vector.extract_strided_slice %mul3A_420 {offsets = [15, 0], sizes = [1, 576], strides = [1, 1]} : vector<64x576xf32> to vector<1x576xf32>
    %add3A_482 = arith.addf %add3A_478, %slice3A_481 : vector<1x576xf32>
    %slice3A_483 = vector.extract_strided_slice %mul3A_417 {offsets = [16, 0], sizes = [1, 576], strides = [1, 1]} : vector<64x576xf32> to vector<1x576xf32>
    %add3A_484 = arith.addf %add3A_480, %slice3A_483 : vector<1x576xf32>
    %slice3A_485 = vector.extract_strided_slice %mul3A_420 {offsets = [16, 0], sizes = [1, 576], strides = [1, 1]} : vector<64x576xf32> to vector<1x576xf32>
    %add3A_486 = arith.addf %add3A_482, %slice3A_485 : vector<1x576xf32>
    %slice3A_487 = vector.extract_strided_slice %mul3A_417 {offsets = [17, 0], sizes = [1, 576], strides = [1, 1]} : vector<64x576xf32> to vector<1x576xf32>
    %add3A_488 = arith.addf %add3A_484, %slice3A_487 : vector<1x576xf32>
    %slice3A_489 = vector.extract_strided_slice %mul3A_420 {offsets = [17, 0], sizes = [1, 576], strides = [1, 1]} : vector<64x576xf32> to vector<1x576xf32>
    %add3A_490 = arith.addf %add3A_486, %slice3A_489 : vector<1x576xf32>
    %slice3A_491 = vector.extract_strided_slice %mul3A_417 {offsets = [18, 0], sizes = [1, 576], strides = [1, 1]} : vector<64x576xf32> to vector<1x576xf32>
    %add3A_492 = arith.addf %add3A_488, %slice3A_491 : vector<1x576xf32>
    %slice3A_493 = vector.extract_strided_slice %mul3A_420 {offsets = [18, 0], sizes = [1, 576], strides = [1, 1]} : vector<64x576xf32> to vector<1x576xf32>
    %add3A_494 = arith.addf %add3A_490, %slice3A_493 : vector<1x576xf32>
    %slice3A_495 = vector.extract_strided_slice %mul3A_417 {offsets = [19, 0], sizes = [1, 576], strides = [1, 1]} : vector<64x576xf32> to vector<1x576xf32>
    %add3A_496 = arith.addf %add3A_492, %slice3A_495 : vector<1x576xf32>
    %slice3A_497 = vector.extract_strided_slice %mul3A_420 {offsets = [19, 0], sizes = [1, 576], strides = [1, 1]} : vector<64x576xf32> to vector<1x576xf32>
    %add3A_498 = arith.addf %add3A_494, %slice3A_497 : vector<1x576xf32>
    %slice3A_499 = vector.extract_strided_slice %mul3A_417 {offsets = [20, 0], sizes = [1, 576], strides = [1, 1]} : vector<64x576xf32> to vector<1x576xf32>
    %add3A_500 = arith.addf %add3A_496, %slice3A_499 : vector<1x576xf32>
    %slice3A_501 = vector.extract_strided_slice %mul3A_420 {offsets = [20, 0], sizes = [1, 576], strides = [1, 1]} : vector<64x576xf32> to vector<1x576xf32>
    %add3A_502 = arith.addf %add3A_498, %slice3A_501 : vector<1x576xf32>
    %slice3A_503 = vector.extract_strided_slice %mul3A_417 {offsets = [21, 0], sizes = [1, 576], strides = [1, 1]} : vector<64x576xf32> to vector<1x576xf32>
    %add3A_504 = arith.addf %add3A_500, %slice3A_503 : vector<1x576xf32>
    %slice3A_505 = vector.extract_strided_slice %mul3A_420 {offsets = [21, 0], sizes = [1, 576], strides = [1, 1]} : vector<64x576xf32> to vector<1x576xf32>
    %add3A_506 = arith.addf %add3A_502, %slice3A_505 : vector<1x576xf32>
    %slice3A_507 = vector.extract_strided_slice %mul3A_417 {offsets = [22, 0], sizes = [1, 576], strides = [1, 1]} : vector<64x576xf32> to vector<1x576xf32>
    %add3A_508 = arith.addf %add3A_504, %slice3A_507 : vector<1x576xf32>
    %slice3A_509 = vector.extract_strided_slice %mul3A_420 {offsets = [22, 0], sizes = [1, 576], strides = [1, 1]} : vector<64x576xf32> to vector<1x576xf32>
    %add3A_510 = arith.addf %add3A_506, %slice3A_509 : vector<1x576xf32>
    %slice3A_511 = vector.extract_strided_slice %mul3A_417 {offsets = [23, 0], sizes = [1, 576], strides = [1, 1]} : vector<64x576xf32> to vector<1x576xf32>
    %add3A_512 = arith.addf %add3A_508, %slice3A_511 : vector<1x576xf32>
    %slice3A_513 = vector.extract_strided_slice %mul3A_420 {offsets = [23, 0], sizes = [1, 576], strides = [1, 1]} : vector<64x576xf32> to vector<1x576xf32>
    %add3A_514 = arith.addf %add3A_510, %slice3A_513 : vector<1x576xf32>
    %slice3A_515 = vector.extract_strided_slice %mul3A_417 {offsets = [24, 0], sizes = [1, 576], strides = [1, 1]} : vector<64x576xf32> to vector<1x576xf32>
    %add3A_516 = arith.addf %add3A_512, %slice3A_515 : vector<1x576xf32>
    %slice3A_517 = vector.extract_strided_slice %mul3A_420 {offsets = [24, 0], sizes = [1, 576], strides = [1, 1]} : vector<64x576xf32> to vector<1x576xf32>
    %add3A_518 = arith.addf %add3A_514, %slice3A_517 : vector<1x576xf32>
    %slice3A_519 = vector.extract_strided_slice %mul3A_417 {offsets = [25, 0], sizes = [1, 576], strides = [1, 1]} : vector<64x576xf32> to vector<1x576xf32>
    %add3A_520 = arith.addf %add3A_516, %slice3A_519 : vector<1x576xf32>
    %slice3A_521 = vector.extract_strided_slice %mul3A_420 {offsets = [25, 0], sizes = [1, 576], strides = [1, 1]} : vector<64x576xf32> to vector<1x576xf32>
    %add3A_522 = arith.addf %add3A_518, %slice3A_521 : vector<1x576xf32>
    %slice3A_523 = vector.extract_strided_slice %mul3A_417 {offsets = [26, 0], sizes = [1, 576], strides = [1, 1]} : vector<64x576xf32> to vector<1x576xf32>
    %add3A_524 = arith.addf %add3A_520, %slice3A_523 : vector<1x576xf32>
    %slice3A_525 = vector.extract_strided_slice %mul3A_420 {offsets = [26, 0], sizes = [1, 576], strides = [1, 1]} : vector<64x576xf32> to vector<1x576xf32>
    %add3A_526 = arith.addf %add3A_522, %slice3A_525 : vector<1x576xf32>
    %slice3A_527 = vector.extract_strided_slice %mul3A_417 {offsets = [27, 0], sizes = [1, 576], strides = [1, 1]} : vector<64x576xf32> to vector<1x576xf32>
    %add3A_528 = arith.addf %add3A_524, %slice3A_527 : vector<1x576xf32>
    %slice3A_529 = vector.extract_strided_slice %mul3A_420 {offsets = [27, 0], sizes = [1, 576], strides = [1, 1]} : vector<64x576xf32> to vector<1x576xf32>
    %add3A_530 = arith.addf %add3A_526, %slice3A_529 : vector<1x576xf32>
    %slice3A_531 = vector.extract_strided_slice %mul3A_417 {offsets = [28, 0], sizes = [1, 576], strides = [1, 1]} : vector<64x576xf32> to vector<1x576xf32>
    %add3A_532 = arith.addf %add3A_528, %slice3A_531 : vector<1x576xf32>
    %slice3A_533 = vector.extract_strided_slice %mul3A_420 {offsets = [28, 0], sizes = [1, 576], strides = [1, 1]} : vector<64x576xf32> to vector<1x576xf32>
    %add3A_534 = arith.addf %add3A_530, %slice3A_533 : vector<1x576xf32>
    %slice3A_535 = vector.extract_strided_slice %mul3A_417 {offsets = [29, 0], sizes = [1, 576], strides = [1, 1]} : vector<64x576xf32> to vector<1x576xf32>
    %add3A_536 = arith.addf %add3A_532, %slice3A_535 : vector<1x576xf32>
    %slice3A_537 = vector.extract_strided_slice %mul3A_420 {offsets = [29, 0], sizes = [1, 576], strides = [1, 1]} : vector<64x576xf32> to vector<1x576xf32>
    %add3A_538 = arith.addf %add3A_534, %slice3A_537 : vector<1x576xf32>
    %slice3A_539 = vector.extract_strided_slice %mul3A_417 {offsets = [30, 0], sizes = [1, 576], strides = [1, 1]} : vector<64x576xf32> to vector<1x576xf32>
    %add3A_540 = arith.addf %add3A_536, %slice3A_539 : vector<1x576xf32>
    %slice3A_541 = vector.extract_strided_slice %mul3A_420 {offsets = [30, 0], sizes = [1, 576], strides = [1, 1]} : vector<64x576xf32> to vector<1x576xf32>
    %add3A_542 = arith.addf %add3A_538, %slice3A_541 : vector<1x576xf32>
    %slice3A_543 = vector.extract_strided_slice %mul3A_417 {offsets = [31, 0], sizes = [1, 576], strides = [1, 1]} : vector<64x576xf32> to vector<1x576xf32>
    %add3A_544 = arith.addf %add3A_540, %slice3A_543 : vector<1x576xf32>
    %slice3A_545 = vector.extract_strided_slice %mul3A_420 {offsets = [31, 0], sizes = [1, 576], strides = [1, 1]} : vector<64x576xf32> to vector<1x576xf32>
    %add3A_546 = arith.addf %add3A_542, %slice3A_545 : vector<1x576xf32>
    %slice3A_547 = vector.extract_strided_slice %mul3A_417 {offsets = [32, 0], sizes = [1, 576], strides = [1, 1]} : vector<64x576xf32> to vector<1x576xf32>
    %add3A_548 = arith.addf %add3A_544, %slice3A_547 : vector<1x576xf32>
    %slice3A_549 = vector.extract_strided_slice %mul3A_420 {offsets = [32, 0], sizes = [1, 576], strides = [1, 1]} : vector<64x576xf32> to vector<1x576xf32>
    %add3A_550 = arith.addf %add3A_546, %slice3A_549 : vector<1x576xf32>
    %slice3A_551 = vector.extract_strided_slice %mul3A_417 {offsets = [33, 0], sizes = [1, 576], strides = [1, 1]} : vector<64x576xf32> to vector<1x576xf32>
    %add3A_552 = arith.addf %add3A_548, %slice3A_551 : vector<1x576xf32>
    %slice3A_553 = vector.extract_strided_slice %mul3A_420 {offsets = [33, 0], sizes = [1, 576], strides = [1, 1]} : vector<64x576xf32> to vector<1x576xf32>
    %add3A_554 = arith.addf %add3A_550, %slice3A_553 : vector<1x576xf32>
    %slice3A_555 = vector.extract_strided_slice %mul3A_417 {offsets = [34, 0], sizes = [1, 576], strides = [1, 1]} : vector<64x576xf32> to vector<1x576xf32>
    %add3A_556 = arith.addf %add3A_552, %slice3A_555 : vector<1x576xf32>
    %slice3A_557 = vector.extract_strided_slice %mul3A_420 {offsets = [34, 0], sizes = [1, 576], strides = [1, 1]} : vector<64x576xf32> to vector<1x576xf32>
    %add3A_558 = arith.addf %add3A_554, %slice3A_557 : vector<1x576xf32>
    %slice3A_559 = vector.extract_strided_slice %mul3A_417 {offsets = [35, 0], sizes = [1, 576], strides = [1, 1]} : vector<64x576xf32> to vector<1x576xf32>
    %add3A_560 = arith.addf %add3A_556, %slice3A_559 : vector<1x576xf32>
    %slice3A_561 = vector.extract_strided_slice %mul3A_420 {offsets = [35, 0], sizes = [1, 576], strides = [1, 1]} : vector<64x576xf32> to vector<1x576xf32>
    %add3A_562 = arith.addf %add3A_558, %slice3A_561 : vector<1x576xf32>
    %slice3A_563 = vector.extract_strided_slice %mul3A_417 {offsets = [36, 0], sizes = [1, 576], strides = [1, 1]} : vector<64x576xf32> to vector<1x576xf32>
    %add3A_564 = arith.addf %add3A_560, %slice3A_563 : vector<1x576xf32>
    %slice3A_565 = vector.extract_strided_slice %mul3A_420 {offsets = [36, 0], sizes = [1, 576], strides = [1, 1]} : vector<64x576xf32> to vector<1x576xf32>
    %add3A_566 = arith.addf %add3A_562, %slice3A_565 : vector<1x576xf32>
    %slice3A_567 = vector.extract_strided_slice %mul3A_417 {offsets = [37, 0], sizes = [1, 576], strides = [1, 1]} : vector<64x576xf32> to vector<1x576xf32>
    %add3A_568 = arith.addf %add3A_564, %slice3A_567 : vector<1x576xf32>
    %slice3A_569 = vector.extract_strided_slice %mul3A_420 {offsets = [37, 0], sizes = [1, 576], strides = [1, 1]} : vector<64x576xf32> to vector<1x576xf32>
    %add3A_570 = arith.addf %add3A_566, %slice3A_569 : vector<1x576xf32>
    %slice3A_571 = vector.extract_strided_slice %mul3A_417 {offsets = [38, 0], sizes = [1, 576], strides = [1, 1]} : vector<64x576xf32> to vector<1x576xf32>
    %add3A_572 = arith.addf %add3A_568, %slice3A_571 : vector<1x576xf32>
    %slice3A_573 = vector.extract_strided_slice %mul3A_420 {offsets = [38, 0], sizes = [1, 576], strides = [1, 1]} : vector<64x576xf32> to vector<1x576xf32>
    %add3A_574 = arith.addf %add3A_570, %slice3A_573 : vector<1x576xf32>
    %slice3A_575 = vector.extract_strided_slice %mul3A_417 {offsets = [39, 0], sizes = [1, 576], strides = [1, 1]} : vector<64x576xf32> to vector<1x576xf32>
    %add3A_576 = arith.addf %add3A_572, %slice3A_575 : vector<1x576xf32>
    %slice3A_577 = vector.extract_strided_slice %mul3A_420 {offsets = [39, 0], sizes = [1, 576], strides = [1, 1]} : vector<64x576xf32> to vector<1x576xf32>
    %add3A_578 = arith.addf %add3A_574, %slice3A_577 : vector<1x576xf32>
    %slice3A_579 = vector.extract_strided_slice %mul3A_417 {offsets = [40, 0], sizes = [1, 576], strides = [1, 1]} : vector<64x576xf32> to vector<1x576xf32>
    %add3A_580 = arith.addf %add3A_576, %slice3A_579 : vector<1x576xf32>
    %slice3A_581 = vector.extract_strided_slice %mul3A_420 {offsets = [40, 0], sizes = [1, 576], strides = [1, 1]} : vector<64x576xf32> to vector<1x576xf32>
    %add3A_582 = arith.addf %add3A_578, %slice3A_581 : vector<1x576xf32>
    %slice3A_583 = vector.extract_strided_slice %mul3A_417 {offsets = [41, 0], sizes = [1, 576], strides = [1, 1]} : vector<64x576xf32> to vector<1x576xf32>
    %add3A_584 = arith.addf %add3A_580, %slice3A_583 : vector<1x576xf32>
    %slice3A_585 = vector.extract_strided_slice %mul3A_420 {offsets = [41, 0], sizes = [1, 576], strides = [1, 1]} : vector<64x576xf32> to vector<1x576xf32>
    %add3A_586 = arith.addf %add3A_582, %slice3A_585 : vector<1x576xf32>
    %slice3A_587 = vector.extract_strided_slice %mul3A_417 {offsets = [42, 0], sizes = [1, 576], strides = [1, 1]} : vector<64x576xf32> to vector<1x576xf32>
    %add3A_588 = arith.addf %add3A_584, %slice3A_587 : vector<1x576xf32>
    %slice3A_589 = vector.extract_strided_slice %mul3A_420 {offsets = [42, 0], sizes = [1, 576], strides = [1, 1]} : vector<64x576xf32> to vector<1x576xf32>
    %add3A_590 = arith.addf %add3A_586, %slice3A_589 : vector<1x576xf32>
    %slice3A_591 = vector.extract_strided_slice %mul3A_417 {offsets = [43, 0], sizes = [1, 576], strides = [1, 1]} : vector<64x576xf32> to vector<1x576xf32>
    %add3A_592 = arith.addf %add3A_588, %slice3A_591 : vector<1x576xf32>
    %slice3A_593 = vector.extract_strided_slice %mul3A_420 {offsets = [43, 0], sizes = [1, 576], strides = [1, 1]} : vector<64x576xf32> to vector<1x576xf32>
    %add3A_594 = arith.addf %add3A_590, %slice3A_593 : vector<1x576xf32>
    %slice3A_595 = vector.extract_strided_slice %mul3A_417 {offsets = [44, 0], sizes = [1, 576], strides = [1, 1]} : vector<64x576xf32> to vector<1x576xf32>
    %add3A_596 = arith.addf %add3A_592, %slice3A_595 : vector<1x576xf32>
    %slice3A_597 = vector.extract_strided_slice %mul3A_420 {offsets = [44, 0], sizes = [1, 576], strides = [1, 1]} : vector<64x576xf32> to vector<1x576xf32>
    %add3A_598 = arith.addf %add3A_594, %slice3A_597 : vector<1x576xf32>
    %slice3A_599 = vector.extract_strided_slice %mul3A_417 {offsets = [45, 0], sizes = [1, 576], strides = [1, 1]} : vector<64x576xf32> to vector<1x576xf32>
    %add3A_600 = arith.addf %add3A_596, %slice3A_599 : vector<1x576xf32>
    %slice3A_601 = vector.extract_strided_slice %mul3A_420 {offsets = [45, 0], sizes = [1, 576], strides = [1, 1]} : vector<64x576xf32> to vector<1x576xf32>
    %add3A_602 = arith.addf %add3A_598, %slice3A_601 : vector<1x576xf32>
    %slice3A_603 = vector.extract_strided_slice %mul3A_417 {offsets = [46, 0], sizes = [1, 576], strides = [1, 1]} : vector<64x576xf32> to vector<1x576xf32>
    %add3A_604 = arith.addf %add3A_600, %slice3A_603 : vector<1x576xf32>
    %slice3A_605 = vector.extract_strided_slice %mul3A_420 {offsets = [46, 0], sizes = [1, 576], strides = [1, 1]} : vector<64x576xf32> to vector<1x576xf32>
    %add3A_606 = arith.addf %add3A_602, %slice3A_605 : vector<1x576xf32>
    %slice3A_607 = vector.extract_strided_slice %mul3A_417 {offsets = [47, 0], sizes = [1, 576], strides = [1, 1]} : vector<64x576xf32> to vector<1x576xf32>
    %add3A_608 = arith.addf %add3A_604, %slice3A_607 : vector<1x576xf32>
    %slice3A_609 = vector.extract_strided_slice %mul3A_420 {offsets = [47, 0], sizes = [1, 576], strides = [1, 1]} : vector<64x576xf32> to vector<1x576xf32>
    %add3A_610 = arith.addf %add3A_606, %slice3A_609 : vector<1x576xf32>
    %slice3A_611 = vector.extract_strided_slice %mul3A_417 {offsets = [48, 0], sizes = [1, 576], strides = [1, 1]} : vector<64x576xf32> to vector<1x576xf32>
    %add3A_612 = arith.addf %add3A_608, %slice3A_611 : vector<1x576xf32>
    %slice3A_613 = vector.extract_strided_slice %mul3A_420 {offsets = [48, 0], sizes = [1, 576], strides = [1, 1]} : vector<64x576xf32> to vector<1x576xf32>
    %add3A_614 = arith.addf %add3A_610, %slice3A_613 : vector<1x576xf32>
    %slice3A_615 = vector.extract_strided_slice %mul3A_417 {offsets = [49, 0], sizes = [1, 576], strides = [1, 1]} : vector<64x576xf32> to vector<1x576xf32>
    %add3A_616 = arith.addf %add3A_612, %slice3A_615 : vector<1x576xf32>
    %slice3A_617 = vector.extract_strided_slice %mul3A_420 {offsets = [49, 0], sizes = [1, 576], strides = [1, 1]} : vector<64x576xf32> to vector<1x576xf32>
    %add3A_618 = arith.addf %add3A_614, %slice3A_617 : vector<1x576xf32>
    %slice3A_619 = vector.extract_strided_slice %mul3A_417 {offsets = [50, 0], sizes = [1, 576], strides = [1, 1]} : vector<64x576xf32> to vector<1x576xf32>
    %add3A_620 = arith.addf %add3A_616, %slice3A_619 : vector<1x576xf32>
    %slice3A_621 = vector.extract_strided_slice %mul3A_420 {offsets = [50, 0], sizes = [1, 576], strides = [1, 1]} : vector<64x576xf32> to vector<1x576xf32>
    %add3A_622 = arith.addf %add3A_618, %slice3A_621 : vector<1x576xf32>
    %slice3A_623 = vector.extract_strided_slice %mul3A_417 {offsets = [51, 0], sizes = [1, 576], strides = [1, 1]} : vector<64x576xf32> to vector<1x576xf32>
    %add3A_624 = arith.addf %add3A_620, %slice3A_623 : vector<1x576xf32>
    %slice3A_625 = vector.extract_strided_slice %mul3A_420 {offsets = [51, 0], sizes = [1, 576], strides = [1, 1]} : vector<64x576xf32> to vector<1x576xf32>
    %add3A_626 = arith.addf %add3A_622, %slice3A_625 : vector<1x576xf32>
    %slice3A_627 = vector.extract_strided_slice %mul3A_417 {offsets = [52, 0], sizes = [1, 576], strides = [1, 1]} : vector<64x576xf32> to vector<1x576xf32>
    %add3A_628 = arith.addf %add3A_624, %slice3A_627 : vector<1x576xf32>
    %slice3A_629 = vector.extract_strided_slice %mul3A_420 {offsets = [52, 0], sizes = [1, 576], strides = [1, 1]} : vector<64x576xf32> to vector<1x576xf32>
    %add3A_630 = arith.addf %add3A_626, %slice3A_629 : vector<1x576xf32>
    %slice3A_631 = vector.extract_strided_slice %mul3A_417 {offsets = [53, 0], sizes = [1, 576], strides = [1, 1]} : vector<64x576xf32> to vector<1x576xf32>
    %add3A_632 = arith.addf %add3A_628, %slice3A_631 : vector<1x576xf32>
    %slice3A_633 = vector.extract_strided_slice %mul3A_420 {offsets = [53, 0], sizes = [1, 576], strides = [1, 1]} : vector<64x576xf32> to vector<1x576xf32>
    %add3A_634 = arith.addf %add3A_630, %slice3A_633 : vector<1x576xf32>
    %slice3A_635 = vector.extract_strided_slice %mul3A_417 {offsets = [54, 0], sizes = [1, 576], strides = [1, 1]} : vector<64x576xf32> to vector<1x576xf32>
    %add3A_636 = arith.addf %add3A_632, %slice3A_635 : vector<1x576xf32>
    %slice3A_637 = vector.extract_strided_slice %mul3A_420 {offsets = [54, 0], sizes = [1, 576], strides = [1, 1]} : vector<64x576xf32> to vector<1x576xf32>
    %add3A_638 = arith.addf %add3A_634, %slice3A_637 : vector<1x576xf32>
    %slice3A_639 = vector.extract_strided_slice %mul3A_417 {offsets = [55, 0], sizes = [1, 576], strides = [1, 1]} : vector<64x576xf32> to vector<1x576xf32>
    %add3A_640 = arith.addf %add3A_636, %slice3A_639 : vector<1x576xf32>
    %slice3A_641 = vector.extract_strided_slice %mul3A_420 {offsets = [55, 0], sizes = [1, 576], strides = [1, 1]} : vector<64x576xf32> to vector<1x576xf32>
    %add3A_642 = arith.addf %add3A_638, %slice3A_641 : vector<1x576xf32>
    %slice3A_643 = vector.extract_strided_slice %mul3A_417 {offsets = [56, 0], sizes = [1, 576], strides = [1, 1]} : vector<64x576xf32> to vector<1x576xf32>
    %add3A_644 = arith.addf %add3A_640, %slice3A_643 : vector<1x576xf32>
    %slice3A_645 = vector.extract_strided_slice %mul3A_420 {offsets = [56, 0], sizes = [1, 576], strides = [1, 1]} : vector<64x576xf32> to vector<1x576xf32>
    %add3A_646 = arith.addf %add3A_642, %slice3A_645 : vector<1x576xf32>
    %slice3A_647 = vector.extract_strided_slice %mul3A_417 {offsets = [57, 0], sizes = [1, 576], strides = [1, 1]} : vector<64x576xf32> to vector<1x576xf32>
    %add3A_648 = arith.addf %add3A_644, %slice3A_647 : vector<1x576xf32>
    %slice3A_649 = vector.extract_strided_slice %mul3A_420 {offsets = [57, 0], sizes = [1, 576], strides = [1, 1]} : vector<64x576xf32> to vector<1x576xf32>
    %add3A_650 = arith.addf %add3A_646, %slice3A_649 : vector<1x576xf32>
    %slice3A_651 = vector.extract_strided_slice %mul3A_417 {offsets = [58, 0], sizes = [1, 576], strides = [1, 1]} : vector<64x576xf32> to vector<1x576xf32>
    %add3A_652 = arith.addf %add3A_648, %slice3A_651 : vector<1x576xf32>
    %slice3A_653 = vector.extract_strided_slice %mul3A_420 {offsets = [58, 0], sizes = [1, 576], strides = [1, 1]} : vector<64x576xf32> to vector<1x576xf32>
    %add3A_654 = arith.addf %add3A_650, %slice3A_653 : vector<1x576xf32>
    %slice3A_655 = vector.extract_strided_slice %mul3A_417 {offsets = [59, 0], sizes = [1, 576], strides = [1, 1]} : vector<64x576xf32> to vector<1x576xf32>
    %add3A_656 = arith.addf %add3A_652, %slice3A_655 : vector<1x576xf32>
    %slice3A_657 = vector.extract_strided_slice %mul3A_420 {offsets = [59, 0], sizes = [1, 576], strides = [1, 1]} : vector<64x576xf32> to vector<1x576xf32>
    %add3A_658 = arith.addf %add3A_654, %slice3A_657 : vector<1x576xf32>
    %slice3A_659 = vector.extract_strided_slice %mul3A_417 {offsets = [60, 0], sizes = [1, 576], strides = [1, 1]} : vector<64x576xf32> to vector<1x576xf32>
    %add3A_660 = arith.addf %add3A_656, %slice3A_659 : vector<1x576xf32>
    %slice3A_661 = vector.extract_strided_slice %mul3A_420 {offsets = [60, 0], sizes = [1, 576], strides = [1, 1]} : vector<64x576xf32> to vector<1x576xf32>
    %add3A_662 = arith.addf %add3A_658, %slice3A_661 : vector<1x576xf32>
    %slice3A_663 = vector.extract_strided_slice %mul3A_417 {offsets = [61, 0], sizes = [1, 576], strides = [1, 1]} : vector<64x576xf32> to vector<1x576xf32>
    %add3A_664 = arith.addf %add3A_660, %slice3A_663 : vector<1x576xf32>
    %slice3A_665 = vector.extract_strided_slice %mul3A_420 {offsets = [61, 0], sizes = [1, 576], strides = [1, 1]} : vector<64x576xf32> to vector<1x576xf32>
    %add3A_666 = arith.addf %add3A_662, %slice3A_665 : vector<1x576xf32>
    %slice3A_667 = vector.extract_strided_slice %mul3A_417 {offsets = [62, 0], sizes = [1, 576], strides = [1, 1]} : vector<64x576xf32> to vector<1x576xf32>
    %add3A_668 = arith.addf %add3A_664, %slice3A_667 : vector<1x576xf32>
    %slice3A_669 = vector.extract_strided_slice %mul3A_420 {offsets = [62, 0], sizes = [1, 576], strides = [1, 1]} : vector<64x576xf32> to vector<1x576xf32>
    %add3A_670 = arith.addf %add3A_666, %slice3A_669 : vector<1x576xf32>
    %slice3A_671 = vector.extract_strided_slice %mul3A_417 {offsets = [63, 0], sizes = [1, 576], strides = [1, 1]} : vector<64x576xf32> to vector<1x576xf32>
    %add3A_672 = arith.addf %add3A_668, %slice3A_671 : vector<1x576xf32>
    %slice3A_673 = vector.extract_strided_slice %mul3A_420 {offsets = [63, 0], sizes = [1, 576], strides = [1, 1]} : vector<64x576xf32> to vector<1x576xf32>
    %add3A_674 = arith.addf %add3A_670, %slice3A_673 : vector<1x576xf32>
    %sqrt3A_675 = math.sqrt %add3A_674 : vector<1x576xf32>
    %sqrt3A_676 = math.sqrt %add3A_672 : vector<1x576xf32>
    %lt3A_677 = arith.cmpf olt, %sqrt3A_675, %sqrt3A_676 : vector<1x576xf32>
    %broadcast_in_dim3A_678 = vector.shape_cast %max3A_388 : vector<576xi32> to vector<1x576xi32>
    %broadcast_in_dim3A_679 = vector.shape_cast %min3A_387 : vector<576xi32> to vector<1x576xi32>
    %select_n3A_680 = arith.select %lt3A_677, %broadcast_in_dim3A_678, %broadcast_in_dim3A_679 : vector<1x576xi1>, vector<1x576xi32>
    %squeeze3A_681 = vector.shape_cast %select_n3A_680 : vector<1x576xi32> to vector<576xi32>
    %swap3A_682 = arith.constant 1 : index
    %swap3A_683 = arith.constant 0 : index
    %swap3A_684 = vector.load %arg2[%swap3A_682, %swap3A_683] : memref<8x576xi32, #tpu.memory_space<vmem>>, vector<1x576xi32>
    %swap3A_685 = vector.shape_cast %swap3A_684 : vector<1x576xi32> to vector<576xi32>
    %swap3A_686 = vector.shape_cast %squeeze3A_681 : vector<576xi32> to vector<1x576xi32>
    tpu.vector_store %arg2[%swap3A_682, %swap3A_683], %swap3A_686 {strides = array<i32>} : memref<8x576xi32, #tpu.memory_space<vmem>>, vector<1x576xi32>,
    %get3A_687 = arith.constant 2 : index
    %get3A_688 = arith.constant 0 : index
    %get3A_689 = arith.constant 0 : index
    %get3A_690 = vector.load %arg0[%get3A_687, %get3A_688, %get3A_689] : memref<8x64x576xf32, #tpu.memory_space<vmem>>, vector<1x64x576xf32>
    %get3A_691 = vector.shape_cast %get3A_690 : vector<1x64x576xf32> to vector<64x576xf32>
    %mul3A_692 = arith.mulf %get3A_691, %get3A_691 : vector<64x576xf32>
    %reduce_sum3A_693 = arith.constant dense<0.000000e+00> : vector<576xf32>
    %reduce_sum3A_694 = vector.multi_reduction <add>, %mul3A_692, %reduce_sum3A_693 [0] : vector<64x576xf32> to vector<576xf32>
    %broadcast_in_dim3A_695 = vector.shape_cast %reduce_sum3A_694 : vector<576xf32> to vector<1x576xf32>
    %broadcast_in_dim3A_696 = arith.constant 1.000000e+00 : f32
    %broadcast_in_dim3A_697 = vector.broadcast %broadcast_in_dim3A_696 : f32 to vector<1x576xf32>
    %broadcast_in_dim3A_698 = arith.constant 0.000000e+00 : f32
    %broadcast_in_dim3A_699 = vector.broadcast %broadcast_in_dim3A_698 : f32 to vector<6x576xf32>
    %concatenate3A_700 = tpu.concatenate %get3A_691, %broadcast_in_dim3A_695, %broadcast_in_dim3A_697, %broadcast_in_dim3A_699 in 0 : vector<64x576xf32>, vector<1x576xf32>, vector<1x576xf32>, vector<6x576xf32> -> vector<72x576xf32>
    %dot_general3A_701 = arith.constant dense<0.000000e+00> : vector<512x576xf32>
    %dot_general3A_702 = tpu.matmul %concatenate3A, %concatenate3A_700, %dot_general3A_701 {dimension_numbers = #tpu.dot_dimension_numbers<[0], [0], [1], [1], [0, 1, 1, 1], [], []>, precision = #tpu.contract_precision<fp32>, transpose_lhs_hint = true} : vector<72x512xf32>, vector<72x576xf32>, vector<512x576xf32> -> vector<512x576xf32>
    %iota3A_703 = tpu.iota {dimensions = array<i32: 0>} : vector<512x576xi32>
    %reduce_min3A_704 = arith.constant dense<0x7F800000> : vector<576xf32>
    %reduce_min3A_705 = vector.multi_reduction <minimumf>, %dot_general3A_702, %reduce_min3A_704 [0] : vector<512x576xf32> to vector<576xf32>
    %broadcast_in_dim3A_706 = vector.shape_cast %reduce_min3A_705 : vector<576xf32> to vector<1x576xf32>
    %eq3A_707 = vector.broadcast %broadcast_in_dim3A_706 : vector<1x576xf32> to vector<512x576xf32>
    %eq3A_708 = arith.cmpf oeq, %dot_general3A_702, %eq3A_707 : vector<512x576xf32>
    %jit3A_709 = arith.constant 512 : i32
    %broadcast_in_dim3A_710 = vector.broadcast %jit3A_709 : i32 to vector<512x576xi32>
    %select_n3A_711 = arith.select %eq3A_708, %iota3A_703, %broadcast_in_dim3A_710 : vector<512x576xi1>, vector<512x576xi32>
    %reduce_min3A_712 = arith.constant dense<2147483647> : vector<576xi32>
    %reduce_min3A_713 = vector.multi_reduction <minsi>, %select_n3A_711, %reduce_min3A_712 [0] : vector<512x576xi32> to vector<576xi32>
    %broadcast_in_dim3A_714 = vector.shape_cast %reduce_min3A_713 : vector<576xi32> to vector<1x576xi32>
    %eq3A_715 = vector.broadcast %broadcast_in_dim3A_714 : vector<1x576xi32> to vector<512x576xi32>
    %eq3A_716 = arith.cmpi eq, %iota3A_703, %eq3A_715 : vector<512x576xi32>
    %jit3A_717 = arith.constant 0x7F800000 : f32
    %broadcast_in_dim3A_718 = vector.broadcast %jit3A_717 : f32 to vector<512x576xf32>
    %select_n3A_719 = arith.select %eq3A_716, %broadcast_in_dim3A_718, %dot_general3A_702 : vector<512x576xi1>, vector<512x576xf32>
    %reduce_min3A_720 = arith.constant dense<0x7F800000> : vector<576xf32>
    %reduce_min3A_721 = vector.multi_reduction <minimumf>, %select_n3A_719, %reduce_min3A_720 [0] : vector<512x576xf32> to vector<576xf32>
    %broadcast_in_dim3A_722 = vector.shape_cast %reduce_min3A_721 : vector<576xf32> to vector<1x576xf32>
    %eq3A_723 = vector.broadcast %broadcast_in_dim3A_722 : vector<1x576xf32> to vector<512x576xf32>
    %eq3A_724 = arith.cmpf oeq, %select_n3A_719, %eq3A_723 : vector<512x576xf32>
    %jit3A_725 = arith.constant 512 : i32
    %broadcast_in_dim3A_726 = vector.broadcast %jit3A_725 : i32 to vector<512x576xi32>
    %select_n3A_727 = arith.select %eq3A_724, %iota3A_703, %broadcast_in_dim3A_726 : vector<512x576xi1>, vector<512x576xi32>
    %reduce_min3A_728 = arith.constant dense<2147483647> : vector<576xi32>
    %reduce_min3A_729 = vector.multi_reduction <minsi>, %select_n3A_727, %reduce_min3A_728 [0] : vector<512x576xi32> to vector<576xi32>
    %min3A_730 = arith.minsi %reduce_min3A_713, %reduce_min3A_729 : vector<576xi32>
    %max3A_731 = arith.maxsi %reduce_min3A_713, %reduce_min3A_729 : vector<576xi32>
    %broadcast_in_dim3A_732 = vector.shape_cast %min3A_730 : vector<576xi32> to vector<1x576xi32>
    %eq3A_733 = vector.broadcast %broadcast_in_dim3A_732 : vector<1x576xi32> to vector<512x576xi32>
    %eq3A_734 = arith.cmpi eq, %iota3A_703, %eq3A_733 : vector<512x576xi32>
    %convert_element_type3A_735 = arith.extui %eq3A_734 : vector<512x576xi1> to vector<512x576xi32>
    %convert_element_type3A_736 = arith.sitofp %convert_element_type3A_735 : vector<512x576xi32> to vector<512x576xf32>
    %broadcast_in_dim3A_737 = vector.shape_cast %max3A_731 : vector<576xi32> to vector<1x576xi32>
    %eq3A_738 = vector.broadcast %broadcast_in_dim3A_737 : vector<1x576xi32> to vector<512x576xi32>
    %eq3A_739 = arith.cmpi eq, %iota3A_703, %eq3A_738 : vector<512x576xi32>
    %convert_element_type3A_740 = arith.extui %eq3A_739 : vector<512x576xi1> to vector<512x576xi32>
    %convert_element_type3A_741 = arith.sitofp %convert_element_type3A_740 : vector<512x576xi32> to vector<512x576xf32>
    %dot_general3A_742 = arith.constant dense<0.000000e+00> : vector<64x576xf32>
    %dot_general3A_743 = tpu.matmul %convert_element_type3A_2, %convert_element_type3A_736, %dot_general3A_742 {dimension_numbers = #tpu.dot_dimension_numbers<[1], [0], [0], [1], [0, 0, 1, 1], [], []>, transpose_lhs_hint = false} : vector<64x512xf32>, vector<512x576xf32>, vector<64x576xf32> -> vector<64x576xf32>
    %dot_general3A_744 = arith.constant dense<0.000000e+00> : vector<64x576xf32>
    %dot_general3A_745 = tpu.matmul %convert_element_type3A_4, %convert_element_type3A_736, %dot_general3A_744 {dimension_numbers = #tpu.dot_dimension_numbers<[1], [0], [0], [1], [0, 0, 1, 1], [], []>, transpose_lhs_hint = false} : vector<64x512xf32>, vector<512x576xf32>, vector<64x576xf32> -> vector<64x576xf32>
    %dot_general3A_746 = arith.constant dense<0.000000e+00> : vector<64x576xf32>
    %dot_general3A_747 = tpu.matmul %sub3A_6, %convert_element_type3A_736, %dot_general3A_746 {dimension_numbers = #tpu.dot_dimension_numbers<[1], [0], [0], [1], [0, 0, 1, 1], [], []>, transpose_lhs_hint = false} : vector<64x512xf32>, vector<512x576xf32>, vector<64x576xf32> -> vector<64x576xf32>
    %add3A_748 = arith.addf %dot_general3A_743, %dot_general3A_745 : vector<64x576xf32>
    %add3A_749 = arith.addf %add3A_748, %dot_general3A_747 : vector<64x576xf32>
    %dot_general3A_750 = arith.constant dense<0.000000e+00> : vector<64x576xf32>
    %dot_general3A_751 = tpu.matmul %convert_element_type3A_2, %convert_element_type3A_741, %dot_general3A_750 {dimension_numbers = #tpu.dot_dimension_numbers<[1], [0], [0], [1], [0, 0, 1, 1], [], []>, transpose_lhs_hint = false} : vector<64x512xf32>, vector<512x576xf32>, vector<64x576xf32> -> vector<64x576xf32>
    %dot_general3A_752 = arith.constant dense<0.000000e+00> : vector<64x576xf32>
    %dot_general3A_753 = tpu.matmul %convert_element_type3A_4, %convert_element_type3A_741, %dot_general3A_752 {dimension_numbers = #tpu.dot_dimension_numbers<[1], [0], [0], [1], [0, 0, 1, 1], [], []>, transpose_lhs_hint = false} : vector<64x512xf32>, vector<512x576xf32>, vector<64x576xf32> -> vector<64x576xf32>
    %dot_general3A_754 = arith.constant dense<0.000000e+00> : vector<64x576xf32>
    %dot_general3A_755 = tpu.matmul %sub3A_6, %convert_element_type3A_741, %dot_general3A_754 {dimension_numbers = #tpu.dot_dimension_numbers<[1], [0], [0], [1], [0, 0, 1, 1], [], []>, transpose_lhs_hint = false} : vector<64x512xf32>, vector<512x576xf32>, vector<64x576xf32> -> vector<64x576xf32>
    %add3A_756 = arith.addf %dot_general3A_751, %dot_general3A_753 : vector<64x576xf32>
    %add3A_757 = arith.addf %add3A_756, %dot_general3A_755 : vector<64x576xf32>
    %sub3A_758 = arith.subf %get3A_691, %add3A_749 : vector<64x576xf32>
    %sub3A_759 = arith.subf %get3A_691, %add3A_749 : vector<64x576xf32>
    %mul3A_760 = arith.mulf %sub3A_758, %sub3A_759 : vector<64x576xf32>
    %sub3A_761 = arith.subf %get3A_691, %add3A_757 : vector<64x576xf32>
    %sub3A_762 = arith.subf %get3A_691, %add3A_757 : vector<64x576xf32>
    %mul3A_763 = arith.mulf %sub3A_761, %sub3A_762 : vector<64x576xf32>
    %slice3A_764 = vector.extract_strided_slice %mul3A_760 {offsets = [0, 0], sizes = [1, 576], strides = [1, 1]} : vector<64x576xf32> to vector<1x576xf32>
    %slice3A_765 = vector.extract_strided_slice %mul3A_763 {offsets = [0, 0], sizes = [1, 576], strides = [1, 1]} : vector<64x576xf32> to vector<1x576xf32>
    %slice3A_766 = vector.extract_strided_slice %mul3A_760 {offsets = [1, 0], sizes = [1, 576], strides = [1, 1]} : vector<64x576xf32> to vector<1x576xf32>
    %add3A_767 = arith.addf %slice3A_764, %slice3A_766 : vector<1x576xf32>
    %slice3A_768 = vector.extract_strided_slice %mul3A_763 {offsets = [1, 0], sizes = [1, 576], strides = [1, 1]} : vector<64x576xf32> to vector<1x576xf32>
    %add3A_769 = arith.addf %slice3A_765, %slice3A_768 : vector<1x576xf32>
    %slice3A_770 = vector.extract_strided_slice %mul3A_760 {offsets = [2, 0], sizes = [1, 576], strides = [1, 1]} : vector<64x576xf32> to vector<1x576xf32>
    %add3A_771 = arith.addf %add3A_767, %slice3A_770 : vector<1x576xf32>
    %slice3A_772 = vector.extract_strided_slice %mul3A_763 {offsets = [2, 0], sizes = [1, 576], strides = [1, 1]} : vector<64x576xf32> to vector<1x576xf32>
    %add3A_773 = arith.addf %add3A_769, %slice3A_772 : vector<1x576xf32>
    %slice3A_774 = vector.extract_strided_slice %mul3A_760 {offsets = [3, 0], sizes = [1, 576], strides = [1, 1]} : vector<64x576xf32> to vector<1x576xf32>
    %add3A_775 = arith.addf %add3A_771, %slice3A_774 : vector<1x576xf32>
    %slice3A_776 = vector.extract_strided_slice %mul3A_763 {offsets = [3, 0], sizes = [1, 576], strides = [1, 1]} : vector<64x576xf32> to vector<1x576xf32>
    %add3A_777 = arith.addf %add3A_773, %slice3A_776 : vector<1x576xf32>
    %slice3A_778 = vector.extract_strided_slice %mul3A_760 {offsets = [4, 0], sizes = [1, 576], strides = [1, 1]} : vector<64x576xf32> to vector<1x576xf32>
    %add3A_779 = arith.addf %add3A_775, %slice3A_778 : vector<1x576xf32>
    %slice3A_780 = vector.extract_strided_slice %mul3A_763 {offsets = [4, 0], sizes = [1, 576], strides = [1, 1]} : vector<64x576xf32> to vector<1x576xf32>
    %add3A_781 = arith.addf %add3A_777, %slice3A_780 : vector<1x576xf32>
    %slice3A_782 = vector.extract_strided_slice %mul3A_760 {offsets = [5, 0], sizes = [1, 576], strides = [1, 1]} : vector<64x576xf32> to vector<1x576xf32>
    %add3A_783 = arith.addf %add3A_779, %slice3A_782 : vector<1x576xf32>
    %slice3A_784 = vector.extract_strided_slice %mul3A_763 {offsets = [5, 0], sizes = [1, 576], strides = [1, 1]} : vector<64x576xf32> to vector<1x576xf32>
    %add3A_785 = arith.addf %add3A_781, %slice3A_784 : vector<1x576xf32>
    %slice3A_786 = vector.extract_strided_slice %mul3A_760 {offsets = [6, 0], sizes = [1, 576], strides = [1, 1]} : vector<64x576xf32> to vector<1x576xf32>
    %add3A_787 = arith.addf %add3A_783, %slice3A_786 : vector<1x576xf32>
    %slice3A_788 = vector.extract_strided_slice %mul3A_763 {offsets = [6, 0], sizes = [1, 576], strides = [1, 1]} : vector<64x576xf32> to vector<1x576xf32>
    %add3A_789 = arith.addf %add3A_785, %slice3A_788 : vector<1x576xf32>
    %slice3A_790 = vector.extract_strided_slice %mul3A_760 {offsets = [7, 0], sizes = [1, 576], strides = [1, 1]} : vector<64x576xf32> to vector<1x576xf32>
    %add3A_791 = arith.addf %add3A_787, %slice3A_790 : vector<1x576xf32>
    %slice3A_792 = vector.extract_strided_slice %mul3A_763 {offsets = [7, 0], sizes = [1, 576], strides = [1, 1]} : vector<64x576xf32> to vector<1x576xf32>
    %add3A_793 = arith.addf %add3A_789, %slice3A_792 : vector<1x576xf32>
    %slice3A_794 = vector.extract_strided_slice %mul3A_760 {offsets = [8, 0], sizes = [1, 576], strides = [1, 1]} : vector<64x576xf32> to vector<1x576xf32>
    %add3A_795 = arith.addf %add3A_791, %slice3A_794 : vector<1x576xf32>
    %slice3A_796 = vector.extract_strided_slice %mul3A_763 {offsets = [8, 0], sizes = [1, 576], strides = [1, 1]} : vector<64x576xf32> to vector<1x576xf32>
    %add3A_797 = arith.addf %add3A_793, %slice3A_796 : vector<1x576xf32>
    %slice3A_798 = vector.extract_strided_slice %mul3A_760 {offsets = [9, 0], sizes = [1, 576], strides = [1, 1]} : vector<64x576xf32> to vector<1x576xf32>
    %add3A_799 = arith.addf %add3A_795, %slice3A_798 : vector<1x576xf32>
    %slice3A_800 = vector.extract_strided_slice %mul3A_763 {offsets = [9, 0], sizes = [1, 576], strides = [1, 1]} : vector<64x576xf32> to vector<1x576xf32>
    %add3A_801 = arith.addf %add3A_797, %slice3A_800 : vector<1x576xf32>
    %slice3A_802 = vector.extract_strided_slice %mul3A_760 {offsets = [10, 0], sizes = [1, 576], strides = [1, 1]} : vector<64x576xf32> to vector<1x576xf32>
    %add3A_803 = arith.addf %add3A_799, %slice3A_802 : vector<1x576xf32>
    %slice3A_804 = vector.extract_strided_slice %mul3A_763 {offsets = [10, 0], sizes = [1, 576], strides = [1, 1]} : vector<64x576xf32> to vector<1x576xf32>
    %add3A_805 = arith.addf %add3A_801, %slice3A_804 : vector<1x576xf32>
    %slice3A_806 = vector.extract_strided_slice %mul3A_760 {offsets = [11, 0], sizes = [1, 576], strides = [1, 1]} : vector<64x576xf32> to vector<1x576xf32>
    %add3A_807 = arith.addf %add3A_803, %slice3A_806 : vector<1x576xf32>
    %slice3A_808 = vector.extract_strided_slice %mul3A_763 {offsets = [11, 0], sizes = [1, 576], strides = [1, 1]} : vector<64x576xf32> to vector<1x576xf32>
    %add3A_809 = arith.addf %add3A_805, %slice3A_808 : vector<1x576xf32>
    %slice3A_810 = vector.extract_strided_slice %mul3A_760 {offsets = [12, 0], sizes = [1, 576], strides = [1, 1]} : vector<64x576xf32> to vector<1x576xf32>
    %add3A_811 = arith.addf %add3A_807, %slice3A_810 : vector<1x576xf32>
    %slice3A_812 = vector.extract_strided_slice %mul3A_763 {offsets = [12, 0], sizes = [1, 576], strides = [1, 1]} : vector<64x576xf32> to vector<1x576xf32>
    %add3A_813 = arith.addf %add3A_809, %slice3A_812 : vector<1x576xf32>
    %slice3A_814 = vector.extract_strided_slice %mul3A_760 {offsets = [13, 0], sizes = [1, 576], strides = [1, 1]} : vector<64x576xf32> to vector<1x576xf32>
    %add3A_815 = arith.addf %add3A_811, %slice3A_814 : vector<1x576xf32>
    %slice3A_816 = vector.extract_strided_slice %mul3A_763 {offsets = [13, 0], sizes = [1, 576], strides = [1, 1]} : vector<64x576xf32> to vector<1x576xf32>
    %add3A_817 = arith.addf %add3A_813, %slice3A_816 : vector<1x576xf32>
    %slice3A_818 = vector.extract_strided_slice %mul3A_760 {offsets = [14, 0], sizes = [1, 576], strides = [1, 1]} : vector<64x576xf32> to vector<1x576xf32>
    %add3A_819 = arith.addf %add3A_815, %slice3A_818 : vector<1x576xf32>
    %slice3A_820 = vector.extract_strided_slice %mul3A_763 {offsets = [14, 0], sizes = [1, 576], strides = [1, 1]} : vector<64x576xf32> to vector<1x576xf32>
    %add3A_821 = arith.addf %add3A_817, %slice3A_820 : vector<1x576xf32>
    %slice3A_822 = vector.extract_strided_slice %mul3A_760 {offsets = [15, 0], sizes = [1, 576], strides = [1, 1]} : vector<64x576xf32> to vector<1x576xf32>
    %add3A_823 = arith.addf %add3A_819, %slice3A_822 : vector<1x576xf32>
    %slice3A_824 = vector.extract_strided_slice %mul3A_763 {offsets = [15, 0], sizes = [1, 576], strides = [1, 1]} : vector<64x576xf32> to vector<1x576xf32>
    %add3A_825 = arith.addf %add3A_821, %slice3A_824 : vector<1x576xf32>
    %slice3A_826 = vector.extract_strided_slice %mul3A_760 {offsets = [16, 0], sizes = [1, 576], strides = [1, 1]} : vector<64x576xf32> to vector<1x576xf32>
    %add3A_827 = arith.addf %add3A_823, %slice3A_826 : vector<1x576xf32>
    %slice3A_828 = vector.extract_strided_slice %mul3A_763 {offsets = [16, 0], sizes = [1, 576], strides = [1, 1]} : vector<64x576xf32> to vector<1x576xf32>
    %add3A_829 = arith.addf %add3A_825, %slice3A_828 : vector<1x576xf32>
    %slice3A_830 = vector.extract_strided_slice %mul3A_760 {offsets = [17, 0], sizes = [1, 576], strides = [1, 1]} : vector<64x576xf32> to vector<1x576xf32>
    %add3A_831 = arith.addf %add3A_827, %slice3A_830 : vector<1x576xf32>
    %slice3A_832 = vector.extract_strided_slice %mul3A_763 {offsets = [17, 0], sizes = [1, 576], strides = [1, 1]} : vector<64x576xf32> to vector<1x576xf32>
    %add3A_833 = arith.addf %add3A_829, %slice3A_832 : vector<1x576xf32>
    %slice3A_834 = vector.extract_strided_slice %mul3A_760 {offsets = [18, 0], sizes = [1, 576], strides = [1, 1]} : vector<64x576xf32> to vector<1x576xf32>
    %add3A_835 = arith.addf %add3A_831, %slice3A_834 : vector<1x576xf32>
    %slice3A_836 = vector.extract_strided_slice %mul3A_763 {offsets = [18, 0], sizes = [1, 576], strides = [1, 1]} : vector<64x576xf32> to vector<1x576xf32>
    %add3A_837 = arith.addf %add3A_833, %slice3A_836 : vector<1x576xf32>
    %slice3A_838 = vector.extract_strided_slice %mul3A_760 {offsets = [19, 0], sizes = [1, 576], strides = [1, 1]} : vector<64x576xf32> to vector<1x576xf32>
    %add3A_839 = arith.addf %add3A_835, %slice3A_838 : vector<1x576xf32>
    %slice3A_840 = vector.extract_strided_slice %mul3A_763 {offsets = [19, 0], sizes = [1, 576], strides = [1, 1]} : vector<64x576xf32> to vector<1x576xf32>
    %add3A_841 = arith.addf %add3A_837, %slice3A_840 : vector<1x576xf32>
    %slice3A_842 = vector.extract_strided_slice %mul3A_760 {offsets = [20, 0], sizes = [1, 576], strides = [1, 1]} : vector<64x576xf32> to vector<1x576xf32>
    %add3A_843 = arith.addf %add3A_839, %slice3A_842 : vector<1x576xf32>
    %slice3A_844 = vector.extract_strided_slice %mul3A_763 {offsets = [20, 0], sizes = [1, 576], strides = [1, 1]} : vector<64x576xf32> to vector<1x576xf32>
    %add3A_845 = arith.addf %add3A_841, %slice3A_844 : vector<1x576xf32>
    %slice3A_846 = vector.extract_strided_slice %mul3A_760 {offsets = [21, 0], sizes = [1, 576], strides = [1, 1]} : vector<64x576xf32> to vector<1x576xf32>
    %add3A_847 = arith.addf %add3A_843, %slice3A_846 : vector<1x576xf32>
    %slice3A_848 = vector.extract_strided_slice %mul3A_763 {offsets = [21, 0], sizes = [1, 576], strides = [1, 1]} : vector<64x576xf32> to vector<1x576xf32>
    %add3A_849 = arith.addf %add3A_845, %slice3A_848 : vector<1x576xf32>
    %slice3A_850 = vector.extract_strided_slice %mul3A_760 {offsets = [22, 0], sizes = [1, 576], strides = [1, 1]} : vector<64x576xf32> to vector<1x576xf32>
    %add3A_851 = arith.addf %add3A_847, %slice3A_850 : vector<1x576xf32>
    %slice3A_852 = vector.extract_strided_slice %mul3A_763 {offsets = [22, 0], sizes = [1, 576], strides = [1, 1]} : vector<64x576xf32> to vector<1x576xf32>
    %add3A_853 = arith.addf %add3A_849, %slice3A_852 : vector<1x576xf32>
    %slice3A_854 = vector.extract_strided_slice %mul3A_760 {offsets = [23, 0], sizes = [1, 576], strides = [1, 1]} : vector<64x576xf32> to vector<1x576xf32>
    %add3A_855 = arith.addf %add3A_851, %slice3A_854 : vector<1x576xf32>
    %slice3A_856 = vector.extract_strided_slice %mul3A_763 {offsets = [23, 0], sizes = [1, 576], strides = [1, 1]} : vector<64x576xf32> to vector<1x576xf32>
    %add3A_857 = arith.addf %add3A_853, %slice3A_856 : vector<1x576xf32>
    %slice3A_858 = vector.extract_strided_slice %mul3A_760 {offsets = [24, 0], sizes = [1, 576], strides = [1, 1]} : vector<64x576xf32> to vector<1x576xf32>
    %add3A_859 = arith.addf %add3A_855, %slice3A_858 : vector<1x576xf32>
    %slice3A_860 = vector.extract_strided_slice %mul3A_763 {offsets = [24, 0], sizes = [1, 576], strides = [1, 1]} : vector<64x576xf32> to vector<1x576xf32>
    %add3A_861 = arith.addf %add3A_857, %slice3A_860 : vector<1x576xf32>
    %slice3A_862 = vector.extract_strided_slice %mul3A_760 {offsets = [25, 0], sizes = [1, 576], strides = [1, 1]} : vector<64x576xf32> to vector<1x576xf32>
    %add3A_863 = arith.addf %add3A_859, %slice3A_862 : vector<1x576xf32>
    %slice3A_864 = vector.extract_strided_slice %mul3A_763 {offsets = [25, 0], sizes = [1, 576], strides = [1, 1]} : vector<64x576xf32> to vector<1x576xf32>
    %add3A_865 = arith.addf %add3A_861, %slice3A_864 : vector<1x576xf32>
    %slice3A_866 = vector.extract_strided_slice %mul3A_760 {offsets = [26, 0], sizes = [1, 576], strides = [1, 1]} : vector<64x576xf32> to vector<1x576xf32>
    %add3A_867 = arith.addf %add3A_863, %slice3A_866 : vector<1x576xf32>
    %slice3A_868 = vector.extract_strided_slice %mul3A_763 {offsets = [26, 0], sizes = [1, 576], strides = [1, 1]} : vector<64x576xf32> to vector<1x576xf32>
    %add3A_869 = arith.addf %add3A_865, %slice3A_868 : vector<1x576xf32>
    %slice3A_870 = vector.extract_strided_slice %mul3A_760 {offsets = [27, 0], sizes = [1, 576], strides = [1, 1]} : vector<64x576xf32> to vector<1x576xf32>
    %add3A_871 = arith.addf %add3A_867, %slice3A_870 : vector<1x576xf32>
    %slice3A_872 = vector.extract_strided_slice %mul3A_763 {offsets = [27, 0], sizes = [1, 576], strides = [1, 1]} : vector<64x576xf32> to vector<1x576xf32>
    %add3A_873 = arith.addf %add3A_869, %slice3A_872 : vector<1x576xf32>
    %slice3A_874 = vector.extract_strided_slice %mul3A_760 {offsets = [28, 0], sizes = [1, 576], strides = [1, 1]} : vector<64x576xf32> to vector<1x576xf32>
    %add3A_875 = arith.addf %add3A_871, %slice3A_874 : vector<1x576xf32>
    %slice3A_876 = vector.extract_strided_slice %mul3A_763 {offsets = [28, 0], sizes = [1, 576], strides = [1, 1]} : vector<64x576xf32> to vector<1x576xf32>
    %add3A_877 = arith.addf %add3A_873, %slice3A_876 : vector<1x576xf32>
    %slice3A_878 = vector.extract_strided_slice %mul3A_760 {offsets = [29, 0], sizes = [1, 576], strides = [1, 1]} : vector<64x576xf32> to vector<1x576xf32>
    %add3A_879 = arith.addf %add3A_875, %slice3A_878 : vector<1x576xf32>
    %slice3A_880 = vector.extract_strided_slice %mul3A_763 {offsets = [29, 0], sizes = [1, 576], strides = [1, 1]} : vector<64x576xf32> to vector<1x576xf32>
    %add3A_881 = arith.addf %add3A_877, %slice3A_880 : vector<1x576xf32>
    %slice3A_882 = vector.extract_strided_slice %mul3A_760 {offsets = [30, 0], sizes = [1, 576], strides = [1, 1]} : vector<64x576xf32> to vector<1x576xf32>
    %add3A_883 = arith.addf %add3A_879, %slice3A_882 : vector<1x576xf32>
    %slice3A_884 = vector.extract_strided_slice %mul3A_763 {offsets = [30, 0], sizes = [1, 576], strides = [1, 1]} : vector<64x576xf32> to vector<1x576xf32>
    %add3A_885 = arith.addf %add3A_881, %slice3A_884 : vector<1x576xf32>
    %slice3A_886 = vector.extract_strided_slice %mul3A_760 {offsets = [31, 0], sizes = [1, 576], strides = [1, 1]} : vector<64x576xf32> to vector<1x576xf32>
    %add3A_887 = arith.addf %add3A_883, %slice3A_886 : vector<1x576xf32>
    %slice3A_888 = vector.extract_strided_slice %mul3A_763 {offsets = [31, 0], sizes = [1, 576], strides = [1, 1]} : vector<64x576xf32> to vector<1x576xf32>
    %add3A_889 = arith.addf %add3A_885, %slice3A_888 : vector<1x576xf32>
    %slice3A_890 = vector.extract_strided_slice %mul3A_760 {offsets = [32, 0], sizes = [1, 576], strides = [1, 1]} : vector<64x576xf32> to vector<1x576xf32>
    %add3A_891 = arith.addf %add3A_887, %slice3A_890 : vector<1x576xf32>
    %slice3A_892 = vector.extract_strided_slice %mul3A_763 {offsets = [32, 0], sizes = [1, 576], strides = [1, 1]} : vector<64x576xf32> to vector<1x576xf32>
    %add3A_893 = arith.addf %add3A_889, %slice3A_892 : vector<1x576xf32>
    %slice3A_894 = vector.extract_strided_slice %mul3A_760 {offsets = [33, 0], sizes = [1, 576], strides = [1, 1]} : vector<64x576xf32> to vector<1x576xf32>
    %add3A_895 = arith.addf %add3A_891, %slice3A_894 : vector<1x576xf32>
    %slice3A_896 = vector.extract_strided_slice %mul3A_763 {offsets = [33, 0], sizes = [1, 576], strides = [1, 1]} : vector<64x576xf32> to vector<1x576xf32>
    %add3A_897 = arith.addf %add3A_893, %slice3A_896 : vector<1x576xf32>
    %slice3A_898 = vector.extract_strided_slice %mul3A_760 {offsets = [34, 0], sizes = [1, 576], strides = [1, 1]} : vector<64x576xf32> to vector<1x576xf32>
    %add3A_899 = arith.addf %add3A_895, %slice3A_898 : vector<1x576xf32>
    %slice3A_900 = vector.extract_strided_slice %mul3A_763 {offsets = [34, 0], sizes = [1, 576], strides = [1, 1]} : vector<64x576xf32> to vector<1x576xf32>
    %add3A_901 = arith.addf %add3A_897, %slice3A_900 : vector<1x576xf32>
    %slice3A_902 = vector.extract_strided_slice %mul3A_760 {offsets = [35, 0], sizes = [1, 576], strides = [1, 1]} : vector<64x576xf32> to vector<1x576xf32>
    %add3A_903 = arith.addf %add3A_899, %slice3A_902 : vector<1x576xf32>
    %slice3A_904 = vector.extract_strided_slice %mul3A_763 {offsets = [35, 0], sizes = [1, 576], strides = [1, 1]} : vector<64x576xf32> to vector<1x576xf32>
    %add3A_905 = arith.addf %add3A_901, %slice3A_904 : vector<1x576xf32>
    %slice3A_906 = vector.extract_strided_slice %mul3A_760 {offsets = [36, 0], sizes = [1, 576], strides = [1, 1]} : vector<64x576xf32> to vector<1x576xf32>
    %add3A_907 = arith.addf %add3A_903, %slice3A_906 : vector<1x576xf32>
    %slice3A_908 = vector.extract_strided_slice %mul3A_763 {offsets = [36, 0], sizes = [1, 576], strides = [1, 1]} : vector<64x576xf32> to vector<1x576xf32>
    %add3A_909 = arith.addf %add3A_905, %slice3A_908 : vector<1x576xf32>
    %slice3A_910 = vector.extract_strided_slice %mul3A_760 {offsets = [37, 0], sizes = [1, 576], strides = [1, 1]} : vector<64x576xf32> to vector<1x576xf32>
    %add3A_911 = arith.addf %add3A_907, %slice3A_910 : vector<1x576xf32>
    %slice3A_912 = vector.extract_strided_slice %mul3A_763 {offsets = [37, 0], sizes = [1, 576], strides = [1, 1]} : vector<64x576xf32> to vector<1x576xf32>
    %add3A_913 = arith.addf %add3A_909, %slice3A_912 : vector<1x576xf32>
    %slice3A_914 = vector.extract_strided_slice %mul3A_760 {offsets = [38, 0], sizes = [1, 576], strides = [1, 1]} : vector<64x576xf32> to vector<1x576xf32>
    %add3A_915 = arith.addf %add3A_911, %slice3A_914 : vector<1x576xf32>
    %slice3A_916 = vector.extract_strided_slice %mul3A_763 {offsets = [38, 0], sizes = [1, 576], strides = [1, 1]} : vector<64x576xf32> to vector<1x576xf32>
    %add3A_917 = arith.addf %add3A_913, %slice3A_916 : vector<1x576xf32>
    %slice3A_918 = vector.extract_strided_slice %mul3A_760 {offsets = [39, 0], sizes = [1, 576], strides = [1, 1]} : vector<64x576xf32> to vector<1x576xf32>
    %add3A_919 = arith.addf %add3A_915, %slice3A_918 : vector<1x576xf32>
    %slice3A_920 = vector.extract_strided_slice %mul3A_763 {offsets = [39, 0], sizes = [1, 576], strides = [1, 1]} : vector<64x576xf32> to vector<1x576xf32>
    %add3A_921 = arith.addf %add3A_917, %slice3A_920 : vector<1x576xf32>
    %slice3A_922 = vector.extract_strided_slice %mul3A_760 {offsets = [40, 0], sizes = [1, 576], strides = [1, 1]} : vector<64x576xf32> to vector<1x576xf32>
    %add3A_923 = arith.addf %add3A_919, %slice3A_922 : vector<1x576xf32>
    %slice3A_924 = vector.extract_strided_slice %mul3A_763 {offsets = [40, 0], sizes = [1, 576], strides = [1, 1]} : vector<64x576xf32> to vector<1x576xf32>
    %add3A_925 = arith.addf %add3A_921, %slice3A_924 : vector<1x576xf32>
    %slice3A_926 = vector.extract_strided_slice %mul3A_760 {offsets = [41, 0], sizes = [1, 576], strides = [1, 1]} : vector<64x576xf32> to vector<1x576xf32>
    %add3A_927 = arith.addf %add3A_923, %slice3A_926 : vector<1x576xf32>
    %slice3A_928 = vector.extract_strided_slice %mul3A_763 {offsets = [41, 0], sizes = [1, 576], strides = [1, 1]} : vector<64x576xf32> to vector<1x576xf32>
    %add3A_929 = arith.addf %add3A_925, %slice3A_928 : vector<1x576xf32>
    %slice3A_930 = vector.extract_strided_slice %mul3A_760 {offsets = [42, 0], sizes = [1, 576], strides = [1, 1]} : vector<64x576xf32> to vector<1x576xf32>
    %add3A_931 = arith.addf %add3A_927, %slice3A_930 : vector<1x576xf32>
    %slice3A_932 = vector.extract_strided_slice %mul3A_763 {offsets = [42, 0], sizes = [1, 576], strides = [1, 1]} : vector<64x576xf32> to vector<1x576xf32>
    %add3A_933 = arith.addf %add3A_929, %slice3A_932 : vector<1x576xf32>
    %slice3A_934 = vector.extract_strided_slice %mul3A_760 {offsets = [43, 0], sizes = [1, 576], strides = [1, 1]} : vector<64x576xf32> to vector<1x576xf32>
    %add3A_935 = arith.addf %add3A_931, %slice3A_934 : vector<1x576xf32>
    %slice3A_936 = vector.extract_strided_slice %mul3A_763 {offsets = [43, 0], sizes = [1, 576], strides = [1, 1]} : vector<64x576xf32> to vector<1x576xf32>
    %add3A_937 = arith.addf %add3A_933, %slice3A_936 : vector<1x576xf32>
    %slice3A_938 = vector.extract_strided_slice %mul3A_760 {offsets = [44, 0], sizes = [1, 576], strides = [1, 1]} : vector<64x576xf32> to vector<1x576xf32>
    %add3A_939 = arith.addf %add3A_935, %slice3A_938 : vector<1x576xf32>
    %slice3A_940 = vector.extract_strided_slice %mul3A_763 {offsets = [44, 0], sizes = [1, 576], strides = [1, 1]} : vector<64x576xf32> to vector<1x576xf32>
    %add3A_941 = arith.addf %add3A_937, %slice3A_940 : vector<1x576xf32>
    %slice3A_942 = vector.extract_strided_slice %mul3A_760 {offsets = [45, 0], sizes = [1, 576], strides = [1, 1]} : vector<64x576xf32> to vector<1x576xf32>
    %add3A_943 = arith.addf %add3A_939, %slice3A_942 : vector<1x576xf32>
    %slice3A_944 = vector.extract_strided_slice %mul3A_763 {offsets = [45, 0], sizes = [1, 576], strides = [1, 1]} : vector<64x576xf32> to vector<1x576xf32>
    %add3A_945 = arith.addf %add3A_941, %slice3A_944 : vector<1x576xf32>
    %slice3A_946 = vector.extract_strided_slice %mul3A_760 {offsets = [46, 0], sizes = [1, 576], strides = [1, 1]} : vector<64x576xf32> to vector<1x576xf32>
    %add3A_947 = arith.addf %add3A_943, %slice3A_946 : vector<1x576xf32>
    %slice3A_948 = vector.extract_strided_slice %mul3A_763 {offsets = [46, 0], sizes = [1, 576], strides = [1, 1]} : vector<64x576xf32> to vector<1x576xf32>
    %add3A_949 = arith.addf %add3A_945, %slice3A_948 : vector<1x576xf32>
    %slice3A_950 = vector.extract_strided_slice %mul3A_760 {offsets = [47, 0], sizes = [1, 576], strides = [1, 1]} : vector<64x576xf32> to vector<1x576xf32>
    %add3A_951 = arith.addf %add3A_947, %slice3A_950 : vector<1x576xf32>
    %slice3A_952 = vector.extract_strided_slice %mul3A_763 {offsets = [47, 0], sizes = [1, 576], strides = [1, 1]} : vector<64x576xf32> to vector<1x576xf32>
    %add3A_953 = arith.addf %add3A_949, %slice3A_952 : vector<1x576xf32>
    %slice3A_954 = vector.extract_strided_slice %mul3A_760 {offsets = [48, 0], sizes = [1, 576], strides = [1, 1]} : vector<64x576xf32> to vector<1x576xf32>
    %add3A_955 = arith.addf %add3A_951, %slice3A_954 : vector<1x576xf32>
    %slice3A_956 = vector.extract_strided_slice %mul3A_763 {offsets = [48, 0], sizes = [1, 576], strides = [1, 1]} : vector<64x576xf32> to vector<1x576xf32>
    %add3A_957 = arith.addf %add3A_953, %slice3A_956 : vector<1x576xf32>
    %slice3A_958 = vector.extract_strided_slice %mul3A_760 {offsets = [49, 0], sizes = [1, 576], strides = [1, 1]} : vector<64x576xf32> to vector<1x576xf32>
    %add3A_959 = arith.addf %add3A_955, %slice3A_958 : vector<1x576xf32>
    %slice3A_960 = vector.extract_strided_slice %mul3A_763 {offsets = [49, 0], sizes = [1, 576], strides = [1, 1]} : vector<64x576xf32> to vector<1x576xf32>
    %add3A_961 = arith.addf %add3A_957, %slice3A_960 : vector<1x576xf32>
    %slice3A_962 = vector.extract_strided_slice %mul3A_760 {offsets = [50, 0], sizes = [1, 576], strides = [1, 1]} : vector<64x576xf32> to vector<1x576xf32>
    %add3A_963 = arith.addf %add3A_959, %slice3A_962 : vector<1x576xf32>
    %slice3A_964 = vector.extract_strided_slice %mul3A_763 {offsets = [50, 0], sizes = [1, 576], strides = [1, 1]} : vector<64x576xf32> to vector<1x576xf32>
    %add3A_965 = arith.addf %add3A_961, %slice3A_964 : vector<1x576xf32>
    %slice3A_966 = vector.extract_strided_slice %mul3A_760 {offsets = [51, 0], sizes = [1, 576], strides = [1, 1]} : vector<64x576xf32> to vector<1x576xf32>
    %add3A_967 = arith.addf %add3A_963, %slice3A_966 : vector<1x576xf32>
    %slice3A_968 = vector.extract_strided_slice %mul3A_763 {offsets = [51, 0], sizes = [1, 576], strides = [1, 1]} : vector<64x576xf32> to vector<1x576xf32>
    %add3A_969 = arith.addf %add3A_965, %slice3A_968 : vector<1x576xf32>
    %slice3A_970 = vector.extract_strided_slice %mul3A_760 {offsets = [52, 0], sizes = [1, 576], strides = [1, 1]} : vector<64x576xf32> to vector<1x576xf32>
    %add3A_971 = arith.addf %add3A_967, %slice3A_970 : vector<1x576xf32>
    %slice3A_972 = vector.extract_strided_slice %mul3A_763 {offsets = [52, 0], sizes = [1, 576], strides = [1, 1]} : vector<64x576xf32> to vector<1x576xf32>
    %add3A_973 = arith.addf %add3A_969, %slice3A_972 : vector<1x576xf32>
    %slice3A_974 = vector.extract_strided_slice %mul3A_760 {offsets = [53, 0], sizes = [1, 576], strides = [1, 1]} : vector<64x576xf32> to vector<1x576xf32>
    %add3A_975 = arith.addf %add3A_971, %slice3A_974 : vector<1x576xf32>
    %slice3A_976 = vector.extract_strided_slice %mul3A_763 {offsets = [53, 0], sizes = [1, 576], strides = [1, 1]} : vector<64x576xf32> to vector<1x576xf32>
    %add3A_977 = arith.addf %add3A_973, %slice3A_976 : vector<1x576xf32>
    %slice3A_978 = vector.extract_strided_slice %mul3A_760 {offsets = [54, 0], sizes = [1, 576], strides = [1, 1]} : vector<64x576xf32> to vector<1x576xf32>
    %add3A_979 = arith.addf %add3A_975, %slice3A_978 : vector<1x576xf32>
    %slice3A_980 = vector.extract_strided_slice %mul3A_763 {offsets = [54, 0], sizes = [1, 576], strides = [1, 1]} : vector<64x576xf32> to vector<1x576xf32>
    %add3A_981 = arith.addf %add3A_977, %slice3A_980 : vector<1x576xf32>
    %slice3A_982 = vector.extract_strided_slice %mul3A_760 {offsets = [55, 0], sizes = [1, 576], strides = [1, 1]} : vector<64x576xf32> to vector<1x576xf32>
    %add3A_983 = arith.addf %add3A_979, %slice3A_982 : vector<1x576xf32>
    %slice3A_984 = vector.extract_strided_slice %mul3A_763 {offsets = [55, 0], sizes = [1, 576], strides = [1, 1]} : vector<64x576xf32> to vector<1x576xf32>
    %add3A_985 = arith.addf %add3A_981, %slice3A_984 : vector<1x576xf32>
    %slice3A_986 = vector.extract_strided_slice %mul3A_760 {offsets = [56, 0], sizes = [1, 576], strides = [1, 1]} : vector<64x576xf32> to vector<1x576xf32>
    %add3A_987 = arith.addf %add3A_983, %slice3A_986 : vector<1x576xf32>
    %slice3A_988 = vector.extract_strided_slice %mul3A_763 {offsets = [56, 0], sizes = [1, 576], strides = [1, 1]} : vector<64x576xf32> to vector<1x576xf32>
    %add3A_989 = arith.addf %add3A_985, %slice3A_988 : vector<1x576xf32>
    %slice3A_990 = vector.extract_strided_slice %mul3A_760 {offsets = [57, 0], sizes = [1, 576], strides = [1, 1]} : vector<64x576xf32> to vector<1x576xf32>
    %add3A_991 = arith.addf %add3A_987, %slice3A_990 : vector<1x576xf32>
    %slice3A_992 = vector.extract_strided_slice %mul3A_763 {offsets = [57, 0], sizes = [1, 576], strides = [1, 1]} : vector<64x576xf32> to vector<1x576xf32>
    %add3A_993 = arith.addf %add3A_989, %slice3A_992 : vector<1x576xf32>
    %slice3A_994 = vector.extract_strided_slice %mul3A_760 {offsets = [58, 0], sizes = [1, 576], strides = [1, 1]} : vector<64x576xf32> to vector<1x576xf32>
    %add3A_995 = arith.addf %add3A_991, %slice3A_994 : vector<1x576xf32>
    %slice3A_996 = vector.extract_strided_slice %mul3A_763 {offsets = [58, 0], sizes = [1, 576], strides = [1, 1]} : vector<64x576xf32> to vector<1x576xf32>
    %add3A_997 = arith.addf %add3A_993, %slice3A_996 : vector<1x576xf32>
    %slice3A_998 = vector.extract_strided_slice %mul3A_760 {offsets = [59, 0], sizes = [1, 576], strides = [1, 1]} : vector<64x576xf32> to vector<1x576xf32>
    %add3A_999 = arith.addf %add3A_995, %slice3A_998 : vector<1x576xf32>
    %slice3A_1000 = vector.extract_strided_slice %mul3A_763 {offsets = [59, 0], sizes = [1, 576], strides = [1, 1]} : vector<64x576xf32> to vector<1x576xf32>
    %add3A_1001 = arith.addf %add3A_997, %slice3A_1000 : vector<1x576xf32>
    %slice3A_1002 = vector.extract_strided_slice %mul3A_760 {offsets = [60, 0], sizes = [1, 576], strides = [1, 1]} : vector<64x576xf32> to vector<1x576xf32>
    %add3A_1003 = arith.addf %add3A_999, %slice3A_1002 : vector<1x576xf32>
    %slice3A_1004 = vector.extract_strided_slice %mul3A_763 {offsets = [60, 0], sizes = [1, 576], strides = [1, 1]} : vector<64x576xf32> to vector<1x576xf32>
    %add3A_1005 = arith.addf %add3A_1001, %slice3A_1004 : vector<1x576xf32>
    %slice3A_1006 = vector.extract_strided_slice %mul3A_760 {offsets = [61, 0], sizes = [1, 576], strides = [1, 1]} : vector<64x576xf32> to vector<1x576xf32>
    %add3A_1007 = arith.addf %add3A_1003, %slice3A_1006 : vector<1x576xf32>
    %slice3A_1008 = vector.extract_strided_slice %mul3A_763 {offsets = [61, 0], sizes = [1, 576], strides = [1, 1]} : vector<64x576xf32> to vector<1x576xf32>
    %add3A_1009 = arith.addf %add3A_1005, %slice3A_1008 : vector<1x576xf32>
    %slice3A_1010 = vector.extract_strided_slice %mul3A_760 {offsets = [62, 0], sizes = [1, 576], strides = [1, 1]} : vector<64x576xf32> to vector<1x576xf32>
    %add3A_1011 = arith.addf %add3A_1007, %slice3A_1010 : vector<1x576xf32>
    %slice3A_1012 = vector.extract_strided_slice %mul3A_763 {offsets = [62, 0], sizes = [1, 576], strides = [1, 1]} : vector<64x576xf32> to vector<1x576xf32>
    %add3A_1013 = arith.addf %add3A_1009, %slice3A_1012 : vector<1x576xf32>
    %slice3A_1014 = vector.extract_strided_slice %mul3A_760 {offsets = [63, 0], sizes = [1, 576], strides = [1, 1]} : vector<64x576xf32> to vector<1x576xf32>
    %add3A_1015 = arith.addf %add3A_1011, %slice3A_1014 : vector<1x576xf32>
    %slice3A_1016 = vector.extract_strided_slice %mul3A_763 {offsets = [63, 0], sizes = [1, 576], strides = [1, 1]} : vector<64x576xf32> to vector<1x576xf32>
    %add3A_1017 = arith.addf %add3A_1013, %slice3A_1016 : vector<1x576xf32>
    %sqrt3A_1018 = math.sqrt %add3A_1017 : vector<1x576xf32>
    %sqrt3A_1019 = math.sqrt %add3A_1015 : vector<1x576xf32>
    %lt3A_1020 = arith.cmpf olt, %sqrt3A_1018, %sqrt3A_1019 : vector<1x576xf32>
    %broadcast_in_dim3A_1021 = vector.shape_cast %max3A_731 : vector<576xi32> to vector<1x576xi32>
    %broadcast_in_dim3A_1022 = vector.shape_cast %min3A_730 : vector<576xi32> to vector<1x576xi32>
    %select_n3A_1023 = arith.select %lt3A_1020, %broadcast_in_dim3A_1021, %broadcast_in_dim3A_1022 : vector<1x576xi1>, vector<1x576xi32>
    %squeeze3A_1024 = vector.shape_cast %select_n3A_1023 : vector<1x576xi32> to vector<576xi32>
    %swap3A_1025 = arith.constant 2 : index
    %swap3A_1026 = arith.constant 0 : index
    %swap3A_1027 = vector.load %arg2[%swap3A_1025, %swap3A_1026] : memref<8x576xi32, #tpu.memory_space<vmem>>, vector<1x576xi32>
    %swap3A_1028 = vector.shape_cast %swap3A_1027 : vector<1x576xi32> to vector<576xi32>
    %swap3A_1029 = vector.shape_cast %squeeze3A_1024 : vector<576xi32> to vector<1x576xi32>
    tpu.vector_store %arg2[%swap3A_1025, %swap3A_1026], %swap3A_1029 {strides = array<i32>} : memref<8x576xi32, #tpu.memory_space<vmem>>, vector<1x576xi32>,
    %get3A_1030 = arith.constant 3 : index
    %get3A_1031 = arith.constant 0 : index
    %get3A_1032 = arith.constant 0 : index
    %get3A_1033 = vector.load %arg0[%get3A_1030, %get3A_1031, %get3A_1032] : memref<8x64x576xf32, #tpu.memory_space<vmem>>, vector<1x64x576xf32>
    %get3A_1034 = vector.shape_cast %get3A_1033 : vector<1x64x576xf32> to vector<64x576xf32>
    %mul3A_1035 = arith.mulf %get3A_1034, %get3A_1034 : vector<64x576xf32>
    %reduce_sum3A_1036 = arith.constant dense<0.000000e+00> : vector<576xf32>
    %reduce_sum3A_1037 = vector.multi_reduction <add>, %mul3A_1035, %reduce_sum3A_1036 [0] : vector<64x576xf32> to vector<576xf32>
    %broadcast_in_dim3A_1038 = vector.shape_cast %reduce_sum3A_1037 : vector<576xf32> to vector<1x576xf32>
    %broadcast_in_dim3A_1039 = arith.constant 1.000000e+00 : f32
    %broadcast_in_dim3A_1040 = vector.broadcast %broadcast_in_dim3A_1039 : f32 to vector<1x576xf32>
    %broadcast_in_dim3A_1041 = arith.constant 0.000000e+00 : f32
    %broadcast_in_dim3A_1042 = vector.broadcast %broadcast_in_dim3A_1041 : f32 to vector<6x576xf32>
    %concatenate3A_1043 = tpu.concatenate %get3A_1034, %broadcast_in_dim3A_1038, %broadcast_in_dim3A_1040, %broadcast_in_dim3A_1042 in 0 : vector<64x576xf32>, vector<1x576xf32>, vector<1x576xf32>, vector<6x576xf32> -> vector<72x576xf32>
    %dot_general3A_1044 = arith.constant dense<0.000000e+00> : vector<512x576xf32>
    %dot_general3A_1045 = tpu.matmul %concatenate3A, %concatenate3A_1043, %dot_general3A_1044 {dimension_numbers = #tpu.dot_dimension_numbers<[0], [0], [1], [1], [0, 1, 1, 1], [], []>, precision = #tpu.contract_precision<fp32>, transpose_lhs_hint = true} : vector<72x512xf32>, vector<72x576xf32>, vector<512x576xf32> -> vector<512x576xf32>
    %iota3A_1046 = tpu.iota {dimensions = array<i32: 0>} : vector<512x576xi32>
    %reduce_min3A_1047 = arith.constant dense<0x7F800000> : vector<576xf32>
    %reduce_min3A_1048 = vector.multi_reduction <minimumf>, %dot_general3A_1045, %reduce_min3A_1047 [0] : vector<512x576xf32> to vector<576xf32>
    %broadcast_in_dim3A_1049 = vector.shape_cast %reduce_min3A_1048 : vector<576xf32> to vector<1x576xf32>
    %eq3A_1050 = vector.broadcast %broadcast_in_dim3A_1049 : vector<1x576xf32> to vector<512x576xf32>
    %eq3A_1051 = arith.cmpf oeq, %dot_general3A_1045, %eq3A_1050 : vector<512x576xf32>
    %jit3A_1052 = arith.constant 512 : i32
    %broadcast_in_dim3A_1053 = vector.broadcast %jit3A_1052 : i32 to vector<512x576xi32>
    %select_n3A_1054 = arith.select %eq3A_1051, %iota3A_1046, %broadcast_in_dim3A_1053 : vector<512x576xi1>, vector<512x576xi32>
    %reduce_min3A_1055 = arith.constant dense<2147483647> : vector<576xi32>
    %reduce_min3A_1056 = vector.multi_reduction <minsi>, %select_n3A_1054, %reduce_min3A_1055 [0] : vector<512x576xi32> to vector<576xi32>
    %broadcast_in_dim3A_1057 = vector.shape_cast %reduce_min3A_1056 : vector<576xi32> to vector<1x576xi32>
    %eq3A_1058 = vector.broadcast %broadcast_in_dim3A_1057 : vector<1x576xi32> to vector<512x576xi32>
    %eq3A_1059 = arith.cmpi eq, %iota3A_1046, %eq3A_1058 : vector<512x576xi32>
    %jit3A_1060 = arith.constant 0x7F800000 : f32
    %broadcast_in_dim3A_1061 = vector.broadcast %jit3A_1060 : f32 to vector<512x576xf32>
    %select_n3A_1062 = arith.select %eq3A_1059, %broadcast_in_dim3A_1061, %dot_general3A_1045 : vector<512x576xi1>, vector<512x576xf32>
    %reduce_min3A_1063 = arith.constant dense<0x7F800000> : vector<576xf32>
    %reduce_min3A_1064 = vector.multi_reduction <minimumf>, %select_n3A_1062, %reduce_min3A_1063 [0] : vector<512x576xf32> to vector<576xf32>
    %broadcast_in_dim3A_1065 = vector.shape_cast %reduce_min3A_1064 : vector<576xf32> to vector<1x576xf32>
    %eq3A_1066 = vector.broadcast %broadcast_in_dim3A_1065 : vector<1x576xf32> to vector<512x576xf32>
    %eq3A_1067 = arith.cmpf oeq, %select_n3A_1062, %eq3A_1066 : vector<512x576xf32>
    %jit3A_1068 = arith.constant 512 : i32
    %broadcast_in_dim3A_1069 = vector.broadcast %jit3A_1068 : i32 to vector<512x576xi32>
    %select_n3A_1070 = arith.select %eq3A_1067, %iota3A_1046, %broadcast_in_dim3A_1069 : vector<512x576xi1>, vector<512x576xi32>
    %reduce_min3A_1071 = arith.constant dense<2147483647> : vector<576xi32>
    %reduce_min3A_1072 = vector.multi_reduction <minsi>, %select_n3A_1070, %reduce_min3A_1071 [0] : vector<512x576xi32> to vector<576xi32>
    %min3A_1073 = arith.minsi %reduce_min3A_1056, %reduce_min3A_1072 : vector<576xi32>
    %max3A_1074 = arith.maxsi %reduce_min3A_1056, %reduce_min3A_1072 : vector<576xi32>
    %broadcast_in_dim3A_1075 = vector.shape_cast %min3A_1073 : vector<576xi32> to vector<1x576xi32>
    %eq3A_1076 = vector.broadcast %broadcast_in_dim3A_1075 : vector<1x576xi32> to vector<512x576xi32>
    %eq3A_1077 = arith.cmpi eq, %iota3A_1046, %eq3A_1076 : vector<512x576xi32>
    %convert_element_type3A_1078 = arith.extui %eq3A_1077 : vector<512x576xi1> to vector<512x576xi32>
    %convert_element_type3A_1079 = arith.sitofp %convert_element_type3A_1078 : vector<512x576xi32> to vector<512x576xf32>
    %broadcast_in_dim3A_1080 = vector.shape_cast %max3A_1074 : vector<576xi32> to vector<1x576xi32>
    %eq3A_1081 = vector.broadcast %broadcast_in_dim3A_1080 : vector<1x576xi32> to vector<512x576xi32>
    %eq3A_1082 = arith.cmpi eq, %iota3A_1046, %eq3A_1081 : vector<512x576xi32>
    %convert_element_type3A_1083 = arith.extui %eq3A_1082 : vector<512x576xi1> to vector<512x576xi32>
    %convert_element_type3A_1084 = arith.sitofp %convert_element_type3A_1083 : vector<512x576xi32> to vector<512x576xf32>
    %dot_general3A_1085 = arith.constant dense<0.000000e+00> : vector<64x576xf32>
    %dot_general3A_1086 = tpu.matmul %convert_element_type3A_2, %convert_element_type3A_1079, %dot_general3A_1085 {dimension_numbers = #tpu.dot_dimension_numbers<[1], [0], [0], [1], [0, 0, 1, 1], [], []>, transpose_lhs_hint = false} : vector<64x512xf32>, vector<512x576xf32>, vector<64x576xf32> -> vector<64x576xf32>
    %dot_general3A_1087 = arith.constant dense<0.000000e+00> : vector<64x576xf32>
    %dot_general3A_1088 = tpu.matmul %convert_element_type3A_4, %convert_element_type3A_1079, %dot_general3A_1087 {dimension_numbers = #tpu.dot_dimension_numbers<[1], [0], [0], [1], [0, 0, 1, 1], [], []>, transpose_lhs_hint = false} : vector<64x512xf32>, vector<512x576xf32>, vector<64x576xf32> -> vector<64x576xf32>
    %dot_general3A_1089 = arith.constant dense<0.000000e+00> : vector<64x576xf32>
    %dot_general3A_1090 = tpu.matmul %sub3A_6, %convert_element_type3A_1079, %dot_general3A_1089 {dimension_numbers = #tpu.dot_dimension_numbers<[1], [0], [0], [1], [0, 0, 1, 1], [], []>, transpose_lhs_hint = false} : vector<64x512xf32>, vector<512x576xf32>, vector<64x576xf32> -> vector<64x576xf32>
    %add3A_1091 = arith.addf %dot_general3A_1086, %dot_general3A_1088 : vector<64x576xf32>
    %add3A_1092 = arith.addf %add3A_1091, %dot_general3A_1090 : vector<64x576xf32>
    %dot_general3A_1093 = arith.constant dense<0.000000e+00> : vector<64x576xf32>
    %dot_general3A_1094 = tpu.matmul %convert_element_type3A_2, %convert_element_type3A_1084, %dot_general3A_1093 {dimension_numbers = #tpu.dot_dimension_numbers<[1], [0], [0], [1], [0, 0, 1, 1], [], []>, transpose_lhs_hint = false} : vector<64x512xf32>, vector<512x576xf32>, vector<64x576xf32> -> vector<64x576xf32>
    %dot_general3A_1095 = arith.constant dense<0.000000e+00> : vector<64x576xf32>
    %dot_general3A_1096 = tpu.matmul %convert_element_type3A_4, %convert_element_type3A_1084, %dot_general3A_1095 {dimension_numbers = #tpu.dot_dimension_numbers<[1], [0], [0], [1], [0, 0, 1, 1], [], []>, transpose_lhs_hint = false} : vector<64x512xf32>, vector<512x576xf32>, vector<64x576xf32> -> vector<64x576xf32>
    %dot_general3A_1097 = arith.constant dense<0.000000e+00> : vector<64x576xf32>
    %dot_general3A_1098 = tpu.matmul %sub3A_6, %convert_element_type3A_1084, %dot_general3A_1097 {dimension_numbers = #tpu.dot_dimension_numbers<[1], [0], [0], [1], [0, 0, 1, 1], [], []>, transpose_lhs_hint = false} : vector<64x512xf32>, vector<512x576xf32>, vector<64x576xf32> -> vector<64x576xf32>
    %add3A_1099 = arith.addf %dot_general3A_1094, %dot_general3A_1096 : vector<64x576xf32>
    %add3A_1100 = arith.addf %add3A_1099, %dot_general3A_1098 : vector<64x576xf32>
    %sub3A_1101 = arith.subf %get3A_1034, %add3A_1092 : vector<64x576xf32>
    %sub3A_1102 = arith.subf %get3A_1034, %add3A_1092 : vector<64x576xf32>
    %mul3A_1103 = arith.mulf %sub3A_1101, %sub3A_1102 : vector<64x576xf32>
    %sub3A_1104 = arith.subf %get3A_1034, %add3A_1100 : vector<64x576xf32>
    %sub3A_1105 = arith.subf %get3A_1034, %add3A_1100 : vector<64x576xf32>
    %mul3A_1106 = arith.mulf %sub3A_1104, %sub3A_1105 : vector<64x576xf32>
    %slice3A_1107 = vector.extract_strided_slice %mul3A_1103 {offsets = [0, 0], sizes = [1, 576], strides = [1, 1]} : vector<64x576xf32> to vector<1x576xf32>
    %slice3A_1108 = vector.extract_strided_slice %mul3A_1106 {offsets = [0, 0], sizes = [1, 576], strides = [1, 1]} : vector<64x576xf32> to vector<1x576xf32>
    %slice3A_1109 = vector.extract_strided_slice %mul3A_1103 {offsets = [1, 0], sizes = [1, 576], strides = [1, 1]} : vector<64x576xf32> to vector<1x576xf32>
    %add3A_1110 = arith.addf %slice3A_1107, %slice3A_1109 : vector<1x576xf32>
    %slice3A_1111 = vector.extract_strided_slice %mul3A_1106 {offsets = [1, 0], sizes = [1, 576], strides = [1, 1]} : vector<64x576xf32> to vector<1x576xf32>
    %add3A_1112 = arith.addf %slice3A_1108, %slice3A_1111 : vector<1x576xf32>
    %slice3A_1113 = vector.extract_strided_slice %mul3A_1103 {offsets = [2, 0], sizes = [1, 576], strides = [1, 1]} : vector<64x576xf32> to vector<1x576xf32>
    %add3A_1114 = arith.addf %add3A_1110, %slice3A_1113 : vector<1x576xf32>
    %slice3A_1115 = vector.extract_strided_slice %mul3A_1106 {offsets = [2, 0], sizes = [1, 576], strides = [1, 1]} : vector<64x576xf32> to vector<1x576xf32>
    %add3A_1116 = arith.addf %add3A_1112, %slice3A_1115 : vector<1x576xf32>
    %slice3A_1117 = vector.extract_strided_slice %mul3A_1103 {offsets = [3, 0], sizes = [1, 576], strides = [1, 1]} : vector<64x576xf32> to vector<1x576xf32>
    %add3A_1118 = arith.addf %add3A_1114, %slice3A_1117 : vector<1x576xf32>
    %slice3A_1119 = vector.extract_strided_slice %mul3A_1106 {offsets = [3, 0], sizes = [1, 576], strides = [1, 1]} : vector<64x576xf32> to vector<1x576xf32>
    %add3A_1120 = arith.addf %add3A_1116, %slice3A_1119 : vector<1x576xf32>
    %slice3A_1121 = vector.extract_strided_slice %mul3A_1103 {offsets = [4, 0], sizes = [1, 576], strides = [1, 1]} : vector<64x576xf32> to vector<1x576xf32>
    %add3A_1122 = arith.addf %add3A_1118, %slice3A_1121 : vector<1x576xf32>
    %slice3A_1123 = vector.extract_strided_slice %mul3A_1106 {offsets = [4, 0], sizes = [1, 576], strides = [1, 1]} : vector<64x576xf32> to vector<1x576xf32>
    %add3A_1124 = arith.addf %add3A_1120, %slice3A_1123 : vector<1x576xf32>
    %slice3A_1125 = vector.extract_strided_slice %mul3A_1103 {offsets = [5, 0], sizes = [1, 576], strides = [1, 1]} : vector<64x576xf32> to vector<1x576xf32>
    %add3A_1126 = arith.addf %add3A_1122, %slice3A_1125 : vector<1x576xf32>
    %slice3A_1127 = vector.extract_strided_slice %mul3A_1106 {offsets = [5, 0], sizes = [1, 576], strides = [1, 1]} : vector<64x576xf32> to vector<1x576xf32>
    %add3A_1128 = arith.addf %add3A_1124, %slice3A_1127 : vector<1x576xf32>
    %slice3A_1129 = vector.extract_strided_slice %mul3A_1103 {offsets = [6, 0], sizes = [1, 576], strides = [1, 1]} : vector<64x576xf32> to vector<1x576xf32>
    %add3A_1130 = arith.addf %add3A_1126, %slice3A_1129 : vector<1x576xf32>
    %slice3A_1131 = vector.extract_strided_slice %mul3A_1106 {offsets = [6, 0], sizes = [1, 576], strides = [1, 1]} : vector<64x576xf32> to vector<1x576xf32>
    %add3A_1132 = arith.addf %add3A_1128, %slice3A_1131 : vector<1x576xf32>
    %slice3A_1133 = vector.extract_strided_slice %mul3A_1103 {offsets = [7, 0], sizes = [1, 576], strides = [1, 1]} : vector<64x576xf32> to vector<1x576xf32>
    %add3A_1134 = arith.addf %add3A_1130, %slice3A_1133 : vector<1x576xf32>
    %slice3A_1135 = vector.extract_strided_slice %mul3A_1106 {offsets = [7, 0], sizes = [1, 576], strides = [1, 1]} : vector<64x576xf32> to vector<1x576xf32>
    %add3A_1136 = arith.addf %add3A_1132, %slice3A_1135 : vector<1x576xf32>
    %slice3A_1137 = vector.extract_strided_slice %mul3A_1103 {offsets = [8, 0], sizes = [1, 576], strides = [1, 1]} : vector<64x576xf32> to vector<1x576xf32>
    %add3A_1138 = arith.addf %add3A_1134, %slice3A_1137 : vector<1x576xf32>
    %slice3A_1139 = vector.extract_strided_slice %mul3A_1106 {offsets = [8, 0], sizes = [1, 576], strides = [1, 1]} : vector<64x576xf32> to vector<1x576xf32>
    %add3A_1140 = arith.addf %add3A_1136, %slice3A_1139 : vector<1x576xf32>
    %slice3A_1141 = vector.extract_strided_slice %mul3A_1103 {offsets = [9, 0], sizes = [1, 576], strides = [1, 1]} : vector<64x576xf32> to vector<1x576xf32>
    %add3A_1142 = arith.addf %add3A_1138, %slice3A_1141 : vector<1x576xf32>
    %slice3A_1143 = vector.extract_strided_slice %mul3A_1106 {offsets = [9, 0], sizes = [1, 576], strides = [1, 1]} : vector<64x576xf32> to vector<1x576xf32>
    %add3A_1144 = arith.addf %add3A_1140, %slice3A_1143 : vector<1x576xf32>
    %slice3A_1145 = vector.extract_strided_slice %mul3A_1103 {offsets = [10, 0], sizes = [1, 576], strides = [1, 1]} : vector<64x576xf32> to vector<1x576xf32>
    %add3A_1146 = arith.addf %add3A_1142, %slice3A_1145 : vector<1x576xf32>
    %slice3A_1147 = vector.extract_strided_slice %mul3A_1106 {offsets = [10, 0], sizes = [1, 576], strides = [1, 1]} : vector<64x576xf32> to vector<1x576xf32>
    %add3A_1148 = arith.addf %add3A_1144, %slice3A_1147 : vector<1x576xf32>
    %slice3A_1149 = vector.extract_strided_slice %mul3A_1103 {offsets = [11, 0], sizes = [1, 576], strides = [1, 1]} : vector<64x576xf32> to vector<1x576xf32>
    %add3A_1150 = arith.addf %add3A_1146, %slice3A_1149 : vector<1x576xf32>
    %slice3A_1151 = vector.extract_strided_slice %mul3A_1106 {offsets = [11, 0], sizes = [1, 576], strides = [1, 1]} : vector<64x576xf32> to vector<1x576xf32>
    %add3A_1152 = arith.addf %add3A_1148, %slice3A_1151 : vector<1x576xf32>
    %slice3A_1153 = vector.extract_strided_slice %mul3A_1103 {offsets = [12, 0], sizes = [1, 576], strides = [1, 1]} : vector<64x576xf32> to vector<1x576xf32>
    %add3A_1154 = arith.addf %add3A_1150, %slice3A_1153 : vector<1x576xf32>
    %slice3A_1155 = vector.extract_strided_slice %mul3A_1106 {offsets = [12, 0], sizes = [1, 576], strides = [1, 1]} : vector<64x576xf32> to vector<1x576xf32>
    %add3A_1156 = arith.addf %add3A_1152, %slice3A_1155 : vector<1x576xf32>
    %slice3A_1157 = vector.extract_strided_slice %mul3A_1103 {offsets = [13, 0], sizes = [1, 576], strides = [1, 1]} : vector<64x576xf32> to vector<1x576xf32>
    %add3A_1158 = arith.addf %add3A_1154, %slice3A_1157 : vector<1x576xf32>
    %slice3A_1159 = vector.extract_strided_slice %mul3A_1106 {offsets = [13, 0], sizes = [1, 576], strides = [1, 1]} : vector<64x576xf32> to vector<1x576xf32>
    %add3A_1160 = arith.addf %add3A_1156, %slice3A_1159 : vector<1x576xf32>
    %slice3A_1161 = vector.extract_strided_slice %mul3A_1103 {offsets = [14, 0], sizes = [1, 576], strides = [1, 1]} : vector<64x576xf32> to vector<1x576xf32>
    %add3A_1162 = arith.addf %add3A_1158, %slice3A_1161 : vector<1x576xf32>
    %slice3A_1163 = vector.extract_strided_slice %mul3A_1106 {offsets = [14, 0], sizes = [1, 576], strides = [1, 1]} : vector<64x576xf32> to vector<1x576xf32>
    %add3A_1164 = arith.addf %add3A_1160, %slice3A_1163 : vector<1x576xf32>
    %slice3A_1165 = vector.extract_strided_slice %mul3A_1103 {offsets = [15, 0], sizes = [1, 576], strides = [1, 1]} : vector<64x576xf32> to vector<1x576xf32>
    %add3A_1166 = arith.addf %add3A_1162, %slice3A_1165 : vector<1x576xf32>
    %slice3A_1167 = vector.extract_strided_slice %mul3A_1106 {offsets = [15, 0], sizes = [1, 576], strides = [1, 1]} : vector<64x576xf32> to vector<1x576xf32>
    %add3A_1168 = arith.addf %add3A_1164, %slice3A_1167 : vector<1x576xf32>
    %slice3A_1169 = vector.extract_strided_slice %mul3A_1103 {offsets = [16, 0], sizes = [1, 576], strides = [1, 1]} : vector<64x576xf32> to vector<1x576xf32>
    %add3A_1170 = arith.addf %add3A_1166, %slice3A_1169 : vector<1x576xf32>
    %slice3A_1171 = vector.extract_strided_slice %mul3A_1106 {offsets = [16, 0], sizes = [1, 576], strides = [1, 1]} : vector<64x576xf32> to vector<1x576xf32>
    %add3A_1172 = arith.addf %add3A_1168, %slice3A_1171 : vector<1x576xf32>
    %slice3A_1173 = vector.extract_strided_slice %mul3A_1103 {offsets = [17, 0], sizes = [1, 576], strides = [1, 1]} : vector<64x576xf32> to vector<1x576xf32>
    %add3A_1174 = arith.addf %add3A_1170, %slice3A_1173 : vector<1x576xf32>
    %slice3A_1175 = vector.extract_strided_slice %mul3A_1106 {offsets = [17, 0], sizes = [1, 576], strides = [1, 1]} : vector<64x576xf32> to vector<1x576xf32>
    %add3A_1176 = arith.addf %add3A_1172, %slice3A_1175 : vector<1x576xf32>
    %slice3A_1177 = vector.extract_strided_slice %mul3A_1103 {offsets = [18, 0], sizes = [1, 576], strides = [1, 1]} : vector<64x576xf32> to vector<1x576xf32>
    %add3A_1178 = arith.addf %add3A_1174, %slice3A_1177 : vector<1x576xf32>
    %slice3A_1179 = vector.extract_strided_slice %mul3A_1106 {offsets = [18, 0], sizes = [1, 576], strides = [1, 1]} : vector<64x576xf32> to vector<1x576xf32>
    %add3A_1180 = arith.addf %add3A_1176, %slice3A_1179 : vector<1x576xf32>
    %slice3A_1181 = vector.extract_strided_slice %mul3A_1103 {offsets = [19, 0], sizes = [1, 576], strides = [1, 1]} : vector<64x576xf32> to vector<1x576xf32>
    %add3A_1182 = arith.addf %add3A_1178, %slice3A_1181 : vector<1x576xf32>
    %slice3A_1183 = vector.extract_strided_slice %mul3A_1106 {offsets = [19, 0], sizes = [1, 576], strides = [1, 1]} : vector<64x576xf32> to vector<1x576xf32>
    %add3A_1184 = arith.addf %add3A_1180, %slice3A_1183 : vector<1x576xf32>
    %slice3A_1185 = vector.extract_strided_slice %mul3A_1103 {offsets = [20, 0], sizes = [1, 576], strides = [1, 1]} : vector<64x576xf32> to vector<1x576xf32>
    %add3A_1186 = arith.addf %add3A_1182, %slice3A_1185 : vector<1x576xf32>
    %slice3A_1187 = vector.extract_strided_slice %mul3A_1106 {offsets = [20, 0], sizes = [1, 576], strides = [1, 1]} : vector<64x576xf32> to vector<1x576xf32>
    %add3A_1188 = arith.addf %add3A_1184, %slice3A_1187 : vector<1x576xf32>
    %slice3A_1189 = vector.extract_strided_slice %mul3A_1103 {offsets = [21, 0], sizes = [1, 576], strides = [1, 1]} : vector<64x576xf32> to vector<1x576xf32>
    %add3A_1190 = arith.addf %add3A_1186, %slice3A_1189 : vector<1x576xf32>
    %slice3A_1191 = vector.extract_strided_slice %mul3A_1106 {offsets = [21, 0], sizes = [1, 576], strides = [1, 1]} : vector<64x576xf32> to vector<1x576xf32>
    %add3A_1192 = arith.addf %add3A_1188, %slice3A_1191 : vector<1x576xf32>
    %slice3A_1193 = vector.extract_strided_slice %mul3A_1103 {offsets = [22, 0], sizes = [1, 576], strides = [1, 1]} : vector<64x576xf32> to vector<1x576xf32>
    %add3A_1194 = arith.addf %add3A_1190, %slice3A_1193 : vector<1x576xf32>
    %slice3A_1195 = vector.extract_strided_slice %mul3A_1106 {offsets = [22, 0], sizes = [1, 576], strides = [1, 1]} : vector<64x576xf32> to vector<1x576xf32>
    %add3A_1196 = arith.addf %add3A_1192, %slice3A_1195 : vector<1x576xf32>
    %slice3A_1197 = vector.extract_strided_slice %mul3A_1103 {offsets = [23, 0], sizes = [1, 576], strides = [1, 1]} : vector<64x576xf32> to vector<1x576xf32>
    %add3A_1198 = arith.addf %add3A_1194, %slice3A_1197 : vector<1x576xf32>
    %slice3A_1199 = vector.extract_strided_slice %mul3A_1106 {offsets = [23, 0], sizes = [1, 576], strides = [1, 1]} : vector<64x576xf32> to vector<1x576xf32>
    %add3A_1200 = arith.addf %add3A_1196, %slice3A_1199 : vector<1x576xf32>
    %slice3A_1201 = vector.extract_strided_slice %mul3A_1103 {offsets = [24, 0], sizes = [1, 576], strides = [1, 1]} : vector<64x576xf32> to vector<1x576xf32>
    %add3A_1202 = arith.addf %add3A_1198, %slice3A_1201 : vector<1x576xf32>
    %slice3A_1203 = vector.extract_strided_slice %mul3A_1106 {offsets = [24, 0], sizes = [1, 576], strides = [1, 1]} : vector<64x576xf32> to vector<1x576xf32>
    %add3A_1204 = arith.addf %add3A_1200, %slice3A_1203 : vector<1x576xf32>
    %slice3A_1205 = vector.extract_strided_slice %mul3A_1103 {offsets = [25, 0], sizes = [1, 576], strides = [1, 1]} : vector<64x576xf32> to vector<1x576xf32>
    %add3A_1206 = arith.addf %add3A_1202, %slice3A_1205 : vector<1x576xf32>
    %slice3A_1207 = vector.extract_strided_slice %mul3A_1106 {offsets = [25, 0], sizes = [1, 576], strides = [1, 1]} : vector<64x576xf32> to vector<1x576xf32>
    %add3A_1208 = arith.addf %add3A_1204, %slice3A_1207 : vector<1x576xf32>
    %slice3A_1209 = vector.extract_strided_slice %mul3A_1103 {offsets = [26, 0], sizes = [1, 576], strides = [1, 1]} : vector<64x576xf32> to vector<1x576xf32>
    %add3A_1210 = arith.addf %add3A_1206, %slice3A_1209 : vector<1x576xf32>
    %slice3A_1211 = vector.extract_strided_slice %mul3A_1106 {offsets = [26, 0], sizes = [1, 576], strides = [1, 1]} : vector<64x576xf32> to vector<1x576xf32>
    %add3A_1212 = arith.addf %add3A_1208, %slice3A_1211 : vector<1x576xf32>
    %slice3A_1213 = vector.extract_strided_slice %mul3A_1103 {offsets = [27, 0], sizes = [1, 576], strides = [1, 1]} : vector<64x576xf32> to vector<1x576xf32>
    %add3A_1214 = arith.addf %add3A_1210, %slice3A_1213 : vector<1x576xf32>
    %slice3A_1215 = vector.extract_strided_slice %mul3A_1106 {offsets = [27, 0], sizes = [1, 576], strides = [1, 1]} : vector<64x576xf32> to vector<1x576xf32>
    %add3A_1216 = arith.addf %add3A_1212, %slice3A_1215 : vector<1x576xf32>
    %slice3A_1217 = vector.extract_strided_slice %mul3A_1103 {offsets = [28, 0], sizes = [1, 576], strides = [1, 1]} : vector<64x576xf32> to vector<1x576xf32>
    %add3A_1218 = arith.addf %add3A_1214, %slice3A_1217 : vector<1x576xf32>
    %slice3A_1219 = vector.extract_strided_slice %mul3A_1106 {offsets = [28, 0], sizes = [1, 576], strides = [1, 1]} : vector<64x576xf32> to vector<1x576xf32>
    %add3A_1220 = arith.addf %add3A_1216, %slice3A_1219 : vector<1x576xf32>
    %slice3A_1221 = vector.extract_strided_slice %mul3A_1103 {offsets = [29, 0], sizes = [1, 576], strides = [1, 1]} : vector<64x576xf32> to vector<1x576xf32>
    %add3A_1222 = arith.addf %add3A_1218, %slice3A_1221 : vector<1x576xf32>
    %slice3A_1223 = vector.extract_strided_slice %mul3A_1106 {offsets = [29, 0], sizes = [1, 576], strides = [1, 1]} : vector<64x576xf32> to vector<1x576xf32>
    %add3A_1224 = arith.addf %add3A_1220, %slice3A_1223 : vector<1x576xf32>
    %slice3A_1225 = vector.extract_strided_slice %mul3A_1103 {offsets = [30, 0], sizes = [1, 576], strides = [1, 1]} : vector<64x576xf32> to vector<1x576xf32>
    %add3A_1226 = arith.addf %add3A_1222, %slice3A_1225 : vector<1x576xf32>
    %slice3A_1227 = vector.extract_strided_slice %mul3A_1106 {offsets = [30, 0], sizes = [1, 576], strides = [1, 1]} : vector<64x576xf32> to vector<1x576xf32>
    %add3A_1228 = arith.addf %add3A_1224, %slice3A_1227 : vector<1x576xf32>
    %slice3A_1229 = vector.extract_strided_slice %mul3A_1103 {offsets = [31, 0], sizes = [1, 576], strides = [1, 1]} : vector<64x576xf32> to vector<1x576xf32>
    %add3A_1230 = arith.addf %add3A_1226, %slice3A_1229 : vector<1x576xf32>
    %slice3A_1231 = vector.extract_strided_slice %mul3A_1106 {offsets = [31, 0], sizes = [1, 576], strides = [1, 1]} : vector<64x576xf32> to vector<1x576xf32>
    %add3A_1232 = arith.addf %add3A_1228, %slice3A_1231 : vector<1x576xf32>
    %slice3A_1233 = vector.extract_strided_slice %mul3A_1103 {offsets = [32, 0], sizes = [1, 576], strides = [1, 1]} : vector<64x576xf32> to vector<1x576xf32>
    %add3A_1234 = arith.addf %add3A_1230, %slice3A_1233 : vector<1x576xf32>
    %slice3A_1235 = vector.extract_strided_slice %mul3A_1106 {offsets = [32, 0], sizes = [1, 576], strides = [1, 1]} : vector<64x576xf32> to vector<1x576xf32>
    %add3A_1236 = arith.addf %add3A_1232, %slice3A_1235 : vector<1x576xf32>
    %slice3A_1237 = vector.extract_strided_slice %mul3A_1103 {offsets = [33, 0], sizes = [1, 576], strides = [1, 1]} : vector<64x576xf32> to vector<1x576xf32>
    %add3A_1238 = arith.addf %add3A_1234, %slice3A_1237 : vector<1x576xf32>
    %slice3A_1239 = vector.extract_strided_slice %mul3A_1106 {offsets = [33, 0], sizes = [1, 576], strides = [1, 1]} : vector<64x576xf32> to vector<1x576xf32>
    %add3A_1240 = arith.addf %add3A_1236, %slice3A_1239 : vector<1x576xf32>
    %slice3A_1241 = vector.extract_strided_slice %mul3A_1103 {offsets = [34, 0], sizes = [1, 576], strides = [1, 1]} : vector<64x576xf32> to vector<1x576xf32>
    %add3A_1242 = arith.addf %add3A_1238, %slice3A_1241 : vector<1x576xf32>
    %slice3A_1243 = vector.extract_strided_slice %mul3A_1106 {offsets = [34, 0], sizes = [1, 576], strides = [1, 1]} : vector<64x576xf32> to vector<1x576xf32>
    %add3A_1244 = arith.addf %add3A_1240, %slice3A_1243 : vector<1x576xf32>
    %slice3A_1245 = vector.extract_strided_slice %mul3A_1103 {offsets = [35, 0], sizes = [1, 576], strides = [1, 1]} : vector<64x576xf32> to vector<1x576xf32>
    %add3A_1246 = arith.addf %add3A_1242, %slice3A_1245 : vector<1x576xf32>
    %slice3A_1247 = vector.extract_strided_slice %mul3A_1106 {offsets = [35, 0], sizes = [1, 576], strides = [1, 1]} : vector<64x576xf32> to vector<1x576xf32>
    %add3A_1248 = arith.addf %add3A_1244, %slice3A_1247 : vector<1x576xf32>
    %slice3A_1249 = vector.extract_strided_slice %mul3A_1103 {offsets = [36, 0], sizes = [1, 576], strides = [1, 1]} : vector<64x576xf32> to vector<1x576xf32>
    %add3A_1250 = arith.addf %add3A_1246, %slice3A_1249 : vector<1x576xf32>
    %slice3A_1251 = vector.extract_strided_slice %mul3A_1106 {offsets = [36, 0], sizes = [1, 576], strides = [1, 1]} : vector<64x576xf32> to vector<1x576xf32>
    %add3A_1252 = arith.addf %add3A_1248, %slice3A_1251 : vector<1x576xf32>
    %slice3A_1253 = vector.extract_strided_slice %mul3A_1103 {offsets = [37, 0], sizes = [1, 576], strides = [1, 1]} : vector<64x576xf32> to vector<1x576xf32>
    %add3A_1254 = arith.addf %add3A_1250, %slice3A_1253 : vector<1x576xf32>
    %slice3A_1255 = vector.extract_strided_slice %mul3A_1106 {offsets = [37, 0], sizes = [1, 576], strides = [1, 1]} : vector<64x576xf32> to vector<1x576xf32>
    %add3A_1256 = arith.addf %add3A_1252, %slice3A_1255 : vector<1x576xf32>
    %slice3A_1257 = vector.extract_strided_slice %mul3A_1103 {offsets = [38, 0], sizes = [1, 576], strides = [1, 1]} : vector<64x576xf32> to vector<1x576xf32>
    %add3A_1258 = arith.addf %add3A_1254, %slice3A_1257 : vector<1x576xf32>
    %slice3A_1259 = vector.extract_strided_slice %mul3A_1106 {offsets = [38, 0], sizes = [1, 576], strides = [1, 1]} : vector<64x576xf32> to vector<1x576xf32>
    %add3A_1260 = arith.addf %add3A_1256, %slice3A_1259 : vector<1x576xf32>
    %slice3A_1261 = vector.extract_strided_slice %mul3A_1103 {offsets = [39, 0], sizes = [1, 576], strides = [1, 1]} : vector<64x576xf32> to vector<1x576xf32>
    %add3A_1262 = arith.addf %add3A_1258, %slice3A_1261 : vector<1x576xf32>
    %slice3A_1263 = vector.extract_strided_slice %mul3A_1106 {offsets = [39, 0], sizes = [1, 576], strides = [1, 1]} : vector<64x576xf32> to vector<1x576xf32>
    %add3A_1264 = arith.addf %add3A_1260, %slice3A_1263 : vector<1x576xf32>
    %slice3A_1265 = vector.extract_strided_slice %mul3A_1103 {offsets = [40, 0], sizes = [1, 576], strides = [1, 1]} : vector<64x576xf32> to vector<1x576xf32>
    %add3A_1266 = arith.addf %add3A_1262, %slice3A_1265 : vector<1x576xf32>
    %slice3A_1267 = vector.extract_strided_slice %mul3A_1106 {offsets = [40, 0], sizes = [1, 576], strides = [1, 1]} : vector<64x576xf32> to vector<1x576xf32>
    %add3A_1268 = arith.addf %add3A_1264, %slice3A_1267 : vector<1x576xf32>
    %slice3A_1269 = vector.extract_strided_slice %mul3A_1103 {offsets = [41, 0], sizes = [1, 576], strides = [1, 1]} : vector<64x576xf32> to vector<1x576xf32>
    %add3A_1270 = arith.addf %add3A_1266, %slice3A_1269 : vector<1x576xf32>
    %slice3A_1271 = vector.extract_strided_slice %mul3A_1106 {offsets = [41, 0], sizes = [1, 576], strides = [1, 1]} : vector<64x576xf32> to vector<1x576xf32>
    %add3A_1272 = arith.addf %add3A_1268, %slice3A_1271 : vector<1x576xf32>
    %slice3A_1273 = vector.extract_strided_slice %mul3A_1103 {offsets = [42, 0], sizes = [1, 576], strides = [1, 1]} : vector<64x576xf32> to vector<1x576xf32>
    %add3A_1274 = arith.addf %add3A_1270, %slice3A_1273 : vector<1x576xf32>
    %slice3A_1275 = vector.extract_strided_slice %mul3A_1106 {offsets = [42, 0], sizes = [1, 576], strides = [1, 1]} : vector<64x576xf32> to vector<1x576xf32>
    %add3A_1276 = arith.addf %add3A_1272, %slice3A_1275 : vector<1x576xf32>
    %slice3A_1277 = vector.extract_strided_slice %mul3A_1103 {offsets = [43, 0], sizes = [1, 576], strides = [1, 1]} : vector<64x576xf32> to vector<1x576xf32>
    %add3A_1278 = arith.addf %add3A_1274, %slice3A_1277 : vector<1x576xf32>
    %slice3A_1279 = vector.extract_strided_slice %mul3A_1106 {offsets = [43, 0], sizes = [1, 576], strides = [1, 1]} : vector<64x576xf32> to vector<1x576xf32>
    %add3A_1280 = arith.addf %add3A_1276, %slice3A_1279 : vector<1x576xf32>
    %slice3A_1281 = vector.extract_strided_slice %mul3A_1103 {offsets = [44, 0], sizes = [1, 576], strides = [1, 1]} : vector<64x576xf32> to vector<1x576xf32>
    %add3A_1282 = arith.addf %add3A_1278, %slice3A_1281 : vector<1x576xf32>
    %slice3A_1283 = vector.extract_strided_slice %mul3A_1106 {offsets = [44, 0], sizes = [1, 576], strides = [1, 1]} : vector<64x576xf32> to vector<1x576xf32>
    %add3A_1284 = arith.addf %add3A_1280, %slice3A_1283 : vector<1x576xf32>
    %slice3A_1285 = vector.extract_strided_slice %mul3A_1103 {offsets = [45, 0], sizes = [1, 576], strides = [1, 1]} : vector<64x576xf32> to vector<1x576xf32>
    %add3A_1286 = arith.addf %add3A_1282, %slice3A_1285 : vector<1x576xf32>
    %slice3A_1287 = vector.extract_strided_slice %mul3A_1106 {offsets = [45, 0], sizes = [1, 576], strides = [1, 1]} : vector<64x576xf32> to vector<1x576xf32>
    %add3A_1288 = arith.addf %add3A_1284, %slice3A_1287 : vector<1x576xf32>
    %slice3A_1289 = vector.extract_strided_slice %mul3A_1103 {offsets = [46, 0], sizes = [1, 576], strides = [1, 1]} : vector<64x576xf32> to vector<1x576xf32>
    %add3A_1290 = arith.addf %add3A_1286, %slice3A_1289 : vector<1x576xf32>
    %slice3A_1291 = vector.extract_strided_slice %mul3A_1106 {offsets = [46, 0], sizes = [1, 576], strides = [1, 1]} : vector<64x576xf32> to vector<1x576xf32>
    %add3A_1292 = arith.addf %add3A_1288, %slice3A_1291 : vector<1x576xf32>
    %slice3A_1293 = vector.extract_strided_slice %mul3A_1103 {offsets = [47, 0], sizes = [1, 576], strides = [1, 1]} : vector<64x576xf32> to vector<1x576xf32>
    %add3A_1294 = arith.addf %add3A_1290, %slice3A_1293 : vector<1x576xf32>
    %slice3A_1295 = vector.extract_strided_slice %mul3A_1106 {offsets = [47, 0], sizes = [1, 576], strides = [1, 1]} : vector<64x576xf32> to vector<1x576xf32>
    %add3A_1296 = arith.addf %add3A_1292, %slice3A_1295 : vector<1x576xf32>
    %slice3A_1297 = vector.extract_strided_slice %mul3A_1103 {offsets = [48, 0], sizes = [1, 576], strides = [1, 1]} : vector<64x576xf32> to vector<1x576xf32>
    %add3A_1298 = arith.addf %add3A_1294, %slice3A_1297 : vector<1x576xf32>
    %slice3A_1299 = vector.extract_strided_slice %mul3A_1106 {offsets = [48, 0], sizes = [1, 576], strides = [1, 1]} : vector<64x576xf32> to vector<1x576xf32>
    %add3A_1300 = arith.addf %add3A_1296, %slice3A_1299 : vector<1x576xf32>
    %slice3A_1301 = vector.extract_strided_slice %mul3A_1103 {offsets = [49, 0], sizes = [1, 576], strides = [1, 1]} : vector<64x576xf32> to vector<1x576xf32>
    %add3A_1302 = arith.addf %add3A_1298, %slice3A_1301 : vector<1x576xf32>
    %slice3A_1303 = vector.extract_strided_slice %mul3A_1106 {offsets = [49, 0], sizes = [1, 576], strides = [1, 1]} : vector<64x576xf32> to vector<1x576xf32>
    %add3A_1304 = arith.addf %add3A_1300, %slice3A_1303 : vector<1x576xf32>
    %slice3A_1305 = vector.extract_strided_slice %mul3A_1103 {offsets = [50, 0], sizes = [1, 576], strides = [1, 1]} : vector<64x576xf32> to vector<1x576xf32>
    %add3A_1306 = arith.addf %add3A_1302, %slice3A_1305 : vector<1x576xf32>
    %slice3A_1307 = vector.extract_strided_slice %mul3A_1106 {offsets = [50, 0], sizes = [1, 576], strides = [1, 1]} : vector<64x576xf32> to vector<1x576xf32>
    %add3A_1308 = arith.addf %add3A_1304, %slice3A_1307 : vector<1x576xf32>
    %slice3A_1309 = vector.extract_strided_slice %mul3A_1103 {offsets = [51, 0], sizes = [1, 576], strides = [1, 1]} : vector<64x576xf32> to vector<1x576xf32>
    %add3A_1310 = arith.addf %add3A_1306, %slice3A_1309 : vector<1x576xf32>
    %slice3A_1311 = vector.extract_strided_slice %mul3A_1106 {offsets = [51, 0], sizes = [1, 576], strides = [1, 1]} : vector<64x576xf32> to vector<1x576xf32>
    %add3A_1312 = arith.addf %add3A_1308, %slice3A_1311 : vector<1x576xf32>
    %slice3A_1313 = vector.extract_strided_slice %mul3A_1103 {offsets = [52, 0], sizes = [1, 576], strides = [1, 1]} : vector<64x576xf32> to vector<1x576xf32>
    %add3A_1314 = arith.addf %add3A_1310, %slice3A_1313 : vector<1x576xf32>
    %slice3A_1315 = vector.extract_strided_slice %mul3A_1106 {offsets = [52, 0], sizes = [1, 576], strides = [1, 1]} : vector<64x576xf32> to vector<1x576xf32>
    %add3A_1316 = arith.addf %add3A_1312, %slice3A_1315 : vector<1x576xf32>
    %slice3A_1317 = vector.extract_strided_slice %mul3A_1103 {offsets = [53, 0], sizes = [1, 576], strides = [1, 1]} : vector<64x576xf32> to vector<1x576xf32>
    %add3A_1318 = arith.addf %add3A_1314, %slice3A_1317 : vector<1x576xf32>
    %slice3A_1319 = vector.extract_strided_slice %mul3A_1106 {offsets = [53, 0], sizes = [1, 576], strides = [1, 1]} : vector<64x576xf32> to vector<1x576xf32>
    %add3A_1320 = arith.addf %add3A_1316, %slice3A_1319 : vector<1x576xf32>
    %slice3A_1321 = vector.extract_strided_slice %mul3A_1103 {offsets = [54, 0], sizes = [1, 576], strides = [1, 1]} : vector<64x576xf32> to vector<1x576xf32>
    %add3A_1322 = arith.addf %add3A_1318, %slice3A_1321 : vector<1x576xf32>
    %slice3A_1323 = vector.extract_strided_slice %mul3A_1106 {offsets = [54, 0], sizes = [1, 576], strides = [1, 1]} : vector<64x576xf32> to vector<1x576xf32>
    %add3A_1324 = arith.addf %add3A_1320, %slice3A_1323 : vector<1x576xf32>
    %slice3A_1325 = vector.extract_strided_slice %mul3A_1103 {offsets = [55, 0], sizes = [1, 576], strides = [1, 1]} : vector<64x576xf32> to vector<1x576xf32>
    %add3A_1326 = arith.addf %add3A_1322, %slice3A_1325 : vector<1x576xf32>
    %slice3A_1327 = vector.extract_strided_slice %mul3A_1106 {offsets = [55, 0], sizes = [1, 576], strides = [1, 1]} : vector<64x576xf32> to vector<1x576xf32>
    %add3A_1328 = arith.addf %add3A_1324, %slice3A_1327 : vector<1x576xf32>
    %slice3A_1329 = vector.extract_strided_slice %mul3A_1103 {offsets = [56, 0], sizes = [1, 576], strides = [1, 1]} : vector<64x576xf32> to vector<1x576xf32>
    %add3A_1330 = arith.addf %add3A_1326, %slice3A_1329 : vector<1x576xf32>
    %slice3A_1331 = vector.extract_strided_slice %mul3A_1106 {offsets = [56, 0], sizes = [1, 576], strides = [1, 1]} : vector<64x576xf32> to vector<1x576xf32>
    %add3A_1332 = arith.addf %add3A_1328, %slice3A_1331 : vector<1x576xf32>
    %slice3A_1333 = vector.extract_strided_slice %mul3A_1103 {offsets = [57, 0], sizes = [1, 576], strides = [1, 1]} : vector<64x576xf32> to vector<1x576xf32>
    %add3A_1334 = arith.addf %add3A_1330, %slice3A_1333 : vector<1x576xf32>
    %slice3A_1335 = vector.extract_strided_slice %mul3A_1106 {offsets = [57, 0], sizes = [1, 576], strides = [1, 1]} : vector<64x576xf32> to vector<1x576xf32>
    %add3A_1336 = arith.addf %add3A_1332, %slice3A_1335 : vector<1x576xf32>
    %slice3A_1337 = vector.extract_strided_slice %mul3A_1103 {offsets = [58, 0], sizes = [1, 576], strides = [1, 1]} : vector<64x576xf32> to vector<1x576xf32>
    %add3A_1338 = arith.addf %add3A_1334, %slice3A_1337 : vector<1x576xf32>
    %slice3A_1339 = vector.extract_strided_slice %mul3A_1106 {offsets = [58, 0], sizes = [1, 576], strides = [1, 1]} : vector<64x576xf32> to vector<1x576xf32>
    %add3A_1340 = arith.addf %add3A_1336, %slice3A_1339 : vector<1x576xf32>
    %slice3A_1341 = vector.extract_strided_slice %mul3A_1103 {offsets = [59, 0], sizes = [1, 576], strides = [1, 1]} : vector<64x576xf32> to vector<1x576xf32>
    %add3A_1342 = arith.addf %add3A_1338, %slice3A_1341 : vector<1x576xf32>
    %slice3A_1343 = vector.extract_strided_slice %mul3A_1106 {offsets = [59, 0], sizes = [1, 576], strides = [1, 1]} : vector<64x576xf32> to vector<1x576xf32>
    %add3A_1344 = arith.addf %add3A_1340, %slice3A_1343 : vector<1x576xf32>
    %slice3A_1345 = vector.extract_strided_slice %mul3A_1103 {offsets = [60, 0], sizes = [1, 576], strides = [1, 1]} : vector<64x576xf32> to vector<1x576xf32>
    %add3A_1346 = arith.addf %add3A_1342, %slice3A_1345 : vector<1x576xf32>
    %slice3A_1347 = vector.extract_strided_slice %mul3A_1106 {offsets = [60, 0], sizes = [1, 576], strides = [1, 1]} : vector<64x576xf32> to vector<1x576xf32>
    %add3A_1348 = arith.addf %add3A_1344, %slice3A_1347 : vector<1x576xf32>
    %slice3A_1349 = vector.extract_strided_slice %mul3A_1103 {offsets = [61, 0], sizes = [1, 576], strides = [1, 1]} : vector<64x576xf32> to vector<1x576xf32>
    %add3A_1350 = arith.addf %add3A_1346, %slice3A_1349 : vector<1x576xf32>
    %slice3A_1351 = vector.extract_strided_slice %mul3A_1106 {offsets = [61, 0], sizes = [1, 576], strides = [1, 1]} : vector<64x576xf32> to vector<1x576xf32>
    %add3A_1352 = arith.addf %add3A_1348, %slice3A_1351 : vector<1x576xf32>
    %slice3A_1353 = vector.extract_strided_slice %mul3A_1103 {offsets = [62, 0], sizes = [1, 576], strides = [1, 1]} : vector<64x576xf32> to vector<1x576xf32>
    %add3A_1354 = arith.addf %add3A_1350, %slice3A_1353 : vector<1x576xf32>
    %slice3A_1355 = vector.extract_strided_slice %mul3A_1106 {offsets = [62, 0], sizes = [1, 576], strides = [1, 1]} : vector<64x576xf32> to vector<1x576xf32>
    %add3A_1356 = arith.addf %add3A_1352, %slice3A_1355 : vector<1x576xf32>
    %slice3A_1357 = vector.extract_strided_slice %mul3A_1103 {offsets = [63, 0], sizes = [1, 576], strides = [1, 1]} : vector<64x576xf32> to vector<1x576xf32>
    %add3A_1358 = arith.addf %add3A_1354, %slice3A_1357 : vector<1x576xf32>
    %slice3A_1359 = vector.extract_strided_slice %mul3A_1106 {offsets = [63, 0], sizes = [1, 576], strides = [1, 1]} : vector<64x576xf32> to vector<1x576xf32>
    %add3A_1360 = arith.addf %add3A_1356, %slice3A_1359 : vector<1x576xf32>
    %sqrt3A_1361 = math.sqrt %add3A_1360 : vector<1x576xf32>
    %sqrt3A_1362 = math.sqrt %add3A_1358 : vector<1x576xf32>
    %lt3A_1363 = arith.cmpf olt, %sqrt3A_1361, %sqrt3A_1362 : vector<1x576xf32>
    %broadcast_in_dim3A_1364 = vector.shape_cast %max3A_1074 : vector<576xi32> to vector<1x576xi32>
    %broadcast_in_dim3A_1365 = vector.shape_cast %min3A_1073 : vector<576xi32> to vector<1x576xi32>
    %select_n3A_1366 = arith.select %lt3A_1363, %broadcast_in_dim3A_1364, %broadcast_in_dim3A_1365 : vector<1x576xi1>, vector<1x576xi32>
    %squeeze3A_1367 = vector.shape_cast %select_n3A_1366 : vector<1x576xi32> to vector<576xi32>
    %swap3A_1368 = arith.constant 3 : index
    %swap3A_1369 = arith.constant 0 : index
    %swap3A_1370 = vector.load %arg2[%swap3A_1368, %swap3A_1369] : memref<8x576xi32, #tpu.memory_space<vmem>>, vector<1x576xi32>
    %swap3A_1371 = vector.shape_cast %swap3A_1370 : vector<1x576xi32> to vector<576xi32>
    %swap3A_1372 = vector.shape_cast %squeeze3A_1367 : vector<576xi32> to vector<1x576xi32>
    tpu.vector_store %arg2[%swap3A_1368, %swap3A_1369], %swap3A_1372 {strides = array<i32>} : memref<8x576xi32, #tpu.memory_space<vmem>>, vector<1x576xi32>,
    %get3A_1373 = arith.constant 4 : index
    %get3A_1374 = arith.constant 0 : index
    %get3A_1375 = arith.constant 0 : index
    %get3A_1376 = vector.load %arg0[%get3A_1373, %get3A_1374, %get3A_1375] : memref<8x64x576xf32, #tpu.memory_space<vmem>>, vector<1x64x576xf32>
    %get3A_1377 = vector.shape_cast %get3A_1376 : vector<1x64x576xf32> to vector<64x576xf32>
    %mul3A_1378 = arith.mulf %get3A_1377, %get3A_1377 : vector<64x576xf32>
    %reduce_sum3A_1379 = arith.constant dense<0.000000e+00> : vector<576xf32>
    %reduce_sum3A_1380 = vector.multi_reduction <add>, %mul3A_1378, %reduce_sum3A_1379 [0] : vector<64x576xf32> to vector<576xf32>
    %broadcast_in_dim3A_1381 = vector.shape_cast %reduce_sum3A_1380 : vector<576xf32> to vector<1x576xf32>
    %broadcast_in_dim3A_1382 = arith.constant 1.000000e+00 : f32
    %broadcast_in_dim3A_1383 = vector.broadcast %broadcast_in_dim3A_1382 : f32 to vector<1x576xf32>
    %broadcast_in_dim3A_1384 = arith.constant 0.000000e+00 : f32
    %broadcast_in_dim3A_1385 = vector.broadcast %broadcast_in_dim3A_1384 : f32 to vector<6x576xf32>
    %concatenate3A_1386 = tpu.concatenate %get3A_1377, %broadcast_in_dim3A_1381, %broadcast_in_dim3A_1383, %broadcast_in_dim3A_1385 in 0 : vector<64x576xf32>, vector<1x576xf32>, vector<1x576xf32>, vector<6x576xf32> -> vector<72x576xf32>
    %dot_general3A_1387 = arith.constant dense<0.000000e+00> : vector<512x576xf32>
    %dot_general3A_1388 = tpu.matmul %concatenate3A, %concatenate3A_1386, %dot_general3A_1387 {dimension_numbers = #tpu.dot_dimension_numbers<[0], [0], [1], [1], [0, 1, 1, 1], [], []>, precision = #tpu.contract_precision<fp32>, transpose_lhs_hint = true} : vector<72x512xf32>, vector<72x576xf32>, vector<512x576xf32> -> vector<512x576xf32>
    %iota3A_1389 = tpu.iota {dimensions = array<i32: 0>} : vector<512x576xi32>
    %reduce_min3A_1390 = arith.constant dense<0x7F800000> : vector<576xf32>
    %reduce_min3A_1391 = vector.multi_reduction <minimumf>, %dot_general3A_1388, %reduce_min3A_1390 [0] : vector<512x576xf32> to vector<576xf32>
    %broadcast_in_dim3A_1392 = vector.shape_cast %reduce_min3A_1391 : vector<576xf32> to vector<1x576xf32>
    %eq3A_1393 = vector.broadcast %broadcast_in_dim3A_1392 : vector<1x576xf32> to vector<512x576xf32>
    %eq3A_1394 = arith.cmpf oeq, %dot_general3A_1388, %eq3A_1393 : vector<512x576xf32>
    %jit3A_1395 = arith.constant 512 : i32
    %broadcast_in_dim3A_1396 = vector.broadcast %jit3A_1395 : i32 to vector<512x576xi32>
    %select_n3A_1397 = arith.select %eq3A_1394, %iota3A_1389, %broadcast_in_dim3A_1396 : vector<512x576xi1>, vector<512x576xi32>
    %reduce_min3A_1398 = arith.constant dense<2147483647> : vector<576xi32>
    %reduce_min3A_1399 = vector.multi_reduction <minsi>, %select_n3A_1397, %reduce_min3A_1398 [0] : vector<512x576xi32> to vector<576xi32>
    %broadcast_in_dim3A_1400 = vector.shape_cast %reduce_min3A_1399 : vector<576xi32> to vector<1x576xi32>
    %eq3A_1401 = vector.broadcast %broadcast_in_dim3A_1400 : vector<1x576xi32> to vector<512x576xi32>
    %eq3A_1402 = arith.cmpi eq, %iota3A_1389, %eq3A_1401 : vector<512x576xi32>
    %jit3A_1403 = arith.constant 0x7F800000 : f32
    %broadcast_in_dim3A_1404 = vector.broadcast %jit3A_1403 : f32 to vector<512x576xf32>
    %select_n3A_1405 = arith.select %eq3A_1402, %broadcast_in_dim3A_1404, %dot_general3A_1388 : vector<512x576xi1>, vector<512x576xf32>
    %reduce_min3A_1406 = arith.constant dense<0x7F800000> : vector<576xf32>
    %reduce_min3A_1407 = vector.multi_reduction <minimumf>, %select_n3A_1405, %reduce_min3A_1406 [0] : vector<512x576xf32> to vector<576xf32>
    %broadcast_in_dim3A_1408 = vector.shape_cast %reduce_min3A_1407 : vector<576xf32> to vector<1x576xf32>
    %eq3A_1409 = vector.broadcast %broadcast_in_dim3A_1408 : vector<1x576xf32> to vector<512x576xf32>
    %eq3A_1410 = arith.cmpf oeq, %select_n3A_1405, %eq3A_1409 : vector<512x576xf32>
    %jit3A_1411 = arith.constant 512 : i32
    %broadcast_in_dim3A_1412 = vector.broadcast %jit3A_1411 : i32 to vector<512x576xi32>
    %select_n3A_1413 = arith.select %eq3A_1410, %iota3A_1389, %broadcast_in_dim3A_1412 : vector<512x576xi1>, vector<512x576xi32>
    %reduce_min3A_1414 = arith.constant dense<2147483647> : vector<576xi32>
    %reduce_min3A_1415 = vector.multi_reduction <minsi>, %select_n3A_1413, %reduce_min3A_1414 [0] : vector<512x576xi32> to vector<576xi32>
    %min3A_1416 = arith.minsi %reduce_min3A_1399, %reduce_min3A_1415 : vector<576xi32>
    %max3A_1417 = arith.maxsi %reduce_min3A_1399, %reduce_min3A_1415 : vector<576xi32>
    %broadcast_in_dim3A_1418 = vector.shape_cast %min3A_1416 : vector<576xi32> to vector<1x576xi32>
    %eq3A_1419 = vector.broadcast %broadcast_in_dim3A_1418 : vector<1x576xi32> to vector<512x576xi32>
    %eq3A_1420 = arith.cmpi eq, %iota3A_1389, %eq3A_1419 : vector<512x576xi32>
    %convert_element_type3A_1421 = arith.extui %eq3A_1420 : vector<512x576xi1> to vector<512x576xi32>
    %convert_element_type3A_1422 = arith.sitofp %convert_element_type3A_1421 : vector<512x576xi32> to vector<512x576xf32>
    %broadcast_in_dim3A_1423 = vector.shape_cast %max3A_1417 : vector<576xi32> to vector<1x576xi32>
    %eq3A_1424 = vector.broadcast %broadcast_in_dim3A_1423 : vector<1x576xi32> to vector<512x576xi32>
    %eq3A_1425 = arith.cmpi eq, %iota3A_1389, %eq3A_1424 : vector<512x576xi32>
    %convert_element_type3A_1426 = arith.extui %eq3A_1425 : vector<512x576xi1> to vector<512x576xi32>
    %convert_element_type3A_1427 = arith.sitofp %convert_element_type3A_1426 : vector<512x576xi32> to vector<512x576xf32>
    %dot_general3A_1428 = arith.constant dense<0.000000e+00> : vector<64x576xf32>
    %dot_general3A_1429 = tpu.matmul %convert_element_type3A_2, %convert_element_type3A_1422, %dot_general3A_1428 {dimension_numbers = #tpu.dot_dimension_numbers<[1], [0], [0], [1], [0, 0, 1, 1], [], []>, transpose_lhs_hint = false} : vector<64x512xf32>, vector<512x576xf32>, vector<64x576xf32> -> vector<64x576xf32>
    %dot_general3A_1430 = arith.constant dense<0.000000e+00> : vector<64x576xf32>
    %dot_general3A_1431 = tpu.matmul %convert_element_type3A_4, %convert_element_type3A_1422, %dot_general3A_1430 {dimension_numbers = #tpu.dot_dimension_numbers<[1], [0], [0], [1], [0, 0, 1, 1], [], []>, transpose_lhs_hint = false} : vector<64x512xf32>, vector<512x576xf32>, vector<64x576xf32> -> vector<64x576xf32>
    %dot_general3A_1432 = arith.constant dense<0.000000e+00> : vector<64x576xf32>
    %dot_general3A_1433 = tpu.matmul %sub3A_6, %convert_element_type3A_1422, %dot_general3A_1432 {dimension_numbers = #tpu.dot_dimension_numbers<[1], [0], [0], [1], [0, 0, 1, 1], [], []>, transpose_lhs_hint = false} : vector<64x512xf32>, vector<512x576xf32>, vector<64x576xf32> -> vector<64x576xf32>
    %add3A_1434 = arith.addf %dot_general3A_1429, %dot_general3A_1431 : vector<64x576xf32>
    %add3A_1435 = arith.addf %add3A_1434, %dot_general3A_1433 : vector<64x576xf32>
    %dot_general3A_1436 = arith.constant dense<0.000000e+00> : vector<64x576xf32>
    %dot_general3A_1437 = tpu.matmul %convert_element_type3A_2, %convert_element_type3A_1427, %dot_general3A_1436 {dimension_numbers = #tpu.dot_dimension_numbers<[1], [0], [0], [1], [0, 0, 1, 1], [], []>, transpose_lhs_hint = false} : vector<64x512xf32>, vector<512x576xf32>, vector<64x576xf32> -> vector<64x576xf32>
    %dot_general3A_1438 = arith.constant dense<0.000000e+00> : vector<64x576xf32>
    %dot_general3A_1439 = tpu.matmul %convert_element_type3A_4, %convert_element_type3A_1427, %dot_general3A_1438 {dimension_numbers = #tpu.dot_dimension_numbers<[1], [0], [0], [1], [0, 0, 1, 1], [], []>, transpose_lhs_hint = false} : vector<64x512xf32>, vector<512x576xf32>, vector<64x576xf32> -> vector<64x576xf32>
    %dot_general3A_1440 = arith.constant dense<0.000000e+00> : vector<64x576xf32>
    %dot_general3A_1441 = tpu.matmul %sub3A_6, %convert_element_type3A_1427, %dot_general3A_1440 {dimension_numbers = #tpu.dot_dimension_numbers<[1], [0], [0], [1], [0, 0, 1, 1], [], []>, transpose_lhs_hint = false} : vector<64x512xf32>, vector<512x576xf32>, vector<64x576xf32> -> vector<64x576xf32>
    %add3A_1442 = arith.addf %dot_general3A_1437, %dot_general3A_1439 : vector<64x576xf32>
    %add3A_1443 = arith.addf %add3A_1442, %dot_general3A_1441 : vector<64x576xf32>
    %sub3A_1444 = arith.subf %get3A_1377, %add3A_1435 : vector<64x576xf32>
    %sub3A_1445 = arith.subf %get3A_1377, %add3A_1435 : vector<64x576xf32>
    %mul3A_1446 = arith.mulf %sub3A_1444, %sub3A_1445 : vector<64x576xf32>
    %sub3A_1447 = arith.subf %get3A_1377, %add3A_1443 : vector<64x576xf32>
    %sub3A_1448 = arith.subf %get3A_1377, %add3A_1443 : vector<64x576xf32>
    %mul3A_1449 = arith.mulf %sub3A_1447, %sub3A_1448 : vector<64x576xf32>
    %slice3A_1450 = vector.extract_strided_slice %mul3A_1446 {offsets = [0, 0], sizes = [1, 576], strides = [1, 1]} : vector<64x576xf32> to vector<1x576xf32>
    %slice3A_1451 = vector.extract_strided_slice %mul3A_1449 {offsets = [0, 0], sizes = [1, 576], strides = [1, 1]} : vector<64x576xf32> to vector<1x576xf32>
    %slice3A_1452 = vector.extract_strided_slice %mul3A_1446 {offsets = [1, 0], sizes = [1, 576], strides = [1, 1]} : vector<64x576xf32> to vector<1x576xf32>
    %add3A_1453 = arith.addf %slice3A_1450, %slice3A_1452 : vector<1x576xf32>
    %slice3A_1454 = vector.extract_strided_slice %mul3A_1449 {offsets = [1, 0], sizes = [1, 576], strides = [1, 1]} : vector<64x576xf32> to vector<1x576xf32>
    %add3A_1455 = arith.addf %slice3A_1451, %slice3A_1454 : vector<1x576xf32>
    %slice3A_1456 = vector.extract_strided_slice %mul3A_1446 {offsets = [2, 0], sizes = [1, 576], strides = [1, 1]} : vector<64x576xf32> to vector<1x576xf32>
    %add3A_1457 = arith.addf %add3A_1453, %slice3A_1456 : vector<1x576xf32>
    %slice3A_1458 = vector.extract_strided_slice %mul3A_1449 {offsets = [2, 0], sizes = [1, 576], strides = [1, 1]} : vector<64x576xf32> to vector<1x576xf32>
    %add3A_1459 = arith.addf %add3A_1455, %slice3A_1458 : vector<1x576xf32>
    %slice3A_1460 = vector.extract_strided_slice %mul3A_1446 {offsets = [3, 0], sizes = [1, 576], strides = [1, 1]} : vector<64x576xf32> to vector<1x576xf32>
    %add3A_1461 = arith.addf %add3A_1457, %slice3A_1460 : vector<1x576xf32>
    %slice3A_1462 = vector.extract_strided_slice %mul3A_1449 {offsets = [3, 0], sizes = [1, 576], strides = [1, 1]} : vector<64x576xf32> to vector<1x576xf32>
    %add3A_1463 = arith.addf %add3A_1459, %slice3A_1462 : vector<1x576xf32>
    %slice3A_1464 = vector.extract_strided_slice %mul3A_1446 {offsets = [4, 0], sizes = [1, 576], strides = [1, 1]} : vector<64x576xf32> to vector<1x576xf32>
    %add3A_1465 = arith.addf %add3A_1461, %slice3A_1464 : vector<1x576xf32>
    %slice3A_1466 = vector.extract_strided_slice %mul3A_1449 {offsets = [4, 0], sizes = [1, 576], strides = [1, 1]} : vector<64x576xf32> to vector<1x576xf32>
    %add3A_1467 = arith.addf %add3A_1463, %slice3A_1466 : vector<1x576xf32>
    %slice3A_1468 = vector.extract_strided_slice %mul3A_1446 {offsets = [5, 0], sizes = [1, 576], strides = [1, 1]} : vector<64x576xf32> to vector<1x576xf32>
    %add3A_1469 = arith.addf %add3A_1465, %slice3A_1468 : vector<1x576xf32>
    %slice3A_1470 = vector.extract_strided_slice %mul3A_1449 {offsets = [5, 0], sizes = [1, 576], strides = [1, 1]} : vector<64x576xf32> to vector<1x576xf32>
    %add3A_1471 = arith.addf %add3A_1467, %slice3A_1470 : vector<1x576xf32>
    %slice3A_1472 = vector.extract_strided_slice %mul3A_1446 {offsets = [6, 0], sizes = [1, 576], strides = [1, 1]} : vector<64x576xf32> to vector<1x576xf32>
    %add3A_1473 = arith.addf %add3A_1469, %slice3A_1472 : vector<1x576xf32>
    %slice3A_1474 = vector.extract_strided_slice %mul3A_1449 {offsets = [6, 0], sizes = [1, 576], strides = [1, 1]} : vector<64x576xf32> to vector<1x576xf32>
    %add3A_1475 = arith.addf %add3A_1471, %slice3A_1474 : vector<1x576xf32>
    %slice3A_1476 = vector.extract_strided_slice %mul3A_1446 {offsets = [7, 0], sizes = [1, 576], strides = [1, 1]} : vector<64x576xf32> to vector<1x576xf32>
    %add3A_1477 = arith.addf %add3A_1473, %slice3A_1476 : vector<1x576xf32>
    %slice3A_1478 = vector.extract_strided_slice %mul3A_1449 {offsets = [7, 0], sizes = [1, 576], strides = [1, 1]} : vector<64x576xf32> to vector<1x576xf32>
    %add3A_1479 = arith.addf %add3A_1475, %slice3A_1478 : vector<1x576xf32>
    %slice3A_1480 = vector.extract_strided_slice %mul3A_1446 {offsets = [8, 0], sizes = [1, 576], strides = [1, 1]} : vector<64x576xf32> to vector<1x576xf32>
    %add3A_1481 = arith.addf %add3A_1477, %slice3A_1480 : vector<1x576xf32>
    %slice3A_1482 = vector.extract_strided_slice %mul3A_1449 {offsets = [8, 0], sizes = [1, 576], strides = [1, 1]} : vector<64x576xf32> to vector<1x576xf32>
    %add3A_1483 = arith.addf %add3A_1479, %slice3A_1482 : vector<1x576xf32>
    %slice3A_1484 = vector.extract_strided_slice %mul3A_1446 {offsets = [9, 0], sizes = [1, 576], strides = [1, 1]} : vector<64x576xf32> to vector<1x576xf32>
    %add3A_1485 = arith.addf %add3A_1481, %slice3A_1484 : vector<1x576xf32>
    %slice3A_1486 = vector.extract_strided_slice %mul3A_1449 {offsets = [9, 0], sizes = [1, 576], strides = [1, 1]} : vector<64x576xf32> to vector<1x576xf32>
    %add3A_1487 = arith.addf %add3A_1483, %slice3A_1486 : vector<1x576xf32>
    %slice3A_1488 = vector.extract_strided_slice %mul3A_1446 {offsets = [10, 0], sizes = [1, 576], strides = [1, 1]} : vector<64x576xf32> to vector<1x576xf32>
    %add3A_1489 = arith.addf %add3A_1485, %slice3A_1488 : vector<1x576xf32>
    %slice3A_1490 = vector.extract_strided_slice %mul3A_1449 {offsets = [10, 0], sizes = [1, 576], strides = [1, 1]} : vector<64x576xf32> to vector<1x576xf32>
    %add3A_1491 = arith.addf %add3A_1487, %slice3A_1490 : vector<1x576xf32>
    %slice3A_1492 = vector.extract_strided_slice %mul3A_1446 {offsets = [11, 0], sizes = [1, 576], strides = [1, 1]} : vector<64x576xf32> to vector<1x576xf32>
    %add3A_1493 = arith.addf %add3A_1489, %slice3A_1492 : vector<1x576xf32>
    %slice3A_1494 = vector.extract_strided_slice %mul3A_1449 {offsets = [11, 0], sizes = [1, 576], strides = [1, 1]} : vector<64x576xf32> to vector<1x576xf32>
    %add3A_1495 = arith.addf %add3A_1491, %slice3A_1494 : vector<1x576xf32>
    %slice3A_1496 = vector.extract_strided_slice %mul3A_1446 {offsets = [12, 0], sizes = [1, 576], strides = [1, 1]} : vector<64x576xf32> to vector<1x576xf32>
    %add3A_1497 = arith.addf %add3A_1493, %slice3A_1496 : vector<1x576xf32>
    %slice3A_1498 = vector.extract_strided_slice %mul3A_1449 {offsets = [12, 0], sizes = [1, 576], strides = [1, 1]} : vector<64x576xf32> to vector<1x576xf32>
    %add3A_1499 = arith.addf %add3A_1495, %slice3A_1498 : vector<1x576xf32>
    %slice3A_1500 = vector.extract_strided_slice %mul3A_1446 {offsets = [13, 0], sizes = [1, 576], strides = [1, 1]} : vector<64x576xf32> to vector<1x576xf32>
    %add3A_1501 = arith.addf %add3A_1497, %slice3A_1500 : vector<1x576xf32>
    %slice3A_1502 = vector.extract_strided_slice %mul3A_1449 {offsets = [13, 0], sizes = [1, 576], strides = [1, 1]} : vector<64x576xf32> to vector<1x576xf32>
    %add3A_1503 = arith.addf %add3A_1499, %slice3A_1502 : vector<1x576xf32>
    %slice3A_1504 = vector.extract_strided_slice %mul3A_1446 {offsets = [14, 0], sizes = [1, 576], strides = [1, 1]} : vector<64x576xf32> to vector<1x576xf32>
    %add3A_1505 = arith.addf %add3A_1501, %slice3A_1504 : vector<1x576xf32>
    %slice3A_1506 = vector.extract_strided_slice %mul3A_1449 {offsets = [14, 0], sizes = [1, 576], strides = [1, 1]} : vector<64x576xf32> to vector<1x576xf32>
    %add3A_1507 = arith.addf %add3A_1503, %slice3A_1506 : vector<1x576xf32>
    %slice3A_1508 = vector.extract_strided_slice %mul3A_1446 {offsets = [15, 0], sizes = [1, 576], strides = [1, 1]} : vector<64x576xf32> to vector<1x576xf32>
    %add3A_1509 = arith.addf %add3A_1505, %slice3A_1508 : vector<1x576xf32>
    %slice3A_1510 = vector.extract_strided_slice %mul3A_1449 {offsets = [15, 0], sizes = [1, 576], strides = [1, 1]} : vector<64x576xf32> to vector<1x576xf32>
    %add3A_1511 = arith.addf %add3A_1507, %slice3A_1510 : vector<1x576xf32>
    %slice3A_1512 = vector.extract_strided_slice %mul3A_1446 {offsets = [16, 0], sizes = [1, 576], strides = [1, 1]} : vector<64x576xf32> to vector<1x576xf32>
    %add3A_1513 = arith.addf %add3A_1509, %slice3A_1512 : vector<1x576xf32>
    %slice3A_1514 = vector.extract_strided_slice %mul3A_1449 {offsets = [16, 0], sizes = [1, 576], strides = [1, 1]} : vector<64x576xf32> to vector<1x576xf32>
    %add3A_1515 = arith.addf %add3A_1511, %slice3A_1514 : vector<1x576xf32>
    %slice3A_1516 = vector.extract_strided_slice %mul3A_1446 {offsets = [17, 0], sizes = [1, 576], strides = [1, 1]} : vector<64x576xf32> to vector<1x576xf32>
    %add3A_1517 = arith.addf %add3A_1513, %slice3A_1516 : vector<1x576xf32>
    %slice3A_1518 = vector.extract_strided_slice %mul3A_1449 {offsets = [17, 0], sizes = [1, 576], strides = [1, 1]} : vector<64x576xf32> to vector<1x576xf32>
    %add3A_1519 = arith.addf %add3A_1515, %slice3A_1518 : vector<1x576xf32>
    %slice3A_1520 = vector.extract_strided_slice %mul3A_1446 {offsets = [18, 0], sizes = [1, 576], strides = [1, 1]} : vector<64x576xf32> to vector<1x576xf32>
    %add3A_1521 = arith.addf %add3A_1517, %slice3A_1520 : vector<1x576xf32>
    %slice3A_1522 = vector.extract_strided_slice %mul3A_1449 {offsets = [18, 0], sizes = [1, 576], strides = [1, 1]} : vector<64x576xf32> to vector<1x576xf32>
    %add3A_1523 = arith.addf %add3A_1519, %slice3A_1522 : vector<1x576xf32>
    %slice3A_1524 = vector.extract_strided_slice %mul3A_1446 {offsets = [19, 0], sizes = [1, 576], strides = [1, 1]} : vector<64x576xf32> to vector<1x576xf32>
    %add3A_1525 = arith.addf %add3A_1521, %slice3A_1524 : vector<1x576xf32>
    %slice3A_1526 = vector.extract_strided_slice %mul3A_1449 {offsets = [19, 0], sizes = [1, 576], strides = [1, 1]} : vector<64x576xf32> to vector<1x576xf32>
    %add3A_1527 = arith.addf %add3A_1523, %slice3A_1526 : vector<1x576xf32>
    %slice3A_1528 = vector.extract_strided_slice %mul3A_1446 {offsets = [20, 0], sizes = [1, 576], strides = [1, 1]} : vector<64x576xf32> to vector<1x576xf32>
    %add3A_1529 = arith.addf %add3A_1525, %slice3A_1528 : vector<1x576xf32>
    %slice3A_1530 = vector.extract_strided_slice %mul3A_1449 {offsets = [20, 0], sizes = [1, 576], strides = [1, 1]} : vector<64x576xf32> to vector<1x576xf32>
    %add3A_1531 = arith.addf %add3A_1527, %slice3A_1530 : vector<1x576xf32>
    %slice3A_1532 = vector.extract_strided_slice %mul3A_1446 {offsets = [21, 0], sizes = [1, 576], strides = [1, 1]} : vector<64x576xf32> to vector<1x576xf32>
    %add3A_1533 = arith.addf %add3A_1529, %slice3A_1532 : vector<1x576xf32>
    %slice3A_1534 = vector.extract_strided_slice %mul3A_1449 {offsets = [21, 0], sizes = [1, 576], strides = [1, 1]} : vector<64x576xf32> to vector<1x576xf32>
    %add3A_1535 = arith.addf %add3A_1531, %slice3A_1534 : vector<1x576xf32>
    %slice3A_1536 = vector.extract_strided_slice %mul3A_1446 {offsets = [22, 0], sizes = [1, 576], strides = [1, 1]} : vector<64x576xf32> to vector<1x576xf32>
    %add3A_1537 = arith.addf %add3A_1533, %slice3A_1536 : vector<1x576xf32>
    %slice3A_1538 = vector.extract_strided_slice %mul3A_1449 {offsets = [22, 0], sizes = [1, 576], strides = [1, 1]} : vector<64x576xf32> to vector<1x576xf32>
    %add3A_1539 = arith.addf %add3A_1535, %slice3A_1538 : vector<1x576xf32>
    %slice3A_1540 = vector.extract_strided_slice %mul3A_1446 {offsets = [23, 0], sizes = [1, 576], strides = [1, 1]} : vector<64x576xf32> to vector<1x576xf32>
    %add3A_1541 = arith.addf %add3A_1537, %slice3A_1540 : vector<1x576xf32>
    %slice3A_1542 = vector.extract_strided_slice %mul3A_1449 {offsets = [23, 0], sizes = [1, 576], strides = [1, 1]} : vector<64x576xf32> to vector<1x576xf32>
    %add3A_1543 = arith.addf %add3A_1539, %slice3A_1542 : vector<1x576xf32>
    %slice3A_1544 = vector.extract_strided_slice %mul3A_1446 {offsets = [24, 0], sizes = [1, 576], strides = [1, 1]} : vector<64x576xf32> to vector<1x576xf32>
    %add3A_1545 = arith.addf %add3A_1541, %slice3A_1544 : vector<1x576xf32>
    %slice3A_1546 = vector.extract_strided_slice %mul3A_1449 {offsets = [24, 0], sizes = [1, 576], strides = [1, 1]} : vector<64x576xf32> to vector<1x576xf32>
    %add3A_1547 = arith.addf %add3A_1543, %slice3A_1546 : vector<1x576xf32>
    %slice3A_1548 = vector.extract_strided_slice %mul3A_1446 {offsets = [25, 0], sizes = [1, 576], strides = [1, 1]} : vector<64x576xf32> to vector<1x576xf32>
    %add3A_1549 = arith.addf %add3A_1545, %slice3A_1548 : vector<1x576xf32>
    %slice3A_1550 = vector.extract_strided_slice %mul3A_1449 {offsets = [25, 0], sizes = [1, 576], strides = [1, 1]} : vector<64x576xf32> to vector<1x576xf32>
    %add3A_1551 = arith.addf %add3A_1547, %slice3A_1550 : vector<1x576xf32>
    %slice3A_1552 = vector.extract_strided_slice %mul3A_1446 {offsets = [26, 0], sizes = [1, 576], strides = [1, 1]} : vector<64x576xf32> to vector<1x576xf32>
    %add3A_1553 = arith.addf %add3A_1549, %slice3A_1552 : vector<1x576xf32>
    %slice3A_1554 = vector.extract_strided_slice %mul3A_1449 {offsets = [26, 0], sizes = [1, 576], strides = [1, 1]} : vector<64x576xf32> to vector<1x576xf32>
    %add3A_1555 = arith.addf %add3A_1551, %slice3A_1554 : vector<1x576xf32>
    %slice3A_1556 = vector.extract_strided_slice %mul3A_1446 {offsets = [27, 0], sizes = [1, 576], strides = [1, 1]} : vector<64x576xf32> to vector<1x576xf32>
    %add3A_1557 = arith.addf %add3A_1553, %slice3A_1556 : vector<1x576xf32>
    %slice3A_1558 = vector.extract_strided_slice %mul3A_1449 {offsets = [27, 0], sizes = [1, 576], strides = [1, 1]} : vector<64x576xf32> to vector<1x576xf32>
    %add3A_1559 = arith.addf %add3A_1555, %slice3A_1558 : vector<1x576xf32>
    %slice3A_1560 = vector.extract_strided_slice %mul3A_1446 {offsets = [28, 0], sizes = [1, 576], strides = [1, 1]} : vector<64x576xf32> to vector<1x576xf32>
    %add3A_1561 = arith.addf %add3A_1557, %slice3A_1560 : vector<1x576xf32>
    %slice3A_1562 = vector.extract_strided_slice %mul3A_1449 {offsets = [28, 0], sizes = [1, 576], strides = [1, 1]} : vector<64x576xf32> to vector<1x576xf32>
    %add3A_1563 = arith.addf %add3A_1559, %slice3A_1562 : vector<1x576xf32>
    %slice3A_1564 = vector.extract_strided_slice %mul3A_1446 {offsets = [29, 0], sizes = [1, 576], strides = [1, 1]} : vector<64x576xf32> to vector<1x576xf32>
    %add3A_1565 = arith.addf %add3A_1561, %slice3A_1564 : vector<1x576xf32>
    %slice3A_1566 = vector.extract_strided_slice %mul3A_1449 {offsets = [29, 0], sizes = [1, 576], strides = [1, 1]} : vector<64x576xf32> to vector<1x576xf32>
    %add3A_1567 = arith.addf %add3A_1563, %slice3A_1566 : vector<1x576xf32>
    %slice3A_1568 = vector.extract_strided_slice %mul3A_1446 {offsets = [30, 0], sizes = [1, 576], strides = [1, 1]} : vector<64x576xf32> to vector<1x576xf32>
    %add3A_1569 = arith.addf %add3A_1565, %slice3A_1568 : vector<1x576xf32>
    %slice3A_1570 = vector.extract_strided_slice %mul3A_1449 {offsets = [30, 0], sizes = [1, 576], strides = [1, 1]} : vector<64x576xf32> to vector<1x576xf32>
    %add3A_1571 = arith.addf %add3A_1567, %slice3A_1570 : vector<1x576xf32>
    %slice3A_1572 = vector.extract_strided_slice %mul3A_1446 {offsets = [31, 0], sizes = [1, 576], strides = [1, 1]} : vector<64x576xf32> to vector<1x576xf32>
    %add3A_1573 = arith.addf %add3A_1569, %slice3A_1572 : vector<1x576xf32>
    %slice3A_1574 = vector.extract_strided_slice %mul3A_1449 {offsets = [31, 0], sizes = [1, 576], strides = [1, 1]} : vector<64x576xf32> to vector<1x576xf32>
    %add3A_1575 = arith.addf %add3A_1571, %slice3A_1574 : vector<1x576xf32>
    %slice3A_1576 = vector.extract_strided_slice %mul3A_1446 {offsets = [32, 0], sizes = [1, 576], strides = [1, 1]} : vector<64x576xf32> to vector<1x576xf32>
    %add3A_1577 = arith.addf %add3A_1573, %slice3A_1576 : vector<1x576xf32>
    %slice3A_1578 = vector.extract_strided_slice %mul3A_1449 {offsets = [32, 0], sizes = [1, 576], strides = [1, 1]} : vector<64x576xf32> to vector<1x576xf32>
    %add3A_1579 = arith.addf %add3A_1575, %slice3A_1578 : vector<1x576xf32>
    %slice3A_1580 = vector.extract_strided_slice %mul3A_1446 {offsets = [33, 0], sizes = [1, 576], strides = [1, 1]} : vector<64x576xf32> to vector<1x576xf32>
    %add3A_1581 = arith.addf %add3A_1577, %slice3A_1580 : vector<1x576xf32>
    %slice3A_1582 = vector.extract_strided_slice %mul3A_1449 {offsets = [33, 0], sizes = [1, 576], strides = [1, 1]} : vector<64x576xf32> to vector<1x576xf32>
    %add3A_1583 = arith.addf %add3A_1579, %slice3A_1582 : vector<1x576xf32>
    %slice3A_1584 = vector.extract_strided_slice %mul3A_1446 {offsets = [34, 0], sizes = [1, 576], strides = [1, 1]} : vector<64x576xf32> to vector<1x576xf32>
    %add3A_1585 = arith.addf %add3A_1581, %slice3A_1584 : vector<1x576xf32>
    %slice3A_1586 = vector.extract_strided_slice %mul3A_1449 {offsets = [34, 0], sizes = [1, 576], strides = [1, 1]} : vector<64x576xf32> to vector<1x576xf32>
    %add3A_1587 = arith.addf %add3A_1583, %slice3A_1586 : vector<1x576xf32>
    %slice3A_1588 = vector.extract_strided_slice %mul3A_1446 {offsets = [35, 0], sizes = [1, 576], strides = [1, 1]} : vector<64x576xf32> to vector<1x576xf32>
    %add3A_1589 = arith.addf %add3A_1585, %slice3A_1588 : vector<1x576xf32>
    %slice3A_1590 = vector.extract_strided_slice %mul3A_1449 {offsets = [35, 0], sizes = [1, 576], strides = [1, 1]} : vector<64x576xf32> to vector<1x576xf32>
    %add3A_1591 = arith.addf %add3A_1587, %slice3A_1590 : vector<1x576xf32>
    %slice3A_1592 = vector.extract_strided_slice %mul3A_1446 {offsets = [36, 0], sizes = [1, 576], strides = [1, 1]} : vector<64x576xf32> to vector<1x576xf32>
    %add3A_1593 = arith.addf %add3A_1589, %slice3A_1592 : vector<1x576xf32>
    %slice3A_1594 = vector.extract_strided_slice %mul3A_1449 {offsets = [36, 0], sizes = [1, 576], strides = [1, 1]} : vector<64x576xf32> to vector<1x576xf32>
    %add3A_1595 = arith.addf %add3A_1591, %slice3A_1594 : vector<1x576xf32>
    %slice3A_1596 = vector.extract_strided_slice %mul3A_1446 {offsets = [37, 0], sizes = [1, 576], strides = [1, 1]} : vector<64x576xf32> to vector<1x576xf32>
    %add3A_1597 = arith.addf %add3A_1593, %slice3A_1596 : vector<1x576xf32>
    %slice3A_1598 = vector.extract_strided_slice %mul3A_1449 {offsets = [37, 0], sizes = [1, 576], strides = [1, 1]} : vector<64x576xf32> to vector<1x576xf32>
    %add3A_1599 = arith.addf %add3A_1595, %slice3A_1598 : vector<1x576xf32>
    %slice3A_1600 = vector.extract_strided_slice %mul3A_1446 {offsets = [38, 0], sizes = [1, 576], strides = [1, 1]} : vector<64x576xf32> to vector<1x576xf32>
    %add3A_1601 = arith.addf %add3A_1597, %slice3A_1600 : vector<1x576xf32>
    %slice3A_1602 = vector.extract_strided_slice %mul3A_1449 {offsets = [38, 0], sizes = [1, 576], strides = [1, 1]} : vector<64x576xf32> to vector<1x576xf32>
    %add3A_1603 = arith.addf %add3A_1599, %slice3A_1602 : vector<1x576xf32>
    %slice3A_1604 = vector.extract_strided_slice %mul3A_1446 {offsets = [39, 0], sizes = [1, 576], strides = [1, 1]} : vector<64x576xf32> to vector<1x576xf32>
    %add3A_1605 = arith.addf %add3A_1601, %slice3A_1604 : vector<1x576xf32>
    %slice3A_1606 = vector.extract_strided_slice %mul3A_1449 {offsets = [39, 0], sizes = [1, 576], strides = [1, 1]} : vector<64x576xf32> to vector<1x576xf32>
    %add3A_1607 = arith.addf %add3A_1603, %slice3A_1606 : vector<1x576xf32>
    %slice3A_1608 = vector.extract_strided_slice %mul3A_1446 {offsets = [40, 0], sizes = [1, 576], strides = [1, 1]} : vector<64x576xf32> to vector<1x576xf32>
    %add3A_1609 = arith.addf %add3A_1605, %slice3A_1608 : vector<1x576xf32>
    %slice3A_1610 = vector.extract_strided_slice %mul3A_1449 {offsets = [40, 0], sizes = [1, 576], strides = [1, 1]} : vector<64x576xf32> to vector<1x576xf32>
    %add3A_1611 = arith.addf %add3A_1607, %slice3A_1610 : vector<1x576xf32>
    %slice3A_1612 = vector.extract_strided_slice %mul3A_1446 {offsets = [41, 0], sizes = [1, 576], strides = [1, 1]} : vector<64x576xf32> to vector<1x576xf32>
    %add3A_1613 = arith.addf %add3A_1609, %slice3A_1612 : vector<1x576xf32>
    %slice3A_1614 = vector.extract_strided_slice %mul3A_1449 {offsets = [41, 0], sizes = [1, 576], strides = [1, 1]} : vector<64x576xf32> to vector<1x576xf32>
    %add3A_1615 = arith.addf %add3A_1611, %slice3A_1614 : vector<1x576xf32>
    %slice3A_1616 = vector.extract_strided_slice %mul3A_1446 {offsets = [42, 0], sizes = [1, 576], strides = [1, 1]} : vector<64x576xf32> to vector<1x576xf32>
    %add3A_1617 = arith.addf %add3A_1613, %slice3A_1616 : vector<1x576xf32>
    %slice3A_1618 = vector.extract_strided_slice %mul3A_1449 {offsets = [42, 0], sizes = [1, 576], strides = [1, 1]} : vector<64x576xf32> to vector<1x576xf32>
    %add3A_1619 = arith.addf %add3A_1615, %slice3A_1618 : vector<1x576xf32>
    %slice3A_1620 = vector.extract_strided_slice %mul3A_1446 {offsets = [43, 0], sizes = [1, 576], strides = [1, 1]} : vector<64x576xf32> to vector<1x576xf32>
    %add3A_1621 = arith.addf %add3A_1617, %slice3A_1620 : vector<1x576xf32>
    %slice3A_1622 = vector.extract_strided_slice %mul3A_1449 {offsets = [43, 0], sizes = [1, 576], strides = [1, 1]} : vector<64x576xf32> to vector<1x576xf32>
    %add3A_1623 = arith.addf %add3A_1619, %slice3A_1622 : vector<1x576xf32>
    %slice3A_1624 = vector.extract_strided_slice %mul3A_1446 {offsets = [44, 0], sizes = [1, 576], strides = [1, 1]} : vector<64x576xf32> to vector<1x576xf32>
    %add3A_1625 = arith.addf %add3A_1621, %slice3A_1624 : vector<1x576xf32>
    %slice3A_1626 = vector.extract_strided_slice %mul3A_1449 {offsets = [44, 0], sizes = [1, 576], strides = [1, 1]} : vector<64x576xf32> to vector<1x576xf32>
    %add3A_1627 = arith.addf %add3A_1623, %slice3A_1626 : vector<1x576xf32>
    %slice3A_1628 = vector.extract_strided_slice %mul3A_1446 {offsets = [45, 0], sizes = [1, 576], strides = [1, 1]} : vector<64x576xf32> to vector<1x576xf32>
    %add3A_1629 = arith.addf %add3A_1625, %slice3A_1628 : vector<1x576xf32>
    %slice3A_1630 = vector.extract_strided_slice %mul3A_1449 {offsets = [45, 0], sizes = [1, 576], strides = [1, 1]} : vector<64x576xf32> to vector<1x576xf32>
    %add3A_1631 = arith.addf %add3A_1627, %slice3A_1630 : vector<1x576xf32>
    %slice3A_1632 = vector.extract_strided_slice %mul3A_1446 {offsets = [46, 0], sizes = [1, 576], strides = [1, 1]} : vector<64x576xf32> to vector<1x576xf32>
    %add3A_1633 = arith.addf %add3A_1629, %slice3A_1632 : vector<1x576xf32>
    %slice3A_1634 = vector.extract_strided_slice %mul3A_1449 {offsets = [46, 0], sizes = [1, 576], strides = [1, 1]} : vector<64x576xf32> to vector<1x576xf32>
    %add3A_1635 = arith.addf %add3A_1631, %slice3A_1634 : vector<1x576xf32>
    %slice3A_1636 = vector.extract_strided_slice %mul3A_1446 {offsets = [47, 0], sizes = [1, 576], strides = [1, 1]} : vector<64x576xf32> to vector<1x576xf32>
    %add3A_1637 = arith.addf %add3A_1633, %slice3A_1636 : vector<1x576xf32>
    %slice3A_1638 = vector.extract_strided_slice %mul3A_1449 {offsets = [47, 0], sizes = [1, 576], strides = [1, 1]} : vector<64x576xf32> to vector<1x576xf32>
    %add3A_1639 = arith.addf %add3A_1635, %slice3A_1638 : vector<1x576xf32>
    %slice3A_1640 = vector.extract_strided_slice %mul3A_1446 {offsets = [48, 0], sizes = [1, 576], strides = [1, 1]} : vector<64x576xf32> to vector<1x576xf32>
    %add3A_1641 = arith.addf %add3A_1637, %slice3A_1640 : vector<1x576xf32>
    %slice3A_1642 = vector.extract_strided_slice %mul3A_1449 {offsets = [48, 0], sizes = [1, 576], strides = [1, 1]} : vector<64x576xf32> to vector<1x576xf32>
    %add3A_1643 = arith.addf %add3A_1639, %slice3A_1642 : vector<1x576xf32>
    %slice3A_1644 = vector.extract_strided_slice %mul3A_1446 {offsets = [49, 0], sizes = [1, 576], strides = [1, 1]} : vector<64x576xf32> to vector<1x576xf32>
    %add3A_1645 = arith.addf %add3A_1641, %slice3A_1644 : vector<1x576xf32>
    %slice3A_1646 = vector.extract_strided_slice %mul3A_1449 {offsets = [49, 0], sizes = [1, 576], strides = [1, 1]} : vector<64x576xf32> to vector<1x576xf32>
    %add3A_1647 = arith.addf %add3A_1643, %slice3A_1646 : vector<1x576xf32>
    %slice3A_1648 = vector.extract_strided_slice %mul3A_1446 {offsets = [50, 0], sizes = [1, 576], strides = [1, 1]} : vector<64x576xf32> to vector<1x576xf32>
    %add3A_1649 = arith.addf %add3A_1645, %slice3A_1648 : vector<1x576xf32>
    %slice3A_1650 = vector.extract_strided_slice %mul3A_1449 {offsets = [50, 0], sizes = [1, 576], strides = [1, 1]} : vector<64x576xf32> to vector<1x576xf32>
    %add3A_1651 = arith.addf %add3A_1647, %slice3A_1650 : vector<1x576xf32>
    %slice3A_1652 = vector.extract_strided_slice %mul3A_1446 {offsets = [51, 0], sizes = [1, 576], strides = [1, 1]} : vector<64x576xf32> to vector<1x576xf32>
    %add3A_1653 = arith.addf %add3A_1649, %slice3A_1652 : vector<1x576xf32>
    %slice3A_1654 = vector.extract_strided_slice %mul3A_1449 {offsets = [51, 0], sizes = [1, 576], strides = [1, 1]} : vector<64x576xf32> to vector<1x576xf32>
    %add3A_1655 = arith.addf %add3A_1651, %slice3A_1654 : vector<1x576xf32>
    %slice3A_1656 = vector.extract_strided_slice %mul3A_1446 {offsets = [52, 0], sizes = [1, 576], strides = [1, 1]} : vector<64x576xf32> to vector<1x576xf32>
    %add3A_1657 = arith.addf %add3A_1653, %slice3A_1656 : vector<1x576xf32>
    %slice3A_1658 = vector.extract_strided_slice %mul3A_1449 {offsets = [52, 0], sizes = [1, 576], strides = [1, 1]} : vector<64x576xf32> to vector<1x576xf32>
    %add3A_1659 = arith.addf %add3A_1655, %slice3A_1658 : vector<1x576xf32>
    %slice3A_1660 = vector.extract_strided_slice %mul3A_1446 {offsets = [53, 0], sizes = [1, 576], strides = [1, 1]} : vector<64x576xf32> to vector<1x576xf32>
    %add3A_1661 = arith.addf %add3A_1657, %slice3A_1660 : vector<1x576xf32>
    %slice3A_1662 = vector.extract_strided_slice %mul3A_1449 {offsets = [53, 0], sizes = [1, 576], strides = [1, 1]} : vector<64x576xf32> to vector<1x576xf32>
    %add3A_1663 = arith.addf %add3A_1659, %slice3A_1662 : vector<1x576xf32>
    %slice3A_1664 = vector.extract_strided_slice %mul3A_1446 {offsets = [54, 0], sizes = [1, 576], strides = [1, 1]} : vector<64x576xf32> to vector<1x576xf32>
    %add3A_1665 = arith.addf %add3A_1661, %slice3A_1664 : vector<1x576xf32>
    %slice3A_1666 = vector.extract_strided_slice %mul3A_1449 {offsets = [54, 0], sizes = [1, 576], strides = [1, 1]} : vector<64x576xf32> to vector<1x576xf32>
    %add3A_1667 = arith.addf %add3A_1663, %slice3A_1666 : vector<1x576xf32>
    %slice3A_1668 = vector.extract_strided_slice %mul3A_1446 {offsets = [55, 0], sizes = [1, 576], strides = [1, 1]} : vector<64x576xf32> to vector<1x576xf32>
    %add3A_1669 = arith.addf %add3A_1665, %slice3A_1668 : vector<1x576xf32>
    %slice3A_1670 = vector.extract_strided_slice %mul3A_1449 {offsets = [55, 0], sizes = [1, 576], strides = [1, 1]} : vector<64x576xf32> to vector<1x576xf32>
    %add3A_1671 = arith.addf %add3A_1667, %slice3A_1670 : vector<1x576xf32>
    %slice3A_1672 = vector.extract_strided_slice %mul3A_1446 {offsets = [56, 0], sizes = [1, 576], strides = [1, 1]} : vector<64x576xf32> to vector<1x576xf32>
    %add3A_1673 = arith.addf %add3A_1669, %slice3A_1672 : vector<1x576xf32>
    %slice3A_1674 = vector.extract_strided_slice %mul3A_1449 {offsets = [56, 0], sizes = [1, 576], strides = [1, 1]} : vector<64x576xf32> to vector<1x576xf32>
    %add3A_1675 = arith.addf %add3A_1671, %slice3A_1674 : vector<1x576xf32>
    %slice3A_1676 = vector.extract_strided_slice %mul3A_1446 {offsets = [57, 0], sizes = [1, 576], strides = [1, 1]} : vector<64x576xf32> to vector<1x576xf32>
    %add3A_1677 = arith.addf %add3A_1673, %slice3A_1676 : vector<1x576xf32>
    %slice3A_1678 = vector.extract_strided_slice %mul3A_1449 {offsets = [57, 0], sizes = [1, 576], strides = [1, 1]} : vector<64x576xf32> to vector<1x576xf32>
    %add3A_1679 = arith.addf %add3A_1675, %slice3A_1678 : vector<1x576xf32>
    %slice3A_1680 = vector.extract_strided_slice %mul3A_1446 {offsets = [58, 0], sizes = [1, 576], strides = [1, 1]} : vector<64x576xf32> to vector<1x576xf32>
    %add3A_1681 = arith.addf %add3A_1677, %slice3A_1680 : vector<1x576xf32>
    %slice3A_1682 = vector.extract_strided_slice %mul3A_1449 {offsets = [58, 0], sizes = [1, 576], strides = [1, 1]} : vector<64x576xf32> to vector<1x576xf32>
    %add3A_1683 = arith.addf %add3A_1679, %slice3A_1682 : vector<1x576xf32>
    %slice3A_1684 = vector.extract_strided_slice %mul3A_1446 {offsets = [59, 0], sizes = [1, 576], strides = [1, 1]} : vector<64x576xf32> to vector<1x576xf32>
    %add3A_1685 = arith.addf %add3A_1681, %slice3A_1684 : vector<1x576xf32>
    %slice3A_1686 = vector.extract_strided_slice %mul3A_1449 {offsets = [59, 0], sizes = [1, 576], strides = [1, 1]} : vector<64x576xf32> to vector<1x576xf32>
    %add3A_1687 = arith.addf %add3A_1683, %slice3A_1686 : vector<1x576xf32>
    %slice3A_1688 = vector.extract_strided_slice %mul3A_1446 {offsets = [60, 0], sizes = [1, 576], strides = [1, 1]} : vector<64x576xf32> to vector<1x576xf32>
    %add3A_1689 = arith.addf %add3A_1685, %slice3A_1688 : vector<1x576xf32>
    %slice3A_1690 = vector.extract_strided_slice %mul3A_1449 {offsets = [60, 0], sizes = [1, 576], strides = [1, 1]} : vector<64x576xf32> to vector<1x576xf32>
    %add3A_1691 = arith.addf %add3A_1687, %slice3A_1690 : vector<1x576xf32>
    %slice3A_1692 = vector.extract_strided_slice %mul3A_1446 {offsets = [61, 0], sizes = [1, 576], strides = [1, 1]} : vector<64x576xf32> to vector<1x576xf32>
    %add3A_1693 = arith.addf %add3A_1689, %slice3A_1692 : vector<1x576xf32>
    %slice3A_1694 = vector.extract_strided_slice %mul3A_1449 {offsets = [61, 0], sizes = [1, 576], strides = [1, 1]} : vector<64x576xf32> to vector<1x576xf32>
    %add3A_1695 = arith.addf %add3A_1691, %slice3A_1694 : vector<1x576xf32>
    %slice3A_1696 = vector.extract_strided_slice %mul3A_1446 {offsets = [62, 0], sizes = [1, 576], strides = [1, 1]} : vector<64x576xf32> to vector<1x576xf32>
    %add3A_1697 = arith.addf %add3A_1693, %slice3A_1696 : vector<1x576xf32>
    %slice3A_1698 = vector.extract_strided_slice %mul3A_1449 {offsets = [62, 0], sizes = [1, 576], strides = [1, 1]} : vector<64x576xf32> to vector<1x576xf32>
    %add3A_1699 = arith.addf %add3A_1695, %slice3A_1698 : vector<1x576xf32>
    %slice3A_1700 = vector.extract_strided_slice %mul3A_1446 {offsets = [63, 0], sizes = [1, 576], strides = [1, 1]} : vector<64x576xf32> to vector<1x576xf32>
    %add3A_1701 = arith.addf %add3A_1697, %slice3A_1700 : vector<1x576xf32>
    %slice3A_1702 = vector.extract_strided_slice %mul3A_1449 {offsets = [63, 0], sizes = [1, 576], strides = [1, 1]} : vector<64x576xf32> to vector<1x576xf32>
    %add3A_1703 = arith.addf %add3A_1699, %slice3A_1702 : vector<1x576xf32>
    %sqrt3A_1704 = math.sqrt %add3A_1703 : vector<1x576xf32>
    %sqrt3A_1705 = math.sqrt %add3A_1701 : vector<1x576xf32>
    %lt3A_1706 = arith.cmpf olt, %sqrt3A_1704, %sqrt3A_1705 : vector<1x576xf32>
    %broadcast_in_dim3A_1707 = vector.shape_cast %max3A_1417 : vector<576xi32> to vector<1x576xi32>
    %broadcast_in_dim3A_1708 = vector.shape_cast %min3A_1416 : vector<576xi32> to vector<1x576xi32>
    %select_n3A_1709 = arith.select %lt3A_1706, %broadcast_in_dim3A_1707, %broadcast_in_dim3A_1708 : vector<1x576xi1>, vector<1x576xi32>
    %squeeze3A_1710 = vector.shape_cast %select_n3A_1709 : vector<1x576xi32> to vector<576xi32>
    %swap3A_1711 = arith.constant 4 : index
    %swap3A_1712 = arith.constant 0 : index
    %swap3A_1713 = vector.load %arg2[%swap3A_1711, %swap3A_1712] : memref<8x576xi32, #tpu.memory_space<vmem>>, vector<1x576xi32>
    %swap3A_1714 = vector.shape_cast %swap3A_1713 : vector<1x576xi32> to vector<576xi32>
    %swap3A_1715 = vector.shape_cast %squeeze3A_1710 : vector<576xi32> to vector<1x576xi32>
    tpu.vector_store %arg2[%swap3A_1711, %swap3A_1712], %swap3A_1715 {strides = array<i32>} : memref<8x576xi32, #tpu.memory_space<vmem>>, vector<1x576xi32>,
    %get3A_1716 = arith.constant 5 : index
    %get3A_1717 = arith.constant 0 : index
    %get3A_1718 = arith.constant 0 : index
    %get3A_1719 = vector.load %arg0[%get3A_1716, %get3A_1717, %get3A_1718] : memref<8x64x576xf32, #tpu.memory_space<vmem>>, vector<1x64x576xf32>
    %get3A_1720 = vector.shape_cast %get3A_1719 : vector<1x64x576xf32> to vector<64x576xf32>
    %mul3A_1721 = arith.mulf %get3A_1720, %get3A_1720 : vector<64x576xf32>
    %reduce_sum3A_1722 = arith.constant dense<0.000000e+00> : vector<576xf32>
    %reduce_sum3A_1723 = vector.multi_reduction <add>, %mul3A_1721, %reduce_sum3A_1722 [0] : vector<64x576xf32> to vector<576xf32>
    %broadcast_in_dim3A_1724 = vector.shape_cast %reduce_sum3A_1723 : vector<576xf32> to vector<1x576xf32>
    %broadcast_in_dim3A_1725 = arith.constant 1.000000e+00 : f32
    %broadcast_in_dim3A_1726 = vector.broadcast %broadcast_in_dim3A_1725 : f32 to vector<1x576xf32>
    %broadcast_in_dim3A_1727 = arith.constant 0.000000e+00 : f32
    %broadcast_in_dim3A_1728 = vector.broadcast %broadcast_in_dim3A_1727 : f32 to vector<6x576xf32>
    %concatenate3A_1729 = tpu.concatenate %get3A_1720, %broadcast_in_dim3A_1724, %broadcast_in_dim3A_1726, %broadcast_in_dim3A_1728 in 0 : vector<64x576xf32>, vector<1x576xf32>, vector<1x576xf32>, vector<6x576xf32> -> vector<72x576xf32>
    %dot_general3A_1730 = arith.constant dense<0.000000e+00> : vector<512x576xf32>
    %dot_general3A_1731 = tpu.matmul %concatenate3A, %concatenate3A_1729, %dot_general3A_1730 {dimension_numbers = #tpu.dot_dimension_numbers<[0], [0], [1], [1], [0, 1, 1, 1], [], []>, precision = #tpu.contract_precision<fp32>, transpose_lhs_hint = true} : vector<72x512xf32>, vector<72x576xf32>, vector<512x576xf32> -> vector<512x576xf32>
    %iota3A_1732 = tpu.iota {dimensions = array<i32: 0>} : vector<512x576xi32>
    %reduce_min3A_1733 = arith.constant dense<0x7F800000> : vector<576xf32>
    %reduce_min3A_1734 = vector.multi_reduction <minimumf>, %dot_general3A_1731, %reduce_min3A_1733 [0] : vector<512x576xf32> to vector<576xf32>
    %broadcast_in_dim3A_1735 = vector.shape_cast %reduce_min3A_1734 : vector<576xf32> to vector<1x576xf32>
    %eq3A_1736 = vector.broadcast %broadcast_in_dim3A_1735 : vector<1x576xf32> to vector<512x576xf32>
    %eq3A_1737 = arith.cmpf oeq, %dot_general3A_1731, %eq3A_1736 : vector<512x576xf32>
    %jit3A_1738 = arith.constant 512 : i32
    %broadcast_in_dim3A_1739 = vector.broadcast %jit3A_1738 : i32 to vector<512x576xi32>
    %select_n3A_1740 = arith.select %eq3A_1737, %iota3A_1732, %broadcast_in_dim3A_1739 : vector<512x576xi1>, vector<512x576xi32>
    %reduce_min3A_1741 = arith.constant dense<2147483647> : vector<576xi32>
    %reduce_min3A_1742 = vector.multi_reduction <minsi>, %select_n3A_1740, %reduce_min3A_1741 [0] : vector<512x576xi32> to vector<576xi32>
    %broadcast_in_dim3A_1743 = vector.shape_cast %reduce_min3A_1742 : vector<576xi32> to vector<1x576xi32>
    %eq3A_1744 = vector.broadcast %broadcast_in_dim3A_1743 : vector<1x576xi32> to vector<512x576xi32>
    %eq3A_1745 = arith.cmpi eq, %iota3A_1732, %eq3A_1744 : vector<512x576xi32>
    %jit3A_1746 = arith.constant 0x7F800000 : f32
    %broadcast_in_dim3A_1747 = vector.broadcast %jit3A_1746 : f32 to vector<512x576xf32>
    %select_n3A_1748 = arith.select %eq3A_1745, %broadcast_in_dim3A_1747, %dot_general3A_1731 : vector<512x576xi1>, vector<512x576xf32>
    %reduce_min3A_1749 = arith.constant dense<0x7F800000> : vector<576xf32>
    %reduce_min3A_1750 = vector.multi_reduction <minimumf>, %select_n3A_1748, %reduce_min3A_1749 [0] : vector<512x576xf32> to vector<576xf32>
    %broadcast_in_dim3A_1751 = vector.shape_cast %reduce_min3A_1750 : vector<576xf32> to vector<1x576xf32>
    %eq3A_1752 = vector.broadcast %broadcast_in_dim3A_1751 : vector<1x576xf32> to vector<512x576xf32>
    %eq3A_1753 = arith.cmpf oeq, %select_n3A_1748, %eq3A_1752 : vector<512x576xf32>
    %jit3A_1754 = arith.constant 512 : i32
    %broadcast_in_dim3A_1755 = vector.broadcast %jit3A_1754 : i32 to vector<512x576xi32>
    %select_n3A_1756 = arith.select %eq3A_1753, %iota3A_1732, %broadcast_in_dim3A_1755 : vector<512x576xi1>, vector<512x576xi32>
    %reduce_min3A_1757 = arith.constant dense<2147483647> : vector<576xi32>
    %reduce_min3A_1758 = vector.multi_reduction <minsi>, %select_n3A_1756, %reduce_min3A_1757 [0] : vector<512x576xi32> to vector<576xi32>
    %min3A_1759 = arith.minsi %reduce_min3A_1742, %reduce_min3A_1758 : vector<576xi32>
    %max3A_1760 = arith.maxsi %reduce_min3A_1742, %reduce_min3A_1758 : vector<576xi32>
    %broadcast_in_dim3A_1761 = vector.shape_cast %min3A_1759 : vector<576xi32> to vector<1x576xi32>
    %eq3A_1762 = vector.broadcast %broadcast_in_dim3A_1761 : vector<1x576xi32> to vector<512x576xi32>
    %eq3A_1763 = arith.cmpi eq, %iota3A_1732, %eq3A_1762 : vector<512x576xi32>
    %convert_element_type3A_1764 = arith.extui %eq3A_1763 : vector<512x576xi1> to vector<512x576xi32>
    %convert_element_type3A_1765 = arith.sitofp %convert_element_type3A_1764 : vector<512x576xi32> to vector<512x576xf32>
    %broadcast_in_dim3A_1766 = vector.shape_cast %max3A_1760 : vector<576xi32> to vector<1x576xi32>
    %eq3A_1767 = vector.broadcast %broadcast_in_dim3A_1766 : vector<1x576xi32> to vector<512x576xi32>
    %eq3A_1768 = arith.cmpi eq, %iota3A_1732, %eq3A_1767 : vector<512x576xi32>
    %convert_element_type3A_1769 = arith.extui %eq3A_1768 : vector<512x576xi1> to vector<512x576xi32>
    %convert_element_type3A_1770 = arith.sitofp %convert_element_type3A_1769 : vector<512x576xi32> to vector<512x576xf32>
    %dot_general3A_1771 = arith.constant dense<0.000000e+00> : vector<64x576xf32>
    %dot_general3A_1772 = tpu.matmul %convert_element_type3A_2, %convert_element_type3A_1765, %dot_general3A_1771 {dimension_numbers = #tpu.dot_dimension_numbers<[1], [0], [0], [1], [0, 0, 1, 1], [], []>, transpose_lhs_hint = false} : vector<64x512xf32>, vector<512x576xf32>, vector<64x576xf32> -> vector<64x576xf32>
    %dot_general3A_1773 = arith.constant dense<0.000000e+00> : vector<64x576xf32>
    %dot_general3A_1774 = tpu.matmul %convert_element_type3A_4, %convert_element_type3A_1765, %dot_general3A_1773 {dimension_numbers = #tpu.dot_dimension_numbers<[1], [0], [0], [1], [0, 0, 1, 1], [], []>, transpose_lhs_hint = false} : vector<64x512xf32>, vector<512x576xf32>, vector<64x576xf32> -> vector<64x576xf32>
    %dot_general3A_1775 = arith.constant dense<0.000000e+00> : vector<64x576xf32>
    %dot_general3A_1776 = tpu.matmul %sub3A_6, %convert_element_type3A_1765, %dot_general3A_1775 {dimension_numbers = #tpu.dot_dimension_numbers<[1], [0], [0], [1], [0, 0, 1, 1], [], []>, transpose_lhs_hint = false} : vector<64x512xf32>, vector<512x576xf32>, vector<64x576xf32> -> vector<64x576xf32>
    %add3A_1777 = arith.addf %dot_general3A_1772, %dot_general3A_1774 : vector<64x576xf32>
    %add3A_1778 = arith.addf %add3A_1777, %dot_general3A_1776 : vector<64x576xf32>
    %dot_general3A_1779 = arith.constant dense<0.000000e+00> : vector<64x576xf32>
    %dot_general3A_1780 = tpu.matmul %convert_element_type3A_2, %convert_element_type3A_1770, %dot_general3A_1779 {dimension_numbers = #tpu.dot_dimension_numbers<[1], [0], [0], [1], [0, 0, 1, 1], [], []>, transpose_lhs_hint = false} : vector<64x512xf32>, vector<512x576xf32>, vector<64x576xf32> -> vector<64x576xf32>
    %dot_general3A_1781 = arith.constant dense<0.000000e+00> : vector<64x576xf32>
    %dot_general3A_1782 = tpu.matmul %convert_element_type3A_4, %convert_element_type3A_1770, %dot_general3A_1781 {dimension_numbers = #tpu.dot_dimension_numbers<[1], [0], [0], [1], [0, 0, 1, 1], [], []>, transpose_lhs_hint = false} : vector<64x512xf32>, vector<512x576xf32>, vector<64x576xf32> -> vector<64x576xf32>
    %dot_general3A_1783 = arith.constant dense<0.000000e+00> : vector<64x576xf32>
    %dot_general3A_1784 = tpu.matmul %sub3A_6, %convert_element_type3A_1770, %dot_general3A_1783 {dimension_numbers = #tpu.dot_dimension_numbers<[1], [0], [0], [1], [0, 0, 1, 1], [], []>, transpose_lhs_hint = false} : vector<64x512xf32>, vector<512x576xf32>, vector<64x576xf32> -> vector<64x576xf32>
    %add3A_1785 = arith.addf %dot_general3A_1780, %dot_general3A_1782 : vector<64x576xf32>
    %add3A_1786 = arith.addf %add3A_1785, %dot_general3A_1784 : vector<64x576xf32>
    %sub3A_1787 = arith.subf %get3A_1720, %add3A_1778 : vector<64x576xf32>
    %sub3A_1788 = arith.subf %get3A_1720, %add3A_1778 : vector<64x576xf32>
    %mul3A_1789 = arith.mulf %sub3A_1787, %sub3A_1788 : vector<64x576xf32>
    %sub3A_1790 = arith.subf %get3A_1720, %add3A_1786 : vector<64x576xf32>
    %sub3A_1791 = arith.subf %get3A_1720, %add3A_1786 : vector<64x576xf32>
    %mul3A_1792 = arith.mulf %sub3A_1790, %sub3A_1791 : vector<64x576xf32>
    %slice3A_1793 = vector.extract_strided_slice %mul3A_1789 {offsets = [0, 0], sizes = [1, 576], strides = [1, 1]} : vector<64x576xf32> to vector<1x576xf32>
    %slice3A_1794 = vector.extract_strided_slice %mul3A_1792 {offsets = [0, 0], sizes = [1, 576], strides = [1, 1]} : vector<64x576xf32> to vector<1x576xf32>
    %slice3A_1795 = vector.extract_strided_slice %mul3A_1789 {offsets = [1, 0], sizes = [1, 576], strides = [1, 1]} : vector<64x576xf32> to vector<1x576xf32>
    %add3A_1796 = arith.addf %slice3A_1793, %slice3A_1795 : vector<1x576xf32>
    %slice3A_1797 = vector.extract_strided_slice %mul3A_1792 {offsets = [1, 0], sizes = [1, 576], strides = [1, 1]} : vector<64x576xf32> to vector<1x576xf32>
    %add3A_1798 = arith.addf %slice3A_1794, %slice3A_1797 : vector<1x576xf32>
    %slice3A_1799 = vector.extract_strided_slice %mul3A_1789 {offsets = [2, 0], sizes = [1, 576], strides = [1, 1]} : vector<64x576xf32> to vector<1x576xf32>
    %add3A_1800 = arith.addf %add3A_1796, %slice3A_1799 : vector<1x576xf32>
    %slice3A_1801 = vector.extract_strided_slice %mul3A_1792 {offsets = [2, 0], sizes = [1, 576], strides = [1, 1]} : vector<64x576xf32> to vector<1x576xf32>
    %add3A_1802 = arith.addf %add3A_1798, %slice3A_1801 : vector<1x576xf32>
    %slice3A_1803 = vector.extract_strided_slice %mul3A_1789 {offsets = [3, 0], sizes = [1, 576], strides = [1, 1]} : vector<64x576xf32> to vector<1x576xf32>
    %add3A_1804 = arith.addf %add3A_1800, %slice3A_1803 : vector<1x576xf32>
    %slice3A_1805 = vector.extract_strided_slice %mul3A_1792 {offsets = [3, 0], sizes = [1, 576], strides = [1, 1]} : vector<64x576xf32> to vector<1x576xf32>
    %add3A_1806 = arith.addf %add3A_1802, %slice3A_1805 : vector<1x576xf32>
    %slice3A_1807 = vector.extract_strided_slice %mul3A_1789 {offsets = [4, 0], sizes = [1, 576], strides = [1, 1]} : vector<64x576xf32> to vector<1x576xf32>
    %add3A_1808 = arith.addf %add3A_1804, %slice3A_1807 : vector<1x576xf32>
    %slice3A_1809 = vector.extract_strided_slice %mul3A_1792 {offsets = [4, 0], sizes = [1, 576], strides = [1, 1]} : vector<64x576xf32> to vector<1x576xf32>
    %add3A_1810 = arith.addf %add3A_1806, %slice3A_1809 : vector<1x576xf32>
    %slice3A_1811 = vector.extract_strided_slice %mul3A_1789 {offsets = [5, 0], sizes = [1, 576], strides = [1, 1]} : vector<64x576xf32> to vector<1x576xf32>
    %add3A_1812 = arith.addf %add3A_1808, %slice3A_1811 : vector<1x576xf32>
    %slice3A_1813 = vector.extract_strided_slice %mul3A_1792 {offsets = [5, 0], sizes = [1, 576], strides = [1, 1]} : vector<64x576xf32> to vector<1x576xf32>
    %add3A_1814 = arith.addf %add3A_1810, %slice3A_1813 : vector<1x576xf32>
    %slice3A_1815 = vector.extract_strided_slice %mul3A_1789 {offsets = [6, 0], sizes = [1, 576], strides = [1, 1]} : vector<64x576xf32> to vector<1x576xf32>
    %add3A_1816 = arith.addf %add3A_1812, %slice3A_1815 : vector<1x576xf32>
    %slice3A_1817 = vector.extract_strided_slice %mul3A_1792 {offsets = [6, 0], sizes = [1, 576], strides = [1, 1]} : vector<64x576xf32> to vector<1x576xf32>
    %add3A_1818 = arith.addf %add3A_1814, %slice3A_1817 : vector<1x576xf32>
    %slice3A_1819 = vector.extract_strided_slice %mul3A_1789 {offsets = [7, 0], sizes = [1, 576], strides = [1, 1]} : vector<64x576xf32> to vector<1x576xf32>
    %add3A_1820 = arith.addf %add3A_1816, %slice3A_1819 : vector<1x576xf32>
    %slice3A_1821 = vector.extract_strided_slice %mul3A_1792 {offsets = [7, 0], sizes = [1, 576], strides = [1, 1]} : vector<64x576xf32> to vector<1x576xf32>
    %add3A_1822 = arith.addf %add3A_1818, %slice3A_1821 : vector<1x576xf32>
    %slice3A_1823 = vector.extract_strided_slice %mul3A_1789 {offsets = [8, 0], sizes = [1, 576], strides = [1, 1]} : vector<64x576xf32> to vector<1x576xf32>
    %add3A_1824 = arith.addf %add3A_1820, %slice3A_1823 : vector<1x576xf32>
    %slice3A_1825 = vector.extract_strided_slice %mul3A_1792 {offsets = [8, 0], sizes = [1, 576], strides = [1, 1]} : vector<64x576xf32> to vector<1x576xf32>
    %add3A_1826 = arith.addf %add3A_1822, %slice3A_1825 : vector<1x576xf32>
    %slice3A_1827 = vector.extract_strided_slice %mul3A_1789 {offsets = [9, 0], sizes = [1, 576], strides = [1, 1]} : vector<64x576xf32> to vector<1x576xf32>
    %add3A_1828 = arith.addf %add3A_1824, %slice3A_1827 : vector<1x576xf32>
    %slice3A_1829 = vector.extract_strided_slice %mul3A_1792 {offsets = [9, 0], sizes = [1, 576], strides = [1, 1]} : vector<64x576xf32> to vector<1x576xf32>
    %add3A_1830 = arith.addf %add3A_1826, %slice3A_1829 : vector<1x576xf32>
    %slice3A_1831 = vector.extract_strided_slice %mul3A_1789 {offsets = [10, 0], sizes = [1, 576], strides = [1, 1]} : vector<64x576xf32> to vector<1x576xf32>
    %add3A_1832 = arith.addf %add3A_1828, %slice3A_1831 : vector<1x576xf32>
    %slice3A_1833 = vector.extract_strided_slice %mul3A_1792 {offsets = [10, 0], sizes = [1, 576], strides = [1, 1]} : vector<64x576xf32> to vector<1x576xf32>
    %add3A_1834 = arith.addf %add3A_1830, %slice3A_1833 : vector<1x576xf32>
    %slice3A_1835 = vector.extract_strided_slice %mul3A_1789 {offsets = [11, 0], sizes = [1, 576], strides = [1, 1]} : vector<64x576xf32> to vector<1x576xf32>
    %add3A_1836 = arith.addf %add3A_1832, %slice3A_1835 : vector<1x576xf32>
    %slice3A_1837 = vector.extract_strided_slice %mul3A_1792 {offsets = [11, 0], sizes = [1, 576], strides = [1, 1]} : vector<64x576xf32> to vector<1x576xf32>
    %add3A_1838 = arith.addf %add3A_1834, %slice3A_1837 : vector<1x576xf32>
    %slice3A_1839 = vector.extract_strided_slice %mul3A_1789 {offsets = [12, 0], sizes = [1, 576], strides = [1, 1]} : vector<64x576xf32> to vector<1x576xf32>
    %add3A_1840 = arith.addf %add3A_1836, %slice3A_1839 : vector<1x576xf32>
    %slice3A_1841 = vector.extract_strided_slice %mul3A_1792 {offsets = [12, 0], sizes = [1, 576], strides = [1, 1]} : vector<64x576xf32> to vector<1x576xf32>
    %add3A_1842 = arith.addf %add3A_1838, %slice3A_1841 : vector<1x576xf32>
    %slice3A_1843 = vector.extract_strided_slice %mul3A_1789 {offsets = [13, 0], sizes = [1, 576], strides = [1, 1]} : vector<64x576xf32> to vector<1x576xf32>
    %add3A_1844 = arith.addf %add3A_1840, %slice3A_1843 : vector<1x576xf32>
    %slice3A_1845 = vector.extract_strided_slice %mul3A_1792 {offsets = [13, 0], sizes = [1, 576], strides = [1, 1]} : vector<64x576xf32> to vector<1x576xf32>
    %add3A_1846 = arith.addf %add3A_1842, %slice3A_1845 : vector<1x576xf32>
    %slice3A_1847 = vector.extract_strided_slice %mul3A_1789 {offsets = [14, 0], sizes = [1, 576], strides = [1, 1]} : vector<64x576xf32> to vector<1x576xf32>
    %add3A_1848 = arith.addf %add3A_1844, %slice3A_1847 : vector<1x576xf32>
    %slice3A_1849 = vector.extract_strided_slice %mul3A_1792 {offsets = [14, 0], sizes = [1, 576], strides = [1, 1]} : vector<64x576xf32> to vector<1x576xf32>
    %add3A_1850 = arith.addf %add3A_1846, %slice3A_1849 : vector<1x576xf32>
    %slice3A_1851 = vector.extract_strided_slice %mul3A_1789 {offsets = [15, 0], sizes = [1, 576], strides = [1, 1]} : vector<64x576xf32> to vector<1x576xf32>
    %add3A_1852 = arith.addf %add3A_1848, %slice3A_1851 : vector<1x576xf32>
    %slice3A_1853 = vector.extract_strided_slice %mul3A_1792 {offsets = [15, 0], sizes = [1, 576], strides = [1, 1]} : vector<64x576xf32> to vector<1x576xf32>
    %add3A_1854 = arith.addf %add3A_1850, %slice3A_1853 : vector<1x576xf32>
    %slice3A_1855 = vector.extract_strided_slice %mul3A_1789 {offsets = [16, 0], sizes = [1, 576], strides = [1, 1]} : vector<64x576xf32> to vector<1x576xf32>
    %add3A_1856 = arith.addf %add3A_1852, %slice3A_1855 : vector<1x576xf32>
    %slice3A_1857 = vector.extract_strided_slice %mul3A_1792 {offsets = [16, 0], sizes = [1, 576], strides = [1, 1]} : vector<64x576xf32> to vector<1x576xf32>
    %add3A_1858 = arith.addf %add3A_1854, %slice3A_1857 : vector<1x576xf32>
    %slice3A_1859 = vector.extract_strided_slice %mul3A_1789 {offsets = [17, 0], sizes = [1, 576], strides = [1, 1]} : vector<64x576xf32> to vector<1x576xf32>
    %add3A_1860 = arith.addf %add3A_1856, %slice3A_1859 : vector<1x576xf32>
    %slice3A_1861 = vector.extract_strided_slice %mul3A_1792 {offsets = [17, 0], sizes = [1, 576], strides = [1, 1]} : vector<64x576xf32> to vector<1x576xf32>
    %add3A_1862 = arith.addf %add3A_1858, %slice3A_1861 : vector<1x576xf32>
    %slice3A_1863 = vector.extract_strided_slice %mul3A_1789 {offsets = [18, 0], sizes = [1, 576], strides = [1, 1]} : vector<64x576xf32> to vector<1x576xf32>
    %add3A_1864 = arith.addf %add3A_1860, %slice3A_1863 : vector<1x576xf32>
    %slice3A_1865 = vector.extract_strided_slice %mul3A_1792 {offsets = [18, 0], sizes = [1, 576], strides = [1, 1]} : vector<64x576xf32> to vector<1x576xf32>
    %add3A_1866 = arith.addf %add3A_1862, %slice3A_1865 : vector<1x576xf32>
    %slice3A_1867 = vector.extract_strided_slice %mul3A_1789 {offsets = [19, 0], sizes = [1, 576], strides = [1, 1]} : vector<64x576xf32> to vector<1x576xf32>
    %add3A_1868 = arith.addf %add3A_1864, %slice3A_1867 : vector<1x576xf32>
    %slice3A_1869 = vector.extract_strided_slice %mul3A_1792 {offsets = [19, 0], sizes = [1, 576], strides = [1, 1]} : vector<64x576xf32> to vector<1x576xf32>
    %add3A_1870 = arith.addf %add3A_1866, %slice3A_1869 : vector<1x576xf32>
    %slice3A_1871 = vector.extract_strided_slice %mul3A_1789 {offsets = [20, 0], sizes = [1, 576], strides = [1, 1]} : vector<64x576xf32> to vector<1x576xf32>
    %add3A_1872 = arith.addf %add3A_1868, %slice3A_1871 : vector<1x576xf32>
    %slice3A_1873 = vector.extract_strided_slice %mul3A_1792 {offsets = [20, 0], sizes = [1, 576], strides = [1, 1]} : vector<64x576xf32> to vector<1x576xf32>
    %add3A_1874 = arith.addf %add3A_1870, %slice3A_1873 : vector<1x576xf32>
    %slice3A_1875 = vector.extract_strided_slice %mul3A_1789 {offsets = [21, 0], sizes = [1, 576], strides = [1, 1]} : vector<64x576xf32> to vector<1x576xf32>
    %add3A_1876 = arith.addf %add3A_1872, %slice3A_1875 : vector<1x576xf32>
    %slice3A_1877 = vector.extract_strided_slice %mul3A_1792 {offsets = [21, 0], sizes = [1, 576], strides = [1, 1]} : vector<64x576xf32> to vector<1x576xf32>
    %add3A_1878 = arith.addf %add3A_1874, %slice3A_1877 : vector<1x576xf32>
    %slice3A_1879 = vector.extract_strided_slice %mul3A_1789 {offsets = [22, 0], sizes = [1, 576], strides = [1, 1]} : vector<64x576xf32> to vector<1x576xf32>
    %add3A_1880 = arith.addf %add3A_1876, %slice3A_1879 : vector<1x576xf32>
    %slice3A_1881 = vector.extract_strided_slice %mul3A_1792 {offsets = [22, 0], sizes = [1, 576], strides = [1, 1]} : vector<64x576xf32> to vector<1x576xf32>
    %add3A_1882 = arith.addf %add3A_1878, %slice3A_1881 : vector<1x576xf32>
    %slice3A_1883 = vector.extract_strided_slice %mul3A_1789 {offsets = [23, 0], sizes = [1, 576], strides = [1, 1]} : vector<64x576xf32> to vector<1x576xf32>
    %add3A_1884 = arith.addf %add3A_1880, %slice3A_1883 : vector<1x576xf32>
    %slice3A_1885 = vector.extract_strided_slice %mul3A_1792 {offsets = [23, 0], sizes = [1, 576], strides = [1, 1]} : vector<64x576xf32> to vector<1x576xf32>
    %add3A_1886 = arith.addf %add3A_1882, %slice3A_1885 : vector<1x576xf32>
    %slice3A_1887 = vector.extract_strided_slice %mul3A_1789 {offsets = [24, 0], sizes = [1, 576], strides = [1, 1]} : vector<64x576xf32> to vector<1x576xf32>
    %add3A_1888 = arith.addf %add3A_1884, %slice3A_1887 : vector<1x576xf32>
    %slice3A_1889 = vector.extract_strided_slice %mul3A_1792 {offsets = [24, 0], sizes = [1, 576], strides = [1, 1]} : vector<64x576xf32> to vector<1x576xf32>
    %add3A_1890 = arith.addf %add3A_1886, %slice3A_1889 : vector<1x576xf32>
    %slice3A_1891 = vector.extract_strided_slice %mul3A_1789 {offsets = [25, 0], sizes = [1, 576], strides = [1, 1]} : vector<64x576xf32> to vector<1x576xf32>
    %add3A_1892 = arith.addf %add3A_1888, %slice3A_1891 : vector<1x576xf32>
    %slice3A_1893 = vector.extract_strided_slice %mul3A_1792 {offsets = [25, 0], sizes = [1, 576], strides = [1, 1]} : vector<64x576xf32> to vector<1x576xf32>
    %add3A_1894 = arith.addf %add3A_1890, %slice3A_1893 : vector<1x576xf32>
    %slice3A_1895 = vector.extract_strided_slice %mul3A_1789 {offsets = [26, 0], sizes = [1, 576], strides = [1, 1]} : vector<64x576xf32> to vector<1x576xf32>
    %add3A_1896 = arith.addf %add3A_1892, %slice3A_1895 : vector<1x576xf32>
    %slice3A_1897 = vector.extract_strided_slice %mul3A_1792 {offsets = [26, 0], sizes = [1, 576], strides = [1, 1]} : vector<64x576xf32> to vector<1x576xf32>
    %add3A_1898 = arith.addf %add3A_1894, %slice3A_1897 : vector<1x576xf32>
    %slice3A_1899 = vector.extract_strided_slice %mul3A_1789 {offsets = [27, 0], sizes = [1, 576], strides = [1, 1]} : vector<64x576xf32> to vector<1x576xf32>
    %add3A_1900 = arith.addf %add3A_1896, %slice3A_1899 : vector<1x576xf32>
    %slice3A_1901 = vector.extract_strided_slice %mul3A_1792 {offsets = [27, 0], sizes = [1, 576], strides = [1, 1]} : vector<64x576xf32> to vector<1x576xf32>
    %add3A_1902 = arith.addf %add3A_1898, %slice3A_1901 : vector<1x576xf32>
    %slice3A_1903 = vector.extract_strided_slice %mul3A_1789 {offsets = [28, 0], sizes = [1, 576], strides = [1, 1]} : vector<64x576xf32> to vector<1x576xf32>
    %add3A_1904 = arith.addf %add3A_1900, %slice3A_1903 : vector<1x576xf32>
    %slice3A_1905 = vector.extract_strided_slice %mul3A_1792 {offsets = [28, 0], sizes = [1, 576], strides = [1, 1]} : vector<64x576xf32> to vector<1x576xf32>
    %add3A_1906 = arith.addf %add3A_1902, %slice3A_1905 : vector<1x576xf32>
    %slice3A_1907 = vector.extract_strided_slice %mul3A_1789 {offsets = [29, 0], sizes = [1, 576], strides = [1, 1]} : vector<64x576xf32> to vector<1x576xf32>
    %add3A_1908 = arith.addf %add3A_1904, %slice3A_1907 : vector<1x576xf32>
    %slice3A_1909 = vector.extract_strided_slice %mul3A_1792 {offsets = [29, 0], sizes = [1, 576], strides = [1, 1]} : vector<64x576xf32> to vector<1x576xf32>
    %add3A_1910 = arith.addf %add3A_1906, %slice3A_1909 : vector<1x576xf32>
    %slice3A_1911 = vector.extract_strided_slice %mul3A_1789 {offsets = [30, 0], sizes = [1, 576], strides = [1, 1]} : vector<64x576xf32> to vector<1x576xf32>
    %add3A_1912 = arith.addf %add3A_1908, %slice3A_1911 : vector<1x576xf32>
    %slice3A_1913 = vector.extract_strided_slice %mul3A_1792 {offsets = [30, 0], sizes = [1, 576], strides = [1, 1]} : vector<64x576xf32> to vector<1x576xf32>
    %add3A_1914 = arith.addf %add3A_1910, %slice3A_1913 : vector<1x576xf32>
    %slice3A_1915 = vector.extract_strided_slice %mul3A_1789 {offsets = [31, 0], sizes = [1, 576], strides = [1, 1]} : vector<64x576xf32> to vector<1x576xf32>
    %add3A_1916 = arith.addf %add3A_1912, %slice3A_1915 : vector<1x576xf32>
    %slice3A_1917 = vector.extract_strided_slice %mul3A_1792 {offsets = [31, 0], sizes = [1, 576], strides = [1, 1]} : vector<64x576xf32> to vector<1x576xf32>
    %add3A_1918 = arith.addf %add3A_1914, %slice3A_1917 : vector<1x576xf32>
    %slice3A_1919 = vector.extract_strided_slice %mul3A_1789 {offsets = [32, 0], sizes = [1, 576], strides = [1, 1]} : vector<64x576xf32> to vector<1x576xf32>
    %add3A_1920 = arith.addf %add3A_1916, %slice3A_1919 : vector<1x576xf32>
    %slice3A_1921 = vector.extract_strided_slice %mul3A_1792 {offsets = [32, 0], sizes = [1, 576], strides = [1, 1]} : vector<64x576xf32> to vector<1x576xf32>
    %add3A_1922 = arith.addf %add3A_1918, %slice3A_1921 : vector<1x576xf32>
    %slice3A_1923 = vector.extract_strided_slice %mul3A_1789 {offsets = [33, 0], sizes = [1, 576], strides = [1, 1]} : vector<64x576xf32> to vector<1x576xf32>
    %add3A_1924 = arith.addf %add3A_1920, %slice3A_1923 : vector<1x576xf32>
    %slice3A_1925 = vector.extract_strided_slice %mul3A_1792 {offsets = [33, 0], sizes = [1, 576], strides = [1, 1]} : vector<64x576xf32> to vector<1x576xf32>
    %add3A_1926 = arith.addf %add3A_1922, %slice3A_1925 : vector<1x576xf32>
    %slice3A_1927 = vector.extract_strided_slice %mul3A_1789 {offsets = [34, 0], sizes = [1, 576], strides = [1, 1]} : vector<64x576xf32> to vector<1x576xf32>
    %add3A_1928 = arith.addf %add3A_1924, %slice3A_1927 : vector<1x576xf32>
    %slice3A_1929 = vector.extract_strided_slice %mul3A_1792 {offsets = [34, 0], sizes = [1, 576], strides = [1, 1]} : vector<64x576xf32> to vector<1x576xf32>
    %add3A_1930 = arith.addf %add3A_1926, %slice3A_1929 : vector<1x576xf32>
    %slice3A_1931 = vector.extract_strided_slice %mul3A_1789 {offsets = [35, 0], sizes = [1, 576], strides = [1, 1]} : vector<64x576xf32> to vector<1x576xf32>
    %add3A_1932 = arith.addf %add3A_1928, %slice3A_1931 : vector<1x576xf32>
    %slice3A_1933 = vector.extract_strided_slice %mul3A_1792 {offsets = [35, 0], sizes = [1, 576], strides = [1, 1]} : vector<64x576xf32> to vector<1x576xf32>
    %add3A_1934 = arith.addf %add3A_1930, %slice3A_1933 : vector<1x576xf32>
    %slice3A_1935 = vector.extract_strided_slice %mul3A_1789 {offsets = [36, 0], sizes = [1, 576], strides = [1, 1]} : vector<64x576xf32> to vector<1x576xf32>
    %add3A_1936 = arith.addf %add3A_1932, %slice3A_1935 : vector<1x576xf32>
    %slice3A_1937 = vector.extract_strided_slice %mul3A_1792 {offsets = [36, 0], sizes = [1, 576], strides = [1, 1]} : vector<64x576xf32> to vector<1x576xf32>
    %add3A_1938 = arith.addf %add3A_1934, %slice3A_1937 : vector<1x576xf32>
    %slice3A_1939 = vector.extract_strided_slice %mul3A_1789 {offsets = [37, 0], sizes = [1, 576], strides = [1, 1]} : vector<64x576xf32> to vector<1x576xf32>
    %add3A_1940 = arith.addf %add3A_1936, %slice3A_1939 : vector<1x576xf32>
    %slice3A_1941 = vector.extract_strided_slice %mul3A_1792 {offsets = [37, 0], sizes = [1, 576], strides = [1, 1]} : vector<64x576xf32> to vector<1x576xf32>
    %add3A_1942 = arith.addf %add3A_1938, %slice3A_1941 : vector<1x576xf32>
    %slice3A_1943 = vector.extract_strided_slice %mul3A_1789 {offsets = [38, 0], sizes = [1, 576], strides = [1, 1]} : vector<64x576xf32> to vector<1x576xf32>
    %add3A_1944 = arith.addf %add3A_1940, %slice3A_1943 : vector<1x576xf32>
    %slice3A_1945 = vector.extract_strided_slice %mul3A_1792 {offsets = [38, 0], sizes = [1, 576], strides = [1, 1]} : vector<64x576xf32> to vector<1x576xf32>
    %add3A_1946 = arith.addf %add3A_1942, %slice3A_1945 : vector<1x576xf32>
    %slice3A_1947 = vector.extract_strided_slice %mul3A_1789 {offsets = [39, 0], sizes = [1, 576], strides = [1, 1]} : vector<64x576xf32> to vector<1x576xf32>
    %add3A_1948 = arith.addf %add3A_1944, %slice3A_1947 : vector<1x576xf32>
    %slice3A_1949 = vector.extract_strided_slice %mul3A_1792 {offsets = [39, 0], sizes = [1, 576], strides = [1, 1]} : vector<64x576xf32> to vector<1x576xf32>
    %add3A_1950 = arith.addf %add3A_1946, %slice3A_1949 : vector<1x576xf32>
    %slice3A_1951 = vector.extract_strided_slice %mul3A_1789 {offsets = [40, 0], sizes = [1, 576], strides = [1, 1]} : vector<64x576xf32> to vector<1x576xf32>
    %add3A_1952 = arith.addf %add3A_1948, %slice3A_1951 : vector<1x576xf32>
    %slice3A_1953 = vector.extract_strided_slice %mul3A_1792 {offsets = [40, 0], sizes = [1, 576], strides = [1, 1]} : vector<64x576xf32> to vector<1x576xf32>
    %add3A_1954 = arith.addf %add3A_1950, %slice3A_1953 : vector<1x576xf32>
    %slice3A_1955 = vector.extract_strided_slice %mul3A_1789 {offsets = [41, 0], sizes = [1, 576], strides = [1, 1]} : vector<64x576xf32> to vector<1x576xf32>
    %add3A_1956 = arith.addf %add3A_1952, %slice3A_1955 : vector<1x576xf32>
    %slice3A_1957 = vector.extract_strided_slice %mul3A_1792 {offsets = [41, 0], sizes = [1, 576], strides = [1, 1]} : vector<64x576xf32> to vector<1x576xf32>
    %add3A_1958 = arith.addf %add3A_1954, %slice3A_1957 : vector<1x576xf32>
    %slice3A_1959 = vector.extract_strided_slice %mul3A_1789 {offsets = [42, 0], sizes = [1, 576], strides = [1, 1]} : vector<64x576xf32> to vector<1x576xf32>
    %add3A_1960 = arith.addf %add3A_1956, %slice3A_1959 : vector<1x576xf32>
    %slice3A_1961 = vector.extract_strided_slice %mul3A_1792 {offsets = [42, 0], sizes = [1, 576], strides = [1, 1]} : vector<64x576xf32> to vector<1x576xf32>
    %add3A_1962 = arith.addf %add3A_1958, %slice3A_1961 : vector<1x576xf32>
    %slice3A_1963 = vector.extract_strided_slice %mul3A_1789 {offsets = [43, 0], sizes = [1, 576], strides = [1, 1]} : vector<64x576xf32> to vector<1x576xf32>
    %add3A_1964 = arith.addf %add3A_1960, %slice3A_1963 : vector<1x576xf32>
    %slice3A_1965 = vector.extract_strided_slice %mul3A_1792 {offsets = [43, 0], sizes = [1, 576], strides = [1, 1]} : vector<64x576xf32> to vector<1x576xf32>
    %add3A_1966 = arith.addf %add3A_1962, %slice3A_1965 : vector<1x576xf32>
    %slice3A_1967 = vector.extract_strided_slice %mul3A_1789 {offsets = [44, 0], sizes = [1, 576], strides = [1, 1]} : vector<64x576xf32> to vector<1x576xf32>
    %add3A_1968 = arith.addf %add3A_1964, %slice3A_1967 : vector<1x576xf32>
    %slice3A_1969 = vector.extract_strided_slice %mul3A_1792 {offsets = [44, 0], sizes = [1, 576], strides = [1, 1]} : vector<64x576xf32> to vector<1x576xf32>
    %add3A_1970 = arith.addf %add3A_1966, %slice3A_1969 : vector<1x576xf32>
    %slice3A_1971 = vector.extract_strided_slice %mul3A_1789 {offsets = [45, 0], sizes = [1, 576], strides = [1, 1]} : vector<64x576xf32> to vector<1x576xf32>
    %add3A_1972 = arith.addf %add3A_1968, %slice3A_1971 : vector<1x576xf32>
    %slice3A_1973 = vector.extract_strided_slice %mul3A_1792 {offsets = [45, 0], sizes = [1, 576], strides = [1, 1]} : vector<64x576xf32> to vector<1x576xf32>
    %add3A_1974 = arith.addf %add3A_1970, %slice3A_1973 : vector<1x576xf32>
    %slice3A_1975 = vector.extract_strided_slice %mul3A_1789 {offsets = [46, 0], sizes = [1, 576], strides = [1, 1]} : vector<64x576xf32> to vector<1x576xf32>
    %add3A_1976 = arith.addf %add3A_1972, %slice3A_1975 : vector<1x576xf32>
    %slice3A_1977 = vector.extract_strided_slice %mul3A_1792 {offsets = [46, 0], sizes = [1, 576], strides = [1, 1]} : vector<64x576xf32> to vector<1x576xf32>
    %add3A_1978 = arith.addf %add3A_1974, %slice3A_1977 : vector<1x576xf32>
    %slice3A_1979 = vector.extract_strided_slice %mul3A_1789 {offsets = [47, 0], sizes = [1, 576], strides = [1, 1]} : vector<64x576xf32> to vector<1x576xf32>
    %add3A_1980 = arith.addf %add3A_1976, %slice3A_1979 : vector<1x576xf32>
    %slice3A_1981 = vector.extract_strided_slice %mul3A_1792 {offsets = [47, 0], sizes = [1, 576], strides = [1, 1]} : vector<64x576xf32> to vector<1x576xf32>
    %add3A_1982 = arith.addf %add3A_1978, %slice3A_1981 : vector<1x576xf32>
    %slice3A_1983 = vector.extract_strided_slice %mul3A_1789 {offsets = [48, 0], sizes = [1, 576], strides = [1, 1]} : vector<64x576xf32> to vector<1x576xf32>
    %add3A_1984 = arith.addf %add3A_1980, %slice3A_1983 : vector<1x576xf32>
    %slice3A_1985 = vector.extract_strided_slice %mul3A_1792 {offsets = [48, 0], sizes = [1, 576], strides = [1, 1]} : vector<64x576xf32> to vector<1x576xf32>
    %add3A_1986 = arith.addf %add3A_1982, %slice3A_1985 : vector<1x576xf32>
    %slice3A_1987 = vector.extract_strided_slice %mul3A_1789 {offsets = [49, 0], sizes = [1, 576], strides = [1, 1]} : vector<64x576xf32> to vector<1x576xf32>
    %add3A_1988 = arith.addf %add3A_1984, %slice3A_1987 : vector<1x576xf32>
    %slice3A_1989 = vector.extract_strided_slice %mul3A_1792 {offsets = [49, 0], sizes = [1, 576], strides = [1, 1]} : vector<64x576xf32> to vector<1x576xf32>
    %add3A_1990 = arith.addf %add3A_1986, %slice3A_1989 : vector<1x576xf32>
    %slice3A_1991 = vector.extract_strided_slice %mul3A_1789 {offsets = [50, 0], sizes = [1, 576], strides = [1, 1]} : vector<64x576xf32> to vector<1x576xf32>
    %add3A_1992 = arith.addf %add3A_1988, %slice3A_1991 : vector<1x576xf32>
    %slice3A_1993 = vector.extract_strided_slice %mul3A_1792 {offsets = [50, 0], sizes = [1, 576], strides = [1, 1]} : vector<64x576xf32> to vector<1x576xf32>
    %add3A_1994 = arith.addf %add3A_1990, %slice3A_1993 : vector<1x576xf32>
    %slice3A_1995 = vector.extract_strided_slice %mul3A_1789 {offsets = [51, 0], sizes = [1, 576], strides = [1, 1]} : vector<64x576xf32> to vector<1x576xf32>
    %add3A_1996 = arith.addf %add3A_1992, %slice3A_1995 : vector<1x576xf32>
    %slice3A_1997 = vector.extract_strided_slice %mul3A_1792 {offsets = [51, 0], sizes = [1, 576], strides = [1, 1]} : vector<64x576xf32> to vector<1x576xf32>
    %add3A_1998 = arith.addf %add3A_1994, %slice3A_1997 : vector<1x576xf32>
    %slice3A_1999 = vector.extract_strided_slice %mul3A_1789 {offsets = [52, 0], sizes = [1, 576], strides = [1, 1]} : vector<64x576xf32> to vector<1x576xf32>
    %add3A_2000 = arith.addf %add3A_1996, %slice3A_1999 : vector<1x576xf32>
    %slice3A_2001 = vector.extract_strided_slice %mul3A_1792 {offsets = [52, 0], sizes = [1, 576], strides = [1, 1]} : vector<64x576xf32> to vector<1x576xf32>
    %add3A_2002 = arith.addf %add3A_1998, %slice3A_2001 : vector<1x576xf32>
    %slice3A_2003 = vector.extract_strided_slice %mul3A_1789 {offsets = [53, 0], sizes = [1, 576], strides = [1, 1]} : vector<64x576xf32> to vector<1x576xf32>
    %add3A_2004 = arith.addf %add3A_2000, %slice3A_2003 : vector<1x576xf32>
    %slice3A_2005 = vector.extract_strided_slice %mul3A_1792 {offsets = [53, 0], sizes = [1, 576], strides = [1, 1]} : vector<64x576xf32> to vector<1x576xf32>
    %add3A_2006 = arith.addf %add3A_2002, %slice3A_2005 : vector<1x576xf32>
    %slice3A_2007 = vector.extract_strided_slice %mul3A_1789 {offsets = [54, 0], sizes = [1, 576], strides = [1, 1]} : vector<64x576xf32> to vector<1x576xf32>
    %add3A_2008 = arith.addf %add3A_2004, %slice3A_2007 : vector<1x576xf32>
    %slice3A_2009 = vector.extract_strided_slice %mul3A_1792 {offsets = [54, 0], sizes = [1, 576], strides = [1, 1]} : vector<64x576xf32> to vector<1x576xf32>
    %add3A_2010 = arith.addf %add3A_2006, %slice3A_2009 : vector<1x576xf32>
    %slice3A_2011 = vector.extract_strided_slice %mul3A_1789 {offsets = [55, 0], sizes = [1, 576], strides = [1, 1]} : vector<64x576xf32> to vector<1x576xf32>
    %add3A_2012 = arith.addf %add3A_2008, %slice3A_2011 : vector<1x576xf32>
    %slice3A_2013 = vector.extract_strided_slice %mul3A_1792 {offsets = [55, 0], sizes = [1, 576], strides = [1, 1]} : vector<64x576xf32> to vector<1x576xf32>
    %add3A_2014 = arith.addf %add3A_2010, %slice3A_2013 : vector<1x576xf32>
    %slice3A_2015 = vector.extract_strided_slice %mul3A_1789 {offsets = [56, 0], sizes = [1, 576], strides = [1, 1]} : vector<64x576xf32> to vector<1x576xf32>
    %add3A_2016 = arith.addf %add3A_2012, %slice3A_2015 : vector<1x576xf32>
    %slice3A_2017 = vector.extract_strided_slice %mul3A_1792 {offsets = [56, 0], sizes = [1, 576], strides = [1, 1]} : vector<64x576xf32> to vector<1x576xf32>
    %add3A_2018 = arith.addf %add3A_2014, %slice3A_2017 : vector<1x576xf32>
    %slice3A_2019 = vector.extract_strided_slice %mul3A_1789 {offsets = [57, 0], sizes = [1, 576], strides = [1, 1]} : vector<64x576xf32> to vector<1x576xf32>
    %add3A_2020 = arith.addf %add3A_2016, %slice3A_2019 : vector<1x576xf32>
    %slice3A_2021 = vector.extract_strided_slice %mul3A_1792 {offsets = [57, 0], sizes = [1, 576], strides = [1, 1]} : vector<64x576xf32> to vector<1x576xf32>
    %add3A_2022 = arith.addf %add3A_2018, %slice3A_2021 : vector<1x576xf32>
    %slice3A_2023 = vector.extract_strided_slice %mul3A_1789 {offsets = [58, 0], sizes = [1, 576], strides = [1, 1]} : vector<64x576xf32> to vector<1x576xf32>
    %add3A_2024 = arith.addf %add3A_2020, %slice3A_2023 : vector<1x576xf32>
    %slice3A_2025 = vector.extract_strided_slice %mul3A_1792 {offsets = [58, 0], sizes = [1, 576], strides = [1, 1]} : vector<64x576xf32> to vector<1x576xf32>
    %add3A_2026 = arith.addf %add3A_2022, %slice3A_2025 : vector<1x576xf32>
    %slice3A_2027 = vector.extract_strided_slice %mul3A_1789 {offsets = [59, 0], sizes = [1, 576], strides = [1, 1]} : vector<64x576xf32> to vector<1x576xf32>
    %add3A_2028 = arith.addf %add3A_2024, %slice3A_2027 : vector<1x576xf32>
    %slice3A_2029 = vector.extract_strided_slice %mul3A_1792 {offsets = [59, 0], sizes = [1, 576], strides = [1, 1]} : vector<64x576xf32> to vector<1x576xf32>
    %add3A_2030 = arith.addf %add3A_2026, %slice3A_2029 : vector<1x576xf32>
    %slice3A_2031 = vector.extract_strided_slice %mul3A_1789 {offsets = [60, 0], sizes = [1, 576], strides = [1, 1]} : vector<64x576xf32> to vector<1x576xf32>
    %add3A_2032 = arith.addf %add3A_2028, %slice3A_2031 : vector<1x576xf32>
    %slice3A_2033 = vector.extract_strided_slice %mul3A_1792 {offsets = [60, 0], sizes = [1, 576], strides = [1, 1]} : vector<64x576xf32> to vector<1x576xf32>
    %add3A_2034 = arith.addf %add3A_2030, %slice3A_2033 : vector<1x576xf32>
    %slice3A_2035 = vector.extract_strided_slice %mul3A_1789 {offsets = [61, 0], sizes = [1, 576], strides = [1, 1]} : vector<64x576xf32> to vector<1x576xf32>
    %add3A_2036 = arith.addf %add3A_2032, %slice3A_2035 : vector<1x576xf32>
    %slice3A_2037 = vector.extract_strided_slice %mul3A_1792 {offsets = [61, 0], sizes = [1, 576], strides = [1, 1]} : vector<64x576xf32> to vector<1x576xf32>
    %add3A_2038 = arith.addf %add3A_2034, %slice3A_2037 : vector<1x576xf32>
    %slice3A_2039 = vector.extract_strided_slice %mul3A_1789 {offsets = [62, 0], sizes = [1, 576], strides = [1, 1]} : vector<64x576xf32> to vector<1x576xf32>
    %add3A_2040 = arith.addf %add3A_2036, %slice3A_2039 : vector<1x576xf32>
    %slice3A_2041 = vector.extract_strided_slice %mul3A_1792 {offsets = [62, 0], sizes = [1, 576], strides = [1, 1]} : vector<64x576xf32> to vector<1x576xf32>
    %add3A_2042 = arith.addf %add3A_2038, %slice3A_2041 : vector<1x576xf32>
    %slice3A_2043 = vector.extract_strided_slice %mul3A_1789 {offsets = [63, 0], sizes = [1, 576], strides = [1, 1]} : vector<64x576xf32> to vector<1x576xf32>
    %add3A_2044 = arith.addf %add3A_2040, %slice3A_2043 : vector<1x576xf32>
    %slice3A_2045 = vector.extract_strided_slice %mul3A_1792 {offsets = [63, 0], sizes = [1, 576], strides = [1, 1]} : vector<64x576xf32> to vector<1x576xf32>
    %add3A_2046 = arith.addf %add3A_2042, %slice3A_2045 : vector<1x576xf32>
    %sqrt3A_2047 = math.sqrt %add3A_2046 : vector<1x576xf32>
    %sqrt3A_2048 = math.sqrt %add3A_2044 : vector<1x576xf32>
    %lt3A_2049 = arith.cmpf olt, %sqrt3A_2047, %sqrt3A_2048 : vector<1x576xf32>
    %broadcast_in_dim3A_2050 = vector.shape_cast %max3A_1760 : vector<576xi32> to vector<1x576xi32>
    %broadcast_in_dim3A_2051 = vector.shape_cast %min3A_1759 : vector<576xi32> to vector<1x576xi32>
    %select_n3A_2052 = arith.select %lt3A_2049, %broadcast_in_dim3A_2050, %broadcast_in_dim3A_2051 : vector<1x576xi1>, vector<1x576xi32>
    %squeeze3A_2053 = vector.shape_cast %select_n3A_2052 : vector<1x576xi32> to vector<576xi32>
    %swap3A_2054 = arith.constant 5 : index
    %swap3A_2055 = arith.constant 0 : index
    %swap3A_2056 = vector.load %arg2[%swap3A_2054, %swap3A_2055] : memref<8x576xi32, #tpu.memory_space<vmem>>, vector<1x576xi32>
    %swap3A_2057 = vector.shape_cast %swap3A_2056 : vector<1x576xi32> to vector<576xi32>
    %swap3A_2058 = vector.shape_cast %squeeze3A_2053 : vector<576xi32> to vector<1x576xi32>
    tpu.vector_store %arg2[%swap3A_2054, %swap3A_2055], %swap3A_2058 {strides = array<i32>} : memref<8x576xi32, #tpu.memory_space<vmem>>, vector<1x576xi32>,
    %get3A_2059 = arith.constant 6 : index
    %get3A_2060 = arith.constant 0 : index
    %get3A_2061 = arith.constant 0 : index
    %get3A_2062 = vector.load %arg0[%get3A_2059, %get3A_2060, %get3A_2061] : memref<8x64x576xf32, #tpu.memory_space<vmem>>, vector<1x64x576xf32>
    %get3A_2063 = vector.shape_cast %get3A_2062 : vector<1x64x576xf32> to vector<64x576xf32>
    %mul3A_2064 = arith.mulf %get3A_2063, %get3A_2063 : vector<64x576xf32>
    %reduce_sum3A_2065 = arith.constant dense<0.000000e+00> : vector<576xf32>
    %reduce_sum3A_2066 = vector.multi_reduction <add>, %mul3A_2064, %reduce_sum3A_2065 [0] : vector<64x576xf32> to vector<576xf32>
    %broadcast_in_dim3A_2067 = vector.shape_cast %reduce_sum3A_2066 : vector<576xf32> to vector<1x576xf32>
    %broadcast_in_dim3A_2068 = arith.constant 1.000000e+00 : f32
    %broadcast_in_dim3A_2069 = vector.broadcast %broadcast_in_dim3A_2068 : f32 to vector<1x576xf32>
    %broadcast_in_dim3A_2070 = arith.constant 0.000000e+00 : f32
    %broadcast_in_dim3A_2071 = vector.broadcast %broadcast_in_dim3A_2070 : f32 to vector<6x576xf32>
    %concatenate3A_2072 = tpu.concatenate %get3A_2063, %broadcast_in_dim3A_2067, %broadcast_in_dim3A_2069, %broadcast_in_dim3A_2071 in 0 : vector<64x576xf32>, vector<1x576xf32>, vector<1x576xf32>, vector<6x576xf32> -> vector<72x576xf32>
    %dot_general3A_2073 = arith.constant dense<0.000000e+00> : vector<512x576xf32>
    %dot_general3A_2074 = tpu.matmul %concatenate3A, %concatenate3A_2072, %dot_general3A_2073 {dimension_numbers = #tpu.dot_dimension_numbers<[0], [0], [1], [1], [0, 1, 1, 1], [], []>, precision = #tpu.contract_precision<fp32>, transpose_lhs_hint = true} : vector<72x512xf32>, vector<72x576xf32>, vector<512x576xf32> -> vector<512x576xf32>
    %iota3A_2075 = tpu.iota {dimensions = array<i32: 0>} : vector<512x576xi32>
    %reduce_min3A_2076 = arith.constant dense<0x7F800000> : vector<576xf32>
    %reduce_min3A_2077 = vector.multi_reduction <minimumf>, %dot_general3A_2074, %reduce_min3A_2076 [0] : vector<512x576xf32> to vector<576xf32>
    %broadcast_in_dim3A_2078 = vector.shape_cast %reduce_min3A_2077 : vector<576xf32> to vector<1x576xf32>
    %eq3A_2079 = vector.broadcast %broadcast_in_dim3A_2078 : vector<1x576xf32> to vector<512x576xf32>
    %eq3A_2080 = arith.cmpf oeq, %dot_general3A_2074, %eq3A_2079 : vector<512x576xf32>
    %jit3A_2081 = arith.constant 512 : i32
    %broadcast_in_dim3A_2082 = vector.broadcast %jit3A_2081 : i32 to vector<512x576xi32>
    %select_n3A_2083 = arith.select %eq3A_2080, %iota3A_2075, %broadcast_in_dim3A_2082 : vector<512x576xi1>, vector<512x576xi32>
    %reduce_min3A_2084 = arith.constant dense<2147483647> : vector<576xi32>
    %reduce_min3A_2085 = vector.multi_reduction <minsi>, %select_n3A_2083, %reduce_min3A_2084 [0] : vector<512x576xi32> to vector<576xi32>
    %broadcast_in_dim3A_2086 = vector.shape_cast %reduce_min3A_2085 : vector<576xi32> to vector<1x576xi32>
    %eq3A_2087 = vector.broadcast %broadcast_in_dim3A_2086 : vector<1x576xi32> to vector<512x576xi32>
    %eq3A_2088 = arith.cmpi eq, %iota3A_2075, %eq3A_2087 : vector<512x576xi32>
    %jit3A_2089 = arith.constant 0x7F800000 : f32
    %broadcast_in_dim3A_2090 = vector.broadcast %jit3A_2089 : f32 to vector<512x576xf32>
    %select_n3A_2091 = arith.select %eq3A_2088, %broadcast_in_dim3A_2090, %dot_general3A_2074 : vector<512x576xi1>, vector<512x576xf32>
    %reduce_min3A_2092 = arith.constant dense<0x7F800000> : vector<576xf32>
    %reduce_min3A_2093 = vector.multi_reduction <minimumf>, %select_n3A_2091, %reduce_min3A_2092 [0] : vector<512x576xf32> to vector<576xf32>
    %broadcast_in_dim3A_2094 = vector.shape_cast %reduce_min3A_2093 : vector<576xf32> to vector<1x576xf32>
    %eq3A_2095 = vector.broadcast %broadcast_in_dim3A_2094 : vector<1x576xf32> to vector<512x576xf32>
    %eq3A_2096 = arith.cmpf oeq, %select_n3A_2091, %eq3A_2095 : vector<512x576xf32>
    %jit3A_2097 = arith.constant 512 : i32
    %broadcast_in_dim3A_2098 = vector.broadcast %jit3A_2097 : i32 to vector<512x576xi32>
    %select_n3A_2099 = arith.select %eq3A_2096, %iota3A_2075, %broadcast_in_dim3A_2098 : vector<512x576xi1>, vector<512x576xi32>
    %reduce_min3A_2100 = arith.constant dense<2147483647> : vector<576xi32>
    %reduce_min3A_2101 = vector.multi_reduction <minsi>, %select_n3A_2099, %reduce_min3A_2100 [0] : vector<512x576xi32> to vector<576xi32>
    %min3A_2102 = arith.minsi %reduce_min3A_2085, %reduce_min3A_2101 : vector<576xi32>
    %max3A_2103 = arith.maxsi %reduce_min3A_2085, %reduce_min3A_2101 : vector<576xi32>
    %broadcast_in_dim3A_2104 = vector.shape_cast %min3A_2102 : vector<576xi32> to vector<1x576xi32>
    %eq3A_2105 = vector.broadcast %broadcast_in_dim3A_2104 : vector<1x576xi32> to vector<512x576xi32>
    %eq3A_2106 = arith.cmpi eq, %iota3A_2075, %eq3A_2105 : vector<512x576xi32>
    %convert_element_type3A_2107 = arith.extui %eq3A_2106 : vector<512x576xi1> to vector<512x576xi32>
    %convert_element_type3A_2108 = arith.sitofp %convert_element_type3A_2107 : vector<512x576xi32> to vector<512x576xf32>
    %broadcast_in_dim3A_2109 = vector.shape_cast %max3A_2103 : vector<576xi32> to vector<1x576xi32>
    %eq3A_2110 = vector.broadcast %broadcast_in_dim3A_2109 : vector<1x576xi32> to vector<512x576xi32>
    %eq3A_2111 = arith.cmpi eq, %iota3A_2075, %eq3A_2110 : vector<512x576xi32>
    %convert_element_type3A_2112 = arith.extui %eq3A_2111 : vector<512x576xi1> to vector<512x576xi32>
    %convert_element_type3A_2113 = arith.sitofp %convert_element_type3A_2112 : vector<512x576xi32> to vector<512x576xf32>
    %dot_general3A_2114 = arith.constant dense<0.000000e+00> : vector<64x576xf32>
    %dot_general3A_2115 = tpu.matmul %convert_element_type3A_2, %convert_element_type3A_2108, %dot_general3A_2114 {dimension_numbers = #tpu.dot_dimension_numbers<[1], [0], [0], [1], [0, 0, 1, 1], [], []>, transpose_lhs_hint = false} : vector<64x512xf32>, vector<512x576xf32>, vector<64x576xf32> -> vector<64x576xf32>
    %dot_general3A_2116 = arith.constant dense<0.000000e+00> : vector<64x576xf32>
    %dot_general3A_2117 = tpu.matmul %convert_element_type3A_4, %convert_element_type3A_2108, %dot_general3A_2116 {dimension_numbers = #tpu.dot_dimension_numbers<[1], [0], [0], [1], [0, 0, 1, 1], [], []>, transpose_lhs_hint = false} : vector<64x512xf32>, vector<512x576xf32>, vector<64x576xf32> -> vector<64x576xf32>
    %dot_general3A_2118 = arith.constant dense<0.000000e+00> : vector<64x576xf32>
    %dot_general3A_2119 = tpu.matmul %sub3A_6, %convert_element_type3A_2108, %dot_general3A_2118 {dimension_numbers = #tpu.dot_dimension_numbers<[1], [0], [0], [1], [0, 0, 1, 1], [], []>, transpose_lhs_hint = false} : vector<64x512xf32>, vector<512x576xf32>, vector<64x576xf32> -> vector<64x576xf32>
    %add3A_2120 = arith.addf %dot_general3A_2115, %dot_general3A_2117 : vector<64x576xf32>
    %add3A_2121 = arith.addf %add3A_2120, %dot_general3A_2119 : vector<64x576xf32>
    %dot_general3A_2122 = arith.constant dense<0.000000e+00> : vector<64x576xf32>
    %dot_general3A_2123 = tpu.matmul %convert_element_type3A_2, %convert_element_type3A_2113, %dot_general3A_2122 {dimension_numbers = #tpu.dot_dimension_numbers<[1], [0], [0], [1], [0, 0, 1, 1], [], []>, transpose_lhs_hint = false} : vector<64x512xf32>, vector<512x576xf32>, vector<64x576xf32> -> vector<64x576xf32>
    %dot_general3A_2124 = arith.constant dense<0.000000e+00> : vector<64x576xf32>
    %dot_general3A_2125 = tpu.matmul %convert_element_type3A_4, %convert_element_type3A_2113, %dot_general3A_2124 {dimension_numbers = #tpu.dot_dimension_numbers<[1], [0], [0], [1], [0, 0, 1, 1], [], []>, transpose_lhs_hint = false} : vector<64x512xf32>, vector<512x576xf32>, vector<64x576xf32> -> vector<64x576xf32>
    %dot_general3A_2126 = arith.constant dense<0.000000e+00> : vector<64x576xf32>
    %dot_general3A_2127 = tpu.matmul %sub3A_6, %convert_element_type3A_2113, %dot_general3A_2126 {dimension_numbers = #tpu.dot_dimension_numbers<[1], [0], [0], [1], [0, 0, 1, 1], [], []>, transpose_lhs_hint = false} : vector<64x512xf32>, vector<512x576xf32>, vector<64x576xf32> -> vector<64x576xf32>
    %add3A_2128 = arith.addf %dot_general3A_2123, %dot_general3A_2125 : vector<64x576xf32>
    %add3A_2129 = arith.addf %add3A_2128, %dot_general3A_2127 : vector<64x576xf32>
    %sub3A_2130 = arith.subf %get3A_2063, %add3A_2121 : vector<64x576xf32>
    %sub3A_2131 = arith.subf %get3A_2063, %add3A_2121 : vector<64x576xf32>
    %mul3A_2132 = arith.mulf %sub3A_2130, %sub3A_2131 : vector<64x576xf32>
    %sub3A_2133 = arith.subf %get3A_2063, %add3A_2129 : vector<64x576xf32>
    %sub3A_2134 = arith.subf %get3A_2063, %add3A_2129 : vector<64x576xf32>
    %mul3A_2135 = arith.mulf %sub3A_2133, %sub3A_2134 : vector<64x576xf32>
    %slice3A_2136 = vector.extract_strided_slice %mul3A_2132 {offsets = [0, 0], sizes = [1, 576], strides = [1, 1]} : vector<64x576xf32> to vector<1x576xf32>
    %slice3A_2137 = vector.extract_strided_slice %mul3A_2135 {offsets = [0, 0], sizes = [1, 576], strides = [1, 1]} : vector<64x576xf32> to vector<1x576xf32>
    %slice3A_2138 = vector.extract_strided_slice %mul3A_2132 {offsets = [1, 0], sizes = [1, 576], strides = [1, 1]} : vector<64x576xf32> to vector<1x576xf32>
    %add3A_2139 = arith.addf %slice3A_2136, %slice3A_2138 : vector<1x576xf32>
    %slice3A_2140 = vector.extract_strided_slice %mul3A_2135 {offsets = [1, 0], sizes = [1, 576], strides = [1, 1]} : vector<64x576xf32> to vector<1x576xf32>
    %add3A_2141 = arith.addf %slice3A_2137, %slice3A_2140 : vector<1x576xf32>
    %slice3A_2142 = vector.extract_strided_slice %mul3A_2132 {offsets = [2, 0], sizes = [1, 576], strides = [1, 1]} : vector<64x576xf32> to vector<1x576xf32>
    %add3A_2143 = arith.addf %add3A_2139, %slice3A_2142 : vector<1x576xf32>
    %slice3A_2144 = vector.extract_strided_slice %mul3A_2135 {offsets = [2, 0], sizes = [1, 576], strides = [1, 1]} : vector<64x576xf32> to vector<1x576xf32>
    %add3A_2145 = arith.addf %add3A_2141, %slice3A_2144 : vector<1x576xf32>
    %slice3A_2146 = vector.extract_strided_slice %mul3A_2132 {offsets = [3, 0], sizes = [1, 576], strides = [1, 1]} : vector<64x576xf32> to vector<1x576xf32>
    %add3A_2147 = arith.addf %add3A_2143, %slice3A_2146 : vector<1x576xf32>
    %slice3A_2148 = vector.extract_strided_slice %mul3A_2135 {offsets = [3, 0], sizes = [1, 576], strides = [1, 1]} : vector<64x576xf32> to vector<1x576xf32>
    %add3A_2149 = arith.addf %add3A_2145, %slice3A_2148 : vector<1x576xf32>
    %slice3A_2150 = vector.extract_strided_slice %mul3A_2132 {offsets = [4, 0], sizes = [1, 576], strides = [1, 1]} : vector<64x576xf32> to vector<1x576xf32>
    %add3A_2151 = arith.addf %add3A_2147, %slice3A_2150 : vector<1x576xf32>
    %slice3A_2152 = vector.extract_strided_slice %mul3A_2135 {offsets = [4, 0], sizes = [1, 576], strides = [1, 1]} : vector<64x576xf32> to vector<1x576xf32>
    %add3A_2153 = arith.addf %add3A_2149, %slice3A_2152 : vector<1x576xf32>
    %slice3A_2154 = vector.extract_strided_slice %mul3A_2132 {offsets = [5, 0], sizes = [1, 576], strides = [1, 1]} : vector<64x576xf32> to vector<1x576xf32>
    %add3A_2155 = arith.addf %add3A_2151, %slice3A_2154 : vector<1x576xf32>
    %slice3A_2156 = vector.extract_strided_slice %mul3A_2135 {offsets = [5, 0], sizes = [1, 576], strides = [1, 1]} : vector<64x576xf32> to vector<1x576xf32>
    %add3A_2157 = arith.addf %add3A_2153, %slice3A_2156 : vector<1x576xf32>
    %slice3A_2158 = vector.extract_strided_slice %mul3A_2132 {offsets = [6, 0], sizes = [1, 576], strides = [1, 1]} : vector<64x576xf32> to vector<1x576xf32>
    %add3A_2159 = arith.addf %add3A_2155, %slice3A_2158 : vector<1x576xf32>
    %slice3A_2160 = vector.extract_strided_slice %mul3A_2135 {offsets = [6, 0], sizes = [1, 576], strides = [1, 1]} : vector<64x576xf32> to vector<1x576xf32>
    %add3A_2161 = arith.addf %add3A_2157, %slice3A_2160 : vector<1x576xf32>
    %slice3A_2162 = vector.extract_strided_slice %mul3A_2132 {offsets = [7, 0], sizes = [1, 576], strides = [1, 1]} : vector<64x576xf32> to vector<1x576xf32>
    %add3A_2163 = arith.addf %add3A_2159, %slice3A_2162 : vector<1x576xf32>
    %slice3A_2164 = vector.extract_strided_slice %mul3A_2135 {offsets = [7, 0], sizes = [1, 576], strides = [1, 1]} : vector<64x576xf32> to vector<1x576xf32>
    %add3A_2165 = arith.addf %add3A_2161, %slice3A_2164 : vector<1x576xf32>
    %slice3A_2166 = vector.extract_strided_slice %mul3A_2132 {offsets = [8, 0], sizes = [1, 576], strides = [1, 1]} : vector<64x576xf32> to vector<1x576xf32>
    %add3A_2167 = arith.addf %add3A_2163, %slice3A_2166 : vector<1x576xf32>
    %slice3A_2168 = vector.extract_strided_slice %mul3A_2135 {offsets = [8, 0], sizes = [1, 576], strides = [1, 1]} : vector<64x576xf32> to vector<1x576xf32>
    %add3A_2169 = arith.addf %add3A_2165, %slice3A_2168 : vector<1x576xf32>
    %slice3A_2170 = vector.extract_strided_slice %mul3A_2132 {offsets = [9, 0], sizes = [1, 576], strides = [1, 1]} : vector<64x576xf32> to vector<1x576xf32>
    %add3A_2171 = arith.addf %add3A_2167, %slice3A_2170 : vector<1x576xf32>
    %slice3A_2172 = vector.extract_strided_slice %mul3A_2135 {offsets = [9, 0], sizes = [1, 576], strides = [1, 1]} : vector<64x576xf32> to vector<1x576xf32>
    %add3A_2173 = arith.addf %add3A_2169, %slice3A_2172 : vector<1x576xf32>
    %slice3A_2174 = vector.extract_strided_slice %mul3A_2132 {offsets = [10, 0], sizes = [1, 576], strides = [1, 1]} : vector<64x576xf32> to vector<1x576xf32>
    %add3A_2175 = arith.addf %add3A_2171, %slice3A_2174 : vector<1x576xf32>
    %slice3A_2176 = vector.extract_strided_slice %mul3A_2135 {offsets = [10, 0], sizes = [1, 576], strides = [1, 1]} : vector<64x576xf32> to vector<1x576xf32>
    %add3A_2177 = arith.addf %add3A_2173, %slice3A_2176 : vector<1x576xf32>
    %slice3A_2178 = vector.extract_strided_slice %mul3A_2132 {offsets = [11, 0], sizes = [1, 576], strides = [1, 1]} : vector<64x576xf32> to vector<1x576xf32>
    %add3A_2179 = arith.addf %add3A_2175, %slice3A_2178 : vector<1x576xf32>
    %slice3A_2180 = vector.extract_strided_slice %mul3A_2135 {offsets = [11, 0], sizes = [1, 576], strides = [1, 1]} : vector<64x576xf32> to vector<1x576xf32>
    %add3A_2181 = arith.addf %add3A_2177, %slice3A_2180 : vector<1x576xf32>
    %slice3A_2182 = vector.extract_strided_slice %mul3A_2132 {offsets = [12, 0], sizes = [1, 576], strides = [1, 1]} : vector<64x576xf32> to vector<1x576xf32>
    %add3A_2183 = arith.addf %add3A_2179, %slice3A_2182 : vector<1x576xf32>
    %slice3A_2184 = vector.extract_strided_slice %mul3A_2135 {offsets = [12, 0], sizes = [1, 576], strides = [1, 1]} : vector<64x576xf32> to vector<1x576xf32>
    %add3A_2185 = arith.addf %add3A_2181, %slice3A_2184 : vector<1x576xf32>
    %slice3A_2186 = vector.extract_strided_slice %mul3A_2132 {offsets = [13, 0], sizes = [1, 576], strides = [1, 1]} : vector<64x576xf32> to vector<1x576xf32>
    %add3A_2187 = arith.addf %add3A_2183, %slice3A_2186 : vector<1x576xf32>
    %slice3A_2188 = vector.extract_strided_slice %mul3A_2135 {offsets = [13, 0], sizes = [1, 576], strides = [1, 1]} : vector<64x576xf32> to vector<1x576xf32>
    %add3A_2189 = arith.addf %add3A_2185, %slice3A_2188 : vector<1x576xf32>
    %slice3A_2190 = vector.extract_strided_slice %mul3A_2132 {offsets = [14, 0], sizes = [1, 576], strides = [1, 1]} : vector<64x576xf32> to vector<1x576xf32>
    %add3A_2191 = arith.addf %add3A_2187, %slice3A_2190 : vector<1x576xf32>
    %slice3A_2192 = vector.extract_strided_slice %mul3A_2135 {offsets = [14, 0], sizes = [1, 576], strides = [1, 1]} : vector<64x576xf32> to vector<1x576xf32>
    %add3A_2193 = arith.addf %add3A_2189, %slice3A_2192 : vector<1x576xf32>
    %slice3A_2194 = vector.extract_strided_slice %mul3A_2132 {offsets = [15, 0], sizes = [1, 576], strides = [1, 1]} : vector<64x576xf32> to vector<1x576xf32>
    %add3A_2195 = arith.addf %add3A_2191, %slice3A_2194 : vector<1x576xf32>
    %slice3A_2196 = vector.extract_strided_slice %mul3A_2135 {offsets = [15, 0], sizes = [1, 576], strides = [1, 1]} : vector<64x576xf32> to vector<1x576xf32>
    %add3A_2197 = arith.addf %add3A_2193, %slice3A_2196 : vector<1x576xf32>
    %slice3A_2198 = vector.extract_strided_slice %mul3A_2132 {offsets = [16, 0], sizes = [1, 576], strides = [1, 1]} : vector<64x576xf32> to vector<1x576xf32>
    %add3A_2199 = arith.addf %add3A_2195, %slice3A_2198 : vector<1x576xf32>
    %slice3A_2200 = vector.extract_strided_slice %mul3A_2135 {offsets = [16, 0], sizes = [1, 576], strides = [1, 1]} : vector<64x576xf32> to vector<1x576xf32>
    %add3A_2201 = arith.addf %add3A_2197, %slice3A_2200 : vector<1x576xf32>
    %slice3A_2202 = vector.extract_strided_slice %mul3A_2132 {offsets = [17, 0], sizes = [1, 576], strides = [1, 1]} : vector<64x576xf32> to vector<1x576xf32>
    %add3A_2203 = arith.addf %add3A_2199, %slice3A_2202 : vector<1x576xf32>
    %slice3A_2204 = vector.extract_strided_slice %mul3A_2135 {offsets = [17, 0], sizes = [1, 576], strides = [1, 1]} : vector<64x576xf32> to vector<1x576xf32>
    %add3A_2205 = arith.addf %add3A_2201, %slice3A_2204 : vector<1x576xf32>
    %slice3A_2206 = vector.extract_strided_slice %mul3A_2132 {offsets = [18, 0], sizes = [1, 576], strides = [1, 1]} : vector<64x576xf32> to vector<1x576xf32>
    %add3A_2207 = arith.addf %add3A_2203, %slice3A_2206 : vector<1x576xf32>
    %slice3A_2208 = vector.extract_strided_slice %mul3A_2135 {offsets = [18, 0], sizes = [1, 576], strides = [1, 1]} : vector<64x576xf32> to vector<1x576xf32>
    %add3A_2209 = arith.addf %add3A_2205, %slice3A_2208 : vector<1x576xf32>
    %slice3A_2210 = vector.extract_strided_slice %mul3A_2132 {offsets = [19, 0], sizes = [1, 576], strides = [1, 1]} : vector<64x576xf32> to vector<1x576xf32>
    %add3A_2211 = arith.addf %add3A_2207, %slice3A_2210 : vector<1x576xf32>
    %slice3A_2212 = vector.extract_strided_slice %mul3A_2135 {offsets = [19, 0], sizes = [1, 576], strides = [1, 1]} : vector<64x576xf32> to vector<1x576xf32>
    %add3A_2213 = arith.addf %add3A_2209, %slice3A_2212 : vector<1x576xf32>
    %slice3A_2214 = vector.extract_strided_slice %mul3A_2132 {offsets = [20, 0], sizes = [1, 576], strides = [1, 1]} : vector<64x576xf32> to vector<1x576xf32>
    %add3A_2215 = arith.addf %add3A_2211, %slice3A_2214 : vector<1x576xf32>
    %slice3A_2216 = vector.extract_strided_slice %mul3A_2135 {offsets = [20, 0], sizes = [1, 576], strides = [1, 1]} : vector<64x576xf32> to vector<1x576xf32>
    %add3A_2217 = arith.addf %add3A_2213, %slice3A_2216 : vector<1x576xf32>
    %slice3A_2218 = vector.extract_strided_slice %mul3A_2132 {offsets = [21, 0], sizes = [1, 576], strides = [1, 1]} : vector<64x576xf32> to vector<1x576xf32>
    %add3A_2219 = arith.addf %add3A_2215, %slice3A_2218 : vector<1x576xf32>
    %slice3A_2220 = vector.extract_strided_slice %mul3A_2135 {offsets = [21, 0], sizes = [1, 576], strides = [1, 1]} : vector<64x576xf32> to vector<1x576xf32>
    %add3A_2221 = arith.addf %add3A_2217, %slice3A_2220 : vector<1x576xf32>
    %slice3A_2222 = vector.extract_strided_slice %mul3A_2132 {offsets = [22, 0], sizes = [1, 576], strides = [1, 1]} : vector<64x576xf32> to vector<1x576xf32>
    %add3A_2223 = arith.addf %add3A_2219, %slice3A_2222 : vector<1x576xf32>
    %slice3A_2224 = vector.extract_strided_slice %mul3A_2135 {offsets = [22, 0], sizes = [1, 576], strides = [1, 1]} : vector<64x576xf32> to vector<1x576xf32>
    %add3A_2225 = arith.addf %add3A_2221, %slice3A_2224 : vector<1x576xf32>
    %slice3A_2226 = vector.extract_strided_slice %mul3A_2132 {offsets = [23, 0], sizes = [1, 576], strides = [1, 1]} : vector<64x576xf32> to vector<1x576xf32>
    %add3A_2227 = arith.addf %add3A_2223, %slice3A_2226 : vector<1x576xf32>
    %slice3A_2228 = vector.extract_strided_slice %mul3A_2135 {offsets = [23, 0], sizes = [1, 576], strides = [1, 1]} : vector<64x576xf32> to vector<1x576xf32>
    %add3A_2229 = arith.addf %add3A_2225, %slice3A_2228 : vector<1x576xf32>
    %slice3A_2230 = vector.extract_strided_slice %mul3A_2132 {offsets = [24, 0], sizes = [1, 576], strides = [1, 1]} : vector<64x576xf32> to vector<1x576xf32>
    %add3A_2231 = arith.addf %add3A_2227, %slice3A_2230 : vector<1x576xf32>
    %slice3A_2232 = vector.extract_strided_slice %mul3A_2135 {offsets = [24, 0], sizes = [1, 576], strides = [1, 1]} : vector<64x576xf32> to vector<1x576xf32>
    %add3A_2233 = arith.addf %add3A_2229, %slice3A_2232 : vector<1x576xf32>
    %slice3A_2234 = vector.extract_strided_slice %mul3A_2132 {offsets = [25, 0], sizes = [1, 576], strides = [1, 1]} : vector<64x576xf32> to vector<1x576xf32>
    %add3A_2235 = arith.addf %add3A_2231, %slice3A_2234 : vector<1x576xf32>
    %slice3A_2236 = vector.extract_strided_slice %mul3A_2135 {offsets = [25, 0], sizes = [1, 576], strides = [1, 1]} : vector<64x576xf32> to vector<1x576xf32>
    %add3A_2237 = arith.addf %add3A_2233, %slice3A_2236 : vector<1x576xf32>
    %slice3A_2238 = vector.extract_strided_slice %mul3A_2132 {offsets = [26, 0], sizes = [1, 576], strides = [1, 1]} : vector<64x576xf32> to vector<1x576xf32>
    %add3A_2239 = arith.addf %add3A_2235, %slice3A_2238 : vector<1x576xf32>
    %slice3A_2240 = vector.extract_strided_slice %mul3A_2135 {offsets = [26, 0], sizes = [1, 576], strides = [1, 1]} : vector<64x576xf32> to vector<1x576xf32>
    %add3A_2241 = arith.addf %add3A_2237, %slice3A_2240 : vector<1x576xf32>
    %slice3A_2242 = vector.extract_strided_slice %mul3A_2132 {offsets = [27, 0], sizes = [1, 576], strides = [1, 1]} : vector<64x576xf32> to vector<1x576xf32>
    %add3A_2243 = arith.addf %add3A_2239, %slice3A_2242 : vector<1x576xf32>
    %slice3A_2244 = vector.extract_strided_slice %mul3A_2135 {offsets = [27, 0], sizes = [1, 576], strides = [1, 1]} : vector<64x576xf32> to vector<1x576xf32>
    %add3A_2245 = arith.addf %add3A_2241, %slice3A_2244 : vector<1x576xf32>
    %slice3A_2246 = vector.extract_strided_slice %mul3A_2132 {offsets = [28, 0], sizes = [1, 576], strides = [1, 1]} : vector<64x576xf32> to vector<1x576xf32>
    %add3A_2247 = arith.addf %add3A_2243, %slice3A_2246 : vector<1x576xf32>
    %slice3A_2248 = vector.extract_strided_slice %mul3A_2135 {offsets = [28, 0], sizes = [1, 576], strides = [1, 1]} : vector<64x576xf32> to vector<1x576xf32>
    %add3A_2249 = arith.addf %add3A_2245, %slice3A_2248 : vector<1x576xf32>
    %slice3A_2250 = vector.extract_strided_slice %mul3A_2132 {offsets = [29, 0], sizes = [1, 576], strides = [1, 1]} : vector<64x576xf32> to vector<1x576xf32>
    %add3A_2251 = arith.addf %add3A_2247, %slice3A_2250 : vector<1x576xf32>
    %slice3A_2252 = vector.extract_strided_slice %mul3A_2135 {offsets = [29, 0], sizes = [1, 576], strides = [1, 1]} : vector<64x576xf32> to vector<1x576xf32>
    %add3A_2253 = arith.addf %add3A_2249, %slice3A_2252 : vector<1x576xf32>
    %slice3A_2254 = vector.extract_strided_slice %mul3A_2132 {offsets = [30, 0], sizes = [1, 576], strides = [1, 1]} : vector<64x576xf32> to vector<1x576xf32>
    %add3A_2255 = arith.addf %add3A_2251, %slice3A_2254 : vector<1x576xf32>
    %slice3A_2256 = vector.extract_strided_slice %mul3A_2135 {offsets = [30, 0], sizes = [1, 576], strides = [1, 1]} : vector<64x576xf32> to vector<1x576xf32>
    %add3A_2257 = arith.addf %add3A_2253, %slice3A_2256 : vector<1x576xf32>
    %slice3A_2258 = vector.extract_strided_slice %mul3A_2132 {offsets = [31, 0], sizes = [1, 576], strides = [1, 1]} : vector<64x576xf32> to vector<1x576xf32>
    %add3A_2259 = arith.addf %add3A_2255, %slice3A_2258 : vector<1x576xf32>
    %slice3A_2260 = vector.extract_strided_slice %mul3A_2135 {offsets = [31, 0], sizes = [1, 576], strides = [1, 1]} : vector<64x576xf32> to vector<1x576xf32>
    %add3A_2261 = arith.addf %add3A_2257, %slice3A_2260 : vector<1x576xf32>
    %slice3A_2262 = vector.extract_strided_slice %mul3A_2132 {offsets = [32, 0], sizes = [1, 576], strides = [1, 1]} : vector<64x576xf32> to vector<1x576xf32>
    %add3A_2263 = arith.addf %add3A_2259, %slice3A_2262 : vector<1x576xf32>
    %slice3A_2264 = vector.extract_strided_slice %mul3A_2135 {offsets = [32, 0], sizes = [1, 576], strides = [1, 1]} : vector<64x576xf32> to vector<1x576xf32>
    %add3A_2265 = arith.addf %add3A_2261, %slice3A_2264 : vector<1x576xf32>
    %slice3A_2266 = vector.extract_strided_slice %mul3A_2132 {offsets = [33, 0], sizes = [1, 576], strides = [1, 1]} : vector<64x576xf32> to vector<1x576xf32>
    %add3A_2267 = arith.addf %add3A_2263, %slice3A_2266 : vector<1x576xf32>
    %slice3A_2268 = vector.extract_strided_slice %mul3A_2135 {offsets = [33, 0], sizes = [1, 576], strides = [1, 1]} : vector<64x576xf32> to vector<1x576xf32>
    %add3A_2269 = arith.addf %add3A_2265, %slice3A_2268 : vector<1x576xf32>
    %slice3A_2270 = vector.extract_strided_slice %mul3A_2132 {offsets = [34, 0], sizes = [1, 576], strides = [1, 1]} : vector<64x576xf32> to vector<1x576xf32>
    %add3A_2271 = arith.addf %add3A_2267, %slice3A_2270 : vector<1x576xf32>
    %slice3A_2272 = vector.extract_strided_slice %mul3A_2135 {offsets = [34, 0], sizes = [1, 576], strides = [1, 1]} : vector<64x576xf32> to vector<1x576xf32>
    %add3A_2273 = arith.addf %add3A_2269, %slice3A_2272 : vector<1x576xf32>
    %slice3A_2274 = vector.extract_strided_slice %mul3A_2132 {offsets = [35, 0], sizes = [1, 576], strides = [1, 1]} : vector<64x576xf32> to vector<1x576xf32>
    %add3A_2275 = arith.addf %add3A_2271, %slice3A_2274 : vector<1x576xf32>
    %slice3A_2276 = vector.extract_strided_slice %mul3A_2135 {offsets = [35, 0], sizes = [1, 576], strides = [1, 1]} : vector<64x576xf32> to vector<1x576xf32>
    %add3A_2277 = arith.addf %add3A_2273, %slice3A_2276 : vector<1x576xf32>
    %slice3A_2278 = vector.extract_strided_slice %mul3A_2132 {offsets = [36, 0], sizes = [1, 576], strides = [1, 1]} : vector<64x576xf32> to vector<1x576xf32>
    %add3A_2279 = arith.addf %add3A_2275, %slice3A_2278 : vector<1x576xf32>
    %slice3A_2280 = vector.extract_strided_slice %mul3A_2135 {offsets = [36, 0], sizes = [1, 576], strides = [1, 1]} : vector<64x576xf32> to vector<1x576xf32>
    %add3A_2281 = arith.addf %add3A_2277, %slice3A_2280 : vector<1x576xf32>
    %slice3A_2282 = vector.extract_strided_slice %mul3A_2132 {offsets = [37, 0], sizes = [1, 576], strides = [1, 1]} : vector<64x576xf32> to vector<1x576xf32>
    %add3A_2283 = arith.addf %add3A_2279, %slice3A_2282 : vector<1x576xf32>
    %slice3A_2284 = vector.extract_strided_slice %mul3A_2135 {offsets = [37, 0], sizes = [1, 576], strides = [1, 1]} : vector<64x576xf32> to vector<1x576xf32>
    %add3A_2285 = arith.addf %add3A_2281, %slice3A_2284 : vector<1x576xf32>
    %slice3A_2286 = vector.extract_strided_slice %mul3A_2132 {offsets = [38, 0], sizes = [1, 576], strides = [1, 1]} : vector<64x576xf32> to vector<1x576xf32>
    %add3A_2287 = arith.addf %add3A_2283, %slice3A_2286 : vector<1x576xf32>
    %slice3A_2288 = vector.extract_strided_slice %mul3A_2135 {offsets = [38, 0], sizes = [1, 576], strides = [1, 1]} : vector<64x576xf32> to vector<1x576xf32>
    %add3A_2289 = arith.addf %add3A_2285, %slice3A_2288 : vector<1x576xf32>
    %slice3A_2290 = vector.extract_strided_slice %mul3A_2132 {offsets = [39, 0], sizes = [1, 576], strides = [1, 1]} : vector<64x576xf32> to vector<1x576xf32>
    %add3A_2291 = arith.addf %add3A_2287, %slice3A_2290 : vector<1x576xf32>
    %slice3A_2292 = vector.extract_strided_slice %mul3A_2135 {offsets = [39, 0], sizes = [1, 576], strides = [1, 1]} : vector<64x576xf32> to vector<1x576xf32>
    %add3A_2293 = arith.addf %add3A_2289, %slice3A_2292 : vector<1x576xf32>
    %slice3A_2294 = vector.extract_strided_slice %mul3A_2132 {offsets = [40, 0], sizes = [1, 576], strides = [1, 1]} : vector<64x576xf32> to vector<1x576xf32>
    %add3A_2295 = arith.addf %add3A_2291, %slice3A_2294 : vector<1x576xf32>
    %slice3A_2296 = vector.extract_strided_slice %mul3A_2135 {offsets = [40, 0], sizes = [1, 576], strides = [1, 1]} : vector<64x576xf32> to vector<1x576xf32>
    %add3A_2297 = arith.addf %add3A_2293, %slice3A_2296 : vector<1x576xf32>
    %slice3A_2298 = vector.extract_strided_slice %mul3A_2132 {offsets = [41, 0], sizes = [1, 576], strides = [1, 1]} : vector<64x576xf32> to vector<1x576xf32>
    %add3A_2299 = arith.addf %add3A_2295, %slice3A_2298 : vector<1x576xf32>
    %slice3A_2300 = vector.extract_strided_slice %mul3A_2135 {offsets = [41, 0], sizes = [1, 576], strides = [1, 1]} : vector<64x576xf32> to vector<1x576xf32>
    %add3A_2301 = arith.addf %add3A_2297, %slice3A_2300 : vector<1x576xf32>
    %slice3A_2302 = vector.extract_strided_slice %mul3A_2132 {offsets = [42, 0], sizes = [1, 576], strides = [1, 1]} : vector<64x576xf32> to vector<1x576xf32>
    %add3A_2303 = arith.addf %add3A_2299, %slice3A_2302 : vector<1x576xf32>
    %slice3A_2304 = vector.extract_strided_slice %mul3A_2135 {offsets = [42, 0], sizes = [1, 576], strides = [1, 1]} : vector<64x576xf32> to vector<1x576xf32>
    %add3A_2305 = arith.addf %add3A_2301, %slice3A_2304 : vector<1x576xf32>
    %slice3A_2306 = vector.extract_strided_slice %mul3A_2132 {offsets = [43, 0], sizes = [1, 576], strides = [1, 1]} : vector<64x576xf32> to vector<1x576xf32>
    %add3A_2307 = arith.addf %add3A_2303, %slice3A_2306 : vector<1x576xf32>
    %slice3A_2308 = vector.extract_strided_slice %mul3A_2135 {offsets = [43, 0], sizes = [1, 576], strides = [1, 1]} : vector<64x576xf32> to vector<1x576xf32>
    %add3A_2309 = arith.addf %add3A_2305, %slice3A_2308 : vector<1x576xf32>
    %slice3A_2310 = vector.extract_strided_slice %mul3A_2132 {offsets = [44, 0], sizes = [1, 576], strides = [1, 1]} : vector<64x576xf32> to vector<1x576xf32>
    %add3A_2311 = arith.addf %add3A_2307, %slice3A_2310 : vector<1x576xf32>
    %slice3A_2312 = vector.extract_strided_slice %mul3A_2135 {offsets = [44, 0], sizes = [1, 576], strides = [1, 1]} : vector<64x576xf32> to vector<1x576xf32>
    %add3A_2313 = arith.addf %add3A_2309, %slice3A_2312 : vector<1x576xf32>
    %slice3A_2314 = vector.extract_strided_slice %mul3A_2132 {offsets = [45, 0], sizes = [1, 576], strides = [1, 1]} : vector<64x576xf32> to vector<1x576xf32>
    %add3A_2315 = arith.addf %add3A_2311, %slice3A_2314 : vector<1x576xf32>
    %slice3A_2316 = vector.extract_strided_slice %mul3A_2135 {offsets = [45, 0], sizes = [1, 576], strides = [1, 1]} : vector<64x576xf32> to vector<1x576xf32>
    %add3A_2317 = arith.addf %add3A_2313, %slice3A_2316 : vector<1x576xf32>
    %slice3A_2318 = vector.extract_strided_slice %mul3A_2132 {offsets = [46, 0], sizes = [1, 576], strides = [1, 1]} : vector<64x576xf32> to vector<1x576xf32>
    %add3A_2319 = arith.addf %add3A_2315, %slice3A_2318 : vector<1x576xf32>
    %slice3A_2320 = vector.extract_strided_slice %mul3A_2135 {offsets = [46, 0], sizes = [1, 576], strides = [1, 1]} : vector<64x576xf32> to vector<1x576xf32>
    %add3A_2321 = arith.addf %add3A_2317, %slice3A_2320 : vector<1x576xf32>
    %slice3A_2322 = vector.extract_strided_slice %mul3A_2132 {offsets = [47, 0], sizes = [1, 576], strides = [1, 1]} : vector<64x576xf32> to vector<1x576xf32>
    %add3A_2323 = arith.addf %add3A_2319, %slice3A_2322 : vector<1x576xf32>
    %slice3A_2324 = vector.extract_strided_slice %mul3A_2135 {offsets = [47, 0], sizes = [1, 576], strides = [1, 1]} : vector<64x576xf32> to vector<1x576xf32>
    %add3A_2325 = arith.addf %add3A_2321, %slice3A_2324 : vector<1x576xf32>
    %slice3A_2326 = vector.extract_strided_slice %mul3A_2132 {offsets = [48, 0], sizes = [1, 576], strides = [1, 1]} : vector<64x576xf32> to vector<1x576xf32>
    %add3A_2327 = arith.addf %add3A_2323, %slice3A_2326 : vector<1x576xf32>
    %slice3A_2328 = vector.extract_strided_slice %mul3A_2135 {offsets = [48, 0], sizes = [1, 576], strides = [1, 1]} : vector<64x576xf32> to vector<1x576xf32>
    %add3A_2329 = arith.addf %add3A_2325, %slice3A_2328 : vector<1x576xf32>
    %slice3A_2330 = vector.extract_strided_slice %mul3A_2132 {offsets = [49, 0], sizes = [1, 576], strides = [1, 1]} : vector<64x576xf32> to vector<1x576xf32>
    %add3A_2331 = arith.addf %add3A_2327, %slice3A_2330 : vector<1x576xf32>
    %slice3A_2332 = vector.extract_strided_slice %mul3A_2135 {offsets = [49, 0], sizes = [1, 576], strides = [1, 1]} : vector<64x576xf32> to vector<1x576xf32>
    %add3A_2333 = arith.addf %add3A_2329, %slice3A_2332 : vector<1x576xf32>
    %slice3A_2334 = vector.extract_strided_slice %mul3A_2132 {offsets = [50, 0], sizes = [1, 576], strides = [1, 1]} : vector<64x576xf32> to vector<1x576xf32>
    %add3A_2335 = arith.addf %add3A_2331, %slice3A_2334 : vector<1x576xf32>
    %slice3A_2336 = vector.extract_strided_slice %mul3A_2135 {offsets = [50, 0], sizes = [1, 576], strides = [1, 1]} : vector<64x576xf32> to vector<1x576xf32>
    %add3A_2337 = arith.addf %add3A_2333, %slice3A_2336 : vector<1x576xf32>
    %slice3A_2338 = vector.extract_strided_slice %mul3A_2132 {offsets = [51, 0], sizes = [1, 576], strides = [1, 1]} : vector<64x576xf32> to vector<1x576xf32>
    %add3A_2339 = arith.addf %add3A_2335, %slice3A_2338 : vector<1x576xf32>
    %slice3A_2340 = vector.extract_strided_slice %mul3A_2135 {offsets = [51, 0], sizes = [1, 576], strides = [1, 1]} : vector<64x576xf32> to vector<1x576xf32>
    %add3A_2341 = arith.addf %add3A_2337, %slice3A_2340 : vector<1x576xf32>
    %slice3A_2342 = vector.extract_strided_slice %mul3A_2132 {offsets = [52, 0], sizes = [1, 576], strides = [1, 1]} : vector<64x576xf32> to vector<1x576xf32>
    %add3A_2343 = arith.addf %add3A_2339, %slice3A_2342 : vector<1x576xf32>
    %slice3A_2344 = vector.extract_strided_slice %mul3A_2135 {offsets = [52, 0], sizes = [1, 576], strides = [1, 1]} : vector<64x576xf32> to vector<1x576xf32>
    %add3A_2345 = arith.addf %add3A_2341, %slice3A_2344 : vector<1x576xf32>
    %slice3A_2346 = vector.extract_strided_slice %mul3A_2132 {offsets = [53, 0], sizes = [1, 576], strides = [1, 1]} : vector<64x576xf32> to vector<1x576xf32>
    %add3A_2347 = arith.addf %add3A_2343, %slice3A_2346 : vector<1x576xf32>
    %slice3A_2348 = vector.extract_strided_slice %mul3A_2135 {offsets = [53, 0], sizes = [1, 576], strides = [1, 1]} : vector<64x576xf32> to vector<1x576xf32>
    %add3A_2349 = arith.addf %add3A_2345, %slice3A_2348 : vector<1x576xf32>
    %slice3A_2350 = vector.extract_strided_slice %mul3A_2132 {offsets = [54, 0], sizes = [1, 576], strides = [1, 1]} : vector<64x576xf32> to vector<1x576xf32>
    %add3A_2351 = arith.addf %add3A_2347, %slice3A_2350 : vector<1x576xf32>
    %slice3A_2352 = vector.extract_strided_slice %mul3A_2135 {offsets = [54, 0], sizes = [1, 576], strides = [1, 1]} : vector<64x576xf32> to vector<1x576xf32>
    %add3A_2353 = arith.addf %add3A_2349, %slice3A_2352 : vector<1x576xf32>
    %slice3A_2354 = vector.extract_strided_slice %mul3A_2132 {offsets = [55, 0], sizes = [1, 576], strides = [1, 1]} : vector<64x576xf32> to vector<1x576xf32>
    %add3A_2355 = arith.addf %add3A_2351, %slice3A_2354 : vector<1x576xf32>
    %slice3A_2356 = vector.extract_strided_slice %mul3A_2135 {offsets = [55, 0], sizes = [1, 576], strides = [1, 1]} : vector<64x576xf32> to vector<1x576xf32>
    %add3A_2357 = arith.addf %add3A_2353, %slice3A_2356 : vector<1x576xf32>
    %slice3A_2358 = vector.extract_strided_slice %mul3A_2132 {offsets = [56, 0], sizes = [1, 576], strides = [1, 1]} : vector<64x576xf32> to vector<1x576xf32>
    %add3A_2359 = arith.addf %add3A_2355, %slice3A_2358 : vector<1x576xf32>
    %slice3A_2360 = vector.extract_strided_slice %mul3A_2135 {offsets = [56, 0], sizes = [1, 576], strides = [1, 1]} : vector<64x576xf32> to vector<1x576xf32>
    %add3A_2361 = arith.addf %add3A_2357, %slice3A_2360 : vector<1x576xf32>
    %slice3A_2362 = vector.extract_strided_slice %mul3A_2132 {offsets = [57, 0], sizes = [1, 576], strides = [1, 1]} : vector<64x576xf32> to vector<1x576xf32>
    %add3A_2363 = arith.addf %add3A_2359, %slice3A_2362 : vector<1x576xf32>
    %slice3A_2364 = vector.extract_strided_slice %mul3A_2135 {offsets = [57, 0], sizes = [1, 576], strides = [1, 1]} : vector<64x576xf32> to vector<1x576xf32>
    %add3A_2365 = arith.addf %add3A_2361, %slice3A_2364 : vector<1x576xf32>
    %slice3A_2366 = vector.extract_strided_slice %mul3A_2132 {offsets = [58, 0], sizes = [1, 576], strides = [1, 1]} : vector<64x576xf32> to vector<1x576xf32>
    %add3A_2367 = arith.addf %add3A_2363, %slice3A_2366 : vector<1x576xf32>
    %slice3A_2368 = vector.extract_strided_slice %mul3A_2135 {offsets = [58, 0], sizes = [1, 576], strides = [1, 1]} : vector<64x576xf32> to vector<1x576xf32>
    %add3A_2369 = arith.addf %add3A_2365, %slice3A_2368 : vector<1x576xf32>
    %slice3A_2370 = vector.extract_strided_slice %mul3A_2132 {offsets = [59, 0], sizes = [1, 576], strides = [1, 1]} : vector<64x576xf32> to vector<1x576xf32>
    %add3A_2371 = arith.addf %add3A_2367, %slice3A_2370 : vector<1x576xf32>
    %slice3A_2372 = vector.extract_strided_slice %mul3A_2135 {offsets = [59, 0], sizes = [1, 576], strides = [1, 1]} : vector<64x576xf32> to vector<1x576xf32>
    %add3A_2373 = arith.addf %add3A_2369, %slice3A_2372 : vector<1x576xf32>
    %slice3A_2374 = vector.extract_strided_slice %mul3A_2132 {offsets = [60, 0], sizes = [1, 576], strides = [1, 1]} : vector<64x576xf32> to vector<1x576xf32>
    %add3A_2375 = arith.addf %add3A_2371, %slice3A_2374 : vector<1x576xf32>
    %slice3A_2376 = vector.extract_strided_slice %mul3A_2135 {offsets = [60, 0], sizes = [1, 576], strides = [1, 1]} : vector<64x576xf32> to vector<1x576xf32>
    %add3A_2377 = arith.addf %add3A_2373, %slice3A_2376 : vector<1x576xf32>
    %slice3A_2378 = vector.extract_strided_slice %mul3A_2132 {offsets = [61, 0], sizes = [1, 576], strides = [1, 1]} : vector<64x576xf32> to vector<1x576xf32>
    %add3A_2379 = arith.addf %add3A_2375, %slice3A_2378 : vector<1x576xf32>
    %slice3A_2380 = vector.extract_strided_slice %mul3A_2135 {offsets = [61, 0], sizes = [1, 576], strides = [1, 1]} : vector<64x576xf32> to vector<1x576xf32>
    %add3A_2381 = arith.addf %add3A_2377, %slice3A_2380 : vector<1x576xf32>
    %slice3A_2382 = vector.extract_strided_slice %mul3A_2132 {offsets = [62, 0], sizes = [1, 576], strides = [1, 1]} : vector<64x576xf32> to vector<1x576xf32>
    %add3A_2383 = arith.addf %add3A_2379, %slice3A_2382 : vector<1x576xf32>
    %slice3A_2384 = vector.extract_strided_slice %mul3A_2135 {offsets = [62, 0], sizes = [1, 576], strides = [1, 1]} : vector<64x576xf32> to vector<1x576xf32>
    %add3A_2385 = arith.addf %add3A_2381, %slice3A_2384 : vector<1x576xf32>
    %slice3A_2386 = vector.extract_strided_slice %mul3A_2132 {offsets = [63, 0], sizes = [1, 576], strides = [1, 1]} : vector<64x576xf32> to vector<1x576xf32>
    %add3A_2387 = arith.addf %add3A_2383, %slice3A_2386 : vector<1x576xf32>
    %slice3A_2388 = vector.extract_strided_slice %mul3A_2135 {offsets = [63, 0], sizes = [1, 576], strides = [1, 1]} : vector<64x576xf32> to vector<1x576xf32>
    %add3A_2389 = arith.addf %add3A_2385, %slice3A_2388 : vector<1x576xf32>
    %sqrt3A_2390 = math.sqrt %add3A_2389 : vector<1x576xf32>
    %sqrt3A_2391 = math.sqrt %add3A_2387 : vector<1x576xf32>
    %lt3A_2392 = arith.cmpf olt, %sqrt3A_2390, %sqrt3A_2391 : vector<1x576xf32>
    %broadcast_in_dim3A_2393 = vector.shape_cast %max3A_2103 : vector<576xi32> to vector<1x576xi32>
    %broadcast_in_dim3A_2394 = vector.shape_cast %min3A_2102 : vector<576xi32> to vector<1x576xi32>
    %select_n3A_2395 = arith.select %lt3A_2392, %broadcast_in_dim3A_2393, %broadcast_in_dim3A_2394 : vector<1x576xi1>, vector<1x576xi32>
    %squeeze3A_2396 = vector.shape_cast %select_n3A_2395 : vector<1x576xi32> to vector<576xi32>
    %swap3A_2397 = arith.constant 6 : index
    %swap3A_2398 = arith.constant 0 : index
    %swap3A_2399 = vector.load %arg2[%swap3A_2397, %swap3A_2398] : memref<8x576xi32, #tpu.memory_space<vmem>>, vector<1x576xi32>
    %swap3A_2400 = vector.shape_cast %swap3A_2399 : vector<1x576xi32> to vector<576xi32>
    %swap3A_2401 = vector.shape_cast %squeeze3A_2396 : vector<576xi32> to vector<1x576xi32>
    tpu.vector_store %arg2[%swap3A_2397, %swap3A_2398], %swap3A_2401 {strides = array<i32>} : memref<8x576xi32, #tpu.memory_space<vmem>>, vector<1x576xi32>,
    %get3A_2402 = arith.constant 7 : index
    %get3A_2403 = arith.constant 0 : index
    %get3A_2404 = arith.constant 0 : index
    %get3A_2405 = vector.load %arg0[%get3A_2402, %get3A_2403, %get3A_2404] : memref<8x64x576xf32, #tpu.memory_space<vmem>>, vector<1x64x576xf32>
    %get3A_2406 = vector.shape_cast %get3A_2405 : vector<1x64x576xf32> to vector<64x576xf32>
    %mul3A_2407 = arith.mulf %get3A_2406, %get3A_2406 : vector<64x576xf32>
    %reduce_sum3A_2408 = arith.constant dense<0.000000e+00> : vector<576xf32>
    %reduce_sum3A_2409 = vector.multi_reduction <add>, %mul3A_2407, %reduce_sum3A_2408 [0] : vector<64x576xf32> to vector<576xf32>
    %broadcast_in_dim3A_2410 = vector.shape_cast %reduce_sum3A_2409 : vector<576xf32> to vector<1x576xf32>
    %broadcast_in_dim3A_2411 = arith.constant 1.000000e+00 : f32
    %broadcast_in_dim3A_2412 = vector.broadcast %broadcast_in_dim3A_2411 : f32 to vector<1x576xf32>
    %broadcast_in_dim3A_2413 = arith.constant 0.000000e+00 : f32
    %broadcast_in_dim3A_2414 = vector.broadcast %broadcast_in_dim3A_2413 : f32 to vector<6x576xf32>
    %concatenate3A_2415 = tpu.concatenate %get3A_2406, %broadcast_in_dim3A_2410, %broadcast_in_dim3A_2412, %broadcast_in_dim3A_2414 in 0 : vector<64x576xf32>, vector<1x576xf32>, vector<1x576xf32>, vector<6x576xf32> -> vector<72x576xf32>
    %dot_general3A_2416 = arith.constant dense<0.000000e+00> : vector<512x576xf32>
    %dot_general3A_2417 = tpu.matmul %concatenate3A, %concatenate3A_2415, %dot_general3A_2416 {dimension_numbers = #tpu.dot_dimension_numbers<[0], [0], [1], [1], [0, 1, 1, 1], [], []>, precision = #tpu.contract_precision<fp32>, transpose_lhs_hint = true} : vector<72x512xf32>, vector<72x576xf32>, vector<512x576xf32> -> vector<512x576xf32>
    %iota3A_2418 = tpu.iota {dimensions = array<i32: 0>} : vector<512x576xi32>
    %reduce_min3A_2419 = arith.constant dense<0x7F800000> : vector<576xf32>
    %reduce_min3A_2420 = vector.multi_reduction <minimumf>, %dot_general3A_2417, %reduce_min3A_2419 [0] : vector<512x576xf32> to vector<576xf32>
    %broadcast_in_dim3A_2421 = vector.shape_cast %reduce_min3A_2420 : vector<576xf32> to vector<1x576xf32>
    %eq3A_2422 = vector.broadcast %broadcast_in_dim3A_2421 : vector<1x576xf32> to vector<512x576xf32>
    %eq3A_2423 = arith.cmpf oeq, %dot_general3A_2417, %eq3A_2422 : vector<512x576xf32>
    %jit3A_2424 = arith.constant 512 : i32
    %broadcast_in_dim3A_2425 = vector.broadcast %jit3A_2424 : i32 to vector<512x576xi32>
    %select_n3A_2426 = arith.select %eq3A_2423, %iota3A_2418, %broadcast_in_dim3A_2425 : vector<512x576xi1>, vector<512x576xi32>
    %reduce_min3A_2427 = arith.constant dense<2147483647> : vector<576xi32>
    %reduce_min3A_2428 = vector.multi_reduction <minsi>, %select_n3A_2426, %reduce_min3A_2427 [0] : vector<512x576xi32> to vector<576xi32>
    %broadcast_in_dim3A_2429 = vector.shape_cast %reduce_min3A_2428 : vector<576xi32> to vector<1x576xi32>
    %eq3A_2430 = vector.broadcast %broadcast_in_dim3A_2429 : vector<1x576xi32> to vector<512x576xi32>
    %eq3A_2431 = arith.cmpi eq, %iota3A_2418, %eq3A_2430 : vector<512x576xi32>
    %jit3A_2432 = arith.constant 0x7F800000 : f32
    %broadcast_in_dim3A_2433 = vector.broadcast %jit3A_2432 : f32 to vector<512x576xf32>
    %select_n3A_2434 = arith.select %eq3A_2431, %broadcast_in_dim3A_2433, %dot_general3A_2417 : vector<512x576xi1>, vector<512x576xf32>
    %reduce_min3A_2435 = arith.constant dense<0x7F800000> : vector<576xf32>
    %reduce_min3A_2436 = vector.multi_reduction <minimumf>, %select_n3A_2434, %reduce_min3A_2435 [0] : vector<512x576xf32> to vector<576xf32>
    %broadcast_in_dim3A_2437 = vector.shape_cast %reduce_min3A_2436 : vector<576xf32> to vector<1x576xf32>
    %eq3A_2438 = vector.broadcast %broadcast_in_dim3A_2437 : vector<1x576xf32> to vector<512x576xf32>
    %eq3A_2439 = arith.cmpf oeq, %select_n3A_2434, %eq3A_2438 : vector<512x576xf32>
    %jit3A_2440 = arith.constant 512 : i32
    %broadcast_in_dim3A_2441 = vector.broadcast %jit3A_2440 : i32 to vector<512x576xi32>
    %select_n3A_2442 = arith.select %eq3A_2439, %iota3A_2418, %broadcast_in_dim3A_2441 : vector<512x576xi1>, vector<512x576xi32>
    %reduce_min3A_2443 = arith.constant dense<2147483647> : vector<576xi32>
    %reduce_min3A_2444 = vector.multi_reduction <minsi>, %select_n3A_2442, %reduce_min3A_2443 [0] : vector<512x576xi32> to vector<576xi32>
    %min3A_2445 = arith.minsi %reduce_min3A_2428, %reduce_min3A_2444 : vector<576xi32>
    %max3A_2446 = arith.maxsi %reduce_min3A_2428, %reduce_min3A_2444 : vector<576xi32>
    %broadcast_in_dim3A_2447 = vector.shape_cast %min3A_2445 : vector<576xi32> to vector<1x576xi32>
    %eq3A_2448 = vector.broadcast %broadcast_in_dim3A_2447 : vector<1x576xi32> to vector<512x576xi32>
    %eq3A_2449 = arith.cmpi eq, %iota3A_2418, %eq3A_2448 : vector<512x576xi32>
    %convert_element_type3A_2450 = arith.extui %eq3A_2449 : vector<512x576xi1> to vector<512x576xi32>
    %convert_element_type3A_2451 = arith.sitofp %convert_element_type3A_2450 : vector<512x576xi32> to vector<512x576xf32>
    %broadcast_in_dim3A_2452 = vector.shape_cast %max3A_2446 : vector<576xi32> to vector<1x576xi32>
    %eq3A_2453 = vector.broadcast %broadcast_in_dim3A_2452 : vector<1x576xi32> to vector<512x576xi32>
    %eq3A_2454 = arith.cmpi eq, %iota3A_2418, %eq3A_2453 : vector<512x576xi32>
    %convert_element_type3A_2455 = arith.extui %eq3A_2454 : vector<512x576xi1> to vector<512x576xi32>
    %convert_element_type3A_2456 = arith.sitofp %convert_element_type3A_2455 : vector<512x576xi32> to vector<512x576xf32>
    %dot_general3A_2457 = arith.constant dense<0.000000e+00> : vector<64x576xf32>
    %dot_general3A_2458 = tpu.matmul %convert_element_type3A_2, %convert_element_type3A_2451, %dot_general3A_2457 {dimension_numbers = #tpu.dot_dimension_numbers<[1], [0], [0], [1], [0, 0, 1, 1], [], []>, transpose_lhs_hint = false} : vector<64x512xf32>, vector<512x576xf32>, vector<64x576xf32> -> vector<64x576xf32>
    %dot_general3A_2459 = arith.constant dense<0.000000e+00> : vector<64x576xf32>
    %dot_general3A_2460 = tpu.matmul %convert_element_type3A_4, %convert_element_type3A_2451, %dot_general3A_2459 {dimension_numbers = #tpu.dot_dimension_numbers<[1], [0], [0], [1], [0, 0, 1, 1], [], []>, transpose_lhs_hint = false} : vector<64x512xf32>, vector<512x576xf32>, vector<64x576xf32> -> vector<64x576xf32>
    %dot_general3A_2461 = arith.constant dense<0.000000e+00> : vector<64x576xf32>
    %dot_general3A_2462 = tpu.matmul %sub3A_6, %convert_element_type3A_2451, %dot_general3A_2461 {dimension_numbers = #tpu.dot_dimension_numbers<[1], [0], [0], [1], [0, 0, 1, 1], [], []>, transpose_lhs_hint = false} : vector<64x512xf32>, vector<512x576xf32>, vector<64x576xf32> -> vector<64x576xf32>
    %add3A_2463 = arith.addf %dot_general3A_2458, %dot_general3A_2460 : vector<64x576xf32>
    %add3A_2464 = arith.addf %add3A_2463, %dot_general3A_2462 : vector<64x576xf32>
    %dot_general3A_2465 = arith.constant dense<0.000000e+00> : vector<64x576xf32>
    %dot_general3A_2466 = tpu.matmul %convert_element_type3A_2, %convert_element_type3A_2456, %dot_general3A_2465 {dimension_numbers = #tpu.dot_dimension_numbers<[1], [0], [0], [1], [0, 0, 1, 1], [], []>, transpose_lhs_hint = false} : vector<64x512xf32>, vector<512x576xf32>, vector<64x576xf32> -> vector<64x576xf32>
    %dot_general3A_2467 = arith.constant dense<0.000000e+00> : vector<64x576xf32>
    %dot_general3A_2468 = tpu.matmul %convert_element_type3A_4, %convert_element_type3A_2456, %dot_general3A_2467 {dimension_numbers = #tpu.dot_dimension_numbers<[1], [0], [0], [1], [0, 0, 1, 1], [], []>, transpose_lhs_hint = false} : vector<64x512xf32>, vector<512x576xf32>, vector<64x576xf32> -> vector<64x576xf32>
    %dot_general3A_2469 = arith.constant dense<0.000000e+00> : vector<64x576xf32>
    %dot_general3A_2470 = tpu.matmul %sub3A_6, %convert_element_type3A_2456, %dot_general3A_2469 {dimension_numbers = #tpu.dot_dimension_numbers<[1], [0], [0], [1], [0, 0, 1, 1], [], []>, transpose_lhs_hint = false} : vector<64x512xf32>, vector<512x576xf32>, vector<64x576xf32> -> vector<64x576xf32>
    %add3A_2471 = arith.addf %dot_general3A_2466, %dot_general3A_2468 : vector<64x576xf32>
    %add3A_2472 = arith.addf %add3A_2471, %dot_general3A_2470 : vector<64x576xf32>
    %sub3A_2473 = arith.subf %get3A_2406, %add3A_2464 : vector<64x576xf32>
    %sub3A_2474 = arith.subf %get3A_2406, %add3A_2464 : vector<64x576xf32>
    %mul3A_2475 = arith.mulf %sub3A_2473, %sub3A_2474 : vector<64x576xf32>
    %sub3A_2476 = arith.subf %get3A_2406, %add3A_2472 : vector<64x576xf32>
    %sub3A_2477 = arith.subf %get3A_2406, %add3A_2472 : vector<64x576xf32>
    %mul3A_2478 = arith.mulf %sub3A_2476, %sub3A_2477 : vector<64x576xf32>
    %slice3A_2479 = vector.extract_strided_slice %mul3A_2475 {offsets = [0, 0], sizes = [1, 576], strides = [1, 1]} : vector<64x576xf32> to vector<1x576xf32>
    %slice3A_2480 = vector.extract_strided_slice %mul3A_2478 {offsets = [0, 0], sizes = [1, 576], strides = [1, 1]} : vector<64x576xf32> to vector<1x576xf32>
    %slice3A_2481 = vector.extract_strided_slice %mul3A_2475 {offsets = [1, 0], sizes = [1, 576], strides = [1, 1]} : vector<64x576xf32> to vector<1x576xf32>
    %add3A_2482 = arith.addf %slice3A_2479, %slice3A_2481 : vector<1x576xf32>
    %slice3A_2483 = vector.extract_strided_slice %mul3A_2478 {offsets = [1, 0], sizes = [1, 576], strides = [1, 1]} : vector<64x576xf32> to vector<1x576xf32>
    %add3A_2484 = arith.addf %slice3A_2480, %slice3A_2483 : vector<1x576xf32>
    %slice3A_2485 = vector.extract_strided_slice %mul3A_2475 {offsets = [2, 0], sizes = [1, 576], strides = [1, 1]} : vector<64x576xf32> to vector<1x576xf32>
    %add3A_2486 = arith.addf %add3A_2482, %slice3A_2485 : vector<1x576xf32>
    %slice3A_2487 = vector.extract_strided_slice %mul3A_2478 {offsets = [2, 0], sizes = [1, 576], strides = [1, 1]} : vector<64x576xf32> to vector<1x576xf32>
    %add3A_2488 = arith.addf %add3A_2484, %slice3A_2487 : vector<1x576xf32>
    %slice3A_2489 = vector.extract_strided_slice %mul3A_2475 {offsets = [3, 0], sizes = [1, 576], strides = [1, 1]} : vector<64x576xf32> to vector<1x576xf32>
    %add3A_2490 = arith.addf %add3A_2486, %slice3A_2489 : vector<1x576xf32>
    %slice3A_2491 = vector.extract_strided_slice %mul3A_2478 {offsets = [3, 0], sizes = [1, 576], strides = [1, 1]} : vector<64x576xf32> to vector<1x576xf32>
    %add3A_2492 = arith.addf %add3A_2488, %slice3A_2491 : vector<1x576xf32>
    %slice3A_2493 = vector.extract_strided_slice %mul3A_2475 {offsets = [4, 0], sizes = [1, 576], strides = [1, 1]} : vector<64x576xf32> to vector<1x576xf32>
    %add3A_2494 = arith.addf %add3A_2490, %slice3A_2493 : vector<1x576xf32>
    %slice3A_2495 = vector.extract_strided_slice %mul3A_2478 {offsets = [4, 0], sizes = [1, 576], strides = [1, 1]} : vector<64x576xf32> to vector<1x576xf32>
    %add3A_2496 = arith.addf %add3A_2492, %slice3A_2495 : vector<1x576xf32>
    %slice3A_2497 = vector.extract_strided_slice %mul3A_2475 {offsets = [5, 0], sizes = [1, 576], strides = [1, 1]} : vector<64x576xf32> to vector<1x576xf32>
    %add3A_2498 = arith.addf %add3A_2494, %slice3A_2497 : vector<1x576xf32>
    %slice3A_2499 = vector.extract_strided_slice %mul3A_2478 {offsets = [5, 0], sizes = [1, 576], strides = [1, 1]} : vector<64x576xf32> to vector<1x576xf32>
    %add3A_2500 = arith.addf %add3A_2496, %slice3A_2499 : vector<1x576xf32>
    %slice3A_2501 = vector.extract_strided_slice %mul3A_2475 {offsets = [6, 0], sizes = [1, 576], strides = [1, 1]} : vector<64x576xf32> to vector<1x576xf32>
    %add3A_2502 = arith.addf %add3A_2498, %slice3A_2501 : vector<1x576xf32>
    %slice3A_2503 = vector.extract_strided_slice %mul3A_2478 {offsets = [6, 0], sizes = [1, 576], strides = [1, 1]} : vector<64x576xf32> to vector<1x576xf32>
    %add3A_2504 = arith.addf %add3A_2500, %slice3A_2503 : vector<1x576xf32>
    %slice3A_2505 = vector.extract_strided_slice %mul3A_2475 {offsets = [7, 0], sizes = [1, 576], strides = [1, 1]} : vector<64x576xf32> to vector<1x576xf32>
    %add3A_2506 = arith.addf %add3A_2502, %slice3A_2505 : vector<1x576xf32>
    %slice3A_2507 = vector.extract_strided_slice %mul3A_2478 {offsets = [7, 0], sizes = [1, 576], strides = [1, 1]} : vector<64x576xf32> to vector<1x576xf32>
    %add3A_2508 = arith.addf %add3A_2504, %slice3A_2507 : vector<1x576xf32>
    %slice3A_2509 = vector.extract_strided_slice %mul3A_2475 {offsets = [8, 0], sizes = [1, 576], strides = [1, 1]} : vector<64x576xf32> to vector<1x576xf32>
    %add3A_2510 = arith.addf %add3A_2506, %slice3A_2509 : vector<1x576xf32>
    %slice3A_2511 = vector.extract_strided_slice %mul3A_2478 {offsets = [8, 0], sizes = [1, 576], strides = [1, 1]} : vector<64x576xf32> to vector<1x576xf32>
    %add3A_2512 = arith.addf %add3A_2508, %slice3A_2511 : vector<1x576xf32>
    %slice3A_2513 = vector.extract_strided_slice %mul3A_2475 {offsets = [9, 0], sizes = [1, 576], strides = [1, 1]} : vector<64x576xf32> to vector<1x576xf32>
    %add3A_2514 = arith.addf %add3A_2510, %slice3A_2513 : vector<1x576xf32>
    %slice3A_2515 = vector.extract_strided_slice %mul3A_2478 {offsets = [9, 0], sizes = [1, 576], strides = [1, 1]} : vector<64x576xf32> to vector<1x576xf32>
    %add3A_2516 = arith.addf %add3A_2512, %slice3A_2515 : vector<1x576xf32>
    %slice3A_2517 = vector.extract_strided_slice %mul3A_2475 {offsets = [10, 0], sizes = [1, 576], strides = [1, 1]} : vector<64x576xf32> to vector<1x576xf32>
    %add3A_2518 = arith.addf %add3A_2514, %slice3A_2517 : vector<1x576xf32>
    %slice3A_2519 = vector.extract_strided_slice %mul3A_2478 {offsets = [10, 0], sizes = [1, 576], strides = [1, 1]} : vector<64x576xf32> to vector<1x576xf32>
    %add3A_2520 = arith.addf %add3A_2516, %slice3A_2519 : vector<1x576xf32>
    %slice3A_2521 = vector.extract_strided_slice %mul3A_2475 {offsets = [11, 0], sizes = [1, 576], strides = [1, 1]} : vector<64x576xf32> to vector<1x576xf32>
    %add3A_2522 = arith.addf %add3A_2518, %slice3A_2521 : vector<1x576xf32>
    %slice3A_2523 = vector.extract_strided_slice %mul3A_2478 {offsets = [11, 0], sizes = [1, 576], strides = [1, 1]} : vector<64x576xf32> to vector<1x576xf32>
    %add3A_2524 = arith.addf %add3A_2520, %slice3A_2523 : vector<1x576xf32>
    %slice3A_2525 = vector.extract_strided_slice %mul3A_2475 {offsets = [12, 0], sizes = [1, 576], strides = [1, 1]} : vector<64x576xf32> to vector<1x576xf32>
    %add3A_2526 = arith.addf %add3A_2522, %slice3A_2525 : vector<1x576xf32>
    %slice3A_2527 = vector.extract_strided_slice %mul3A_2478 {offsets = [12, 0], sizes = [1, 576], strides = [1, 1]} : vector<64x576xf32> to vector<1x576xf32>
    %add3A_2528 = arith.addf %add3A_2524, %slice3A_2527 : vector<1x576xf32>
    %slice3A_2529 = vector.extract_strided_slice %mul3A_2475 {offsets = [13, 0], sizes = [1, 576], strides = [1, 1]} : vector<64x576xf32> to vector<1x576xf32>
    %add3A_2530 = arith.addf %add3A_2526, %slice3A_2529 : vector<1x576xf32>
    %slice3A_2531 = vector.extract_strided_slice %mul3A_2478 {offsets = [13, 0], sizes = [1, 576], strides = [1, 1]} : vector<64x576xf32> to vector<1x576xf32>
    %add3A_2532 = arith.addf %add3A_2528, %slice3A_2531 : vector<1x576xf32>
    %slice3A_2533 = vector.extract_strided_slice %mul3A_2475 {offsets = [14, 0], sizes = [1, 576], strides = [1, 1]} : vector<64x576xf32> to vector<1x576xf32>
    %add3A_2534 = arith.addf %add3A_2530, %slice3A_2533 : vector<1x576xf32>
    %slice3A_2535 = vector.extract_strided_slice %mul3A_2478 {offsets = [14, 0], sizes = [1, 576], strides = [1, 1]} : vector<64x576xf32> to vector<1x576xf32>
    %add3A_2536 = arith.addf %add3A_2532, %slice3A_2535 : vector<1x576xf32>
    %slice3A_2537 = vector.extract_strided_slice %mul3A_2475 {offsets = [15, 0], sizes = [1, 576], strides = [1, 1]} : vector<64x576xf32> to vector<1x576xf32>
    %add3A_2538 = arith.addf %add3A_2534, %slice3A_2537 : vector<1x576xf32>
    %slice3A_2539 = vector.extract_strided_slice %mul3A_2478 {offsets = [15, 0], sizes = [1, 576], strides = [1, 1]} : vector<64x576xf32> to vector<1x576xf32>
    %add3A_2540 = arith.addf %add3A_2536, %slice3A_2539 : vector<1x576xf32>
    %slice3A_2541 = vector.extract_strided_slice %mul3A_2475 {offsets = [16, 0], sizes = [1, 576], strides = [1, 1]} : vector<64x576xf32> to vector<1x576xf32>
    %add3A_2542 = arith.addf %add3A_2538, %slice3A_2541 : vector<1x576xf32>
    %slice3A_2543 = vector.extract_strided_slice %mul3A_2478 {offsets = [16, 0], sizes = [1, 576], strides = [1, 1]} : vector<64x576xf32> to vector<1x576xf32>
    %add3A_2544 = arith.addf %add3A_2540, %slice3A_2543 : vector<1x576xf32>
    %slice3A_2545 = vector.extract_strided_slice %mul3A_2475 {offsets = [17, 0], sizes = [1, 576], strides = [1, 1]} : vector<64x576xf32> to vector<1x576xf32>
    %add3A_2546 = arith.addf %add3A_2542, %slice3A_2545 : vector<1x576xf32>
    %slice3A_2547 = vector.extract_strided_slice %mul3A_2478 {offsets = [17, 0], sizes = [1, 576], strides = [1, 1]} : vector<64x576xf32> to vector<1x576xf32>
    %add3A_2548 = arith.addf %add3A_2544, %slice3A_2547 : vector<1x576xf32>
    %slice3A_2549 = vector.extract_strided_slice %mul3A_2475 {offsets = [18, 0], sizes = [1, 576], strides = [1, 1]} : vector<64x576xf32> to vector<1x576xf32>
    %add3A_2550 = arith.addf %add3A_2546, %slice3A_2549 : vector<1x576xf32>
    %slice3A_2551 = vector.extract_strided_slice %mul3A_2478 {offsets = [18, 0], sizes = [1, 576], strides = [1, 1]} : vector<64x576xf32> to vector<1x576xf32>
    %add3A_2552 = arith.addf %add3A_2548, %slice3A_2551 : vector<1x576xf32>
    %slice3A_2553 = vector.extract_strided_slice %mul3A_2475 {offsets = [19, 0], sizes = [1, 576], strides = [1, 1]} : vector<64x576xf32> to vector<1x576xf32>
    %add3A_2554 = arith.addf %add3A_2550, %slice3A_2553 : vector<1x576xf32>
    %slice3A_2555 = vector.extract_strided_slice %mul3A_2478 {offsets = [19, 0], sizes = [1, 576], strides = [1, 1]} : vector<64x576xf32> to vector<1x576xf32>
    %add3A_2556 = arith.addf %add3A_2552, %slice3A_2555 : vector<1x576xf32>
    %slice3A_2557 = vector.extract_strided_slice %mul3A_2475 {offsets = [20, 0], sizes = [1, 576], strides = [1, 1]} : vector<64x576xf32> to vector<1x576xf32>
    %add3A_2558 = arith.addf %add3A_2554, %slice3A_2557 : vector<1x576xf32>
    %slice3A_2559 = vector.extract_strided_slice %mul3A_2478 {offsets = [20, 0], sizes = [1, 576], strides = [1, 1]} : vector<64x576xf32> to vector<1x576xf32>
    %add3A_2560 = arith.addf %add3A_2556, %slice3A_2559 : vector<1x576xf32>
    %slice3A_2561 = vector.extract_strided_slice %mul3A_2475 {offsets = [21, 0], sizes = [1, 576], strides = [1, 1]} : vector<64x576xf32> to vector<1x576xf32>
    %add3A_2562 = arith.addf %add3A_2558, %slice3A_2561 : vector<1x576xf32>
    %slice3A_2563 = vector.extract_strided_slice %mul3A_2478 {offsets = [21, 0], sizes = [1, 576], strides = [1, 1]} : vector<64x576xf32> to vector<1x576xf32>
    %add3A_2564 = arith.addf %add3A_2560, %slice3A_2563 : vector<1x576xf32>
    %slice3A_2565 = vector.extract_strided_slice %mul3A_2475 {offsets = [22, 0], sizes = [1, 576], strides = [1, 1]} : vector<64x576xf32> to vector<1x576xf32>
    %add3A_2566 = arith.addf %add3A_2562, %slice3A_2565 : vector<1x576xf32>
    %slice3A_2567 = vector.extract_strided_slice %mul3A_2478 {offsets = [22, 0], sizes = [1, 576], strides = [1, 1]} : vector<64x576xf32> to vector<1x576xf32>
    %add3A_2568 = arith.addf %add3A_2564, %slice3A_2567 : vector<1x576xf32>
    %slice3A_2569 = vector.extract_strided_slice %mul3A_2475 {offsets = [23, 0], sizes = [1, 576], strides = [1, 1]} : vector<64x576xf32> to vector<1x576xf32>
    %add3A_2570 = arith.addf %add3A_2566, %slice3A_2569 : vector<1x576xf32>
    %slice3A_2571 = vector.extract_strided_slice %mul3A_2478 {offsets = [23, 0], sizes = [1, 576], strides = [1, 1]} : vector<64x576xf32> to vector<1x576xf32>
    %add3A_2572 = arith.addf %add3A_2568, %slice3A_2571 : vector<1x576xf32>
    %slice3A_2573 = vector.extract_strided_slice %mul3A_2475 {offsets = [24, 0], sizes = [1, 576], strides = [1, 1]} : vector<64x576xf32> to vector<1x576xf32>
    %add3A_2574 = arith.addf %add3A_2570, %slice3A_2573 : vector<1x576xf32>
    %slice3A_2575 = vector.extract_strided_slice %mul3A_2478 {offsets = [24, 0], sizes = [1, 576], strides = [1, 1]} : vector<64x576xf32> to vector<1x576xf32>
    %add3A_2576 = arith.addf %add3A_2572, %slice3A_2575 : vector<1x576xf32>
    %slice3A_2577 = vector.extract_strided_slice %mul3A_2475 {offsets = [25, 0], sizes = [1, 576], strides = [1, 1]} : vector<64x576xf32> to vector<1x576xf32>
    %add3A_2578 = arith.addf %add3A_2574, %slice3A_2577 : vector<1x576xf32>
    %slice3A_2579 = vector.extract_strided_slice %mul3A_2478 {offsets = [25, 0], sizes = [1, 576], strides = [1, 1]} : vector<64x576xf32> to vector<1x576xf32>
    %add3A_2580 = arith.addf %add3A_2576, %slice3A_2579 : vector<1x576xf32>
    %slice3A_2581 = vector.extract_strided_slice %mul3A_2475 {offsets = [26, 0], sizes = [1, 576], strides = [1, 1]} : vector<64x576xf32> to vector<1x576xf32>
    %add3A_2582 = arith.addf %add3A_2578, %slice3A_2581 : vector<1x576xf32>
    %slice3A_2583 = vector.extract_strided_slice %mul3A_2478 {offsets = [26, 0], sizes = [1, 576], strides = [1, 1]} : vector<64x576xf32> to vector<1x576xf32>
    %add3A_2584 = arith.addf %add3A_2580, %slice3A_2583 : vector<1x576xf32>
    %slice3A_2585 = vector.extract_strided_slice %mul3A_2475 {offsets = [27, 0], sizes = [1, 576], strides = [1, 1]} : vector<64x576xf32> to vector<1x576xf32>
    %add3A_2586 = arith.addf %add3A_2582, %slice3A_2585 : vector<1x576xf32>
    %slice3A_2587 = vector.extract_strided_slice %mul3A_2478 {offsets = [27, 0], sizes = [1, 576], strides = [1, 1]} : vector<64x576xf32> to vector<1x576xf32>
    %add3A_2588 = arith.addf %add3A_2584, %slice3A_2587 : vector<1x576xf32>
    %slice3A_2589 = vector.extract_strided_slice %mul3A_2475 {offsets = [28, 0], sizes = [1, 576], strides = [1, 1]} : vector<64x576xf32> to vector<1x576xf32>
    %add3A_2590 = arith.addf %add3A_2586, %slice3A_2589 : vector<1x576xf32>
    %slice3A_2591 = vector.extract_strided_slice %mul3A_2478 {offsets = [28, 0], sizes = [1, 576], strides = [1, 1]} : vector<64x576xf32> to vector<1x576xf32>
    %add3A_2592 = arith.addf %add3A_2588, %slice3A_2591 : vector<1x576xf32>
    %slice3A_2593 = vector.extract_strided_slice %mul3A_2475 {offsets = [29, 0], sizes = [1, 576], strides = [1, 1]} : vector<64x576xf32> to vector<1x576xf32>
    %add3A_2594 = arith.addf %add3A_2590, %slice3A_2593 : vector<1x576xf32>
    %slice3A_2595 = vector.extract_strided_slice %mul3A_2478 {offsets = [29, 0], sizes = [1, 576], strides = [1, 1]} : vector<64x576xf32> to vector<1x576xf32>
    %add3A_2596 = arith.addf %add3A_2592, %slice3A_2595 : vector<1x576xf32>
    %slice3A_2597 = vector.extract_strided_slice %mul3A_2475 {offsets = [30, 0], sizes = [1, 576], strides = [1, 1]} : vector<64x576xf32> to vector<1x576xf32>
    %add3A_2598 = arith.addf %add3A_2594, %slice3A_2597 : vector<1x576xf32>
    %slice3A_2599 = vector.extract_strided_slice %mul3A_2478 {offsets = [30, 0], sizes = [1, 576], strides = [1, 1]} : vector<64x576xf32> to vector<1x576xf32>
    %add3A_2600 = arith.addf %add3A_2596, %slice3A_2599 : vector<1x576xf32>
    %slice3A_2601 = vector.extract_strided_slice %mul3A_2475 {offsets = [31, 0], sizes = [1, 576], strides = [1, 1]} : vector<64x576xf32> to vector<1x576xf32>
    %add3A_2602 = arith.addf %add3A_2598, %slice3A_2601 : vector<1x576xf32>
    %slice3A_2603 = vector.extract_strided_slice %mul3A_2478 {offsets = [31, 0], sizes = [1, 576], strides = [1, 1]} : vector<64x576xf32> to vector<1x576xf32>
    %add3A_2604 = arith.addf %add3A_2600, %slice3A_2603 : vector<1x576xf32>
    %slice3A_2605 = vector.extract_strided_slice %mul3A_2475 {offsets = [32, 0], sizes = [1, 576], strides = [1, 1]} : vector<64x576xf32> to vector<1x576xf32>
    %add3A_2606 = arith.addf %add3A_2602, %slice3A_2605 : vector<1x576xf32>
    %slice3A_2607 = vector.extract_strided_slice %mul3A_2478 {offsets = [32, 0], sizes = [1, 576], strides = [1, 1]} : vector<64x576xf32> to vector<1x576xf32>
    %add3A_2608 = arith.addf %add3A_2604, %slice3A_2607 : vector<1x576xf32>
    %slice3A_2609 = vector.extract_strided_slice %mul3A_2475 {offsets = [33, 0], sizes = [1, 576], strides = [1, 1]} : vector<64x576xf32> to vector<1x576xf32>
    %add3A_2610 = arith.addf %add3A_2606, %slice3A_2609 : vector<1x576xf32>
    %slice3A_2611 = vector.extract_strided_slice %mul3A_2478 {offsets = [33, 0], sizes = [1, 576], strides = [1, 1]} : vector<64x576xf32> to vector<1x576xf32>
    %add3A_2612 = arith.addf %add3A_2608, %slice3A_2611 : vector<1x576xf32>
    %slice3A_2613 = vector.extract_strided_slice %mul3A_2475 {offsets = [34, 0], sizes = [1, 576], strides = [1, 1]} : vector<64x576xf32> to vector<1x576xf32>
    %add3A_2614 = arith.addf %add3A_2610, %slice3A_2613 : vector<1x576xf32>
    %slice3A_2615 = vector.extract_strided_slice %mul3A_2478 {offsets = [34, 0], sizes = [1, 576], strides = [1, 1]} : vector<64x576xf32> to vector<1x576xf32>
    %add3A_2616 = arith.addf %add3A_2612, %slice3A_2615 : vector<1x576xf32>
    %slice3A_2617 = vector.extract_strided_slice %mul3A_2475 {offsets = [35, 0], sizes = [1, 576], strides = [1, 1]} : vector<64x576xf32> to vector<1x576xf32>
    %add3A_2618 = arith.addf %add3A_2614, %slice3A_2617 : vector<1x576xf32>
    %slice3A_2619 = vector.extract_strided_slice %mul3A_2478 {offsets = [35, 0], sizes = [1, 576], strides = [1, 1]} : vector<64x576xf32> to vector<1x576xf32>
    %add3A_2620 = arith.addf %add3A_2616, %slice3A_2619 : vector<1x576xf32>
    %slice3A_2621 = vector.extract_strided_slice %mul3A_2475 {offsets = [36, 0], sizes = [1, 576], strides = [1, 1]} : vector<64x576xf32> to vector<1x576xf32>
    %add3A_2622 = arith.addf %add3A_2618, %slice3A_2621 : vector<1x576xf32>
    %slice3A_2623 = vector.extract_strided_slice %mul3A_2478 {offsets = [36, 0], sizes = [1, 576], strides = [1, 1]} : vector<64x576xf32> to vector<1x576xf32>
    %add3A_2624 = arith.addf %add3A_2620, %slice3A_2623 : vector<1x576xf32>
    %slice3A_2625 = vector.extract_strided_slice %mul3A_2475 {offsets = [37, 0], sizes = [1, 576], strides = [1, 1]} : vector<64x576xf32> to vector<1x576xf32>
    %add3A_2626 = arith.addf %add3A_2622, %slice3A_2625 : vector<1x576xf32>
    %slice3A_2627 = vector.extract_strided_slice %mul3A_2478 {offsets = [37, 0], sizes = [1, 576], strides = [1, 1]} : vector<64x576xf32> to vector<1x576xf32>
    %add3A_2628 = arith.addf %add3A_2624, %slice3A_2627 : vector<1x576xf32>
    %slice3A_2629 = vector.extract_strided_slice %mul3A_2475 {offsets = [38, 0], sizes = [1, 576], strides = [1, 1]} : vector<64x576xf32> to vector<1x576xf32>
    %add3A_2630 = arith.addf %add3A_2626, %slice3A_2629 : vector<1x576xf32>
    %slice3A_2631 = vector.extract_strided_slice %mul3A_2478 {offsets = [38, 0], sizes = [1, 576], strides = [1, 1]} : vector<64x576xf32> to vector<1x576xf32>
    %add3A_2632 = arith.addf %add3A_2628, %slice3A_2631 : vector<1x576xf32>
    %slice3A_2633 = vector.extract_strided_slice %mul3A_2475 {offsets = [39, 0], sizes = [1, 576], strides = [1, 1]} : vector<64x576xf32> to vector<1x576xf32>
    %add3A_2634 = arith.addf %add3A_2630, %slice3A_2633 : vector<1x576xf32>
    %slice3A_2635 = vector.extract_strided_slice %mul3A_2478 {offsets = [39, 0], sizes = [1, 576], strides = [1, 1]} : vector<64x576xf32> to vector<1x576xf32>
    %add3A_2636 = arith.addf %add3A_2632, %slice3A_2635 : vector<1x576xf32>
    %slice3A_2637 = vector.extract_strided_slice %mul3A_2475 {offsets = [40, 0], sizes = [1, 576], strides = [1, 1]} : vector<64x576xf32> to vector<1x576xf32>
    %add3A_2638 = arith.addf %add3A_2634, %slice3A_2637 : vector<1x576xf32>
    %slice3A_2639 = vector.extract_strided_slice %mul3A_2478 {offsets = [40, 0], sizes = [1, 576], strides = [1, 1]} : vector<64x576xf32> to vector<1x576xf32>
    %add3A_2640 = arith.addf %add3A_2636, %slice3A_2639 : vector<1x576xf32>
    %slice3A_2641 = vector.extract_strided_slice %mul3A_2475 {offsets = [41, 0], sizes = [1, 576], strides = [1, 1]} : vector<64x576xf32> to vector<1x576xf32>
    %add3A_2642 = arith.addf %add3A_2638, %slice3A_2641 : vector<1x576xf32>
    %slice3A_2643 = vector.extract_strided_slice %mul3A_2478 {offsets = [41, 0], sizes = [1, 576], strides = [1, 1]} : vector<64x576xf32> to vector<1x576xf32>
    %add3A_2644 = arith.addf %add3A_2640, %slice3A_2643 : vector<1x576xf32>
    %slice3A_2645 = vector.extract_strided_slice %mul3A_2475 {offsets = [42, 0], sizes = [1, 576], strides = [1, 1]} : vector<64x576xf32> to vector<1x576xf32>
    %add3A_2646 = arith.addf %add3A_2642, %slice3A_2645 : vector<1x576xf32>
    %slice3A_2647 = vector.extract_strided_slice %mul3A_2478 {offsets = [42, 0], sizes = [1, 576], strides = [1, 1]} : vector<64x576xf32> to vector<1x576xf32>
    %add3A_2648 = arith.addf %add3A_2644, %slice3A_2647 : vector<1x576xf32>
    %slice3A_2649 = vector.extract_strided_slice %mul3A_2475 {offsets = [43, 0], sizes = [1, 576], strides = [1, 1]} : vector<64x576xf32> to vector<1x576xf32>
    %add3A_2650 = arith.addf %add3A_2646, %slice3A_2649 : vector<1x576xf32>
    %slice3A_2651 = vector.extract_strided_slice %mul3A_2478 {offsets = [43, 0], sizes = [1, 576], strides = [1, 1]} : vector<64x576xf32> to vector<1x576xf32>
    %add3A_2652 = arith.addf %add3A_2648, %slice3A_2651 : vector<1x576xf32>
    %slice3A_2653 = vector.extract_strided_slice %mul3A_2475 {offsets = [44, 0], sizes = [1, 576], strides = [1, 1]} : vector<64x576xf32> to vector<1x576xf32>
    %add3A_2654 = arith.addf %add3A_2650, %slice3A_2653 : vector<1x576xf32>
    %slice3A_2655 = vector.extract_strided_slice %mul3A_2478 {offsets = [44, 0], sizes = [1, 576], strides = [1, 1]} : vector<64x576xf32> to vector<1x576xf32>
    %add3A_2656 = arith.addf %add3A_2652, %slice3A_2655 : vector<1x576xf32>
    %slice3A_2657 = vector.extract_strided_slice %mul3A_2475 {offsets = [45, 0], sizes = [1, 576], strides = [1, 1]} : vector<64x576xf32> to vector<1x576xf32>
    %add3A_2658 = arith.addf %add3A_2654, %slice3A_2657 : vector<1x576xf32>
    %slice3A_2659 = vector.extract_strided_slice %mul3A_2478 {offsets = [45, 0], sizes = [1, 576], strides = [1, 1]} : vector<64x576xf32> to vector<1x576xf32>
    %add3A_2660 = arith.addf %add3A_2656, %slice3A_2659 : vector<1x576xf32>
    %slice3A_2661 = vector.extract_strided_slice %mul3A_2475 {offsets = [46, 0], sizes = [1, 576], strides = [1, 1]} : vector<64x576xf32> to vector<1x576xf32>
    %add3A_2662 = arith.addf %add3A_2658, %slice3A_2661 : vector<1x576xf32>
    %slice3A_2663 = vector.extract_strided_slice %mul3A_2478 {offsets = [46, 0], sizes = [1, 576], strides = [1, 1]} : vector<64x576xf32> to vector<1x576xf32>
    %add3A_2664 = arith.addf %add3A_2660, %slice3A_2663 : vector<1x576xf32>
    %slice3A_2665 = vector.extract_strided_slice %mul3A_2475 {offsets = [47, 0], sizes = [1, 576], strides = [1, 1]} : vector<64x576xf32> to vector<1x576xf32>
    %add3A_2666 = arith.addf %add3A_2662, %slice3A_2665 : vector<1x576xf32>
    %slice3A_2667 = vector.extract_strided_slice %mul3A_2478 {offsets = [47, 0], sizes = [1, 576], strides = [1, 1]} : vector<64x576xf32> to vector<1x576xf32>
    %add3A_2668 = arith.addf %add3A_2664, %slice3A_2667 : vector<1x576xf32>
    %slice3A_2669 = vector.extract_strided_slice %mul3A_2475 {offsets = [48, 0], sizes = [1, 576], strides = [1, 1]} : vector<64x576xf32> to vector<1x576xf32>
    %add3A_2670 = arith.addf %add3A_2666, %slice3A_2669 : vector<1x576xf32>
    %slice3A_2671 = vector.extract_strided_slice %mul3A_2478 {offsets = [48, 0], sizes = [1, 576], strides = [1, 1]} : vector<64x576xf32> to vector<1x576xf32>
    %add3A_2672 = arith.addf %add3A_2668, %slice3A_2671 : vector<1x576xf32>
    %slice3A_2673 = vector.extract_strided_slice %mul3A_2475 {offsets = [49, 0], sizes = [1, 576], strides = [1, 1]} : vector<64x576xf32> to vector<1x576xf32>
    %add3A_2674 = arith.addf %add3A_2670, %slice3A_2673 : vector<1x576xf32>
    %slice3A_2675 = vector.extract_strided_slice %mul3A_2478 {offsets = [49, 0], sizes = [1, 576], strides = [1, 1]} : vector<64x576xf32> to vector<1x576xf32>
    %add3A_2676 = arith.addf %add3A_2672, %slice3A_2675 : vector<1x576xf32>
    %slice3A_2677 = vector.extract_strided_slice %mul3A_2475 {offsets = [50, 0], sizes = [1, 576], strides = [1, 1]} : vector<64x576xf32> to vector<1x576xf32>
    %add3A_2678 = arith.addf %add3A_2674, %slice3A_2677 : vector<1x576xf32>
    %slice3A_2679 = vector.extract_strided_slice %mul3A_2478 {offsets = [50, 0], sizes = [1, 576], strides = [1, 1]} : vector<64x576xf32> to vector<1x576xf32>
    %add3A_2680 = arith.addf %add3A_2676, %slice3A_2679 : vector<1x576xf32>
    %slice3A_2681 = vector.extract_strided_slice %mul3A_2475 {offsets = [51, 0], sizes = [1, 576], strides = [1, 1]} : vector<64x576xf32> to vector<1x576xf32>
    %add3A_2682 = arith.addf %add3A_2678, %slice3A_2681 : vector<1x576xf32>
    %slice3A_2683 = vector.extract_strided_slice %mul3A_2478 {offsets = [51, 0], sizes = [1, 576], strides = [1, 1]} : vector<64x576xf32> to vector<1x576xf32>
    %add3A_2684 = arith.addf %add3A_2680, %slice3A_2683 : vector<1x576xf32>
    %slice3A_2685 = vector.extract_strided_slice %mul3A_2475 {offsets = [52, 0], sizes = [1, 576], strides = [1, 1]} : vector<64x576xf32> to vector<1x576xf32>
    %add3A_2686 = arith.addf %add3A_2682, %slice3A_2685 : vector<1x576xf32>
    %slice3A_2687 = vector.extract_strided_slice %mul3A_2478 {offsets = [52, 0], sizes = [1, 576], strides = [1, 1]} : vector<64x576xf32> to vector<1x576xf32>
    %add3A_2688 = arith.addf %add3A_2684, %slice3A_2687 : vector<1x576xf32>
    %slice3A_2689 = vector.extract_strided_slice %mul3A_2475 {offsets = [53, 0], sizes = [1, 576], strides = [1, 1]} : vector<64x576xf32> to vector<1x576xf32>
    %add3A_2690 = arith.addf %add3A_2686, %slice3A_2689 : vector<1x576xf32>
    %slice3A_2691 = vector.extract_strided_slice %mul3A_2478 {offsets = [53, 0], sizes = [1, 576], strides = [1, 1]} : vector<64x576xf32> to vector<1x576xf32>
    %add3A_2692 = arith.addf %add3A_2688, %slice3A_2691 : vector<1x576xf32>
    %slice3A_2693 = vector.extract_strided_slice %mul3A_2475 {offsets = [54, 0], sizes = [1, 576], strides = [1, 1]} : vector<64x576xf32> to vector<1x576xf32>
    %add3A_2694 = arith.addf %add3A_2690, %slice3A_2693 : vector<1x576xf32>
    %slice3A_2695 = vector.extract_strided_slice %mul3A_2478 {offsets = [54, 0], sizes = [1, 576], strides = [1, 1]} : vector<64x576xf32> to vector<1x576xf32>
    %add3A_2696 = arith.addf %add3A_2692, %slice3A_2695 : vector<1x576xf32>
    %slice3A_2697 = vector.extract_strided_slice %mul3A_2475 {offsets = [55, 0], sizes = [1, 576], strides = [1, 1]} : vector<64x576xf32> to vector<1x576xf32>
    %add3A_2698 = arith.addf %add3A_2694, %slice3A_2697 : vector<1x576xf32>
    %slice3A_2699 = vector.extract_strided_slice %mul3A_2478 {offsets = [55, 0], sizes = [1, 576], strides = [1, 1]} : vector<64x576xf32> to vector<1x576xf32>
    %add3A_2700 = arith.addf %add3A_2696, %slice3A_2699 : vector<1x576xf32>
    %slice3A_2701 = vector.extract_strided_slice %mul3A_2475 {offsets = [56, 0], sizes = [1, 576], strides = [1, 1]} : vector<64x576xf32> to vector<1x576xf32>
    %add3A_2702 = arith.addf %add3A_2698, %slice3A_2701 : vector<1x576xf32>
    %slice3A_2703 = vector.extract_strided_slice %mul3A_2478 {offsets = [56, 0], sizes = [1, 576], strides = [1, 1]} : vector<64x576xf32> to vector<1x576xf32>
    %add3A_2704 = arith.addf %add3A_2700, %slice3A_2703 : vector<1x576xf32>
    %slice3A_2705 = vector.extract_strided_slice %mul3A_2475 {offsets = [57, 0], sizes = [1, 576], strides = [1, 1]} : vector<64x576xf32> to vector<1x576xf32>
    %add3A_2706 = arith.addf %add3A_2702, %slice3A_2705 : vector<1x576xf32>
    %slice3A_2707 = vector.extract_strided_slice %mul3A_2478 {offsets = [57, 0], sizes = [1, 576], strides = [1, 1]} : vector<64x576xf32> to vector<1x576xf32>
    %add3A_2708 = arith.addf %add3A_2704, %slice3A_2707 : vector<1x576xf32>
    %slice3A_2709 = vector.extract_strided_slice %mul3A_2475 {offsets = [58, 0], sizes = [1, 576], strides = [1, 1]} : vector<64x576xf32> to vector<1x576xf32>
    %add3A_2710 = arith.addf %add3A_2706, %slice3A_2709 : vector<1x576xf32>
    %slice3A_2711 = vector.extract_strided_slice %mul3A_2478 {offsets = [58, 0], sizes = [1, 576], strides = [1, 1]} : vector<64x576xf32> to vector<1x576xf32>
    %add3A_2712 = arith.addf %add3A_2708, %slice3A_2711 : vector<1x576xf32>
    %slice3A_2713 = vector.extract_strided_slice %mul3A_2475 {offsets = [59, 0], sizes = [1, 576], strides = [1, 1]} : vector<64x576xf32> to vector<1x576xf32>
    %add3A_2714 = arith.addf %add3A_2710, %slice3A_2713 : vector<1x576xf32>
    %slice3A_2715 = vector.extract_strided_slice %mul3A_2478 {offsets = [59, 0], sizes = [1, 576], strides = [1, 1]} : vector<64x576xf32> to vector<1x576xf32>
    %add3A_2716 = arith.addf %add3A_2712, %slice3A_2715 : vector<1x576xf32>
    %slice3A_2717 = vector.extract_strided_slice %mul3A_2475 {offsets = [60, 0], sizes = [1, 576], strides = [1, 1]} : vector<64x576xf32> to vector<1x576xf32>
    %add3A_2718 = arith.addf %add3A_2714, %slice3A_2717 : vector<1x576xf32>
    %slice3A_2719 = vector.extract_strided_slice %mul3A_2478 {offsets = [60, 0], sizes = [1, 576], strides = [1, 1]} : vector<64x576xf32> to vector<1x576xf32>
    %add3A_2720 = arith.addf %add3A_2716, %slice3A_2719 : vector<1x576xf32>
    %slice3A_2721 = vector.extract_strided_slice %mul3A_2475 {offsets = [61, 0], sizes = [1, 576], strides = [1, 1]} : vector<64x576xf32> to vector<1x576xf32>
    %add3A_2722 = arith.addf %add3A_2718, %slice3A_2721 : vector<1x576xf32>
    %slice3A_2723 = vector.extract_strided_slice %mul3A_2478 {offsets = [61, 0], sizes = [1, 576], strides = [1, 1]} : vector<64x576xf32> to vector<1x576xf32>
    %add3A_2724 = arith.addf %add3A_2720, %slice3A_2723 : vector<1x576xf32>
    %slice3A_2725 = vector.extract_strided_slice %mul3A_2475 {offsets = [62, 0], sizes = [1, 576], strides = [1, 1]} : vector<64x576xf32> to vector<1x576xf32>
    %add3A_2726 = arith.addf %add3A_2722, %slice3A_2725 : vector<1x576xf32>
    %slice3A_2727 = vector.extract_strided_slice %mul3A_2478 {offsets = [62, 0], sizes = [1, 576], strides = [1, 1]} : vector<64x576xf32> to vector<1x576xf32>
    %add3A_2728 = arith.addf %add3A_2724, %slice3A_2727 : vector<1x576xf32>
    %slice3A_2729 = vector.extract_strided_slice %mul3A_2475 {offsets = [63, 0], sizes = [1, 576], strides = [1, 1]} : vector<64x576xf32> to vector<1x576xf32>
    %add3A_2730 = arith.addf %add3A_2726, %slice3A_2729 : vector<1x576xf32>
    %slice3A_2731 = vector.extract_strided_slice %mul3A_2478 {offsets = [63, 0], sizes = [1, 576], strides = [1, 1]} : vector<64x576xf32> to vector<1x576xf32>
    %add3A_2732 = arith.addf %add3A_2728, %slice3A_2731 : vector<1x576xf32>
    %sqrt3A_2733 = math.sqrt %add3A_2732 : vector<1x576xf32>
    %sqrt3A_2734 = math.sqrt %add3A_2730 : vector<1x576xf32>
    %lt3A_2735 = arith.cmpf olt, %sqrt3A_2733, %sqrt3A_2734 : vector<1x576xf32>
    %broadcast_in_dim3A_2736 = vector.shape_cast %max3A_2446 : vector<576xi32> to vector<1x576xi32>
    %broadcast_in_dim3A_2737 = vector.shape_cast %min3A_2445 : vector<576xi32> to vector<1x576xi32>
    %select_n3A_2738 = arith.select %lt3A_2735, %broadcast_in_dim3A_2736, %broadcast_in_dim3A_2737 : vector<1x576xi1>, vector<1x576xi32>
    %squeeze3A_2739 = vector.shape_cast %select_n3A_2738 : vector<1x576xi32> to vector<576xi32>
    %swap3A_2740 = arith.constant 7 : index
    %swap3A_2741 = arith.constant 0 : index
    %swap3A_2742 = vector.load %arg2[%swap3A_2740, %swap3A_2741] : memref<8x576xi32, #tpu.memory_space<vmem>>, vector<1x576xi32>
    %swap3A_2743 = vector.shape_cast %swap3A_2742 : vector<1x576xi32> to vector<576xi32>
    %swap3A_2744 = vector.shape_cast %squeeze3A_2739 : vector<576xi32> to vector<1x576xi32>
    tpu.vector_store %arg2[%swap3A_2740, %swap3A_2741], %swap3A_2744 {strides = array<i32>} : memref<8x576xi32, #tpu.memory_space<vmem>>, vector<1x576xi32>,
    return
  }
}

</mosaic_0001>

<sc_bundles>
// kernel: kernel.4.cloned.1.call-start
scs
__scs_entry_jumppad:
0x0: {  	(pc) =	sbr.rel $0x88, $3  }
0x1: {  	(tag) =	ssettag $0x0;
	lr =	simm.s32 $0x1  }
0x2: {  	[smem:$0x3F9F] =	sst lr;
	_ =	strace $0xD0000000  }
0x3: {  	_ = 	snop  }
0x4: {  	_ = 	snop  }
0x5: {  	_ = 	snop  }
0x6: {  	_ = 	snop  }
0x7: {  	_ = 	snop  }
__scs_overlays_trampoline_lowered:
0x8: {  	[smem:$0x3FAE] =	sst s0  }
0x9: {  	[smem:$0x3FAF] =	sst s1  }
0xa: {  	[smem:$0x3FB0] =	sst s2  }
0xb: {  	[smem:$0x3FB1] =	sst s3  }
0xc: {  	[smem:$0x3FB2] =	sst s4  }
0xd: {  	[smem:$0x3FB3] =	sst s5  }
0xe: {  	[smem:$0x3FB4] =	sst s6  }
0xf: {  	[smem:$0x3FB5] =	sst s7  }
0x10: {  	[smem:$0x3FB6] =	sst s8  }
0x11: {  	[smem:$0x3FB7] =	sst s9;
	s0 =	simm.s32 @!p0 $0x0  }
0x12: {  	s1 =	sld [smem:$0x3F9D];
	s0 =	simm.s32 @p0 $0x1  }
0x13: {  	[smem:$0x3FB8] =	sst s0;
	s0 =	simm.s32 @!p1 $0x0  }
0x14: {  	s2 =	sld [smem:$0x3F9C];
	s0 =	simm.s32 @p1 $0x1  }
0x15: {  	[smem:$0x3FB9] =	sst s0;
	s0 =	simm.s32 @!p2 $0x0  }
0x16: {  	s3 =	sld [smem:$0x3FDB];
	s0 =	simm.s32 @p2 $0x1  }
0x17: {  	s4 =	simm.s32 $0x1BF5;
	[smem:$0x3FBB] =	sst s0  }
0x18: {  	s0 =	sld [smem:$0x3F9E];
	_ =	swait.ge [sflag:s4], $0x0  }
0x19: {  	s7 =	sld [smem:$0x3F9F]  }
0x1a: {  	s8 =	sadd.s32 $0xFFFFE003, lr  }
0x1b: {  	s9 =	sadd.s32 $0xFFFFFEF7, lr;
	s5 =	simm.s32 $0xFFFFFFFF;
	p2 =	slt.u32 s8, $0xFFFFF086  }
0x1c: {  	p1 =	slt.u32 s9, $0xF7A;
	s5 =	simm.s32 @!p2 $0x0  }
0x1d: {  	s5 =	simm.s32 @p1 $0x1;
	p0 =	seq.s32 s7, s2  }
0x1e: {  	s7 =	smul.u32 @!p0 $0xF7A, s2;
	p2 =	seq.s32 @!p0 s5, $0x0  }
0x1f: {  	s9 =	smul.u32 $0xF7A, s1;
	s8 =	simm.s32 @!p0 $0x1BF5;
	p2 =	por !p2, p0  }
0x20: {  	[sflag:s8] =	ssyncset.s32 @!p0 $0xFFFFF086;
	s6 =	sadd.s32 @!p0 s3, s7;
	s7 =	simm.s32 @!p0 $0x108  }
0x21: {  	s3 =	sadd.s32 s3, s9;
	s6 =	sadd.s32 @!p0 $0x88, s6;
	s7 =	simm.s32 @p2 $0x1082  }
0x22: {  	[simem:s7], [sflag:s8] =	dma.local @!p0 [hbm:s6], $0xF7A  }
0x23: {  	s9 =	sor.u32 $0xD0000000, s2;
	s6 =	simm.s32 $0x108;
	_ =	swait.ge @!p0 [sflag:s8], $0x0  }
0x24: {  	s3 =	sadd.s32 $0x88, s3;
	s6 =	simm.s32 @!p1 $0x1082;
	[sflag:s4] =	ssyncset.s32 $0xFFFFF086  }
0x25: {  	[simem:s6], [sflag:s4] =	dma.local [hbm:s3], $0xF7A  }
0x26: {  	[smem:$0x3F9F] =	sst s1;
	(tag) =	ssettag s2;
	_ =	strace s9  }
0x27: {  	s1 =	sld [smem:$0x3FAF]  }
0x28: {  	s2 =	sld [smem:$0x3FB0]  }
0x29: {  	s4 =	sld [smem:$0x3FB2]  }
0x2a: {  	p0 =	seq.s32 s5, $0x0;
	s5 =	sld [smem:$0x3FB3]  }
0x2b: {  	s6 =	sld [smem:$0x3FB4]  }
0x2c: {  	s7 =	sld [smem:$0x3FB5]  }
0x2d: {  	s3 =	simm.s32 $0x108;
	s8 =	sld [smem:$0x3FB6]  }
0x2e: {  	s3 =	simm.s32 @!p0 $0x1082;
	s9 =	sld [smem:$0x3FB7]  }
0x2f: {  	lr =	sadd.s32 s0, s3;
	s0 =	sld [smem:$0x3FAE]  }
0x30: {  	s3 =	sld [smem:$0x3FB1]  }
0x31: {  	[smem:$0x3FBA] =	sst s10  }
0x32: {  	s10 =	sld [smem:$0x3FB8];
	_ =	sdelay $0x3  }
0x33: {  	p0 =	seq.s32 s10, $0x1;
	s10 =	sld [smem:$0x3FBA];
	_ =	sdelay $0x3  }
0x34: {  	[smem:$0x3FBA] =	sst s10  }
0x35: {  	s10 =	sld [smem:$0x3FB9];
	_ =	sdelay $0x3  }
0x36: {  	p1 =	seq.s32 s10, $0x1;
	s10 =	sld [smem:$0x3FBA];
	_ =	sdelay $0x3  }
0x37: {  	[smem:$0x3FBA] =	sst s10  }
0x38: {  	s10 =	sld [smem:$0x3FBB]  }
0x39: {  	_ = 	snop;
	(pc) =	sbr.ind lr, $3  }
0x3a: {  	_ = 	snop  }
0x3b: {  	_ = 	snop  }
0x3c: {  	p2 =	seq.s32 s10, $0x1;
	s10 =	sld [smem:$0x3FBA]  }
0x3d: {  	_ =	shalt  }
0x3e: {  	_ =	shalt  }
0x3f: {  	_ =	shalt  }
0x40: {  	_ =	shalt  }
0x41: {  	_ =	shalt  }
0x42: {  	_ =	shalt  }
0x43: {  	_ =	shalt  }
0x44: {  	_ =	shalt  }
0x45: {  	_ =	shalt  }
0x46: {  	_ =	shalt  }
0x47: {  	_ =	shalt  }
0x48: {  	_ =	shalt  }
0x49: {  	_ =	shalt  }
0x4a: {  	_ =	shalt  }
0x4b: {  	_ =	shalt  }
0x4c: {  	_ =	shalt  }
0x4d: {  	_ =	shalt  }
0x4e: {  	_ =	shalt  }
0x4f: {  	_ =	shalt  }
0x50: {  	_ =	shalt  }
0x51: {  	_ =	shalt  }
0x52: {  	_ =	shalt  }
0x53: {  	_ =	shalt  }
0x54: {  	_ =	shalt  }
0x55: {  	_ =	shalt  }
0x56: {  	_ =	shalt  }
0x57: {  	_ =	shalt  }
0x58: {  	_ =	shalt  }
0x59: {  	_ =	shalt  }
0x5a: {  	_ =	shalt  }
0x5b: {  	_ =	shalt  }
0x5c: {  	_ =	shalt  }
0x5d: {  	_ =	shalt  }
0x5e: {  	_ =	shalt  }
0x5f: {  	_ =	shalt  }
0x60: {  	_ =	shalt  }
0x61: {  	_ =	shalt  }
0x62: {  	_ =	shalt  }
0x63: {  	_ =	shalt  }
0x64: {  	_ =	shalt  }
0x65: {  	_ =	shalt  }
0x66: {  	_ =	shalt  }
0x67: {  	_ =	shalt  }
0x68: {  	_ =	shalt  }
0x69: {  	_ =	shalt  }
0x6a: {  	_ =	shalt  }
0x6b: {  	_ =	shalt  }
0x6c: {  	_ =	shalt  }
0x6d: {  	_ =	shalt  }
0x6e: {  	_ =	shalt  }
0x6f: {  	_ =	shalt  }
0x70: {  	_ =	shalt  }
0x71: {  	_ =	shalt  }
0x72: {  	_ =	shalt  }
0x73: {  	_ =	shalt  }
0x74: {  	_ =	shalt  }
0x75: {  	_ =	shalt  }
0x76: {  	_ =	shalt  }
0x77: {  	_ =	shalt  }
0x78: {  	_ =	shalt  }
0x79: {  	_ =	shalt  }
0x7a: {  	_ =	shalt  }
0x7b: {  	_ =	shalt  }
0x7c: {  	_ =	shalt  }
0x7d: {  	_ =	shalt  }
0x7e: {  	_ =	shalt  }
0x7f: {  	_ =	shalt  }
0x80: {  	_ =	shalt  }
0x81: {  	_ =	shalt  }
0x82: {  	_ =	shalt  }
0x83: {  	_ =	shalt  }
0x84: {  	_ =	shalt  }
0x85: {  	_ =	shalt  }
0x86: {  	_ =	shalt  }
0x87: {  	_ =	shalt  }
.Lfunc_end0:
.L_simem_size_0:
called_computation_lowered:
.L_overlay_start_0:
0x88: {  	s2 =	sld [smem:$0x3FD9]  }
0x89: {  	s3 =	sld [smem:$0x3FFE];
	_ =	sdelay $0x1  }
0x8a: {  	s1 =	srdreg.scid  }
0x8b: {  	s0 =	sand.u32 $0x1, s1  }
0x8c: {  	s15 =	sshll.u32 s0, $0xA;
	s2 =	sadd.s32 s3, s2  }
0x8d: {  	s2 =	sadd.s32 s2, s15  }
0x8e: {  	[smem:$0x3FC6] =	sst s2  }
0x8f: {  	_ = 	snop  }
0x90: {  	s2 =	sld [smem:$0x3FD0];
	_ =	sdelay $0x2  }
0x91: {  	s4 =	simm.s32 $0xA;
	s5 =	simm.s32 $0x10;
	s16 =	sld [smem:$0x3FC8]  }
0x92: {  	[smem:s5], [sflag:s4] =	dma.local [hbm:s2], $0x1  }
0x93: {  	_ =	swait.eq [sflag:s4], $0x1  }
0x94: {  	[sflag:s4] =	ssyncset.done $0x0  }
0x95: {  	s17 =	sld [smem:$0x10];
	[sflag:s4] =	ssyncadd.s32 $0xFFFFFFFF  }
0x96: {  	s18 =	sld [smem:$0x11];
	(tm) =	ssettm $0x1  }
0x97: {  	s19 =	sld [smem:$0x3FFB];
	_ =	sdelay $0x3  }
0x98: {  	_ =	strace s19  }
0x99: {  	s5 =	sld [smem:$0x3FFC];
	_ =	sdelay $0x3  }
0x9a: {  	_ =	strace s5  }
0x9b: {  	s5 =	sld [smem:$0x3FFD];
	_ =	sdelay $0x3  }
0x9c: {  	_ =	strace s5  }
0x9d: {  	_ =	strace $0x8FFFFFFF  }
0x9e: {  	s20 =	sld [smem:$0x3FDB];
	_ =	sdelay $0x1  }
0x9f: {  	s6 =	simm.s32 $_scs_section_size  }
0xa0: {  	s7 =	simm.s32 $_size__tile_overlayer_lowered;
	s8 =	simm.s32 $_tile_overlayer_lowered  }
0xa1: {  	s23 =	simm.s32 $0x1BFF;
	s22 =	sshll.u32 s8, $0x1;
	s5 =	sadd.s32 s6, s20  }
0xa2: {  	s9 =	simm.s32 $0x0;
	s21 =	sshll.u32 s7, $0x1;
	s7 =	sadd.s32 s22, s5  }
0xa3: {  	[timem:s9], [sflag:s23] =	dma.local [hbm:s7], s21  }
0xa4: {  	_ =	swait.ge [sflag:s23], s21  }
0xa5: {  	s6 =	ssub.s32 $0x0, s21;
	[sflag:s23] =	ssyncset.done $0x0  }
0xa6: {  	[sflag:s23] =	ssyncadd.s32 s6;
	_ =	sdelay $0x1  }
0xa7: {  	s24 =	simm.s32 $0x1B8B  }
0xa8: {  	_ =	swait.ge [sflag:s24], $0x1  }
0xa9: {  	[sflag:s24] =	ssyncset.done $0x0  }
0xaa: {  	s25 =	simm.s32 $0x1B8E;
	[sflag:s24] =	ssyncadd.s32 $0xFFFFFFFF  }
0xab: {  	s26 =	simm.s32 $execute0_lowered;
	[smem:$0x3FD2] =	sst s25  }
0xac: {  	s6 =	sshll.u32 s26, $0x1;
	_ =	strace $0x80000046;
	[dreg:$0x1] =	wrdreg $0xFFFFFFFF  }
0xad: {  	s28 =	simm.s32 $_size_execute0_lowered;
	s5 =	sadd.s32 s5, s6;
	[dreg:$0x0] =	wrdreg $0x0  }
0xae: {  	s6 =	sshll.u32 s28, $0x1;
	[dreg:$0x2] =	wrdreg s5  }
0xaf: {  	[dreg:$0x3] =	wrdreg s6  }
0xb0: {  	[dreg:$0x4] =	wrdreg $0xC0  }
0xb1: {  	_ =	task [dreg:s9], $0x5FFFF  }
0xb2: {  	[dreg:$0x1] =	wrdreg $0xFFFFFFFF  }
0xb3: {  	[dreg:$0x0] =	wrdreg $0x60  }
0xb4: {  	[dreg:$0x2] =	wrdreg s16  }
0xb5: {  	[dreg:$0x3] =	wrdreg s18  }
0xb6: {  	[dreg:$0x4] =	wrdreg s17  }
0xb7: {  	[dreg:$0x5] =	wrdreg $0x9  }
0xb8: {  	_ =	task.clear_ibuf [dreg:s9], $0x6FFFF;
	_ =	strace $0x90000046  }
0xb9: {  	s29 =	simm.s32 $0x9;
	_ =	strace $0x80000048  }
0xba: {  	_ =	swait.ge [sflag:s29], $0x1  }
0xbb: {  	[sflag:s29] =	ssyncadd.s32 $0xFFFFFFFF  }
0xbc: {  	_ =	strace $0x90000048  }
0xbd: {  	_ =	sfence  }
0xbe: {  	s30 =	sld [smem:$0x0];
	_ =	sdelay $0x2  }
0xbf: {  	s31 =	sshll.u32 s1, $0xD;
	s1 =	sshrl.u32 s1, $0x2  }
0xc0: {  	s3 =	sand.u32 $0x4000, s31;
	s1 =	sadd.s32 s1, s30  }
0xc1: {  	s0 =	sor.u32 s3, s0;
	s1 =	sshll.u32 s1, $0x11  }
0xc2: {  	s0 =	sor.u32 s1, s0  }
0xc3: {  	s0 =	sadd.s32 $0x8F2B, s0  }
0xc4: {  	[sflag:s0] =	ssyncadd.remote.s32 $0x1  }
0xc5: {  	_ =	sfence.sel $0xFFFF  }
0xc6: {  	[dreg:$0x0] =	wrdreg $0xFFFFFFFF;
	(pc) =	sbr.abs _section_cstart, $3  }
0xc7: {  	[dreg:$0x1] =	wrdreg $0xFFFFFFFF  }
0xc8: {  	_ =	task.clear_ibuf [dreg:s9], $0x2FFFF;
	_ =	strace $0x9FFFFFFF  }
0xc9: {  	(tm) =	ssettm $0x7FFFFFFF  }
tec
execute0_lowered:
.L_overlay_start_1:
0x0: {  	(tag) =	ssettag $0x1  }
0x1: {  	s3 =	rddreg [dreg:$0x0]  }
0x2: {  	s4 =	rddreg [dreg:$0x1]  }
0x3: {  	s5 =	rddreg [dreg:$0x2]  }
0x4: {  	s0 =	rddreg [dreg:$0x3];
	s6 =	srdreg.scid  }
0x5: {  	s2 =	simm.s32 $0x0;
	s1 =	stileid.u32;
	s11 =	simm.s32 $0x0  }
0x6: {  	s6 =	sand.u32 $0x1, s6;
	[smem:$0x7FF] =	sst s2;
	s8 =	sshll.u32 s1, $0x1  }
0x7: {  	s10 =	sshll.u32 s1, $0x3;
	s7 =	ssub.s32 $0x2, s6;
	_ =	strace $0x80000047  }
0x8: {  	s6 =	sor.u32 s6, s8;
	s31 =	sand.u32 $0x70, s10;
	s10 =	simm.s32 $0x2280  }
0x9: {  	s9 =	sshrl.u32 s7, $0x1;
	s8 =	sshll.u32 s6, $0xA;
	s6 =	smul.u32 $0x500, s6  }
0xa: {  	s4 =	sadd.s32 s4, s31;
	s7 =	ssub.s32 s7, s9;
	s8 =	sand.u32 $0xC00, s8  }
0xb: {  	s9 =	simm.s32 $0x400;
	s3 =	sadd.s32 s3, s8;
	s5 =	sadd.s32 s5, s6  }
0xc: {  	s6 =	smax.u32 s7, $0x1;
	s7 =	simm.s32 $0x1;
	s8 =	simm.s32 $0x80  }
.LBB2_1:
0xd: {  	[tilespmem:s2], [sflag:$0x1] =	stream.linear.gather [hbm4b:s3+s2], $0x2000, $0x38;
	[tilespmem:$0x4A80] =	vst v63  }
0xe: {  	_ =	swait.ge [sflag:s7], $0x2000  }
0xf: {  	[sflag:s7] =	ssyncset.done $0x0  }
0x10: {  	s12 =	simm.s32 $0x2000;
	[sflag:s7] =	ssyncadd.s32 $0xFFFFE000  }
0x11: {  	[tilespmem:s12], [sflag:$0x1] =	stream.strided.gather [hbm4b:s4+s8], $0x280, s9, s8, $0x38;
	[tilespmem:$0x4A80] =	vst v63  }
0x12: {  	_ =	swait.ge [sflag:s7], $0x280  }
0x13: {  	s13 =	simm.s32 $0xFFFFFFFE;
	s14 =	simm.s32 $0x0;
	[sflag:s7] =	ssyncset.done $0x0  }
0x14: {  	s15 =	simm.s32 $0x0;
	s16 =	simm.s32 $0x0;
	[sflag:s7] =	ssyncadd.s32 $0xFFFFFD80  }
.LBB2_2:
0x15: {  	v0 =	vld [tilespmem:s12+$0x0];
	_ =	sdelay $0x4  }
0x16: {  	v1 =	vshll.u32 v0, $0x3  }
0x17: {  	v0 =	vand.u32 $0x7F, v0;
	v1 =	vand.u32 $0xFFFFFC00, v1  }
0x18: {  	v0 =	vor.u32 v0, v1  }
0x19: {  	v1 =	vor.u32 $0x80, v0  }
0x1a: {  	v2 =	vor.u32 $0x100, v0  }
0x1b: {  	v3 =	vor.u32 $0x180, v0  }
0x1c: {  	v4 =	vor.u32 $0x200, v0  }
0x1d: {  	v6 =	vor.u32 $0x280, v0;
	v5 =	vld.idx.msk [tilespmem:v0+s2+$0x0], $0xffff  }
0x1e: {  	v7 =	vor.u32 $0x300, v0;
	v1 =	vld.idx.msk [tilespmem:v1+s2+$0x0], $0xffff  }
0x1f: {  	v8 =	vor.u32 $0x380, v0;
	v2 =	vld.idx.msk [tilespmem:v2+s2+$0x0], $0xffff  }
0x20: {  	v9 =	vadd.s32 $0x1000, v0;
	v3 =	vld.idx.msk [tilespmem:v3+s2+$0x0], $0xffff  }
0x21: {  	v10 =	vadd.s32 $0x1080, v0;
	v4 =	vld.idx.msk [tilespmem:v4+s2+$0x0], $0xffff  }
0x22: {  	v11 =	vadd.s32 $0x1100, v0;
	v6 =	vld.idx.msk [tilespmem:v6+s2+$0x0], $0xffff  }
0x23: {  	v12 =	vadd.s32 $0x1180, v0;
	v7 =	vld.idx.msk [tilespmem:v7+s2+$0x0], $0xffff  }
0x24: {  	v13 =	vadd.s32 $0x1200, v0;
	v8 =	vld.idx.msk [tilespmem:v8+s2+$0x0], $0xffff  }
0x25: {  	v14 =	vadd.s32 $0x1280, v0;
	v9 =	vld.idx.msk [tilespmem:v9+s2+$0x0], $0xffff  }
0x26: {  	v15 =	vadd.s32 $0x1300, v0;
	v10 =	vld.idx.msk [tilespmem:v10+s2+$0x0], $0xffff  }
0x27: {  	v0 =	vadd.s32 $0x1380, v0;
	v11 =	vld.idx.msk [tilespmem:v11+s2+$0x0], $0xffff  }
0x28: {  	v12 =	vld.idx.msk [tilespmem:v12+s2+$0x0], $0xffff  }
0x29: {  	s26 =	sand.u32 $0x1C00, s16;
	v13 =	vld.idx.msk [tilespmem:v13+s2+$0x0], $0xffff  }
0x2a: {  	s28 =	sand.u32 $0x60, s14;
	s17 =	sor.u32 $0x2280, s26;
	v14 =	vld.idx.msk [tilespmem:v14+s2+$0x0], $0xffff  }
0x2b: {  	s19 =	sor.u32 s28, s17;
	v15 =	vld.idx.msk [tilespmem:v15+s2+$0x0], $0xffff  }
0x2c: {  	v0 =	vld.idx.msk [tilespmem:v0+s2+$0x0], $0xffff;
	[tilespmem:s19+$0x0] =	vst v5  }
0x2d: {  	[tilespmem:s19+$0x80] =	vst v1  }
0x2e: {  	s18 =	sand.u32 $0x3, s15;
	[tilespmem:s19+$0x100] =	vst v2  }
0x2f: {  	s18 =	sshll.u32 s18, $0x5;
	[tilespmem:s19+$0x180] =	vst v3  }
0x30: {  	s18 =	sadd.s32 s18, s16;
	[tilespmem:s19+$0x200] =	vst v4  }
0x31: {  	s20 =	sor.u32 s16, s14;
	s29 =	sor.u32 $0x300, s18;
	[tilespmem:s19+$0x280] =	vst v6  }
0x32: {  	s20 =	sor.u32 $0x380, s20;
	s19 =	sadd.s32 $0x3680, s26;
	[tilespmem:s29+$0x2280] =	vst v7  }
0x33: {  	s21 =	sor.u32 s28, s19;
	[tilespmem:s20+$0x2280] =	vst v8;
	s20 =	sadd.s32 $0x3700, s26  }
0x34: {  	[tilespmem:s21+$0x0] =	vst v9;
	s22 =	sor.u32 s28, s20;
	s21 =	sadd.s32 $0x3780, s26  }
0x35: {  	[tilespmem:s22+$0x0] =	vst v10;
	s23 =	sor.u32 s28, s21;
	s22 =	sadd.s32 $0x3800, s26  }
0x36: {  	[tilespmem:s23+$0x0] =	vst v11;
	s24 =	sor.u32 s28, s22;
	s23 =	sadd.s32 $0x3880, s26  }
0x37: {  	[tilespmem:s24+$0x0] =	vst v12;
	s25 =	sor.u32 s28, s23;
	s24 =	sadd.s32 $0x3900, s26  }
0x38: {  	[tilespmem:s25+$0x0] =	vst v13;
	s29 =	sor.u32 s28, s24;
	s25 =	sadd.s32 $0x3980, s26  }
0x39: {  	s26 =	sadd.s32 $0x3A00, s26;
	[tilespmem:s29+$0x0] =	vst v14;
	s30 =	sor.u32 s28, s25  }
0x3a: {  	s31 =	sor.u32 s28, s26;
	s28 =	sor.u32 $0x10, s28;
	[tilespmem:s30+$0x0] =	vst v15;
	s30 =	sand.u32 $0x380, s14  }
0x3b: {  	[tilespmem:s31+$0x0] =	vst v0;
	s30 =	sor.u32 s28, s30  }
0x3c: {  	v0 =	vld [tilespmem:s30+$0x2000];
	_ =	sdelay $0x4  }
0x3d: {  	v50 =	vshll.u32 v0, $0x3  }
0x3e: {  	v0 =	vand.u32 $0x7F, v0;
	v1 =	vand.u32 $0xFFFFFC00, v50  }
0x3f: {  	v0 =	vor.u32 v0, v1  }
0x40: {  	v1 =	vor.u32 $0x80, v0  }
0x41: {  	v51 =	vor.u32 $0x100, v0  }
0x42: {  	v52 =	vor.u32 $0x180, v0  }
0x43: {  	v53 =	vor.u32 $0x200, v0  }
0x44: {  	v54 =	vor.u32 $0x280, v0;
	v5 =	vld.idx.msk [tilespmem:v0+s2+$0x0], $0xffff  }
0x45: {  	v55 =	vor.u32 $0x300, v0;
	v1 =	vld.idx.msk [tilespmem:v1+s2+$0x0], $0xffff  }
0x46: {  	v56 =	vor.u32 $0x380, v0;
	v2 =	vld.idx.msk [tilespmem:v51+s2+$0x0], $0xffff  }
0x47: {  	v57 =	vadd.s32 $0x1000, v0;
	v3 =	vld.idx.msk [tilespmem:v52+s2+$0x0], $0xffff  }
0x48: {  	v58 =	vadd.s32 $0x1080, v0;
	v4 =	vld.idx.msk [tilespmem:v53+s2+$0x0], $0xffff  }
0x49: {  	v59 =	vadd.s32 $0x1100, v0;
	v6 =	vld.idx.msk [tilespmem:v54+s2+$0x0], $0xffff  }
0x4a: {  	v60 =	vadd.s32 $0x1180, v0;
	v7 =	vld.idx.msk [tilespmem:v55+s2+$0x0], $0xffff  }
0x4b: {  	v61 =	vadd.s32 $0x1200, v0;
	v8 =	vld.idx.msk [tilespmem:v56+s2+$0x0], $0xffff  }
0x4c: {  	v62 =	vadd.s32 $0x1280, v0;
	v9 =	vld.idx.msk [tilespmem:v57+s2+$0x0], $0xffff  }
0x4d: {  	v63 =	vadd.s32 $0x1300, v0;
	v10 =	vld.idx.msk [tilespmem:v58+s2+$0x0], $0xffff  }
0x4e: {  	v0 =	vadd.s32 $0x1380, v0;
	v11 =	vld.idx.msk [tilespmem:v59+s2+$0x0], $0xffff  }
0x4f: {  	v12 =	vld.idx.msk [tilespmem:v60+s2+$0x0], $0xffff  }
0x50: {  	v13 =	vld.idx.msk [tilespmem:v61+s2+$0x0], $0xffff  }
0x51: {  	v14 =	vld.idx.msk [tilespmem:v62+s2+$0x0], $0xffff  }
0x52: {  	s17 =	sor.u32 s28, s17;
	v15 =	vld.idx.msk [tilespmem:v63+s2+$0x0], $0xffff  }
0x53: {  	v0 =	vld.idx.msk [tilespmem:v0+s2+$0x0], $0xffff;
	[tilespmem:s17+$0x0] =	vst v5  }
0x54: {  	[tilespmem:s17+$0x80] =	vst v1  }
0x55: {  	[tilespmem:s17+$0x100] =	vst v2  }
0x56: {  	[tilespmem:s17+$0x180] =	vst v3  }
0x57: {  	s18 =	sadd.s32 $0x10, s18;
	[tilespmem:s17+$0x200] =	vst v4  }
0x58: {  	s31 =	sor.u32 $0x300, s18;
	[tilespmem:s17+$0x280] =	vst v6  }
0x59: {  	s18 =	sor.u32 $0x380, s18;
	[tilespmem:s31+$0x2280] =	vst v7  }
0x5a: {  	s19 =	sor.u32 s28, s19;
	[tilespmem:s18+$0x2280] =	vst v8  }
0x5b: {  	s20 =	sor.u32 s28, s20;
	[tilespmem:s19+$0x0] =	vst v9  }
0x5c: {  	s13 =	sadd.s32 $0x2, s13;
	s21 =	sor.u32 s28, s21;
	[tilespmem:s20+$0x0] =	vst v10  }
0x5d: {  	p0 =	slt.u32 s13, $0x22;
	s22 =	sor.u32 s28, s22;
	[tilespmem:s21+$0x0] =	vst v11  }
.Ltmp0:
0x5e: {  	s23 =	sor.u32 s28, s23;
	[tilespmem:s22+$0x0] =	vst v12;
	(pc) =	sbr.rel @p0 .LBB2_2-.Ltmp0, $4  }
0x5f: {  	s29 =	sor.u32 s28, s24;
	[tilespmem:s23+$0x0] =	vst v13  }
0x60: {  	s30 =	sor.u32 s28, s25;
	[tilespmem:s29+$0x0] =	vst v14  }
0x61: {  	s15 =	sadd.s32 $0x1, s15;
	s31 =	sor.u32 s28, s26;
	[tilespmem:s30+$0x0] =	vst v15  }
0x62: {  	s12 =	sadd.s32 $0x20, s12;
	s16 =	sadd.s32 $0x100, s16;
	s14 =	sadd.s32 $0x20, s14;
	[tilespmem:s31+$0x0] =	vst v0  }
0x63: {  	s11 =	sadd.s32 $0x1, s11  }
0x64: {  	p0 =	sne.s32 s11, s6  }
.Ltmp1:
0x65: {  	_ = 	snop;
	(pc) =	sbr.rel @p0 .LBB2_1-.Ltmp1, $4  }
0x66: {  	[hbm4b:s5+s2] =	stream.linear.scatter [tilespmem:s10], [sflag:$0x1], $0x2800, $0x38;
	[tilespmem:$0x4A80] =	vst v63  }
0x67: {  	_ =	swait.ge [sflag:s7], $0x2800  }
0x68: {  	[sflag:s7] =	ssyncset.done $0x0  }
0x69: {  	[sflag:s7] =	ssyncadd.s32 $0xFFFFD800  }
0x6a: {  	_ =	sfence.sel $0x180000  }
0x6b: {  	[bflag:$0x0] =	sbarrier.arrive $0xFFFF  }
0x6c: {  	p0 =	sne.s32 s1, $0x0;
	_ =	strace $0x90000047  }
0x6d: {  	s0 =	sadd.s32 @!p0 $0x100000, s0;
	[bflag:$0x2] =	sbarrier.arrive $0xFFFF  }
0x6e: {  	[sflag:s0] =	ssyncadd.tile.s32 @!p0 $0x1;
	_ =	shalt  }
.Lfunc_end2:
_tile_overlayer_lowered:
.L_overlay_start_2:
0x6f: {  	(tag) =	ssettag $0x2  }
0x70: {  	s0 =	rddreg [dreg:$0x0];
	s2 =	stileid.u32  }
0x71: {  	s1 =	rddreg [dreg:$0x1];
	p0 =	sne.s32 s2, $0x0  }
0x72: {  	s3 =	rddreg [dreg:$0x2];
	[bflag:$0x3] =	sbarrier.arrive $0xFFFF;
	s2 =	simm.s32 @!p0 $0x1C01  }
0x73: {  	[timem:s3], [sflag:s2] =	dma.local @!p0 [hbm:s0], s1  }
0x74: {  	s0 =	simm.s32 @!p0 $0x1  }
0x75: {  	_ =	swait.ge @!p0 [sflag:s0], s1  }
0x76: {  	s1 =	ssub.s32 @!p0 $0x0, s1;
	[sflag:s0] =	ssyncset.done @!p0 $0x0  }
0x77: {  	[sflag:s0] =	ssyncadd.s32 @!p0 s1  }
0x78: {  	[bflag:$0x3] =	sbarrier.arrive $0xFFFF  }
0x79: {  	_ =	shalt  }

</sc_bundles>
